<compile_context>
chip_gen: v7x
topology: tpu7x:2x2x1
jax: 0.10.2.dev20260603
libtpu: 0.0.44.dev20260713+nightly
codegen_flags: <defaults>
</compile_context>

<pallas_src>
import jax
import jax.numpy as jnp
from jax import lax
from jax.experimental import pallas as pl
from jax.experimental.pallas import tpu as pltpu
from jax.experimental.pallas import tpu_sc as plsc

B = 16384
EMB_DIM = 32
BERT_DIM = 768
NC = 2
NS = 16
L = 16
NW = NC * NS
BPW = B // NW
C = 32
NCH = BPW // C


def _diags():
    iot = lax.iota(jnp.int32, L)
    return [jnp.where(iot + k >= L, iot + k - L, iot + k) for k in range(L)]


def _text_body(uid_h, iid_h, ut_h, it_h, ub_h, ib_h, b16_h,
               out_h, uo_h, io_h,
               uid_v, iid_v, utb, itb, ubb, ibb, outb, b16_v, sem0, sem1):
    wid = lax.axis_index("s") * NC + lax.axis_index("c")
    base = wid * BPW
    pltpu.sync_copy(uid_h.at[pl.ds(base, BPW)], uid_v)
    pltpu.sync_copy(iid_h.at[pl.ds(base, BPW)], iid_v)
    pltpu.sync_copy(b16_h, b16_v)
    sems = (sem0, sem1)
    diags = _diags()
    iot = lax.iota(jnp.int32, L)

    def copies(c, s):
        return (
            pltpu.make_async_copy(ut_h.at[uid_v.at[pl.ds(c * C, C)]],
                                  utb.at[s], sems[s]),
            pltpu.make_async_copy(it_h.at[iid_v.at[pl.ds(c * C, C)]],
                                  itb.at[s], sems[s]),
            pltpu.make_async_copy(ub_h.at[uid_v.at[pl.ds(c * C, C)]],
                                  ubb.at[s], sems[s]),
            pltpu.make_async_copy(ib_h.at[iid_v.at[pl.ds(c * C, C)]],
                                  ibb.at[s], sems[s]),
        )

    def compute(c, s):
        ut = utb.at[s]
        it = itb.at[s]
        for g in range(C // L):
            rows = iot + g * L

            def body(jb, accs):
                accs = list(accs)
                cb = jnp.full((L,), jb * L, jnp.int32)
                for k in range(L):
                    col = cb + diags[k]
                    u = plsc.load_gather(ut, [rows, col])
                    v = plsc.load_gather(it, [rows, col])
                    accs[k & 3] = accs[k & 3] + u * v
                return tuple(accs)

            zero = jnp.zeros((L,), jnp.float32)
            accs = lax.fori_loop(0, BERT_DIM // L, body,
                                 (zero, zero, zero, zero))
            a0, a1, a2, a3 = accs
            bia = ubb.at[s][pl.ds(g * L, L)] + ibb.at[s][pl.ds(g * L, L)]
            outb[pl.ds(c * C + g * L, L)] = ((a0 + a1) + (a2 + a3)
                                             + bia + b16_v[...])

    for d in copies(0, 0):
        d.start()

    def chunk_pair(i, carry):
        c = 2 * i
        for d in copies(c + 1, 1):
            d.start()
        for d in copies(c, 0):
            d.wait()
        compute(c, 0)

        @pl.when(i < NCH // 2 - 1)
        def _():
            for d in copies(c + 2, 0):
                d.start()

        for d in copies(c + 1, 1):
            d.wait()
        compute(c + 1, 1)
        return carry

    lax.fori_loop(0, NCH // 2, chunk_pair, 0)

    pltpu.sync_copy(outb, out_h.at[pl.ds(base, BPW)])
    pltpu.sync_copy(uid_v, uo_h.at[pl.ds(base, BPW)])
    pltpu.sync_copy(iid_v, io_h.at[pl.ds(base, BPW)])


def _emb_body(uid_h, iid_h, ue_h, ie_h, out_h,
              uid_v, iid_v, ueb, ieb, outb, sem0):
    wid = lax.axis_index("s") * NC + lax.axis_index("c")
    base = wid * BPW
    pltpu.sync_copy(uid_h.at[pl.ds(base, BPW)], uid_v)
    pltpu.sync_copy(iid_h.at[pl.ds(base, BPW)], iid_v)
    diags = _diags()
    iot = lax.iota(jnp.int32, L)

    ds = (
        pltpu.make_async_copy(ue_h.at[uid_v], ueb, sem0),
        pltpu.make_async_copy(ie_h.at[iid_v], ieb, sem0),
    )
    for d in ds:
        d.start()
    for d in ds:
        d.wait()

    def group(g, carry):
        rows = iot + g * L
        acc = jnp.zeros((L,), jnp.float32)
        for jb in range(EMB_DIM // L):
            cb = jnp.full((L,), jb * L, jnp.int32)
            for k in range(L):
                col = cb + diags[k]
                u = plsc.load_gather(ueb, [rows, col])
                v = plsc.load_gather(ieb, [rows, col])
                acc = acc + u * v
        outb[pl.ds(g * L, L)] = acc
        return carry

    lax.fori_loop(0, BPW // L, group, 0)

    pltpu.sync_copy(outb, out_h.at[pl.ds(base, BPW)])


def kernel(user_ids, item_ids, user_emb_w, item_emb_w, user_text_w,
           item_text_w, user_bias, item_bias, bias):
    mesh = plsc.VectorSubcoreMesh(core_axis_name="c", subcore_axis_name="s",
                                  num_cores=NC, num_subcores=NS)
    out_t = jax.ShapeDtypeStruct((B,), jnp.float32)
    id_t = jax.ShapeDtypeStruct((B,), jnp.int32)

    text_run = pl.kernel(
        _text_body,
        out_type=(out_t, id_t, id_t),
        mesh=mesh,
        compiler_params=pltpu.CompilerParams(use_tc_tiling_on_sc=True,
                                             needs_layout_passes=False),
        scratch_types=[
            pltpu.VMEM((BPW,), jnp.int32),
            pltpu.VMEM((BPW,), jnp.int32),
            pltpu.VMEM((2, C, BERT_DIM), jnp.float32),
            pltpu.VMEM((2, C, BERT_DIM), jnp.float32),
            pltpu.VMEM((2, C), jnp.float32),
            pltpu.VMEM((2, C), jnp.float32),
            pltpu.VMEM((BPW,), jnp.float32),
            pltpu.VMEM((L,), jnp.float32),
            pltpu.SemaphoreType.DMA,
            pltpu.SemaphoreType.DMA,
        ],
    )
    emb_run = pl.kernel(
        _emb_body,
        out_type=out_t,
        mesh=mesh,
        compiler_params=pltpu.CompilerParams(use_tc_tiling_on_sc=False,
                                             needs_layout_passes=False),
        scratch_types=[
            pltpu.VMEM((BPW,), jnp.int32),
            pltpu.VMEM((BPW,), jnp.int32),
            pltpu.VMEM((BPW, EMB_DIM), jnp.float32),
            pltpu.VMEM((BPW, EMB_DIM), jnp.float32),
            pltpu.VMEM((BPW,), jnp.float32),
            pltpu.SemaphoreType.DMA,
        ],
    )
    bias16 = jnp.broadcast_to(bias, (L,))
    out_text, uo, io = text_run(user_ids, item_ids, user_text_w,
                                item_text_w, user_bias, item_bias, bias16)
    out_emb = emb_run(uo, io, user_emb_w, item_emb_w)
    return (out_text + out_emb)[:, None]

# --- scband reference (transcript-rebuilt; emitter-appended) ---
"""Pipeline reference for scband-matrix-factorizatoin-text-dot-product-25220047962797 (READ-ONLY COPY).

The authoritative reference and input builder live on the scoring server;
editing this copy changes nothing except your own understanding.
"""

import jax, jax.numpy as jnp
import numpy as np

N_USERS = 100000
N_ITEMS = 100000
B = 16384
EMB_DIM = 32
BERT_DIM = 768


def setup_inputs(seed: int = 0) -> dict:
    key = jax.random.key(seed)
    ks = jax.random.split(key, 8)
    return {
        "user_ids": jax.random.randint(ks[0], (B,), 0, N_USERS, dtype=jnp.int32),
        "item_ids": jax.random.randint(ks[1], (B,), 0, N_ITEMS, dtype=jnp.int32),
        "user_emb_w": jax.random.normal(ks[2], (N_USERS, EMB_DIM), dtype=jnp.float32) * 0.05,
        "item_emb_w": jax.random.normal(ks[3], (N_ITEMS, EMB_DIM), dtype=jnp.float32) * 0.05,
        "user_text_w": jax.random.normal(ks[4], (N_USERS, BERT_DIM), dtype=jnp.float32) * 0.05,
        "item_text_w": jax.random.normal(ks[5], (N_ITEMS, BERT_DIM), dtype=jnp.float32) * 0.05,
        "user_bias": jnp.zeros((N_USERS,), dtype=jnp.float32),
        "item_bias": jnp.zeros((N_ITEMS,), dtype=jnp.float32),
        "bias": jnp.zeros((1,), dtype=jnp.float32),
    }


def reference(user_ids, item_ids, user_emb_w, item_emb_w, user_text_w, item_text_w, user_bias, item_bias, bias):
    # embedding lookups (gathers)
    user_embeds = jnp.take(user_emb_w, user_ids, axis=0)
    item_embeds = jnp.take(item_emb_w, item_ids, axis=0)
    user_t_rep = jnp.take(user_text_w, user_ids, axis=0)
    item_t_rep = jnp.take(item_text_w, item_ids, axis=0)
    # config['k'] == 0 -> no text transform branch
    user_rep = jnp.concatenate([user_embeds, user_t_rep], axis=1)
    item_rep = jnp.concatenate([item_embeds, item_t_rep], axis=1)
    output = jnp.sum(user_rep * item_rep, axis=1)
    output = output + jnp.take(item_bias, item_ids) + jnp.take(user_bias, user_ids)
    output = output + bias[0]
    return output[:, None]

if __name__ == "__main__":
    import jax
    _d = setup_inputs()
    print(jax.jit(kernel)(*tuple(_d.values())))

</pallas_src>

<mosaic_0001>
#map = affine_map<(d0, d1) -> (0)>
#map1 = affine_map<(d0, d1) -> (0, 0)>
module attributes {stable_mosaic.version = 14 : i64} {
  func.func @_emb_body(%arg0: i32, %arg1: i32, %arg2: memref<16384xi32, #tpu.memory_space<hbm>>, %arg3: memref<16384xi32, #tpu.memory_space<hbm>>, %arg4: memref<100000x32xf32, #tpu.memory_space<hbm>>, %arg5: memref<100000x32xf32, #tpu.memory_space<hbm>>, %arg6: memref<16384xf32, #tpu.memory_space<hbm>>, %arg7: memref<512xi32, #tpu.memory_space<vmem>>, %arg8: memref<512xi32, #tpu.memory_space<vmem>>, %arg9: memref<512x32xf32, #tpu.memory_space<vmem>>, %arg10: memref<512x32xf32, #tpu.memory_space<vmem>>, %arg11: memref<512xf32, #tpu.memory_space<vmem>>, %arg12: memref<!tpu.dma_semaphore, #tpu.memory_space<semaphore_mem>>) attributes {dimension_semantics = [#tpu.dimension_semantics<core_parallel>, #tpu.dimension_semantics<subcore_parallel>], iteration_bounds = array<i64: 2, 16>, scalar_prefetch = 0 : i64, scratch_operands = 6 : i64, tpu.core_type = #tpu.core_type<sc_vector_subcore>, window_params = [{transform_indices = #map}, {transform_indices = #map}, {transform_indices = #map1}, {transform_indices = #map1}, {transform_indices = #map}]} {
    %mul3A = arith.constant 2 : i32
    %mul3A_0 = arith.muli %arg1, %mul3A : i32
    %add3A = arith.addi %mul3A_0, %arg0 : i32
    %mul3A_1 = arith.constant 512 : i32
    %mul3A_2 = arith.muli %add3A, %mul3A_1 : i32
    "tpu.region"() ({
      %run_scoped3A = tpu.sem_alloc : memref<!tpu.dma_semaphore, #tpu.memory_space<semaphore_mem>>
      %dma_start3A_272 = tpu.memref_slice %arg2[%mul3A_2] : memref<16384xi32, #tpu.memory_space<hbm>> -> memref<512xi32, #tpu.memory_space<hbm>>
      %dma_start3A_273 = tpu.memref_slice %arg2[%mul3A_2] : memref<16384xi32, #tpu.memory_space<hbm>> -> memref<512xi32, #tpu.memory_space<hbm>>
      tpu.enqueue_dma source(%dma_start3A_273 : memref<512xi32, #tpu.memory_space<hbm>>) target(%arg7 : memref<512xi32, #tpu.memory_space<vmem>>) target_semaphore(%run_scoped3A : memref<!tpu.dma_semaphore, #tpu.memory_space<semaphore_mem>>)
      %dma_wait3A_274 = tpu.memref_slice %arg2[%mul3A_2] : memref<16384xi32, #tpu.memory_space<hbm>> -> memref<512xi32, #tpu.memory_space<hbm>>
      %dma_wait3A_275 = tpu.memref_slice %arg2[%mul3A_2] : memref<16384xi32, #tpu.memory_space<hbm>> -> memref<512xi32, #tpu.memory_space<hbm>>
      tpu.wait_dma2 semaphore(%run_scoped3A : memref<!tpu.dma_semaphore, #tpu.memory_space<semaphore_mem>>) src(%dma_wait3A_275 : memref<512xi32, #tpu.memory_space<hbm>>) dst(%arg7 : memref<512xi32, #tpu.memory_space<vmem>>)
      tpu.yield
    }) : () -> ()
    "tpu.region"() ({
      %run_scoped3A = tpu.sem_alloc : memref<!tpu.dma_semaphore, #tpu.memory_space<semaphore_mem>>
      %dma_start3A_272 = tpu.memref_slice %arg3[%mul3A_2] : memref<16384xi32, #tpu.memory_space<hbm>> -> memref<512xi32, #tpu.memory_space<hbm>>
      %dma_start3A_273 = tpu.memref_slice %arg3[%mul3A_2] : memref<16384xi32, #tpu.memory_space<hbm>> -> memref<512xi32, #tpu.memory_space<hbm>>
      tpu.enqueue_dma source(%dma_start3A_273 : memref<512xi32, #tpu.memory_space<hbm>>) target(%arg8 : memref<512xi32, #tpu.memory_space<vmem>>) target_semaphore(%run_scoped3A : memref<!tpu.dma_semaphore, #tpu.memory_space<semaphore_mem>>)
      %dma_wait3A_274 = tpu.memref_slice %arg3[%mul3A_2] : memref<16384xi32, #tpu.memory_space<hbm>> -> memref<512xi32, #tpu.memory_space<hbm>>
      %dma_wait3A_275 = tpu.memref_slice %arg3[%mul3A_2] : memref<16384xi32, #tpu.memory_space<hbm>> -> memref<512xi32, #tpu.memory_space<hbm>>
      tpu.wait_dma2 semaphore(%run_scoped3A : memref<!tpu.dma_semaphore, #tpu.memory_space<semaphore_mem>>) src(%dma_wait3A_275 : memref<512xi32, #tpu.memory_space<hbm>>) dst(%arg8 : memref<512xi32, #tpu.memory_space<vmem>>)
      tpu.yield
    }) : () -> ()
    %iota3A = tpu.iota {dimensions = array<i32: 0>} : vector<16xi32>
    %add3A_3 = arith.constant 0 : i32
    %add3A_4 = vector.broadcast %add3A_3 : i32 to vector<16xi32>
    %add3A_5 = arith.addi %iota3A, %add3A_4 : vector<16xi32>
    %ge3A = arith.constant 16 : i32
    %ge3A_6 = vector.broadcast %ge3A : i32 to vector<16xi32>
    %ge3A_7 = arith.cmpi sge, %add3A_5, %ge3A_6 : vector<16xi32>
    %add3A_8 = arith.constant 0 : i32
    %add3A_9 = vector.broadcast %add3A_8 : i32 to vector<16xi32>
    %add3A_10 = arith.addi %iota3A, %add3A_9 : vector<16xi32>
    %sub3A = arith.constant 16 : i32
    %sub3A_11 = vector.broadcast %sub3A : i32 to vector<16xi32>
    %sub3A_12 = arith.subi %add3A_10, %sub3A_11 : vector<16xi32>
    %add3A_13 = arith.constant 0 : i32
    %add3A_14 = vector.broadcast %add3A_13 : i32 to vector<16xi32>
    %add3A_15 = arith.addi %iota3A, %add3A_14 : vector<16xi32>
    %select_n3A = arith.select %ge3A_7, %sub3A_12, %add3A_15 : vector<16xi1>, vector<16xi32>
    %add3A_16 = arith.constant 1 : i32
    %add3A_17 = vector.broadcast %add3A_16 : i32 to vector<16xi32>
    %add3A_18 = arith.addi %iota3A, %add3A_17 : vector<16xi32>
    %ge3A_19 = arith.constant 16 : i32
    %ge3A_20 = vector.broadcast %ge3A_19 : i32 to vector<16xi32>
    %ge3A_21 = arith.cmpi sge, %add3A_18, %ge3A_20 : vector<16xi32>
    %add3A_22 = arith.constant 1 : i32
    %add3A_23 = vector.broadcast %add3A_22 : i32 to vector<16xi32>
    %add3A_24 = arith.addi %iota3A, %add3A_23 : vector<16xi32>
    %sub3A_25 = arith.constant 16 : i32
    %sub3A_26 = vector.broadcast %sub3A_25 : i32 to vector<16xi32>
    %sub3A_27 = arith.subi %add3A_24, %sub3A_26 : vector<16xi32>
    %add3A_28 = arith.constant 1 : i32
    %add3A_29 = vector.broadcast %add3A_28 : i32 to vector<16xi32>
    %add3A_30 = arith.addi %iota3A, %add3A_29 : vector<16xi32>
    %select_n3A_31 = arith.select %ge3A_21, %sub3A_27, %add3A_30 : vector<16xi1>, vector<16xi32>
    %add3A_32 = arith.constant 2 : i32
    %add3A_33 = vector.broadcast %add3A_32 : i32 to vector<16xi32>
    %add3A_34 = arith.addi %iota3A, %add3A_33 : vector<16xi32>
    %ge3A_35 = arith.constant 16 : i32
    %ge3A_36 = vector.broadcast %ge3A_35 : i32 to vector<16xi32>
    %ge3A_37 = arith.cmpi sge, %add3A_34, %ge3A_36 : vector<16xi32>
    %add3A_38 = arith.constant 2 : i32
    %add3A_39 = vector.broadcast %add3A_38 : i32 to vector<16xi32>
    %add3A_40 = arith.addi %iota3A, %add3A_39 : vector<16xi32>
    %sub3A_41 = arith.constant 16 : i32
    %sub3A_42 = vector.broadcast %sub3A_41 : i32 to vector<16xi32>
    %sub3A_43 = arith.subi %add3A_40, %sub3A_42 : vector<16xi32>
    %add3A_44 = arith.constant 2 : i32
    %add3A_45 = vector.broadcast %add3A_44 : i32 to vector<16xi32>
    %add3A_46 = arith.addi %iota3A, %add3A_45 : vector<16xi32>
    %select_n3A_47 = arith.select %ge3A_37, %sub3A_43, %add3A_46 : vector<16xi1>, vector<16xi32>
    %add3A_48 = arith.constant 3 : i32
    %add3A_49 = vector.broadcast %add3A_48 : i32 to vector<16xi32>
    %add3A_50 = arith.addi %iota3A, %add3A_49 : vector<16xi32>
    %ge3A_51 = arith.constant 16 : i32
    %ge3A_52 = vector.broadcast %ge3A_51 : i32 to vector<16xi32>
    %ge3A_53 = arith.cmpi sge, %add3A_50, %ge3A_52 : vector<16xi32>
    %add3A_54 = arith.constant 3 : i32
    %add3A_55 = vector.broadcast %add3A_54 : i32 to vector<16xi32>
    %add3A_56 = arith.addi %iota3A, %add3A_55 : vector<16xi32>
    %sub3A_57 = arith.constant 16 : i32
    %sub3A_58 = vector.broadcast %sub3A_57 : i32 to vector<16xi32>
    %sub3A_59 = arith.subi %add3A_56, %sub3A_58 : vector<16xi32>
    %add3A_60 = arith.constant 3 : i32
    %add3A_61 = vector.broadcast %add3A_60 : i32 to vector<16xi32>
    %add3A_62 = arith.addi %iota3A, %add3A_61 : vector<16xi32>
    %select_n3A_63 = arith.select %ge3A_53, %sub3A_59, %add3A_62 : vector<16xi1>, vector<16xi32>
    %add3A_64 = arith.constant 4 : i32
    %add3A_65 = vector.broadcast %add3A_64 : i32 to vector<16xi32>
    %add3A_66 = arith.addi %iota3A, %add3A_65 : vector<16xi32>
    %ge3A_67 = arith.constant 16 : i32
    %ge3A_68 = vector.broadcast %ge3A_67 : i32 to vector<16xi32>
    %ge3A_69 = arith.cmpi sge, %add3A_66, %ge3A_68 : vector<16xi32>
    %add3A_70 = arith.constant 4 : i32
    %add3A_71 = vector.broadcast %add3A_70 : i32 to vector<16xi32>
    %add3A_72 = arith.addi %iota3A, %add3A_71 : vector<16xi32>
    %sub3A_73 = arith.constant 16 : i32
    %sub3A_74 = vector.broadcast %sub3A_73 : i32 to vector<16xi32>
    %sub3A_75 = arith.subi %add3A_72, %sub3A_74 : vector<16xi32>
    %add3A_76 = arith.constant 4 : i32
    %add3A_77 = vector.broadcast %add3A_76 : i32 to vector<16xi32>
    %add3A_78 = arith.addi %iota3A, %add3A_77 : vector<16xi32>
    %select_n3A_79 = arith.select %ge3A_69, %sub3A_75, %add3A_78 : vector<16xi1>, vector<16xi32>
    %add3A_80 = arith.constant 5 : i32
    %add3A_81 = vector.broadcast %add3A_80 : i32 to vector<16xi32>
    %add3A_82 = arith.addi %iota3A, %add3A_81 : vector<16xi32>
    %ge3A_83 = arith.constant 16 : i32
    %ge3A_84 = vector.broadcast %ge3A_83 : i32 to vector<16xi32>
    %ge3A_85 = arith.cmpi sge, %add3A_82, %ge3A_84 : vector<16xi32>
    %add3A_86 = arith.constant 5 : i32
    %add3A_87 = vector.broadcast %add3A_86 : i32 to vector<16xi32>
    %add3A_88 = arith.addi %iota3A, %add3A_87 : vector<16xi32>
    %sub3A_89 = arith.constant 16 : i32
    %sub3A_90 = vector.broadcast %sub3A_89 : i32 to vector<16xi32>
    %sub3A_91 = arith.subi %add3A_88, %sub3A_90 : vector<16xi32>
    %add3A_92 = arith.constant 5 : i32
    %add3A_93 = vector.broadcast %add3A_92 : i32 to vector<16xi32>
    %add3A_94 = arith.addi %iota3A, %add3A_93 : vector<16xi32>
    %select_n3A_95 = arith.select %ge3A_85, %sub3A_91, %add3A_94 : vector<16xi1>, vector<16xi32>
    %add3A_96 = arith.constant 6 : i32
    %add3A_97 = vector.broadcast %add3A_96 : i32 to vector<16xi32>
    %add3A_98 = arith.addi %iota3A, %add3A_97 : vector<16xi32>
    %ge3A_99 = arith.constant 16 : i32
    %ge3A_100 = vector.broadcast %ge3A_99 : i32 to vector<16xi32>
    %ge3A_101 = arith.cmpi sge, %add3A_98, %ge3A_100 : vector<16xi32>
    %add3A_102 = arith.constant 6 : i32
    %add3A_103 = vector.broadcast %add3A_102 : i32 to vector<16xi32>
    %add3A_104 = arith.addi %iota3A, %add3A_103 : vector<16xi32>
    %sub3A_105 = arith.constant 16 : i32
    %sub3A_106 = vector.broadcast %sub3A_105 : i32 to vector<16xi32>
    %sub3A_107 = arith.subi %add3A_104, %sub3A_106 : vector<16xi32>
    %add3A_108 = arith.constant 6 : i32
    %add3A_109 = vector.broadcast %add3A_108 : i32 to vector<16xi32>
    %add3A_110 = arith.addi %iota3A, %add3A_109 : vector<16xi32>
    %select_n3A_111 = arith.select %ge3A_101, %sub3A_107, %add3A_110 : vector<16xi1>, vector<16xi32>
    %add3A_112 = arith.constant 7 : i32
    %add3A_113 = vector.broadcast %add3A_112 : i32 to vector<16xi32>
    %add3A_114 = arith.addi %iota3A, %add3A_113 : vector<16xi32>
    %ge3A_115 = arith.constant 16 : i32
    %ge3A_116 = vector.broadcast %ge3A_115 : i32 to vector<16xi32>
    %ge3A_117 = arith.cmpi sge, %add3A_114, %ge3A_116 : vector<16xi32>
    %add3A_118 = arith.constant 7 : i32
    %add3A_119 = vector.broadcast %add3A_118 : i32 to vector<16xi32>
    %add3A_120 = arith.addi %iota3A, %add3A_119 : vector<16xi32>
    %sub3A_121 = arith.constant 16 : i32
    %sub3A_122 = vector.broadcast %sub3A_121 : i32 to vector<16xi32>
    %sub3A_123 = arith.subi %add3A_120, %sub3A_122 : vector<16xi32>
    %add3A_124 = arith.constant 7 : i32
    %add3A_125 = vector.broadcast %add3A_124 : i32 to vector<16xi32>
    %add3A_126 = arith.addi %iota3A, %add3A_125 : vector<16xi32>
    %select_n3A_127 = arith.select %ge3A_117, %sub3A_123, %add3A_126 : vector<16xi1>, vector<16xi32>
    %add3A_128 = arith.constant 8 : i32
    %add3A_129 = vector.broadcast %add3A_128 : i32 to vector<16xi32>
    %add3A_130 = arith.addi %iota3A, %add3A_129 : vector<16xi32>
    %ge3A_131 = arith.constant 16 : i32
    %ge3A_132 = vector.broadcast %ge3A_131 : i32 to vector<16xi32>
    %ge3A_133 = arith.cmpi sge, %add3A_130, %ge3A_132 : vector<16xi32>
    %add3A_134 = arith.constant 8 : i32
    %add3A_135 = vector.broadcast %add3A_134 : i32 to vector<16xi32>
    %add3A_136 = arith.addi %iota3A, %add3A_135 : vector<16xi32>
    %sub3A_137 = arith.constant 16 : i32
    %sub3A_138 = vector.broadcast %sub3A_137 : i32 to vector<16xi32>
    %sub3A_139 = arith.subi %add3A_136, %sub3A_138 : vector<16xi32>
    %add3A_140 = arith.constant 8 : i32
    %add3A_141 = vector.broadcast %add3A_140 : i32 to vector<16xi32>
    %add3A_142 = arith.addi %iota3A, %add3A_141 : vector<16xi32>
    %select_n3A_143 = arith.select %ge3A_133, %sub3A_139, %add3A_142 : vector<16xi1>, vector<16xi32>
    %add3A_144 = arith.constant 9 : i32
    %add3A_145 = vector.broadcast %add3A_144 : i32 to vector<16xi32>
    %add3A_146 = arith.addi %iota3A, %add3A_145 : vector<16xi32>
    %ge3A_147 = arith.constant 16 : i32
    %ge3A_148 = vector.broadcast %ge3A_147 : i32 to vector<16xi32>
    %ge3A_149 = arith.cmpi sge, %add3A_146, %ge3A_148 : vector<16xi32>
    %add3A_150 = arith.constant 9 : i32
    %add3A_151 = vector.broadcast %add3A_150 : i32 to vector<16xi32>
    %add3A_152 = arith.addi %iota3A, %add3A_151 : vector<16xi32>
    %sub3A_153 = arith.constant 16 : i32
    %sub3A_154 = vector.broadcast %sub3A_153 : i32 to vector<16xi32>
    %sub3A_155 = arith.subi %add3A_152, %sub3A_154 : vector<16xi32>
    %add3A_156 = arith.constant 9 : i32
    %add3A_157 = vector.broadcast %add3A_156 : i32 to vector<16xi32>
    %add3A_158 = arith.addi %iota3A, %add3A_157 : vector<16xi32>
    %select_n3A_159 = arith.select %ge3A_149, %sub3A_155, %add3A_158 : vector<16xi1>, vector<16xi32>
    %add3A_160 = arith.constant 10 : i32
    %add3A_161 = vector.broadcast %add3A_160 : i32 to vector<16xi32>
    %add3A_162 = arith.addi %iota3A, %add3A_161 : vector<16xi32>
    %ge3A_163 = arith.constant 16 : i32
    %ge3A_164 = vector.broadcast %ge3A_163 : i32 to vector<16xi32>
    %ge3A_165 = arith.cmpi sge, %add3A_162, %ge3A_164 : vector<16xi32>
    %add3A_166 = arith.constant 10 : i32
    %add3A_167 = vector.broadcast %add3A_166 : i32 to vector<16xi32>
    %add3A_168 = arith.addi %iota3A, %add3A_167 : vector<16xi32>
    %sub3A_169 = arith.constant 16 : i32
    %sub3A_170 = vector.broadcast %sub3A_169 : i32 to vector<16xi32>
    %sub3A_171 = arith.subi %add3A_168, %sub3A_170 : vector<16xi32>
    %add3A_172 = arith.constant 10 : i32
    %add3A_173 = vector.broadcast %add3A_172 : i32 to vector<16xi32>
    %add3A_174 = arith.addi %iota3A, %add3A_173 : vector<16xi32>
    %select_n3A_175 = arith.select %ge3A_165, %sub3A_171, %add3A_174 : vector<16xi1>, vector<16xi32>
    %add3A_176 = arith.constant 11 : i32
    %add3A_177 = vector.broadcast %add3A_176 : i32 to vector<16xi32>
    %add3A_178 = arith.addi %iota3A, %add3A_177 : vector<16xi32>
    %ge3A_179 = arith.constant 16 : i32
    %ge3A_180 = vector.broadcast %ge3A_179 : i32 to vector<16xi32>
    %ge3A_181 = arith.cmpi sge, %add3A_178, %ge3A_180 : vector<16xi32>
    %add3A_182 = arith.constant 11 : i32
    %add3A_183 = vector.broadcast %add3A_182 : i32 to vector<16xi32>
    %add3A_184 = arith.addi %iota3A, %add3A_183 : vector<16xi32>
    %sub3A_185 = arith.constant 16 : i32
    %sub3A_186 = vector.broadcast %sub3A_185 : i32 to vector<16xi32>
    %sub3A_187 = arith.subi %add3A_184, %sub3A_186 : vector<16xi32>
    %add3A_188 = arith.constant 11 : i32
    %add3A_189 = vector.broadcast %add3A_188 : i32 to vector<16xi32>
    %add3A_190 = arith.addi %iota3A, %add3A_189 : vector<16xi32>
    %select_n3A_191 = arith.select %ge3A_181, %sub3A_187, %add3A_190 : vector<16xi1>, vector<16xi32>
    %add3A_192 = arith.constant 12 : i32
    %add3A_193 = vector.broadcast %add3A_192 : i32 to vector<16xi32>
    %add3A_194 = arith.addi %iota3A, %add3A_193 : vector<16xi32>
    %ge3A_195 = arith.constant 16 : i32
    %ge3A_196 = vector.broadcast %ge3A_195 : i32 to vector<16xi32>
    %ge3A_197 = arith.cmpi sge, %add3A_194, %ge3A_196 : vector<16xi32>
    %add3A_198 = arith.constant 12 : i32
    %add3A_199 = vector.broadcast %add3A_198 : i32 to vector<16xi32>
    %add3A_200 = arith.addi %iota3A, %add3A_199 : vector<16xi32>
    %sub3A_201 = arith.constant 16 : i32
    %sub3A_202 = vector.broadcast %sub3A_201 : i32 to vector<16xi32>
    %sub3A_203 = arith.subi %add3A_200, %sub3A_202 : vector<16xi32>
    %add3A_204 = arith.constant 12 : i32
    %add3A_205 = vector.broadcast %add3A_204 : i32 to vector<16xi32>
    %add3A_206 = arith.addi %iota3A, %add3A_205 : vector<16xi32>
    %select_n3A_207 = arith.select %ge3A_197, %sub3A_203, %add3A_206 : vector<16xi1>, vector<16xi32>
    %add3A_208 = arith.constant 13 : i32
    %add3A_209 = vector.broadcast %add3A_208 : i32 to vector<16xi32>
    %add3A_210 = arith.addi %iota3A, %add3A_209 : vector<16xi32>
    %ge3A_211 = arith.constant 16 : i32
    %ge3A_212 = vector.broadcast %ge3A_211 : i32 to vector<16xi32>
    %ge3A_213 = arith.cmpi sge, %add3A_210, %ge3A_212 : vector<16xi32>
    %add3A_214 = arith.constant 13 : i32
    %add3A_215 = vector.broadcast %add3A_214 : i32 to vector<16xi32>
    %add3A_216 = arith.addi %iota3A, %add3A_215 : vector<16xi32>
    %sub3A_217 = arith.constant 16 : i32
    %sub3A_218 = vector.broadcast %sub3A_217 : i32 to vector<16xi32>
    %sub3A_219 = arith.subi %add3A_216, %sub3A_218 : vector<16xi32>
    %add3A_220 = arith.constant 13 : i32
    %add3A_221 = vector.broadcast %add3A_220 : i32 to vector<16xi32>
    %add3A_222 = arith.addi %iota3A, %add3A_221 : vector<16xi32>
    %select_n3A_223 = arith.select %ge3A_213, %sub3A_219, %add3A_222 : vector<16xi1>, vector<16xi32>
    %add3A_224 = arith.constant 14 : i32
    %add3A_225 = vector.broadcast %add3A_224 : i32 to vector<16xi32>
    %add3A_226 = arith.addi %iota3A, %add3A_225 : vector<16xi32>
    %ge3A_227 = arith.constant 16 : i32
    %ge3A_228 = vector.broadcast %ge3A_227 : i32 to vector<16xi32>
    %ge3A_229 = arith.cmpi sge, %add3A_226, %ge3A_228 : vector<16xi32>
    %add3A_230 = arith.constant 14 : i32
    %add3A_231 = vector.broadcast %add3A_230 : i32 to vector<16xi32>
    %add3A_232 = arith.addi %iota3A, %add3A_231 : vector<16xi32>
    %sub3A_233 = arith.constant 16 : i32
    %sub3A_234 = vector.broadcast %sub3A_233 : i32 to vector<16xi32>
    %sub3A_235 = arith.subi %add3A_232, %sub3A_234 : vector<16xi32>
    %add3A_236 = arith.constant 14 : i32
    %add3A_237 = vector.broadcast %add3A_236 : i32 to vector<16xi32>
    %add3A_238 = arith.addi %iota3A, %add3A_237 : vector<16xi32>
    %select_n3A_239 = arith.select %ge3A_229, %sub3A_235, %add3A_238 : vector<16xi1>, vector<16xi32>
    %add3A_240 = arith.constant 15 : i32
    %add3A_241 = vector.broadcast %add3A_240 : i32 to vector<16xi32>
    %add3A_242 = arith.addi %iota3A, %add3A_241 : vector<16xi32>
    %ge3A_243 = arith.constant 16 : i32
    %ge3A_244 = vector.broadcast %ge3A_243 : i32 to vector<16xi32>
    %ge3A_245 = arith.cmpi sge, %add3A_242, %ge3A_244 : vector<16xi32>
    %add3A_246 = arith.constant 15 : i32
    %add3A_247 = vector.broadcast %add3A_246 : i32 to vector<16xi32>
    %add3A_248 = arith.addi %iota3A, %add3A_247 : vector<16xi32>
    %sub3A_249 = arith.constant 16 : i32
    %sub3A_250 = vector.broadcast %sub3A_249 : i32 to vector<16xi32>
    %sub3A_251 = arith.subi %add3A_248, %sub3A_250 : vector<16xi32>
    %add3A_252 = arith.constant 15 : i32
    %add3A_253 = vector.broadcast %add3A_252 : i32 to vector<16xi32>
    %add3A_254 = arith.addi %iota3A, %add3A_253 : vector<16xi32>
    %select_n3A_255 = arith.select %ge3A_245, %sub3A_251, %add3A_254 : vector<16xi1>, vector<16xi32>
    %iota3A_256 = tpu.iota {dimensions = array<i32: 0>} : vector<16xi32>
    %dma_start3A = arith.constant 0 : i32
    %dma_start3A_257 = arith.constant 0 : i32
    %dma_start3A_258 = tpu.memref_slice %arg4[%dma_start3A, %dma_start3A_257] : memref<100000x32xf32, #tpu.memory_space<hbm>> -> memref<100000x32xf32, #tpu.memory_space<hbm>>
    tpu.enqueue_indirect_dma source(%dma_start3A_258 : memref<100000x32xf32, #tpu.memory_space<hbm>>) target(%arg9 : memref<512x32xf32, #tpu.memory_space<vmem>>) offsets(%arg7 : memref<512xi32, #tpu.memory_space<vmem>>) semaphore(%arg12 : memref<!tpu.dma_semaphore, #tpu.memory_space<semaphore_mem>>)
    %dma_start3A_259 = arith.constant 0 : i32
    %dma_start3A_260 = arith.constant 0 : i32
    %dma_start3A_261 = tpu.memref_slice %arg5[%dma_start3A_259, %dma_start3A_260] : memref<100000x32xf32, #tpu.memory_space<hbm>> -> memref<100000x32xf32, #tpu.memory_space<hbm>>
    tpu.enqueue_indirect_dma source(%dma_start3A_261 : memref<100000x32xf32, #tpu.memory_space<hbm>>) target(%arg10 : memref<512x32xf32, #tpu.memory_space<vmem>>) offsets(%arg8 : memref<512xi32, #tpu.memory_space<vmem>>) semaphore(%arg12 : memref<!tpu.dma_semaphore, #tpu.memory_space<semaphore_mem>>)
    %dma_wait3A = arith.constant 0 : i32
    %dma_wait3A_262 = arith.constant 0 : i32
    %dma_wait3A_263 = tpu.memref_slice %arg4[%dma_wait3A, %dma_wait3A_262] : memref<100000x32xf32, #tpu.memory_space<hbm>> -> memref<100000x32xf32, #tpu.memory_space<hbm>>
    tpu.wait_indirect_dma semaphore(%arg12 : memref<!tpu.dma_semaphore, #tpu.memory_space<semaphore_mem>>) src(%dma_wait3A_263 : memref<100000x32xf32, #tpu.memory_space<hbm>>) dst(%arg9 : memref<512x32xf32, #tpu.memory_space<vmem>>)
    %dma_wait3A_264 = arith.constant 0 : i32
    %dma_wait3A_265 = arith.constant 0 : i32
    %dma_wait3A_266 = tpu.memref_slice %arg5[%dma_wait3A_264, %dma_wait3A_265] : memref<100000x32xf32, #tpu.memory_space<hbm>> -> memref<100000x32xf32, #tpu.memory_space<hbm>>
    tpu.wait_indirect_dma semaphore(%arg12 : memref<!tpu.dma_semaphore, #tpu.memory_space<semaphore_mem>>) src(%dma_wait3A_266 : memref<100000x32xf32, #tpu.memory_space<hbm>>) dst(%arg10 : memref<512x32xf32, #tpu.memory_space<vmem>>)
    %scan3A = arith.constant 0 : i32
    %scan3A_267 = arith.constant 0 : i32
    %scan3A_268 = arith.constant 32 : i32
    %scan3A_269 = arith.addi %scan3A_267, %scan3A_268 : i32
    %scan3A_270 = arith.constant 1 : i32
    scf.for %scan3A_272 = %scan3A_267 to %scan3A_269 step %scan3A_270  : i32 {
      %mul3A_273 = arith.constant 16 : i32
      %mul3A_274 = arith.muli %scan3A_272, %mul3A_273 : i32
      %add3A_275 = vector.broadcast %mul3A_274 : i32 to vector<16xi32>
      %add3A_276 = arith.addi %iota3A_256, %add3A_275 : vector<16xi32>
      %broadcast_in_dim3A = arith.constant 0.000000e+00 : f32
      %broadcast_in_dim3A_277 = vector.broadcast %broadcast_in_dim3A : f32 to vector<16xf32>
      %broadcast_in_dim3A_278 = arith.constant 0 : i32
      %broadcast_in_dim3A_279 = vector.broadcast %broadcast_in_dim3A_278 : i32 to vector<16xi32>
      %add3A_280 = arith.addi %broadcast_in_dim3A_279, %select_n3A : vector<16xi32>
      %gather3A = tpu.vector_load_idx %arg9[%add3A_276, %add3A_280] : memref<512x32xf32, #tpu.memory_space<vmem>>[vector<16xi32>, vector<16xi32>], vector<16xf32>,
      %gather3A_281 = tpu.vector_load_idx %arg10[%add3A_276, %add3A_280] : memref<512x32xf32, #tpu.memory_space<vmem>>[vector<16xi32>, vector<16xi32>], vector<16xf32>,
      %mul3A_282 = arith.mulf %gather3A, %gather3A_281 : vector<16xf32>
      %add3A_283 = arith.addf %broadcast_in_dim3A_277, %mul3A_282 : vector<16xf32>
      %add3A_284 = arith.addi %broadcast_in_dim3A_279, %select_n3A_31 : vector<16xi32>
      %gather3A_285 = tpu.vector_load_idx %arg9[%add3A_276, %add3A_284] : memref<512x32xf32, #tpu.memory_space<vmem>>[vector<16xi32>, vector<16xi32>], vector<16xf32>,
      %gather3A_286 = tpu.vector_load_idx %arg10[%add3A_276, %add3A_284] : memref<512x32xf32, #tpu.memory_space<vmem>>[vector<16xi32>, vector<16xi32>], vector<16xf32>,
      %mul3A_287 = arith.mulf %gather3A_285, %gather3A_286 : vector<16xf32>
      %add3A_288 = arith.addf %add3A_283, %mul3A_287 : vector<16xf32>
      %add3A_289 = arith.addi %broadcast_in_dim3A_279, %select_n3A_47 : vector<16xi32>
      %gather3A_290 = tpu.vector_load_idx %arg9[%add3A_276, %add3A_289] : memref<512x32xf32, #tpu.memory_space<vmem>>[vector<16xi32>, vector<16xi32>], vector<16xf32>,
      %gather3A_291 = tpu.vector_load_idx %arg10[%add3A_276, %add3A_289] : memref<512x32xf32, #tpu.memory_space<vmem>>[vector<16xi32>, vector<16xi32>], vector<16xf32>,
      %mul3A_292 = arith.mulf %gather3A_290, %gather3A_291 : vector<16xf32>
      %add3A_293 = arith.addf %add3A_288, %mul3A_292 : vector<16xf32>
      %add3A_294 = arith.addi %broadcast_in_dim3A_279, %select_n3A_63 : vector<16xi32>
      %gather3A_295 = tpu.vector_load_idx %arg9[%add3A_276, %add3A_294] : memref<512x32xf32, #tpu.memory_space<vmem>>[vector<16xi32>, vector<16xi32>], vector<16xf32>,
      %gather3A_296 = tpu.vector_load_idx %arg10[%add3A_276, %add3A_294] : memref<512x32xf32, #tpu.memory_space<vmem>>[vector<16xi32>, vector<16xi32>], vector<16xf32>,
      %mul3A_297 = arith.mulf %gather3A_295, %gather3A_296 : vector<16xf32>
      %add3A_298 = arith.addf %add3A_293, %mul3A_297 : vector<16xf32>
      %add3A_299 = arith.addi %broadcast_in_dim3A_279, %select_n3A_79 : vector<16xi32>
      %gather3A_300 = tpu.vector_load_idx %arg9[%add3A_276, %add3A_299] : memref<512x32xf32, #tpu.memory_space<vmem>>[vector<16xi32>, vector<16xi32>], vector<16xf32>,
      %gather3A_301 = tpu.vector_load_idx %arg10[%add3A_276, %add3A_299] : memref<512x32xf32, #tpu.memory_space<vmem>>[vector<16xi32>, vector<16xi32>], vector<16xf32>,
      %mul3A_302 = arith.mulf %gather3A_300, %gather3A_301 : vector<16xf32>
      %add3A_303 = arith.addf %add3A_298, %mul3A_302 : vector<16xf32>
      %add3A_304 = arith.addi %broadcast_in_dim3A_279, %select_n3A_95 : vector<16xi32>
      %gather3A_305 = tpu.vector_load_idx %arg9[%add3A_276, %add3A_304] : memref<512x32xf32, #tpu.memory_space<vmem>>[vector<16xi32>, vector<16xi32>], vector<16xf32>,
      %gather3A_306 = tpu.vector_load_idx %arg10[%add3A_276, %add3A_304] : memref<512x32xf32, #tpu.memory_space<vmem>>[vector<16xi32>, vector<16xi32>], vector<16xf32>,
      %mul3A_307 = arith.mulf %gather3A_305, %gather3A_306 : vector<16xf32>
      %add3A_308 = arith.addf %add3A_303, %mul3A_307 : vector<16xf32>
      %add3A_309 = arith.addi %broadcast_in_dim3A_279, %select_n3A_111 : vector<16xi32>
      %gather3A_310 = tpu.vector_load_idx %arg9[%add3A_276, %add3A_309] : memref<512x32xf32, #tpu.memory_space<vmem>>[vector<16xi32>, vector<16xi32>], vector<16xf32>,
      %gather3A_311 = tpu.vector_load_idx %arg10[%add3A_276, %add3A_309] : memref<512x32xf32, #tpu.memory_space<vmem>>[vector<16xi32>, vector<16xi32>], vector<16xf32>,
      %mul3A_312 = arith.mulf %gather3A_310, %gather3A_311 : vector<16xf32>
      %add3A_313 = arith.addf %add3A_308, %mul3A_312 : vector<16xf32>
      %add3A_314 = arith.addi %broadcast_in_dim3A_279, %select_n3A_127 : vector<16xi32>
      %gather3A_315 = tpu.vector_load_idx %arg9[%add3A_276, %add3A_314] : memref<512x32xf32, #tpu.memory_space<vmem>>[vector<16xi32>, vector<16xi32>], vector<16xf32>,
      %gather3A_316 = tpu.vector_load_idx %arg10[%add3A_276, %add3A_314] : memref<512x32xf32, #tpu.memory_space<vmem>>[vector<16xi32>, vector<16xi32>], vector<16xf32>,
      %mul3A_317 = arith.mulf %gather3A_315, %gather3A_316 : vector<16xf32>
      %add3A_318 = arith.addf %add3A_313, %mul3A_317 : vector<16xf32>
      %add3A_319 = arith.addi %broadcast_in_dim3A_279, %select_n3A_143 : vector<16xi32>
      %gather3A_320 = tpu.vector_load_idx %arg9[%add3A_276, %add3A_319] : memref<512x32xf32, #tpu.memory_space<vmem>>[vector<16xi32>, vector<16xi32>], vector<16xf32>,
      %gather3A_321 = tpu.vector_load_idx %arg10[%add3A_276, %add3A_319] : memref<512x32xf32, #tpu.memory_space<vmem>>[vector<16xi32>, vector<16xi32>], vector<16xf32>,
      %mul3A_322 = arith.mulf %gather3A_320, %gather3A_321 : vector<16xf32>
      %add3A_323 = arith.addf %add3A_318, %mul3A_322 : vector<16xf32>
      %add3A_324 = arith.addi %broadcast_in_dim3A_279, %select_n3A_159 : vector<16xi32>
      %gather3A_325 = tpu.vector_load_idx %arg9[%add3A_276, %add3A_324] : memref<512x32xf32, #tpu.memory_space<vmem>>[vector<16xi32>, vector<16xi32>], vector<16xf32>,
      %gather3A_326 = tpu.vector_load_idx %arg10[%add3A_276, %add3A_324] : memref<512x32xf32, #tpu.memory_space<vmem>>[vector<16xi32>, vector<16xi32>], vector<16xf32>,
      %mul3A_327 = arith.mulf %gather3A_325, %gather3A_326 : vector<16xf32>
      %add3A_328 = arith.addf %add3A_323, %mul3A_327 : vector<16xf32>
      %add3A_329 = arith.addi %broadcast_in_dim3A_279, %select_n3A_175 : vector<16xi32>
      %gather3A_330 = tpu.vector_load_idx %arg9[%add3A_276, %add3A_329] : memref<512x32xf32, #tpu.memory_space<vmem>>[vector<16xi32>, vector<16xi32>], vector<16xf32>,
      %gather3A_331 = tpu.vector_load_idx %arg10[%add3A_276, %add3A_329] : memref<512x32xf32, #tpu.memory_space<vmem>>[vector<16xi32>, vector<16xi32>], vector<16xf32>,
      %mul3A_332 = arith.mulf %gather3A_330, %gather3A_331 : vector<16xf32>
      %add3A_333 = arith.addf %add3A_328, %mul3A_332 : vector<16xf32>
      %add3A_334 = arith.addi %broadcast_in_dim3A_279, %select_n3A_191 : vector<16xi32>
      %gather3A_335 = tpu.vector_load_idx %arg9[%add3A_276, %add3A_334] : memref<512x32xf32, #tpu.memory_space<vmem>>[vector<16xi32>, vector<16xi32>], vector<16xf32>,
      %gather3A_336 = tpu.vector_load_idx %arg10[%add3A_276, %add3A_334] : memref<512x32xf32, #tpu.memory_space<vmem>>[vector<16xi32>, vector<16xi32>], vector<16xf32>,
      %mul3A_337 = arith.mulf %gather3A_335, %gather3A_336 : vector<16xf32>
      %add3A_338 = arith.addf %add3A_333, %mul3A_337 : vector<16xf32>
      %add3A_339 = arith.addi %broadcast_in_dim3A_279, %select_n3A_207 : vector<16xi32>
      %gather3A_340 = tpu.vector_load_idx %arg9[%add3A_276, %add3A_339] : memref<512x32xf32, #tpu.memory_space<vmem>>[vector<16xi32>, vector<16xi32>], vector<16xf32>,
      %gather3A_341 = tpu.vector_load_idx %arg10[%add3A_276, %add3A_339] : memref<512x32xf32, #tpu.memory_space<vmem>>[vector<16xi32>, vector<16xi32>], vector<16xf32>,
      %mul3A_342 = arith.mulf %gather3A_340, %gather3A_341 : vector<16xf32>
      %add3A_343 = arith.addf %add3A_338, %mul3A_342 : vector<16xf32>
      %add3A_344 = arith.addi %broadcast_in_dim3A_279, %select_n3A_223 : vector<16xi32>
      %gather3A_345 = tpu.vector_load_idx %arg9[%add3A_276, %add3A_344] : memref<512x32xf32, #tpu.memory_space<vmem>>[vector<16xi32>, vector<16xi32>], vector<16xf32>,
      %gather3A_346 = tpu.vector_load_idx %arg10[%add3A_276, %add3A_344] : memref<512x32xf32, #tpu.memory_space<vmem>>[vector<16xi32>, vector<16xi32>], vector<16xf32>,
      %mul3A_347 = arith.mulf %gather3A_345, %gather3A_346 : vector<16xf32>
      %add3A_348 = arith.addf %add3A_343, %mul3A_347 : vector<16xf32>
      %add3A_349 = arith.addi %broadcast_in_dim3A_279, %select_n3A_239 : vector<16xi32>
      %gather3A_350 = tpu.vector_load_idx %arg9[%add3A_276, %add3A_349] : memref<512x32xf32, #tpu.memory_space<vmem>>[vector<16xi32>, vector<16xi32>], vector<16xf32>,
      %gather3A_351 = tpu.vector_load_idx %arg10[%add3A_276, %add3A_349] : memref<512x32xf32, #tpu.memory_space<vmem>>[vector<16xi32>, vector<16xi32>], vector<16xf32>,
      %mul3A_352 = arith.mulf %gather3A_350, %gather3A_351 : vector<16xf32>
      %add3A_353 = arith.addf %add3A_348, %mul3A_352 : vector<16xf32>
      %add3A_354 = arith.addi %broadcast_in_dim3A_279, %select_n3A_255 : vector<16xi32>
      %gather3A_355 = tpu.vector_load_idx %arg9[%add3A_276, %add3A_354] : memref<512x32xf32, #tpu.memory_space<vmem>>[vector<16xi32>, vector<16xi32>], vector<16xf32>,
      %gather3A_356 = tpu.vector_load_idx %arg10[%add3A_276, %add3A_354] : memref<512x32xf32, #tpu.memory_space<vmem>>[vector<16xi32>, vector<16xi32>], vector<16xf32>,
      %mul3A_357 = arith.mulf %gather3A_355, %gather3A_356 : vector<16xf32>
      %add3A_358 = arith.addf %add3A_353, %mul3A_357 : vector<16xf32>
      %broadcast_in_dim3A_359 = arith.constant 16 : i32
      %broadcast_in_dim3A_360 = vector.broadcast %broadcast_in_dim3A_359 : i32 to vector<16xi32>
      %add3A_361 = arith.addi %broadcast_in_dim3A_360, %select_n3A : vector<16xi32>
      %gather3A_362 = tpu.vector_load_idx %arg9[%add3A_276, %add3A_361] : memref<512x32xf32, #tpu.memory_space<vmem>>[vector<16xi32>, vector<16xi32>], vector<16xf32>,
      %gather3A_363 = tpu.vector_load_idx %arg10[%add3A_276, %add3A_361] : memref<512x32xf32, #tpu.memory_space<vmem>>[vector<16xi32>, vector<16xi32>], vector<16xf32>,
      %mul3A_364 = arith.mulf %gather3A_362, %gather3A_363 : vector<16xf32>
      %add3A_365 = arith.addf %add3A_358, %mul3A_364 : vector<16xf32>
      %add3A_366 = arith.addi %broadcast_in_dim3A_360, %select_n3A_31 : vector<16xi32>
      %gather3A_367 = tpu.vector_load_idx %arg9[%add3A_276, %add3A_366] : memref<512x32xf32, #tpu.memory_space<vmem>>[vector<16xi32>, vector<16xi32>], vector<16xf32>,
      %gather3A_368 = tpu.vector_load_idx %arg10[%add3A_276, %add3A_366] : memref<512x32xf32, #tpu.memory_space<vmem>>[vector<16xi32>, vector<16xi32>], vector<16xf32>,
      %mul3A_369 = arith.mulf %gather3A_367, %gather3A_368 : vector<16xf32>
      %add3A_370 = arith.addf %add3A_365, %mul3A_369 : vector<16xf32>
      %add3A_371 = arith.addi %broadcast_in_dim3A_360, %select_n3A_47 : vector<16xi32>
      %gather3A_372 = tpu.vector_load_idx %arg9[%add3A_276, %add3A_371] : memref<512x32xf32, #tpu.memory_space<vmem>>[vector<16xi32>, vector<16xi32>], vector<16xf32>,
      %gather3A_373 = tpu.vector_load_idx %arg10[%add3A_276, %add3A_371] : memref<512x32xf32, #tpu.memory_space<vmem>>[vector<16xi32>, vector<16xi32>], vector<16xf32>,
      %mul3A_374 = arith.mulf %gather3A_372, %gather3A_373 : vector<16xf32>
      %add3A_375 = arith.addf %add3A_370, %mul3A_374 : vector<16xf32>
      %add3A_376 = arith.addi %broadcast_in_dim3A_360, %select_n3A_63 : vector<16xi32>
      %gather3A_377 = tpu.vector_load_idx %arg9[%add3A_276, %add3A_376] : memref<512x32xf32, #tpu.memory_space<vmem>>[vector<16xi32>, vector<16xi32>], vector<16xf32>,
      %gather3A_378 = tpu.vector_load_idx %arg10[%add3A_276, %add3A_376] : memref<512x32xf32, #tpu.memory_space<vmem>>[vector<16xi32>, vector<16xi32>], vector<16xf32>,
      %mul3A_379 = arith.mulf %gather3A_377, %gather3A_378 : vector<16xf32>
      %add3A_380 = arith.addf %add3A_375, %mul3A_379 : vector<16xf32>
      %add3A_381 = arith.addi %broadcast_in_dim3A_360, %select_n3A_79 : vector<16xi32>
      %gather3A_382 = tpu.vector_load_idx %arg9[%add3A_276, %add3A_381] : memref<512x32xf32, #tpu.memory_space<vmem>>[vector<16xi32>, vector<16xi32>], vector<16xf32>,
      %gather3A_383 = tpu.vector_load_idx %arg10[%add3A_276, %add3A_381] : memref<512x32xf32, #tpu.memory_space<vmem>>[vector<16xi32>, vector<16xi32>], vector<16xf32>,
      %mul3A_384 = arith.mulf %gather3A_382, %gather3A_383 : vector<16xf32>
      %add3A_385 = arith.addf %add3A_380, %mul3A_384 : vector<16xf32>
      %add3A_386 = arith.addi %broadcast_in_dim3A_360, %select_n3A_95 : vector<16xi32>
      %gather3A_387 = tpu.vector_load_idx %arg9[%add3A_276, %add3A_386] : memref<512x32xf32, #tpu.memory_space<vmem>>[vector<16xi32>, vector<16xi32>], vector<16xf32>,
      %gather3A_388 = tpu.vector_load_idx %arg10[%add3A_276, %add3A_386] : memref<512x32xf32, #tpu.memory_space<vmem>>[vector<16xi32>, vector<16xi32>], vector<16xf32>,
      %mul3A_389 = arith.mulf %gather3A_387, %gather3A_388 : vector<16xf32>
      %add3A_390 = arith.addf %add3A_385, %mul3A_389 : vector<16xf32>
      %add3A_391 = arith.addi %broadcast_in_dim3A_360, %select_n3A_111 : vector<16xi32>
      %gather3A_392 = tpu.vector_load_idx %arg9[%add3A_276, %add3A_391] : memref<512x32xf32, #tpu.memory_space<vmem>>[vector<16xi32>, vector<16xi32>], vector<16xf32>,
      %gather3A_393 = tpu.vector_load_idx %arg10[%add3A_276, %add3A_391] : memref<512x32xf32, #tpu.memory_space<vmem>>[vector<16xi32>, vector<16xi32>], vector<16xf32>,
      %mul3A_394 = arith.mulf %gather3A_392, %gather3A_393 : vector<16xf32>
      %add3A_395 = arith.addf %add3A_390, %mul3A_394 : vector<16xf32>
      %add3A_396 = arith.addi %broadcast_in_dim3A_360, %select_n3A_127 : vector<16xi32>
      %gather3A_397 = tpu.vector_load_idx %arg9[%add3A_276, %add3A_396] : memref<512x32xf32, #tpu.memory_space<vmem>>[vector<16xi32>, vector<16xi32>], vector<16xf32>,
      %gather3A_398 = tpu.vector_load_idx %arg10[%add3A_276, %add3A_396] : memref<512x32xf32, #tpu.memory_space<vmem>>[vector<16xi32>, vector<16xi32>], vector<16xf32>,
      %mul3A_399 = arith.mulf %gather3A_397, %gather3A_398 : vector<16xf32>
      %add3A_400 = arith.addf %add3A_395, %mul3A_399 : vector<16xf32>
      %add3A_401 = arith.addi %broadcast_in_dim3A_360, %select_n3A_143 : vector<16xi32>
      %gather3A_402 = tpu.vector_load_idx %arg9[%add3A_276, %add3A_401] : memref<512x32xf32, #tpu.memory_space<vmem>>[vector<16xi32>, vector<16xi32>], vector<16xf32>,
      %gather3A_403 = tpu.vector_load_idx %arg10[%add3A_276, %add3A_401] : memref<512x32xf32, #tpu.memory_space<vmem>>[vector<16xi32>, vector<16xi32>], vector<16xf32>,
      %mul3A_404 = arith.mulf %gather3A_402, %gather3A_403 : vector<16xf32>
      %add3A_405 = arith.addf %add3A_400, %mul3A_404 : vector<16xf32>
      %add3A_406 = arith.addi %broadcast_in_dim3A_360, %select_n3A_159 : vector<16xi32>
      %gather3A_407 = tpu.vector_load_idx %arg9[%add3A_276, %add3A_406] : memref<512x32xf32, #tpu.memory_space<vmem>>[vector<16xi32>, vector<16xi32>], vector<16xf32>,
      %gather3A_408 = tpu.vector_load_idx %arg10[%add3A_276, %add3A_406] : memref<512x32xf32, #tpu.memory_space<vmem>>[vector<16xi32>, vector<16xi32>], vector<16xf32>,
      %mul3A_409 = arith.mulf %gather3A_407, %gather3A_408 : vector<16xf32>
      %add3A_410 = arith.addf %add3A_405, %mul3A_409 : vector<16xf32>
      %add3A_411 = arith.addi %broadcast_in_dim3A_360, %select_n3A_175 : vector<16xi32>
      %gather3A_412 = tpu.vector_load_idx %arg9[%add3A_276, %add3A_411] : memref<512x32xf32, #tpu.memory_space<vmem>>[vector<16xi32>, vector<16xi32>], vector<16xf32>,
      %gather3A_413 = tpu.vector_load_idx %arg10[%add3A_276, %add3A_411] : memref<512x32xf32, #tpu.memory_space<vmem>>[vector<16xi32>, vector<16xi32>], vector<16xf32>,
      %mul3A_414 = arith.mulf %gather3A_412, %gather3A_413 : vector<16xf32>
      %add3A_415 = arith.addf %add3A_410, %mul3A_414 : vector<16xf32>
      %add3A_416 = arith.addi %broadcast_in_dim3A_360, %select_n3A_191 : vector<16xi32>
      %gather3A_417 = tpu.vector_load_idx %arg9[%add3A_276, %add3A_416] : memref<512x32xf32, #tpu.memory_space<vmem>>[vector<16xi32>, vector<16xi32>], vector<16xf32>,
      %gather3A_418 = tpu.vector_load_idx %arg10[%add3A_276, %add3A_416] : memref<512x32xf32, #tpu.memory_space<vmem>>[vector<16xi32>, vector<16xi32>], vector<16xf32>,
      %mul3A_419 = arith.mulf %gather3A_417, %gather3A_418 : vector<16xf32>
      %add3A_420 = arith.addf %add3A_415, %mul3A_419 : vector<16xf32>
      %add3A_421 = arith.addi %broadcast_in_dim3A_360, %select_n3A_207 : vector<16xi32>
      %gather3A_422 = tpu.vector_load_idx %arg9[%add3A_276, %add3A_421] : memref<512x32xf32, #tpu.memory_space<vmem>>[vector<16xi32>, vector<16xi32>], vector<16xf32>,
      %gather3A_423 = tpu.vector_load_idx %arg10[%add3A_276, %add3A_421] : memref<512x32xf32, #tpu.memory_space<vmem>>[vector<16xi32>, vector<16xi32>], vector<16xf32>,
      %mul3A_424 = arith.mulf %gather3A_422, %gather3A_423 : vector<16xf32>
      %add3A_425 = arith.addf %add3A_420, %mul3A_424 : vector<16xf32>
      %add3A_426 = arith.addi %broadcast_in_dim3A_360, %select_n3A_223 : vector<16xi32>
      %gather3A_427 = tpu.vector_load_idx %arg9[%add3A_276, %add3A_426] : memref<512x32xf32, #tpu.memory_space<vmem>>[vector<16xi32>, vector<16xi32>], vector<16xf32>,
      %gather3A_428 = tpu.vector_load_idx %arg10[%add3A_276, %add3A_426] : memref<512x32xf32, #tpu.memory_space<vmem>>[vector<16xi32>, vector<16xi32>], vector<16xf32>,
      %mul3A_429 = arith.mulf %gather3A_427, %gather3A_428 : vector<16xf32>
      %add3A_430 = arith.addf %add3A_425, %mul3A_429 : vector<16xf32>
      %add3A_431 = arith.addi %broadcast_in_dim3A_360, %select_n3A_239 : vector<16xi32>
      %gather3A_432 = tpu.vector_load_idx %arg9[%add3A_276, %add3A_431] : memref<512x32xf32, #tpu.memory_space<vmem>>[vector<16xi32>, vector<16xi32>], vector<16xf32>,
      %gather3A_433 = tpu.vector_load_idx %arg10[%add3A_276, %add3A_431] : memref<512x32xf32, #tpu.memory_space<vmem>>[vector<16xi32>, vector<16xi32>], vector<16xf32>,
      %mul3A_434 = arith.mulf %gather3A_432, %gather3A_433 : vector<16xf32>
      %add3A_435 = arith.addf %add3A_430, %mul3A_434 : vector<16xf32>
      %add3A_436 = arith.addi %broadcast_in_dim3A_360, %select_n3A_255 : vector<16xi32>
      %gather3A_437 = tpu.vector_load_idx %arg9[%add3A_276, %add3A_436] : memref<512x32xf32, #tpu.memory_space<vmem>>[vector<16xi32>, vector<16xi32>], vector<16xf32>,
      %gather3A_438 = tpu.vector_load_idx %arg10[%add3A_276, %add3A_436] : memref<512x32xf32, #tpu.memory_space<vmem>>[vector<16xi32>, vector<16xi32>], vector<16xf32>,
      %mul3A_439 = arith.mulf %gather3A_437, %gather3A_438 : vector<16xf32>
      %add3A_440 = arith.addf %add3A_435, %mul3A_439 : vector<16xf32>
      %mul3A_441 = arith.constant 16 : i32
      %mul3A_442 = arith.muli %scan3A_272, %mul3A_441 : i32
      %swap3A = arith.index_cast %mul3A_442 : i32 to index
      %swap3A_443 = tpu.vector_load %arg11[%swap3A] {strides = array<i32>} : memref<512xf32, #tpu.memory_space<vmem>>, vector<16xf32>,
      tpu.vector_store %arg11[%swap3A], %add3A_440 {strides = array<i32>} : memref<512xf32, #tpu.memory_space<vmem>>, vector<16xf32>,
    }
    %scan3A_271 = arith.constant 32 : i32
    "tpu.region"() ({
      %run_scoped3A = tpu.sem_alloc : memref<!tpu.dma_semaphore, #tpu.memory_space<semaphore_mem>>
      %dma_start3A_272 = tpu.memref_slice %arg6[%mul3A_2] : memref<16384xf32, #tpu.memory_space<hbm>> -> memref<512xf32, #tpu.memory_space<hbm>>
      %dma_start3A_273 = tpu.memref_slice %arg6[%mul3A_2] : memref<16384xf32, #tpu.memory_space<hbm>> -> memref<512xf32, #tpu.memory_space<hbm>>
      tpu.enqueue_dma source(%arg11 : memref<512xf32, #tpu.memory_space<vmem>>) target(%dma_start3A_273 : memref<512xf32, #tpu.memory_space<hbm>>) target_semaphore(%run_scoped3A : memref<!tpu.dma_semaphore, #tpu.memory_space<semaphore_mem>>)
      %dma_wait3A_274 = tpu.memref_slice %arg6[%mul3A_2] : memref<16384xf32, #tpu.memory_space<hbm>> -> memref<512xf32, #tpu.memory_space<hbm>>
      %dma_wait3A_275 = tpu.memref_slice %arg6[%mul3A_2] : memref<16384xf32, #tpu.memory_space<hbm>> -> memref<512xf32, #tpu.memory_space<hbm>>
      tpu.wait_dma2 semaphore(%run_scoped3A : memref<!tpu.dma_semaphore, #tpu.memory_space<semaphore_mem>>) src(%arg11 : memref<512xf32, #tpu.memory_space<vmem>>) dst(%dma_wait3A_275 : memref<512xf32, #tpu.memory_space<hbm>>)
      tpu.yield
    }) : () -> ()
    return
  }
}

#map = affine_map<(d0, d1) -> (0)>
#map1 = affine_map<(d0, d1) -> (0, 0)>
module attributes {stable_mosaic.version = 14 : i64} {
  func.func @_text_body(%arg0: i32, %arg1: i32, %arg2: memref<16384xi32, #tpu.memory_space<hbm>>, %arg3: memref<16384xi32, #tpu.memory_space<hbm>>, %arg4: memref<100000x768xf32, #tpu.memory_space<hbm>>, %arg5: memref<100000x768xf32, #tpu.memory_space<hbm>>, %arg6: memref<100000xf32, #tpu.memory_space<hbm>>, %arg7: memref<100000xf32, #tpu.memory_space<hbm>>, %arg8: memref<16xf32, #tpu.memory_space<hbm>>, %arg9: memref<16384xf32, #tpu.memory_space<hbm>>, %arg10: memref<16384xi32, #tpu.memory_space<hbm>>, %arg11: memref<16384xi32, #tpu.memory_space<hbm>>, %arg12: memref<512xi32, #tpu.memory_space<vmem>>, %arg13: memref<512xi32, #tpu.memory_space<vmem>>, %arg14: memref<2x32x768xf32, #tpu.memory_space<vmem>>, %arg15: memref<2x32x768xf32, #tpu.memory_space<vmem>>, %arg16: memref<2x32xf32, #tpu.memory_space<vmem>>, %arg17: memref<2x32xf32, #tpu.memory_space<vmem>>, %arg18: memref<512xf32, #tpu.memory_space<vmem>>, %arg19: memref<16xf32, #tpu.memory_space<vmem>>, %arg20: memref<!tpu.dma_semaphore, #tpu.memory_space<semaphore_mem>>, %arg21: memref<!tpu.dma_semaphore, #tpu.memory_space<semaphore_mem>>) attributes {dimension_semantics = [#tpu.dimension_semantics<core_parallel>, #tpu.dimension_semantics<subcore_parallel>], iteration_bounds = array<i64: 2, 16>, scalar_prefetch = 0 : i64, scratch_operands = 10 : i64, tpu.core_type = #tpu.core_type<sc_vector_subcore>, window_params = [{transform_indices = #map}, {transform_indices = #map}, {transform_indices = #map1}, {transform_indices = #map1}, {transform_indices = #map}, {transform_indices = #map}, {transform_indices = #map}, {transform_indices = #map}, {transform_indices = #map}, {transform_indices = #map}]} {
    %mul3A = arith.constant 2 : i32
    %mul3A_0 = arith.muli %arg1, %mul3A : i32
    %add3A = arith.addi %mul3A_0, %arg0 : i32
    %mul3A_1 = arith.constant 512 : i32
    %mul3A_2 = arith.muli %add3A, %mul3A_1 : i32
    "tpu.region"() ({
      %run_scoped3A = tpu.sem_alloc : memref<!tpu.dma_semaphore, #tpu.memory_space<semaphore_mem>>
      %dma_start3A_297 = tpu.memref_slice %arg2[%mul3A_2] : memref<16384xi32, #tpu.memory_space<hbm>> -> memref<512xi32, #tpu.memory_space<hbm>>
      %dma_start3A_298 = tpu.memref_slice %arg2[%mul3A_2] : memref<16384xi32, #tpu.memory_space<hbm>> -> memref<512xi32, #tpu.memory_space<hbm>>
      tpu.enqueue_dma source(%dma_start3A_298 : memref<512xi32, #tpu.memory_space<hbm>>) target(%arg12 : memref<512xi32, #tpu.memory_space<vmem>>) target_semaphore(%run_scoped3A : memref<!tpu.dma_semaphore, #tpu.memory_space<semaphore_mem>>)
      %dma_wait3A = tpu.memref_slice %arg2[%mul3A_2] : memref<16384xi32, #tpu.memory_space<hbm>> -> memref<512xi32, #tpu.memory_space<hbm>>
      %dma_wait3A_299 = tpu.memref_slice %arg2[%mul3A_2] : memref<16384xi32, #tpu.memory_space<hbm>> -> memref<512xi32, #tpu.memory_space<hbm>>
      tpu.wait_dma2 semaphore(%run_scoped3A : memref<!tpu.dma_semaphore, #tpu.memory_space<semaphore_mem>>) src(%dma_wait3A_299 : memref<512xi32, #tpu.memory_space<hbm>>) dst(%arg12 : memref<512xi32, #tpu.memory_space<vmem>>)
      tpu.yield
    }) : () -> ()
    "tpu.region"() ({
      %run_scoped3A = tpu.sem_alloc : memref<!tpu.dma_semaphore, #tpu.memory_space<semaphore_mem>>
      %dma_start3A_297 = tpu.memref_slice %arg3[%mul3A_2] : memref<16384xi32, #tpu.memory_space<hbm>> -> memref<512xi32, #tpu.memory_space<hbm>>
      %dma_start3A_298 = tpu.memref_slice %arg3[%mul3A_2] : memref<16384xi32, #tpu.memory_space<hbm>> -> memref<512xi32, #tpu.memory_space<hbm>>
      tpu.enqueue_dma source(%dma_start3A_298 : memref<512xi32, #tpu.memory_space<hbm>>) target(%arg13 : memref<512xi32, #tpu.memory_space<vmem>>) target_semaphore(%run_scoped3A : memref<!tpu.dma_semaphore, #tpu.memory_space<semaphore_mem>>)
      %dma_wait3A = tpu.memref_slice %arg3[%mul3A_2] : memref<16384xi32, #tpu.memory_space<hbm>> -> memref<512xi32, #tpu.memory_space<hbm>>
      %dma_wait3A_299 = tpu.memref_slice %arg3[%mul3A_2] : memref<16384xi32, #tpu.memory_space<hbm>> -> memref<512xi32, #tpu.memory_space<hbm>>
      tpu.wait_dma2 semaphore(%run_scoped3A : memref<!tpu.dma_semaphore, #tpu.memory_space<semaphore_mem>>) src(%dma_wait3A_299 : memref<512xi32, #tpu.memory_space<hbm>>) dst(%arg13 : memref<512xi32, #tpu.memory_space<vmem>>)
      tpu.yield
    }) : () -> ()
    "tpu.region"() ({
      %run_scoped3A = tpu.sem_alloc : memref<!tpu.dma_semaphore, #tpu.memory_space<semaphore_mem>>
      tpu.enqueue_dma source(%arg8 : memref<16xf32, #tpu.memory_space<hbm>>) target(%arg19 : memref<16xf32, #tpu.memory_space<vmem>>) target_semaphore(%run_scoped3A : memref<!tpu.dma_semaphore, #tpu.memory_space<semaphore_mem>>)
      tpu.wait_dma2 semaphore(%run_scoped3A : memref<!tpu.dma_semaphore, #tpu.memory_space<semaphore_mem>>) src(%arg8 : memref<16xf32, #tpu.memory_space<hbm>>) dst(%arg19 : memref<16xf32, #tpu.memory_space<vmem>>)
      tpu.yield
    }) : () -> ()
    %iota3A = tpu.iota {dimensions = array<i32: 0>} : vector<16xi32>
    %add3A_3 = arith.constant 0 : i32
    %add3A_4 = vector.broadcast %add3A_3 : i32 to vector<16xi32>
    %add3A_5 = arith.addi %iota3A, %add3A_4 : vector<16xi32>
    %ge3A = arith.constant 16 : i32
    %ge3A_6 = vector.broadcast %ge3A : i32 to vector<16xi32>
    %ge3A_7 = arith.cmpi sge, %add3A_5, %ge3A_6 : vector<16xi32>
    %add3A_8 = arith.constant 0 : i32
    %add3A_9 = vector.broadcast %add3A_8 : i32 to vector<16xi32>
    %add3A_10 = arith.addi %iota3A, %add3A_9 : vector<16xi32>
    %sub3A = arith.constant 16 : i32
    %sub3A_11 = vector.broadcast %sub3A : i32 to vector<16xi32>
    %sub3A_12 = arith.subi %add3A_10, %sub3A_11 : vector<16xi32>
    %add3A_13 = arith.constant 0 : i32
    %add3A_14 = vector.broadcast %add3A_13 : i32 to vector<16xi32>
    %add3A_15 = arith.addi %iota3A, %add3A_14 : vector<16xi32>
    %select_n3A = arith.select %ge3A_7, %sub3A_12, %add3A_15 : vector<16xi1>, vector<16xi32>
    %add3A_16 = arith.constant 1 : i32
    %add3A_17 = vector.broadcast %add3A_16 : i32 to vector<16xi32>
    %add3A_18 = arith.addi %iota3A, %add3A_17 : vector<16xi32>
    %ge3A_19 = arith.constant 16 : i32
    %ge3A_20 = vector.broadcast %ge3A_19 : i32 to vector<16xi32>
    %ge3A_21 = arith.cmpi sge, %add3A_18, %ge3A_20 : vector<16xi32>
    %add3A_22 = arith.constant 1 : i32
    %add3A_23 = vector.broadcast %add3A_22 : i32 to vector<16xi32>
    %add3A_24 = arith.addi %iota3A, %add3A_23 : vector<16xi32>
    %sub3A_25 = arith.constant 16 : i32
    %sub3A_26 = vector.broadcast %sub3A_25 : i32 to vector<16xi32>
    %sub3A_27 = arith.subi %add3A_24, %sub3A_26 : vector<16xi32>
    %add3A_28 = arith.constant 1 : i32
    %add3A_29 = vector.broadcast %add3A_28 : i32 to vector<16xi32>
    %add3A_30 = arith.addi %iota3A, %add3A_29 : vector<16xi32>
    %select_n3A_31 = arith.select %ge3A_21, %sub3A_27, %add3A_30 : vector<16xi1>, vector<16xi32>
    %add3A_32 = arith.constant 2 : i32
    %add3A_33 = vector.broadcast %add3A_32 : i32 to vector<16xi32>
    %add3A_34 = arith.addi %iota3A, %add3A_33 : vector<16xi32>
    %ge3A_35 = arith.constant 16 : i32
    %ge3A_36 = vector.broadcast %ge3A_35 : i32 to vector<16xi32>
    %ge3A_37 = arith.cmpi sge, %add3A_34, %ge3A_36 : vector<16xi32>
    %add3A_38 = arith.constant 2 : i32
    %add3A_39 = vector.broadcast %add3A_38 : i32 to vector<16xi32>
    %add3A_40 = arith.addi %iota3A, %add3A_39 : vector<16xi32>
    %sub3A_41 = arith.constant 16 : i32
    %sub3A_42 = vector.broadcast %sub3A_41 : i32 to vector<16xi32>
    %sub3A_43 = arith.subi %add3A_40, %sub3A_42 : vector<16xi32>
    %add3A_44 = arith.constant 2 : i32
    %add3A_45 = vector.broadcast %add3A_44 : i32 to vector<16xi32>
    %add3A_46 = arith.addi %iota3A, %add3A_45 : vector<16xi32>
    %select_n3A_47 = arith.select %ge3A_37, %sub3A_43, %add3A_46 : vector<16xi1>, vector<16xi32>
    %add3A_48 = arith.constant 3 : i32
    %add3A_49 = vector.broadcast %add3A_48 : i32 to vector<16xi32>
    %add3A_50 = arith.addi %iota3A, %add3A_49 : vector<16xi32>
    %ge3A_51 = arith.constant 16 : i32
    %ge3A_52 = vector.broadcast %ge3A_51 : i32 to vector<16xi32>
    %ge3A_53 = arith.cmpi sge, %add3A_50, %ge3A_52 : vector<16xi32>
    %add3A_54 = arith.constant 3 : i32
    %add3A_55 = vector.broadcast %add3A_54 : i32 to vector<16xi32>
    %add3A_56 = arith.addi %iota3A, %add3A_55 : vector<16xi32>
    %sub3A_57 = arith.constant 16 : i32
    %sub3A_58 = vector.broadcast %sub3A_57 : i32 to vector<16xi32>
    %sub3A_59 = arith.subi %add3A_56, %sub3A_58 : vector<16xi32>
    %add3A_60 = arith.constant 3 : i32
    %add3A_61 = vector.broadcast %add3A_60 : i32 to vector<16xi32>
    %add3A_62 = arith.addi %iota3A, %add3A_61 : vector<16xi32>
    %select_n3A_63 = arith.select %ge3A_53, %sub3A_59, %add3A_62 : vector<16xi1>, vector<16xi32>
    %add3A_64 = arith.constant 4 : i32
    %add3A_65 = vector.broadcast %add3A_64 : i32 to vector<16xi32>
    %add3A_66 = arith.addi %iota3A, %add3A_65 : vector<16xi32>
    %ge3A_67 = arith.constant 16 : i32
    %ge3A_68 = vector.broadcast %ge3A_67 : i32 to vector<16xi32>
    %ge3A_69 = arith.cmpi sge, %add3A_66, %ge3A_68 : vector<16xi32>
    %add3A_70 = arith.constant 4 : i32
    %add3A_71 = vector.broadcast %add3A_70 : i32 to vector<16xi32>
    %add3A_72 = arith.addi %iota3A, %add3A_71 : vector<16xi32>
    %sub3A_73 = arith.constant 16 : i32
    %sub3A_74 = vector.broadcast %sub3A_73 : i32 to vector<16xi32>
    %sub3A_75 = arith.subi %add3A_72, %sub3A_74 : vector<16xi32>
    %add3A_76 = arith.constant 4 : i32
    %add3A_77 = vector.broadcast %add3A_76 : i32 to vector<16xi32>
    %add3A_78 = arith.addi %iota3A, %add3A_77 : vector<16xi32>
    %select_n3A_79 = arith.select %ge3A_69, %sub3A_75, %add3A_78 : vector<16xi1>, vector<16xi32>
    %add3A_80 = arith.constant 5 : i32
    %add3A_81 = vector.broadcast %add3A_80 : i32 to vector<16xi32>
    %add3A_82 = arith.addi %iota3A, %add3A_81 : vector<16xi32>
    %ge3A_83 = arith.constant 16 : i32
    %ge3A_84 = vector.broadcast %ge3A_83 : i32 to vector<16xi32>
    %ge3A_85 = arith.cmpi sge, %add3A_82, %ge3A_84 : vector<16xi32>
    %add3A_86 = arith.constant 5 : i32
    %add3A_87 = vector.broadcast %add3A_86 : i32 to vector<16xi32>
    %add3A_88 = arith.addi %iota3A, %add3A_87 : vector<16xi32>
    %sub3A_89 = arith.constant 16 : i32
    %sub3A_90 = vector.broadcast %sub3A_89 : i32 to vector<16xi32>
    %sub3A_91 = arith.subi %add3A_88, %sub3A_90 : vector<16xi32>
    %add3A_92 = arith.constant 5 : i32
    %add3A_93 = vector.broadcast %add3A_92 : i32 to vector<16xi32>
    %add3A_94 = arith.addi %iota3A, %add3A_93 : vector<16xi32>
    %select_n3A_95 = arith.select %ge3A_85, %sub3A_91, %add3A_94 : vector<16xi1>, vector<16xi32>
    %add3A_96 = arith.constant 6 : i32
    %add3A_97 = vector.broadcast %add3A_96 : i32 to vector<16xi32>
    %add3A_98 = arith.addi %iota3A, %add3A_97 : vector<16xi32>
    %ge3A_99 = arith.constant 16 : i32
    %ge3A_100 = vector.broadcast %ge3A_99 : i32 to vector<16xi32>
    %ge3A_101 = arith.cmpi sge, %add3A_98, %ge3A_100 : vector<16xi32>
    %add3A_102 = arith.constant 6 : i32
    %add3A_103 = vector.broadcast %add3A_102 : i32 to vector<16xi32>
    %add3A_104 = arith.addi %iota3A, %add3A_103 : vector<16xi32>
    %sub3A_105 = arith.constant 16 : i32
    %sub3A_106 = vector.broadcast %sub3A_105 : i32 to vector<16xi32>
    %sub3A_107 = arith.subi %add3A_104, %sub3A_106 : vector<16xi32>
    %add3A_108 = arith.constant 6 : i32
    %add3A_109 = vector.broadcast %add3A_108 : i32 to vector<16xi32>
    %add3A_110 = arith.addi %iota3A, %add3A_109 : vector<16xi32>
    %select_n3A_111 = arith.select %ge3A_101, %sub3A_107, %add3A_110 : vector<16xi1>, vector<16xi32>
    %add3A_112 = arith.constant 7 : i32
    %add3A_113 = vector.broadcast %add3A_112 : i32 to vector<16xi32>
    %add3A_114 = arith.addi %iota3A, %add3A_113 : vector<16xi32>
    %ge3A_115 = arith.constant 16 : i32
    %ge3A_116 = vector.broadcast %ge3A_115 : i32 to vector<16xi32>
    %ge3A_117 = arith.cmpi sge, %add3A_114, %ge3A_116 : vector<16xi32>
    %add3A_118 = arith.constant 7 : i32
    %add3A_119 = vector.broadcast %add3A_118 : i32 to vector<16xi32>
    %add3A_120 = arith.addi %iota3A, %add3A_119 : vector<16xi32>
    %sub3A_121 = arith.constant 16 : i32
    %sub3A_122 = vector.broadcast %sub3A_121 : i32 to vector<16xi32>
    %sub3A_123 = arith.subi %add3A_120, %sub3A_122 : vector<16xi32>
    %add3A_124 = arith.constant 7 : i32
    %add3A_125 = vector.broadcast %add3A_124 : i32 to vector<16xi32>
    %add3A_126 = arith.addi %iota3A, %add3A_125 : vector<16xi32>
    %select_n3A_127 = arith.select %ge3A_117, %sub3A_123, %add3A_126 : vector<16xi1>, vector<16xi32>
    %add3A_128 = arith.constant 8 : i32
    %add3A_129 = vector.broadcast %add3A_128 : i32 to vector<16xi32>
    %add3A_130 = arith.addi %iota3A, %add3A_129 : vector<16xi32>
    %ge3A_131 = arith.constant 16 : i32
    %ge3A_132 = vector.broadcast %ge3A_131 : i32 to vector<16xi32>
    %ge3A_133 = arith.cmpi sge, %add3A_130, %ge3A_132 : vector<16xi32>
    %add3A_134 = arith.constant 8 : i32
    %add3A_135 = vector.broadcast %add3A_134 : i32 to vector<16xi32>
    %add3A_136 = arith.addi %iota3A, %add3A_135 : vector<16xi32>
    %sub3A_137 = arith.constant 16 : i32
    %sub3A_138 = vector.broadcast %sub3A_137 : i32 to vector<16xi32>
    %sub3A_139 = arith.subi %add3A_136, %sub3A_138 : vector<16xi32>
    %add3A_140 = arith.constant 8 : i32
    %add3A_141 = vector.broadcast %add3A_140 : i32 to vector<16xi32>
    %add3A_142 = arith.addi %iota3A, %add3A_141 : vector<16xi32>
    %select_n3A_143 = arith.select %ge3A_133, %sub3A_139, %add3A_142 : vector<16xi1>, vector<16xi32>
    %add3A_144 = arith.constant 9 : i32
    %add3A_145 = vector.broadcast %add3A_144 : i32 to vector<16xi32>
    %add3A_146 = arith.addi %iota3A, %add3A_145 : vector<16xi32>
    %ge3A_147 = arith.constant 16 : i32
    %ge3A_148 = vector.broadcast %ge3A_147 : i32 to vector<16xi32>
    %ge3A_149 = arith.cmpi sge, %add3A_146, %ge3A_148 : vector<16xi32>
    %add3A_150 = arith.constant 9 : i32
    %add3A_151 = vector.broadcast %add3A_150 : i32 to vector<16xi32>
    %add3A_152 = arith.addi %iota3A, %add3A_151 : vector<16xi32>
    %sub3A_153 = arith.constant 16 : i32
    %sub3A_154 = vector.broadcast %sub3A_153 : i32 to vector<16xi32>
    %sub3A_155 = arith.subi %add3A_152, %sub3A_154 : vector<16xi32>
    %add3A_156 = arith.constant 9 : i32
    %add3A_157 = vector.broadcast %add3A_156 : i32 to vector<16xi32>
    %add3A_158 = arith.addi %iota3A, %add3A_157 : vector<16xi32>
    %select_n3A_159 = arith.select %ge3A_149, %sub3A_155, %add3A_158 : vector<16xi1>, vector<16xi32>
    %add3A_160 = arith.constant 10 : i32
    %add3A_161 = vector.broadcast %add3A_160 : i32 to vector<16xi32>
    %add3A_162 = arith.addi %iota3A, %add3A_161 : vector<16xi32>
    %ge3A_163 = arith.constant 16 : i32
    %ge3A_164 = vector.broadcast %ge3A_163 : i32 to vector<16xi32>
    %ge3A_165 = arith.cmpi sge, %add3A_162, %ge3A_164 : vector<16xi32>
    %add3A_166 = arith.constant 10 : i32
    %add3A_167 = vector.broadcast %add3A_166 : i32 to vector<16xi32>
    %add3A_168 = arith.addi %iota3A, %add3A_167 : vector<16xi32>
    %sub3A_169 = arith.constant 16 : i32
    %sub3A_170 = vector.broadcast %sub3A_169 : i32 to vector<16xi32>
    %sub3A_171 = arith.subi %add3A_168, %sub3A_170 : vector<16xi32>
    %add3A_172 = arith.constant 10 : i32
    %add3A_173 = vector.broadcast %add3A_172 : i32 to vector<16xi32>
    %add3A_174 = arith.addi %iota3A, %add3A_173 : vector<16xi32>
    %select_n3A_175 = arith.select %ge3A_165, %sub3A_171, %add3A_174 : vector<16xi1>, vector<16xi32>
    %add3A_176 = arith.constant 11 : i32
    %add3A_177 = vector.broadcast %add3A_176 : i32 to vector<16xi32>
    %add3A_178 = arith.addi %iota3A, %add3A_177 : vector<16xi32>
    %ge3A_179 = arith.constant 16 : i32
    %ge3A_180 = vector.broadcast %ge3A_179 : i32 to vector<16xi32>
    %ge3A_181 = arith.cmpi sge, %add3A_178, %ge3A_180 : vector<16xi32>
    %add3A_182 = arith.constant 11 : i32
    %add3A_183 = vector.broadcast %add3A_182 : i32 to vector<16xi32>
    %add3A_184 = arith.addi %iota3A, %add3A_183 : vector<16xi32>
    %sub3A_185 = arith.constant 16 : i32
    %sub3A_186 = vector.broadcast %sub3A_185 : i32 to vector<16xi32>
    %sub3A_187 = arith.subi %add3A_184, %sub3A_186 : vector<16xi32>
    %add3A_188 = arith.constant 11 : i32
    %add3A_189 = vector.broadcast %add3A_188 : i32 to vector<16xi32>
    %add3A_190 = arith.addi %iota3A, %add3A_189 : vector<16xi32>
    %select_n3A_191 = arith.select %ge3A_181, %sub3A_187, %add3A_190 : vector<16xi1>, vector<16xi32>
    %add3A_192 = arith.constant 12 : i32
    %add3A_193 = vector.broadcast %add3A_192 : i32 to vector<16xi32>
    %add3A_194 = arith.addi %iota3A, %add3A_193 : vector<16xi32>
    %ge3A_195 = arith.constant 16 : i32
    %ge3A_196 = vector.broadcast %ge3A_195 : i32 to vector<16xi32>
    %ge3A_197 = arith.cmpi sge, %add3A_194, %ge3A_196 : vector<16xi32>
    %add3A_198 = arith.constant 12 : i32
    %add3A_199 = vector.broadcast %add3A_198 : i32 to vector<16xi32>
    %add3A_200 = arith.addi %iota3A, %add3A_199 : vector<16xi32>
    %sub3A_201 = arith.constant 16 : i32
    %sub3A_202 = vector.broadcast %sub3A_201 : i32 to vector<16xi32>
    %sub3A_203 = arith.subi %add3A_200, %sub3A_202 : vector<16xi32>
    %add3A_204 = arith.constant 12 : i32
    %add3A_205 = vector.broadcast %add3A_204 : i32 to vector<16xi32>
    %add3A_206 = arith.addi %iota3A, %add3A_205 : vector<16xi32>
    %select_n3A_207 = arith.select %ge3A_197, %sub3A_203, %add3A_206 : vector<16xi1>, vector<16xi32>
    %add3A_208 = arith.constant 13 : i32
    %add3A_209 = vector.broadcast %add3A_208 : i32 to vector<16xi32>
    %add3A_210 = arith.addi %iota3A, %add3A_209 : vector<16xi32>
    %ge3A_211 = arith.constant 16 : i32
    %ge3A_212 = vector.broadcast %ge3A_211 : i32 to vector<16xi32>
    %ge3A_213 = arith.cmpi sge, %add3A_210, %ge3A_212 : vector<16xi32>
    %add3A_214 = arith.constant 13 : i32
    %add3A_215 = vector.broadcast %add3A_214 : i32 to vector<16xi32>
    %add3A_216 = arith.addi %iota3A, %add3A_215 : vector<16xi32>
    %sub3A_217 = arith.constant 16 : i32
    %sub3A_218 = vector.broadcast %sub3A_217 : i32 to vector<16xi32>
    %sub3A_219 = arith.subi %add3A_216, %sub3A_218 : vector<16xi32>
    %add3A_220 = arith.constant 13 : i32
    %add3A_221 = vector.broadcast %add3A_220 : i32 to vector<16xi32>
    %add3A_222 = arith.addi %iota3A, %add3A_221 : vector<16xi32>
    %select_n3A_223 = arith.select %ge3A_213, %sub3A_219, %add3A_222 : vector<16xi1>, vector<16xi32>
    %add3A_224 = arith.constant 14 : i32
    %add3A_225 = vector.broadcast %add3A_224 : i32 to vector<16xi32>
    %add3A_226 = arith.addi %iota3A, %add3A_225 : vector<16xi32>
    %ge3A_227 = arith.constant 16 : i32
    %ge3A_228 = vector.broadcast %ge3A_227 : i32 to vector<16xi32>
    %ge3A_229 = arith.cmpi sge, %add3A_226, %ge3A_228 : vector<16xi32>
    %add3A_230 = arith.constant 14 : i32
    %add3A_231 = vector.broadcast %add3A_230 : i32 to vector<16xi32>
    %add3A_232 = arith.addi %iota3A, %add3A_231 : vector<16xi32>
    %sub3A_233 = arith.constant 16 : i32
    %sub3A_234 = vector.broadcast %sub3A_233 : i32 to vector<16xi32>
    %sub3A_235 = arith.subi %add3A_232, %sub3A_234 : vector<16xi32>
    %add3A_236 = arith.constant 14 : i32
    %add3A_237 = vector.broadcast %add3A_236 : i32 to vector<16xi32>
    %add3A_238 = arith.addi %iota3A, %add3A_237 : vector<16xi32>
    %select_n3A_239 = arith.select %ge3A_229, %sub3A_235, %add3A_238 : vector<16xi1>, vector<16xi32>
    %add3A_240 = arith.constant 15 : i32
    %add3A_241 = vector.broadcast %add3A_240 : i32 to vector<16xi32>
    %add3A_242 = arith.addi %iota3A, %add3A_241 : vector<16xi32>
    %ge3A_243 = arith.constant 16 : i32
    %ge3A_244 = vector.broadcast %ge3A_243 : i32 to vector<16xi32>
    %ge3A_245 = arith.cmpi sge, %add3A_242, %ge3A_244 : vector<16xi32>
    %add3A_246 = arith.constant 15 : i32
    %add3A_247 = vector.broadcast %add3A_246 : i32 to vector<16xi32>
    %add3A_248 = arith.addi %iota3A, %add3A_247 : vector<16xi32>
    %sub3A_249 = arith.constant 16 : i32
    %sub3A_250 = vector.broadcast %sub3A_249 : i32 to vector<16xi32>
    %sub3A_251 = arith.subi %add3A_248, %sub3A_250 : vector<16xi32>
    %add3A_252 = arith.constant 15 : i32
    %add3A_253 = vector.broadcast %add3A_252 : i32 to vector<16xi32>
    %add3A_254 = arith.addi %iota3A, %add3A_253 : vector<16xi32>
    %select_n3A_255 = arith.select %ge3A_245, %sub3A_251, %add3A_254 : vector<16xi1>, vector<16xi32>
    %iota3A_256 = tpu.iota {dimensions = array<i32: 0>} : vector<16xi32>
    %dma_start3A = arith.constant 0 : i32
    %dma_start3A_257 = arith.constant 0 : i32
    %dma_start3A_258 = arith.constant 0 : i32
    %dma_start3A_259 = tpu.memref_slice %arg14[%dma_start3A, %dma_start3A_257, %dma_start3A_258] : memref<2x32x768xf32, #tpu.memory_space<vmem>> -> memref<1x32x768xf32, #tpu.memory_space<vmem>>
    %dma_start3A_260 = tpu.memref_squeeze %dma_start3A_259 : memref<1x32x768xf32, #tpu.memory_space<vmem>> -> memref<32x768xf32, #tpu.memory_space<vmem>>
    %dma_start3A_261 = arith.constant 0 : i32
    %dma_start3A_262 = tpu.memref_slice %arg12[%dma_start3A_261] : memref<512xi32, #tpu.memory_space<vmem>> -> memref<32xi32, #tpu.memory_space<vmem>>
    %dma_start3A_263 = arith.constant 0 : i32
    %dma_start3A_264 = arith.constant 0 : i32
    %dma_start3A_265 = tpu.memref_slice %arg4[%dma_start3A_263, %dma_start3A_264] : memref<100000x768xf32, #tpu.memory_space<hbm>> -> memref<100000x768xf32, #tpu.memory_space<hbm>>
    tpu.enqueue_indirect_dma source(%dma_start3A_265 : memref<100000x768xf32, #tpu.memory_space<hbm>>) target(%dma_start3A_260 : memref<32x768xf32, #tpu.memory_space<vmem>>) offsets(%dma_start3A_262 : memref<32xi32, #tpu.memory_space<vmem>>) semaphore(%arg20 : memref<!tpu.dma_semaphore, #tpu.memory_space<semaphore_mem>>)
    %dma_start3A_266 = arith.constant 0 : i32
    %dma_start3A_267 = arith.constant 0 : i32
    %dma_start3A_268 = arith.constant 0 : i32
    %dma_start3A_269 = tpu.memref_slice %arg15[%dma_start3A_266, %dma_start3A_267, %dma_start3A_268] : memref<2x32x768xf32, #tpu.memory_space<vmem>> -> memref<1x32x768xf32, #tpu.memory_space<vmem>>
    %dma_start3A_270 = tpu.memref_squeeze %dma_start3A_269 : memref<1x32x768xf32, #tpu.memory_space<vmem>> -> memref<32x768xf32, #tpu.memory_space<vmem>>
    %dma_start3A_271 = arith.constant 0 : i32
    %dma_start3A_272 = tpu.memref_slice %arg13[%dma_start3A_271] : memref<512xi32, #tpu.memory_space<vmem>> -> memref<32xi32, #tpu.memory_space<vmem>>
    %dma_start3A_273 = arith.constant 0 : i32
    %dma_start3A_274 = arith.constant 0 : i32
    %dma_start3A_275 = tpu.memref_slice %arg5[%dma_start3A_273, %dma_start3A_274] : memref<100000x768xf32, #tpu.memory_space<hbm>> -> memref<100000x768xf32, #tpu.memory_space<hbm>>
    tpu.enqueue_indirect_dma source(%dma_start3A_275 : memref<100000x768xf32, #tpu.memory_space<hbm>>) target(%dma_start3A_270 : memref<32x768xf32, #tpu.memory_space<vmem>>) offsets(%dma_start3A_272 : memref<32xi32, #tpu.memory_space<vmem>>) semaphore(%arg20 : memref<!tpu.dma_semaphore, #tpu.memory_space<semaphore_mem>>)
    %dma_start3A_276 = arith.constant 0 : i32
    %dma_start3A_277 = arith.constant 0 : i32
    %dma_start3A_278 = tpu.memref_slice %arg16[%dma_start3A_276, %dma_start3A_277] : memref<2x32xf32, #tpu.memory_space<vmem>> -> memref<1x32xf32, #tpu.memory_space<vmem>>
    %dma_start3A_279 = tpu.memref_squeeze %dma_start3A_278 : memref<1x32xf32, #tpu.memory_space<vmem>> -> memref<32xf32, #tpu.memory_space<vmem>>
    %dma_start3A_280 = arith.constant 0 : i32
    %dma_start3A_281 = tpu.memref_slice %arg12[%dma_start3A_280] : memref<512xi32, #tpu.memory_space<vmem>> -> memref<32xi32, #tpu.memory_space<vmem>>
    %dma_start3A_282 = arith.constant 0 : i32
    %dma_start3A_283 = tpu.memref_slice %arg6[%dma_start3A_282] : memref<100000xf32, #tpu.memory_space<hbm>> -> memref<100000xf32, #tpu.memory_space<hbm>>
    tpu.enqueue_indirect_dma source(%dma_start3A_283 : memref<100000xf32, #tpu.memory_space<hbm>>) target(%dma_start3A_279 : memref<32xf32, #tpu.memory_space<vmem>>) offsets(%dma_start3A_281 : memref<32xi32, #tpu.memory_space<vmem>>) semaphore(%arg20 : memref<!tpu.dma_semaphore, #tpu.memory_space<semaphore_mem>>)
    %dma_start3A_284 = arith.constant 0 : i32
    %dma_start3A_285 = arith.constant 0 : i32
    %dma_start3A_286 = tpu.memref_slice %arg17[%dma_start3A_284, %dma_start3A_285] : memref<2x32xf32, #tpu.memory_space<vmem>> -> memref<1x32xf32, #tpu.memory_space<vmem>>
    %dma_start3A_287 = tpu.memref_squeeze %dma_start3A_286 : memref<1x32xf32, #tpu.memory_space<vmem>> -> memref<32xf32, #tpu.memory_space<vmem>>
    %dma_start3A_288 = arith.constant 0 : i32
    %dma_start3A_289 = tpu.memref_slice %arg13[%dma_start3A_288] : memref<512xi32, #tpu.memory_space<vmem>> -> memref<32xi32, #tpu.memory_space<vmem>>
    %dma_start3A_290 = arith.constant 0 : i32
    %dma_start3A_291 = tpu.memref_slice %arg7[%dma_start3A_290] : memref<100000xf32, #tpu.memory_space<hbm>> -> memref<100000xf32, #tpu.memory_space<hbm>>
    tpu.enqueue_indirect_dma source(%dma_start3A_291 : memref<100000xf32, #tpu.memory_space<hbm>>) target(%dma_start3A_287 : memref<32xf32, #tpu.memory_space<vmem>>) offsets(%dma_start3A_289 : memref<32xi32, #tpu.memory_space<vmem>>) semaphore(%arg20 : memref<!tpu.dma_semaphore, #tpu.memory_space<semaphore_mem>>)
    %scan3A = arith.constant 0 : i32
    %scan3A_292 = arith.constant 0 : i32
    %scan3A_293 = arith.constant 8 : i32
    %scan3A_294 = arith.addi %scan3A_292, %scan3A_293 : i32
    %scan3A_295 = arith.constant 1 : i32
    scf.for %scan3A_297 = %scan3A_292 to %scan3A_294 step %scan3A_295  : i32 {
      %mul3A_298 = arith.constant 2 : i32
      %mul3A_299 = arith.muli %mul3A_298, %scan3A_297 : i32
      %add3A_300 = arith.constant 1 : i32
      %add3A_301 = arith.addi %mul3A_299, %add3A_300 : i32
      %mul3A_302 = arith.constant 32 : i32
      %mul3A_303 = arith.muli %add3A_301, %mul3A_302 : i32
      %mul3A_304 = arith.constant 32 : i32
      %mul3A_305 = arith.muli %add3A_301, %mul3A_304 : i32
      %mul3A_306 = arith.constant 32 : i32
      %mul3A_307 = arith.muli %add3A_301, %mul3A_306 : i32
      %mul3A_308 = arith.constant 32 : i32
      %mul3A_309 = arith.muli %add3A_301, %mul3A_308 : i32
      %dma_start3A_310 = arith.constant 1 : i32
      %dma_start3A_311 = arith.constant 0 : i32
      %dma_start3A_312 = arith.constant 0 : i32
      %dma_start3A_313 = tpu.memref_slice %arg14[%dma_start3A_310, %dma_start3A_311, %dma_start3A_312] : memref<2x32x768xf32, #tpu.memory_space<vmem>> -> memref<1x32x768xf32, #tpu.memory_space<vmem>>
      %dma_start3A_314 = tpu.memref_squeeze %dma_start3A_313 : memref<1x32x768xf32, #tpu.memory_space<vmem>> -> memref<32x768xf32, #tpu.memory_space<vmem>>
      %dma_start3A_315 = tpu.memref_slice %arg12[%mul3A_303] : memref<512xi32, #tpu.memory_space<vmem>> -> memref<32xi32, #tpu.memory_space<vmem>>
      %dma_start3A_316 = arith.constant 0 : i32
      %dma_start3A_317 = arith.constant 0 : i32
      %dma_start3A_318 = tpu.memref_slice %arg4[%dma_start3A_316, %dma_start3A_317] : memref<100000x768xf32, #tpu.memory_space<hbm>> -> memref<100000x768xf32, #tpu.memory_space<hbm>>
      tpu.enqueue_indirect_dma source(%dma_start3A_318 : memref<100000x768xf32, #tpu.memory_space<hbm>>) target(%dma_start3A_314 : memref<32x768xf32, #tpu.memory_space<vmem>>) offsets(%dma_start3A_315 : memref<32xi32, #tpu.memory_space<vmem>>) semaphore(%arg21 : memref<!tpu.dma_semaphore, #tpu.memory_space<semaphore_mem>>)
      %dma_start3A_319 = arith.constant 1 : i32
      %dma_start3A_320 = arith.constant 0 : i32
      %dma_start3A_321 = arith.constant 0 : i32
      %dma_start3A_322 = tpu.memref_slice %arg15[%dma_start3A_319, %dma_start3A_320, %dma_start3A_321] : memref<2x32x768xf32, #tpu.memory_space<vmem>> -> memref<1x32x768xf32, #tpu.memory_space<vmem>>
      %dma_start3A_323 = tpu.memref_squeeze %dma_start3A_322 : memref<1x32x768xf32, #tpu.memory_space<vmem>> -> memref<32x768xf32, #tpu.memory_space<vmem>>
      %dma_start3A_324 = tpu.memref_slice %arg13[%mul3A_305] : memref<512xi32, #tpu.memory_space<vmem>> -> memref<32xi32, #tpu.memory_space<vmem>>
      %dma_start3A_325 = arith.constant 0 : i32
      %dma_start3A_326 = arith.constant 0 : i32
      %dma_start3A_327 = tpu.memref_slice %arg5[%dma_start3A_325, %dma_start3A_326] : memref<100000x768xf32, #tpu.memory_space<hbm>> -> memref<100000x768xf32, #tpu.memory_space<hbm>>
      tpu.enqueue_indirect_dma source(%dma_start3A_327 : memref<100000x768xf32, #tpu.memory_space<hbm>>) target(%dma_start3A_323 : memref<32x768xf32, #tpu.memory_space<vmem>>) offsets(%dma_start3A_324 : memref<32xi32, #tpu.memory_space<vmem>>) semaphore(%arg21 : memref<!tpu.dma_semaphore, #tpu.memory_space<semaphore_mem>>)
      %dma_start3A_328 = arith.constant 1 : i32
      %dma_start3A_329 = arith.constant 0 : i32
      %dma_start3A_330 = tpu.memref_slice %arg16[%dma_start3A_328, %dma_start3A_329] : memref<2x32xf32, #tpu.memory_space<vmem>> -> memref<1x32xf32, #tpu.memory_space<vmem>>
      %dma_start3A_331 = tpu.memref_squeeze %dma_start3A_330 : memref<1x32xf32, #tpu.memory_space<vmem>> -> memref<32xf32, #tpu.memory_space<vmem>>
      %dma_start3A_332 = tpu.memref_slice %arg12[%mul3A_307] : memref<512xi32, #tpu.memory_space<vmem>> -> memref<32xi32, #tpu.memory_space<vmem>>
      %dma_start3A_333 = arith.constant 0 : i32
      %dma_start3A_334 = tpu.memref_slice %arg6[%dma_start3A_333] : memref<100000xf32, #tpu.memory_space<hbm>> -> memref<100000xf32, #tpu.memory_space<hbm>>
      tpu.enqueue_indirect_dma source(%dma_start3A_334 : memref<100000xf32, #tpu.memory_space<hbm>>) target(%dma_start3A_331 : memref<32xf32, #tpu.memory_space<vmem>>) offsets(%dma_start3A_332 : memref<32xi32, #tpu.memory_space<vmem>>) semaphore(%arg21 : memref<!tpu.dma_semaphore, #tpu.memory_space<semaphore_mem>>)
      %dma_start3A_335 = arith.constant 1 : i32
      %dma_start3A_336 = arith.constant 0 : i32
      %dma_start3A_337 = tpu.memref_slice %arg17[%dma_start3A_335, %dma_start3A_336] : memref<2x32xf32, #tpu.memory_space<vmem>> -> memref<1x32xf32, #tpu.memory_space<vmem>>
      %dma_start3A_338 = tpu.memref_squeeze %dma_start3A_337 : memref<1x32xf32, #tpu.memory_space<vmem>> -> memref<32xf32, #tpu.memory_space<vmem>>
      %dma_start3A_339 = tpu.memref_slice %arg13[%mul3A_309] : memref<512xi32, #tpu.memory_space<vmem>> -> memref<32xi32, #tpu.memory_space<vmem>>
      %dma_start3A_340 = arith.constant 0 : i32
      %dma_start3A_341 = tpu.memref_slice %arg7[%dma_start3A_340] : memref<100000xf32, #tpu.memory_space<hbm>> -> memref<100000xf32, #tpu.memory_space<hbm>>
      tpu.enqueue_indirect_dma source(%dma_start3A_341 : memref<100000xf32, #tpu.memory_space<hbm>>) target(%dma_start3A_338 : memref<32xf32, #tpu.memory_space<vmem>>) offsets(%dma_start3A_339 : memref<32xi32, #tpu.memory_space<vmem>>) semaphore(%arg21 : memref<!tpu.dma_semaphore, #tpu.memory_space<semaphore_mem>>)
      %mul3A_342 = arith.constant 32 : i32
      %mul3A_343 = arith.muli %mul3A_299, %mul3A_342 : i32
      %mul3A_344 = arith.constant 32 : i32
      %mul3A_345 = arith.muli %mul3A_299, %mul3A_344 : i32
      %mul3A_346 = arith.constant 32 : i32
      %mul3A_347 = arith.muli %mul3A_299, %mul3A_346 : i32
      %mul3A_348 = arith.constant 32 : i32
      %mul3A_349 = arith.muli %mul3A_299, %mul3A_348 : i32
      %dma_wait3A = arith.constant 0 : i32
      %dma_wait3A_350 = arith.constant 0 : i32
      %dma_wait3A_351 = arith.constant 0 : i32
      %dma_wait3A_352 = tpu.memref_slice %arg14[%dma_wait3A, %dma_wait3A_350, %dma_wait3A_351] : memref<2x32x768xf32, #tpu.memory_space<vmem>> -> memref<1x32x768xf32, #tpu.memory_space<vmem>>
      %dma_wait3A_353 = tpu.memref_squeeze %dma_wait3A_352 : memref<1x32x768xf32, #tpu.memory_space<vmem>> -> memref<32x768xf32, #tpu.memory_space<vmem>>
      %dma_wait3A_354 = tpu.memref_slice %arg12[%mul3A_343] : memref<512xi32, #tpu.memory_space<vmem>> -> memref<32xi32, #tpu.memory_space<vmem>>
      %dma_wait3A_355 = arith.constant 0 : i32
      %dma_wait3A_356 = arith.constant 0 : i32
      %dma_wait3A_357 = tpu.memref_slice %arg4[%dma_wait3A_355, %dma_wait3A_356] : memref<100000x768xf32, #tpu.memory_space<hbm>> -> memref<100000x768xf32, #tpu.memory_space<hbm>>
      tpu.wait_indirect_dma semaphore(%arg20 : memref<!tpu.dma_semaphore, #tpu.memory_space<semaphore_mem>>) src(%dma_wait3A_357 : memref<100000x768xf32, #tpu.memory_space<hbm>>) dst(%dma_wait3A_353 : memref<32x768xf32, #tpu.memory_space<vmem>>)
      %dma_wait3A_358 = arith.constant 0 : i32
      %dma_wait3A_359 = arith.constant 0 : i32
      %dma_wait3A_360 = arith.constant 0 : i32
      %dma_wait3A_361 = tpu.memref_slice %arg15[%dma_wait3A_358, %dma_wait3A_359, %dma_wait3A_360] : memref<2x32x768xf32, #tpu.memory_space<vmem>> -> memref<1x32x768xf32, #tpu.memory_space<vmem>>
      %dma_wait3A_362 = tpu.memref_squeeze %dma_wait3A_361 : memref<1x32x768xf32, #tpu.memory_space<vmem>> -> memref<32x768xf32, #tpu.memory_space<vmem>>
      %dma_wait3A_363 = tpu.memref_slice %arg13[%mul3A_345] : memref<512xi32, #tpu.memory_space<vmem>> -> memref<32xi32, #tpu.memory_space<vmem>>
      %dma_wait3A_364 = arith.constant 0 : i32
      %dma_wait3A_365 = arith.constant 0 : i32
      %dma_wait3A_366 = tpu.memref_slice %arg5[%dma_wait3A_364, %dma_wait3A_365] : memref<100000x768xf32, #tpu.memory_space<hbm>> -> memref<100000x768xf32, #tpu.memory_space<hbm>>
      tpu.wait_indirect_dma semaphore(%arg20 : memref<!tpu.dma_semaphore, #tpu.memory_space<semaphore_mem>>) src(%dma_wait3A_366 : memref<100000x768xf32, #tpu.memory_space<hbm>>) dst(%dma_wait3A_362 : memref<32x768xf32, #tpu.memory_space<vmem>>)
      %dma_wait3A_367 = arith.constant 0 : i32
      %dma_wait3A_368 = arith.constant 0 : i32
      %dma_wait3A_369 = tpu.memref_slice %arg16[%dma_wait3A_367, %dma_wait3A_368] : memref<2x32xf32, #tpu.memory_space<vmem>> -> memref<1x32xf32, #tpu.memory_space<vmem>>
      %dma_wait3A_370 = tpu.memref_squeeze %dma_wait3A_369 : memref<1x32xf32, #tpu.memory_space<vmem>> -> memref<32xf32, #tpu.memory_space<vmem>>
      %dma_wait3A_371 = tpu.memref_slice %arg12[%mul3A_347] : memref<512xi32, #tpu.memory_space<vmem>> -> memref<32xi32, #tpu.memory_space<vmem>>
      %dma_wait3A_372 = arith.constant 0 : i32
      %dma_wait3A_373 = tpu.memref_slice %arg6[%dma_wait3A_372] : memref<100000xf32, #tpu.memory_space<hbm>> -> memref<100000xf32, #tpu.memory_space<hbm>>
      tpu.wait_indirect_dma semaphore(%arg20 : memref<!tpu.dma_semaphore, #tpu.memory_space<semaphore_mem>>) src(%dma_wait3A_373 : memref<100000xf32, #tpu.memory_space<hbm>>) dst(%dma_wait3A_370 : memref<32xf32, #tpu.memory_space<vmem>>)
      %dma_wait3A_374 = arith.constant 0 : i32
      %dma_wait3A_375 = arith.constant 0 : i32
      %dma_wait3A_376 = tpu.memref_slice %arg17[%dma_wait3A_374, %dma_wait3A_375] : memref<2x32xf32, #tpu.memory_space<vmem>> -> memref<1x32xf32, #tpu.memory_space<vmem>>
      %dma_wait3A_377 = tpu.memref_squeeze %dma_wait3A_376 : memref<1x32xf32, #tpu.memory_space<vmem>> -> memref<32xf32, #tpu.memory_space<vmem>>
      %dma_wait3A_378 = tpu.memref_slice %arg13[%mul3A_349] : memref<512xi32, #tpu.memory_space<vmem>> -> memref<32xi32, #tpu.memory_space<vmem>>
      %dma_wait3A_379 = arith.constant 0 : i32
      %dma_wait3A_380 = tpu.memref_slice %arg7[%dma_wait3A_379] : memref<100000xf32, #tpu.memory_space<hbm>> -> memref<100000xf32, #tpu.memory_space<hbm>>
      tpu.wait_indirect_dma semaphore(%arg20 : memref<!tpu.dma_semaphore, #tpu.memory_space<semaphore_mem>>) src(%dma_wait3A_380 : memref<100000xf32, #tpu.memory_space<hbm>>) dst(%dma_wait3A_377 : memref<32xf32, #tpu.memory_space<vmem>>)
      %add3A_381 = arith.constant 0 : i32
      %add3A_382 = vector.broadcast %add3A_381 : i32 to vector<16xi32>
      %add3A_383 = arith.addi %iota3A_256, %add3A_382 : vector<16xi32>
      %broadcast_in_dim3A = arith.constant 0.000000e+00 : f32
      %broadcast_in_dim3A_384 = vector.broadcast %broadcast_in_dim3A : f32 to vector<16xf32>
      %scan3A_385 = arith.constant 0 : i32
      %scan3A_386 = arith.constant 0 : i32
      %scan3A_387 = arith.constant 0 : i32
      %scan3A_388 = arith.constant 48 : i32
      %scan3A_389 = arith.addi %scan3A_387, %scan3A_388 : i32
      %scan3A_390 = arith.constant 1 : i32
      %scan3A_391:4 = scf.for %scan3A_580 = %scan3A_387 to %scan3A_389 step %scan3A_390 iter_args(%scan3A_581 = %broadcast_in_dim3A_384, %scan3A_582 = %broadcast_in_dim3A_384, %scan3A_583 = %broadcast_in_dim3A_384, %scan3A_584 = %broadcast_in_dim3A_384) -> (vector<16xf32>, vector<16xf32>, vector<16xf32>, vector<16xf32>)  : i32 {
        %mul3A_585 = arith.constant 16 : i32
        %mul3A_586 = arith.muli %scan3A_580, %mul3A_585 : i32
        %broadcast_in_dim3A_587 = vector.broadcast %mul3A_586 : i32 to vector<16xi32>
        %add3A_588 = arith.addi %broadcast_in_dim3A_587, %select_n3A : vector<16xi32>
        %gather3A = arith.constant 0 : i32
        %gather3A_589 = arith.constant 0 : i32
        %gather3A_590 = tpu.memref_slice %arg14[%scan3A_385, %gather3A, %gather3A_589] : memref<2x32x768xf32, #tpu.memory_space<vmem>> -> memref<1x32x768xf32, #tpu.memory_space<vmem>>
        %gather3A_591 = tpu.memref_squeeze %gather3A_590 : memref<1x32x768xf32, #tpu.memory_space<vmem>> -> memref<32x768xf32, #tpu.memory_space<vmem>>
        %gather3A_592 = tpu.vector_load_idx %gather3A_591[%add3A_383, %add3A_588] : memref<32x768xf32, #tpu.memory_space<vmem>>[vector<16xi32>, vector<16xi32>], vector<16xf32>,
        %gather3A_593 = arith.constant 0 : i32
        %gather3A_594 = arith.constant 0 : i32
        %gather3A_595 = tpu.memref_slice %arg15[%scan3A_386, %gather3A_593, %gather3A_594] : memref<2x32x768xf32, #tpu.memory_space<vmem>> -> memref<1x32x768xf32, #tpu.memory_space<vmem>>
        %gather3A_596 = tpu.memref_squeeze %gather3A_595 : memref<1x32x768xf32, #tpu.memory_space<vmem>> -> memref<32x768xf32, #tpu.memory_space<vmem>>
        %gather3A_597 = tpu.vector_load_idx %gather3A_596[%add3A_383, %add3A_588] : memref<32x768xf32, #tpu.memory_space<vmem>>[vector<16xi32>, vector<16xi32>], vector<16xf32>,
        %mul3A_598 = arith.mulf %gather3A_592, %gather3A_597 : vector<16xf32>
        %add3A_599 = arith.addf %scan3A_581, %mul3A_598 : vector<16xf32>
        %add3A_600 = arith.addi %broadcast_in_dim3A_587, %select_n3A_31 : vector<16xi32>
        %gather3A_601 = arith.constant 0 : i32
        %gather3A_602 = arith.constant 0 : i32
        %gather3A_603 = tpu.memref_slice %arg14[%scan3A_385, %gather3A_601, %gather3A_602] : memref<2x32x768xf32, #tpu.memory_space<vmem>> -> memref<1x32x768xf32, #tpu.memory_space<vmem>>
        %gather3A_604 = tpu.memref_squeeze %gather3A_603 : memref<1x32x768xf32, #tpu.memory_space<vmem>> -> memref<32x768xf32, #tpu.memory_space<vmem>>
        %gather3A_605 = tpu.vector_load_idx %gather3A_604[%add3A_383, %add3A_600] : memref<32x768xf32, #tpu.memory_space<vmem>>[vector<16xi32>, vector<16xi32>], vector<16xf32>,
        %gather3A_606 = arith.constant 0 : i32
        %gather3A_607 = arith.constant 0 : i32
        %gather3A_608 = tpu.memref_slice %arg15[%scan3A_386, %gather3A_606, %gather3A_607] : memref<2x32x768xf32, #tpu.memory_space<vmem>> -> memref<1x32x768xf32, #tpu.memory_space<vmem>>
        %gather3A_609 = tpu.memref_squeeze %gather3A_608 : memref<1x32x768xf32, #tpu.memory_space<vmem>> -> memref<32x768xf32, #tpu.memory_space<vmem>>
        %gather3A_610 = tpu.vector_load_idx %gather3A_609[%add3A_383, %add3A_600] : memref<32x768xf32, #tpu.memory_space<vmem>>[vector<16xi32>, vector<16xi32>], vector<16xf32>,
        %mul3A_611 = arith.mulf %gather3A_605, %gather3A_610 : vector<16xf32>
        %add3A_612 = arith.addf %scan3A_582, %mul3A_611 : vector<16xf32>
        %add3A_613 = arith.addi %broadcast_in_dim3A_587, %select_n3A_47 : vector<16xi32>
        %gather3A_614 = arith.constant 0 : i32
        %gather3A_615 = arith.constant 0 : i32
        %gather3A_616 = tpu.memref_slice %arg14[%scan3A_385, %gather3A_614, %gather3A_615] : memref<2x32x768xf32, #tpu.memory_space<vmem>> -> memref<1x32x768xf32, #tpu.memory_space<vmem>>
        %gather3A_617 = tpu.memref_squeeze %gather3A_616 : memref<1x32x768xf32, #tpu.memory_space<vmem>> -> memref<32x768xf32, #tpu.memory_space<vmem>>
        %gather3A_618 = tpu.vector_load_idx %gather3A_617[%add3A_383, %add3A_613] : memref<32x768xf32, #tpu.memory_space<vmem>>[vector<16xi32>, vector<16xi32>], vector<16xf32>,
        %gather3A_619 = arith.constant 0 : i32
        %gather3A_620 = arith.constant 0 : i32
        %gather3A_621 = tpu.memref_slice %arg15[%scan3A_386, %gather3A_619, %gather3A_620] : memref<2x32x768xf32, #tpu.memory_space<vmem>> -> memref<1x32x768xf32, #tpu.memory_space<vmem>>
        %gather3A_622 = tpu.memref_squeeze %gather3A_621 : memref<1x32x768xf32, #tpu.memory_space<vmem>> -> memref<32x768xf32, #tpu.memory_space<vmem>>
        %gather3A_623 = tpu.vector_load_idx %gather3A_622[%add3A_383, %add3A_613] : memref<32x768xf32, #tpu.memory_space<vmem>>[vector<16xi32>, vector<16xi32>], vector<16xf32>,
        %mul3A_624 = arith.mulf %gather3A_618, %gather3A_623 : vector<16xf32>
        %add3A_625 = arith.addf %scan3A_583, %mul3A_624 : vector<16xf32>
        %add3A_626 = arith.addi %broadcast_in_dim3A_587, %select_n3A_63 : vector<16xi32>
        %gather3A_627 = arith.constant 0 : i32
        %gather3A_628 = arith.constant 0 : i32
        %gather3A_629 = tpu.memref_slice %arg14[%scan3A_385, %gather3A_627, %gather3A_628] : memref<2x32x768xf32, #tpu.memory_space<vmem>> -> memref<1x32x768xf32, #tpu.memory_space<vmem>>
        %gather3A_630 = tpu.memref_squeeze %gather3A_629 : memref<1x32x768xf32, #tpu.memory_space<vmem>> -> memref<32x768xf32, #tpu.memory_space<vmem>>
        %gather3A_631 = tpu.vector_load_idx %gather3A_630[%add3A_383, %add3A_626] : memref<32x768xf32, #tpu.memory_space<vmem>>[vector<16xi32>, vector<16xi32>], vector<16xf32>,
        %gather3A_632 = arith.constant 0 : i32
        %gather3A_633 = arith.constant 0 : i32
        %gather3A_634 = tpu.memref_slice %arg15[%scan3A_386, %gather3A_632, %gather3A_633] : memref<2x32x768xf32, #tpu.memory_space<vmem>> -> memref<1x32x768xf32, #tpu.memory_space<vmem>>
        %gather3A_635 = tpu.memref_squeeze %gather3A_634 : memref<1x32x768xf32, #tpu.memory_space<vmem>> -> memref<32x768xf32, #tpu.memory_space<vmem>>
        %gather3A_636 = tpu.vector_load_idx %gather3A_635[%add3A_383, %add3A_626] : memref<32x768xf32, #tpu.memory_space<vmem>>[vector<16xi32>, vector<16xi32>], vector<16xf32>,
        %mul3A_637 = arith.mulf %gather3A_631, %gather3A_636 : vector<16xf32>
        %add3A_638 = arith.addf %scan3A_584, %mul3A_637 : vector<16xf32>
        %add3A_639 = arith.addi %broadcast_in_dim3A_587, %select_n3A_79 : vector<16xi32>
        %gather3A_640 = arith.constant 0 : i32
        %gather3A_641 = arith.constant 0 : i32
        %gather3A_642 = tpu.memref_slice %arg14[%scan3A_385, %gather3A_640, %gather3A_641] : memref<2x32x768xf32, #tpu.memory_space<vmem>> -> memref<1x32x768xf32, #tpu.memory_space<vmem>>
        %gather3A_643 = tpu.memref_squeeze %gather3A_642 : memref<1x32x768xf32, #tpu.memory_space<vmem>> -> memref<32x768xf32, #tpu.memory_space<vmem>>
        %gather3A_644 = tpu.vector_load_idx %gather3A_643[%add3A_383, %add3A_639] : memref<32x768xf32, #tpu.memory_space<vmem>>[vector<16xi32>, vector<16xi32>], vector<16xf32>,
        %gather3A_645 = arith.constant 0 : i32
        %gather3A_646 = arith.constant 0 : i32
        %gather3A_647 = tpu.memref_slice %arg15[%scan3A_386, %gather3A_645, %gather3A_646] : memref<2x32x768xf32, #tpu.memory_space<vmem>> -> memref<1x32x768xf32, #tpu.memory_space<vmem>>
        %gather3A_648 = tpu.memref_squeeze %gather3A_647 : memref<1x32x768xf32, #tpu.memory_space<vmem>> -> memref<32x768xf32, #tpu.memory_space<vmem>>
        %gather3A_649 = tpu.vector_load_idx %gather3A_648[%add3A_383, %add3A_639] : memref<32x768xf32, #tpu.memory_space<vmem>>[vector<16xi32>, vector<16xi32>], vector<16xf32>,
        %mul3A_650 = arith.mulf %gather3A_644, %gather3A_649 : vector<16xf32>
        %add3A_651 = arith.addf %add3A_599, %mul3A_650 : vector<16xf32>
        %add3A_652 = arith.addi %broadcast_in_dim3A_587, %select_n3A_95 : vector<16xi32>
        %gather3A_653 = arith.constant 0 : i32
        %gather3A_654 = arith.constant 0 : i32
        %gather3A_655 = tpu.memref_slice %arg14[%scan3A_385, %gather3A_653, %gather3A_654] : memref<2x32x768xf32, #tpu.memory_space<vmem>> -> memref<1x32x768xf32, #tpu.memory_space<vmem>>
        %gather3A_656 = tpu.memref_squeeze %gather3A_655 : memref<1x32x768xf32, #tpu.memory_space<vmem>> -> memref<32x768xf32, #tpu.memory_space<vmem>>
        %gather3A_657 = tpu.vector_load_idx %gather3A_656[%add3A_383, %add3A_652] : memref<32x768xf32, #tpu.memory_space<vmem>>[vector<16xi32>, vector<16xi32>], vector<16xf32>,
        %gather3A_658 = arith.constant 0 : i32
        %gather3A_659 = arith.constant 0 : i32
        %gather3A_660 = tpu.memref_slice %arg15[%scan3A_386, %gather3A_658, %gather3A_659] : memref<2x32x768xf32, #tpu.memory_space<vmem>> -> memref<1x32x768xf32, #tpu.memory_space<vmem>>
        %gather3A_661 = tpu.memref_squeeze %gather3A_660 : memref<1x32x768xf32, #tpu.memory_space<vmem>> -> memref<32x768xf32, #tpu.memory_space<vmem>>
        %gather3A_662 = tpu.vector_load_idx %gather3A_661[%add3A_383, %add3A_652] : memref<32x768xf32, #tpu.memory_space<vmem>>[vector<16xi32>, vector<16xi32>], vector<16xf32>,
        %mul3A_663 = arith.mulf %gather3A_657, %gather3A_662 : vector<16xf32>
        %add3A_664 = arith.addf %add3A_612, %mul3A_663 : vector<16xf32>
        %add3A_665 = arith.addi %broadcast_in_dim3A_587, %select_n3A_111 : vector<16xi32>
        %gather3A_666 = arith.constant 0 : i32
        %gather3A_667 = arith.constant 0 : i32
        %gather3A_668 = tpu.memref_slice %arg14[%scan3A_385, %gather3A_666, %gather3A_667] : memref<2x32x768xf32, #tpu.memory_space<vmem>> -> memref<1x32x768xf32, #tpu.memory_space<vmem>>
        %gather3A_669 = tpu.memref_squeeze %gather3A_668 : memref<1x32x768xf32, #tpu.memory_space<vmem>> -> memref<32x768xf32, #tpu.memory_space<vmem>>
        %gather3A_670 = tpu.vector_load_idx %gather3A_669[%add3A_383, %add3A_665] : memref<32x768xf32, #tpu.memory_space<vmem>>[vector<16xi32>, vector<16xi32>], vector<16xf32>,
        %gather3A_671 = arith.constant 0 : i32
        %gather3A_672 = arith.constant 0 : i32
        %gather3A_673 = tpu.memref_slice %arg15[%scan3A_386, %gather3A_671, %gather3A_672] : memref<2x32x768xf32, #tpu.memory_space<vmem>> -> memref<1x32x768xf32, #tpu.memory_space<vmem>>
        %gather3A_674 = tpu.memref_squeeze %gather3A_673 : memref<1x32x768xf32, #tpu.memory_space<vmem>> -> memref<32x768xf32, #tpu.memory_space<vmem>>
        %gather3A_675 = tpu.vector_load_idx %gather3A_674[%add3A_383, %add3A_665] : memref<32x768xf32, #tpu.memory_space<vmem>>[vector<16xi32>, vector<16xi32>], vector<16xf32>,
        %mul3A_676 = arith.mulf %gather3A_670, %gather3A_675 : vector<16xf32>
        %add3A_677 = arith.addf %add3A_625, %mul3A_676 : vector<16xf32>
        %add3A_678 = arith.addi %broadcast_in_dim3A_587, %select_n3A_127 : vector<16xi32>
        %gather3A_679 = arith.constant 0 : i32
        %gather3A_680 = arith.constant 0 : i32
        %gather3A_681 = tpu.memref_slice %arg14[%scan3A_385, %gather3A_679, %gather3A_680] : memref<2x32x768xf32, #tpu.memory_space<vmem>> -> memref<1x32x768xf32, #tpu.memory_space<vmem>>
        %gather3A_682 = tpu.memref_squeeze %gather3A_681 : memref<1x32x768xf32, #tpu.memory_space<vmem>> -> memref<32x768xf32, #tpu.memory_space<vmem>>
        %gather3A_683 = tpu.vector_load_idx %gather3A_682[%add3A_383, %add3A_678] : memref<32x768xf32, #tpu.memory_space<vmem>>[vector<16xi32>, vector<16xi32>], vector<16xf32>,
        %gather3A_684 = arith.constant 0 : i32
        %gather3A_685 = arith.constant 0 : i32
        %gather3A_686 = tpu.memref_slice %arg15[%scan3A_386, %gather3A_684, %gather3A_685] : memref<2x32x768xf32, #tpu.memory_space<vmem>> -> memref<1x32x768xf32, #tpu.memory_space<vmem>>
        %gather3A_687 = tpu.memref_squeeze %gather3A_686 : memref<1x32x768xf32, #tpu.memory_space<vmem>> -> memref<32x768xf32, #tpu.memory_space<vmem>>
        %gather3A_688 = tpu.vector_load_idx %gather3A_687[%add3A_383, %add3A_678] : memref<32x768xf32, #tpu.memory_space<vmem>>[vector<16xi32>, vector<16xi32>], vector<16xf32>,
        %mul3A_689 = arith.mulf %gather3A_683, %gather3A_688 : vector<16xf32>
        %add3A_690 = arith.addf %add3A_638, %mul3A_689 : vector<16xf32>
        %add3A_691 = arith.addi %broadcast_in_dim3A_587, %select_n3A_143 : vector<16xi32>
        %gather3A_692 = arith.constant 0 : i32
        %gather3A_693 = arith.constant 0 : i32
        %gather3A_694 = tpu.memref_slice %arg14[%scan3A_385, %gather3A_692, %gather3A_693] : memref<2x32x768xf32, #tpu.memory_space<vmem>> -> memref<1x32x768xf32, #tpu.memory_space<vmem>>
        %gather3A_695 = tpu.memref_squeeze %gather3A_694 : memref<1x32x768xf32, #tpu.memory_space<vmem>> -> memref<32x768xf32, #tpu.memory_space<vmem>>
        %gather3A_696 = tpu.vector_load_idx %gather3A_695[%add3A_383, %add3A_691] : memref<32x768xf32, #tpu.memory_space<vmem>>[vector<16xi32>, vector<16xi32>], vector<16xf32>,
        %gather3A_697 = arith.constant 0 : i32
        %gather3A_698 = arith.constant 0 : i32
        %gather3A_699 = tpu.memref_slice %arg15[%scan3A_386, %gather3A_697, %gather3A_698] : memref<2x32x768xf32, #tpu.memory_space<vmem>> -> memref<1x32x768xf32, #tpu.memory_space<vmem>>
        %gather3A_700 = tpu.memref_squeeze %gather3A_699 : memref<1x32x768xf32, #tpu.memory_space<vmem>> -> memref<32x768xf32, #tpu.memory_space<vmem>>
        %gather3A_701 = tpu.vector_load_idx %gather3A_700[%add3A_383, %add3A_691] : memref<32x768xf32, #tpu.memory_space<vmem>>[vector<16xi32>, vector<16xi32>], vector<16xf32>,
        %mul3A_702 = arith.mulf %gather3A_696, %gather3A_701 : vector<16xf32>
        %add3A_703 = arith.addf %add3A_651, %mul3A_702 : vector<16xf32>
        %add3A_704 = arith.addi %broadcast_in_dim3A_587, %select_n3A_159 : vector<16xi32>
        %gather3A_705 = arith.constant 0 : i32
        %gather3A_706 = arith.constant 0 : i32
        %gather3A_707 = tpu.memref_slice %arg14[%scan3A_385, %gather3A_705, %gather3A_706] : memref<2x32x768xf32, #tpu.memory_space<vmem>> -> memref<1x32x768xf32, #tpu.memory_space<vmem>>
        %gather3A_708 = tpu.memref_squeeze %gather3A_707 : memref<1x32x768xf32, #tpu.memory_space<vmem>> -> memref<32x768xf32, #tpu.memory_space<vmem>>
        %gather3A_709 = tpu.vector_load_idx %gather3A_708[%add3A_383, %add3A_704] : memref<32x768xf32, #tpu.memory_space<vmem>>[vector<16xi32>, vector<16xi32>], vector<16xf32>,
        %gather3A_710 = arith.constant 0 : i32
        %gather3A_711 = arith.constant 0 : i32
        %gather3A_712 = tpu.memref_slice %arg15[%scan3A_386, %gather3A_710, %gather3A_711] : memref<2x32x768xf32, #tpu.memory_space<vmem>> -> memref<1x32x768xf32, #tpu.memory_space<vmem>>
        %gather3A_713 = tpu.memref_squeeze %gather3A_712 : memref<1x32x768xf32, #tpu.memory_space<vmem>> -> memref<32x768xf32, #tpu.memory_space<vmem>>
        %gather3A_714 = tpu.vector_load_idx %gather3A_713[%add3A_383, %add3A_704] : memref<32x768xf32, #tpu.memory_space<vmem>>[vector<16xi32>, vector<16xi32>], vector<16xf32>,
        %mul3A_715 = arith.mulf %gather3A_709, %gather3A_714 : vector<16xf32>
        %add3A_716 = arith.addf %add3A_664, %mul3A_715 : vector<16xf32>
        %add3A_717 = arith.addi %broadcast_in_dim3A_587, %select_n3A_175 : vector<16xi32>
        %gather3A_718 = arith.constant 0 : i32
        %gather3A_719 = arith.constant 0 : i32
        %gather3A_720 = tpu.memref_slice %arg14[%scan3A_385, %gather3A_718, %gather3A_719] : memref<2x32x768xf32, #tpu.memory_space<vmem>> -> memref<1x32x768xf32, #tpu.memory_space<vmem>>
        %gather3A_721 = tpu.memref_squeeze %gather3A_720 : memref<1x32x768xf32, #tpu.memory_space<vmem>> -> memref<32x768xf32, #tpu.memory_space<vmem>>
        %gather3A_722 = tpu.vector_load_idx %gather3A_721[%add3A_383, %add3A_717] : memref<32x768xf32, #tpu.memory_space<vmem>>[vector<16xi32>, vector<16xi32>], vector<16xf32>,
        %gather3A_723 = arith.constant 0 : i32
        %gather3A_724 = arith.constant 0 : i32
        %gather3A_725 = tpu.memref_slice %arg15[%scan3A_386, %gather3A_723, %gather3A_724] : memref<2x32x768xf32, #tpu.memory_space<vmem>> -> memref<1x32x768xf32, #tpu.memory_space<vmem>>
        %gather3A_726 = tpu.memref_squeeze %gather3A_725 : memref<1x32x768xf32, #tpu.memory_space<vmem>> -> memref<32x768xf32, #tpu.memory_space<vmem>>
        %gather3A_727 = tpu.vector_load_idx %gather3A_726[%add3A_383, %add3A_717] : memref<32x768xf32, #tpu.memory_space<vmem>>[vector<16xi32>, vector<16xi32>], vector<16xf32>,
        %mul3A_728 = arith.mulf %gather3A_722, %gather3A_727 : vector<16xf32>
        %add3A_729 = arith.addf %add3A_677, %mul3A_728 : vector<16xf32>
        %add3A_730 = arith.addi %broadcast_in_dim3A_587, %select_n3A_191 : vector<16xi32>
        %gather3A_731 = arith.constant 0 : i32
        %gather3A_732 = arith.constant 0 : i32
        %gather3A_733 = tpu.memref_slice %arg14[%scan3A_385, %gather3A_731, %gather3A_732] : memref<2x32x768xf32, #tpu.memory_space<vmem>> -> memref<1x32x768xf32, #tpu.memory_space<vmem>>
        %gather3A_734 = tpu.memref_squeeze %gather3A_733 : memref<1x32x768xf32, #tpu.memory_space<vmem>> -> memref<32x768xf32, #tpu.memory_space<vmem>>
        %gather3A_735 = tpu.vector_load_idx %gather3A_734[%add3A_383, %add3A_730] : memref<32x768xf32, #tpu.memory_space<vmem>>[vector<16xi32>, vector<16xi32>], vector<16xf32>,
        %gather3A_736 = arith.constant 0 : i32
        %gather3A_737 = arith.constant 0 : i32
        %gather3A_738 = tpu.memref_slice %arg15[%scan3A_386, %gather3A_736, %gather3A_737] : memref<2x32x768xf32, #tpu.memory_space<vmem>> -> memref<1x32x768xf32, #tpu.memory_space<vmem>>
        %gather3A_739 = tpu.memref_squeeze %gather3A_738 : memref<1x32x768xf32, #tpu.memory_space<vmem>> -> memref<32x768xf32, #tpu.memory_space<vmem>>
        %gather3A_740 = tpu.vector_load_idx %gather3A_739[%add3A_383, %add3A_730] : memref<32x768xf32, #tpu.memory_space<vmem>>[vector<16xi32>, vector<16xi32>], vector<16xf32>,
        %mul3A_741 = arith.mulf %gather3A_735, %gather3A_740 : vector<16xf32>
        %add3A_742 = arith.addf %add3A_690, %mul3A_741 : vector<16xf32>
        %add3A_743 = arith.addi %broadcast_in_dim3A_587, %select_n3A_207 : vector<16xi32>
        %gather3A_744 = arith.constant 0 : i32
        %gather3A_745 = arith.constant 0 : i32
        %gather3A_746 = tpu.memref_slice %arg14[%scan3A_385, %gather3A_744, %gather3A_745] : memref<2x32x768xf32, #tpu.memory_space<vmem>> -> memref<1x32x768xf32, #tpu.memory_space<vmem>>
        %gather3A_747 = tpu.memref_squeeze %gather3A_746 : memref<1x32x768xf32, #tpu.memory_space<vmem>> -> memref<32x768xf32, #tpu.memory_space<vmem>>
        %gather3A_748 = tpu.vector_load_idx %gather3A_747[%add3A_383, %add3A_743] : memref<32x768xf32, #tpu.memory_space<vmem>>[vector<16xi32>, vector<16xi32>], vector<16xf32>,
        %gather3A_749 = arith.constant 0 : i32
        %gather3A_750 = arith.constant 0 : i32
        %gather3A_751 = tpu.memref_slice %arg15[%scan3A_386, %gather3A_749, %gather3A_750] : memref<2x32x768xf32, #tpu.memory_space<vmem>> -> memref<1x32x768xf32, #tpu.memory_space<vmem>>
        %gather3A_752 = tpu.memref_squeeze %gather3A_751 : memref<1x32x768xf32, #tpu.memory_space<vmem>> -> memref<32x768xf32, #tpu.memory_space<vmem>>
        %gather3A_753 = tpu.vector_load_idx %gather3A_752[%add3A_383, %add3A_743] : memref<32x768xf32, #tpu.memory_space<vmem>>[vector<16xi32>, vector<16xi32>], vector<16xf32>,
        %mul3A_754 = arith.mulf %gather3A_748, %gather3A_753 : vector<16xf32>
        %add3A_755 = arith.addf %add3A_703, %mul3A_754 : vector<16xf32>
        %add3A_756 = arith.addi %broadcast_in_dim3A_587, %select_n3A_223 : vector<16xi32>
        %gather3A_757 = arith.constant 0 : i32
        %gather3A_758 = arith.constant 0 : i32
        %gather3A_759 = tpu.memref_slice %arg14[%scan3A_385, %gather3A_757, %gather3A_758] : memref<2x32x768xf32, #tpu.memory_space<vmem>> -> memref<1x32x768xf32, #tpu.memory_space<vmem>>
        %gather3A_760 = tpu.memref_squeeze %gather3A_759 : memref<1x32x768xf32, #tpu.memory_space<vmem>> -> memref<32x768xf32, #tpu.memory_space<vmem>>
        %gather3A_761 = tpu.vector_load_idx %gather3A_760[%add3A_383, %add3A_756] : memref<32x768xf32, #tpu.memory_space<vmem>>[vector<16xi32>, vector<16xi32>], vector<16xf32>,
        %gather3A_762 = arith.constant 0 : i32
        %gather3A_763 = arith.constant 0 : i32
        %gather3A_764 = tpu.memref_slice %arg15[%scan3A_386, %gather3A_762, %gather3A_763] : memref<2x32x768xf32, #tpu.memory_space<vmem>> -> memref<1x32x768xf32, #tpu.memory_space<vmem>>
        %gather3A_765 = tpu.memref_squeeze %gather3A_764 : memref<1x32x768xf32, #tpu.memory_space<vmem>> -> memref<32x768xf32, #tpu.memory_space<vmem>>
        %gather3A_766 = tpu.vector_load_idx %gather3A_765[%add3A_383, %add3A_756] : memref<32x768xf32, #tpu.memory_space<vmem>>[vector<16xi32>, vector<16xi32>], vector<16xf32>,
        %mul3A_767 = arith.mulf %gather3A_761, %gather3A_766 : vector<16xf32>
        %add3A_768 = arith.addf %add3A_716, %mul3A_767 : vector<16xf32>
        %add3A_769 = arith.addi %broadcast_in_dim3A_587, %select_n3A_239 : vector<16xi32>
        %gather3A_770 = arith.constant 0 : i32
        %gather3A_771 = arith.constant 0 : i32
        %gather3A_772 = tpu.memref_slice %arg14[%scan3A_385, %gather3A_770, %gather3A_771] : memref<2x32x768xf32, #tpu.memory_space<vmem>> -> memref<1x32x768xf32, #tpu.memory_space<vmem>>
        %gather3A_773 = tpu.memref_squeeze %gather3A_772 : memref<1x32x768xf32, #tpu.memory_space<vmem>> -> memref<32x768xf32, #tpu.memory_space<vmem>>
        %gather3A_774 = tpu.vector_load_idx %gather3A_773[%add3A_383, %add3A_769] : memref<32x768xf32, #tpu.memory_space<vmem>>[vector<16xi32>, vector<16xi32>], vector<16xf32>,
        %gather3A_775 = arith.constant 0 : i32
        %gather3A_776 = arith.constant 0 : i32
        %gather3A_777 = tpu.memref_slice %arg15[%scan3A_386, %gather3A_775, %gather3A_776] : memref<2x32x768xf32, #tpu.memory_space<vmem>> -> memref<1x32x768xf32, #tpu.memory_space<vmem>>
        %gather3A_778 = tpu.memref_squeeze %gather3A_777 : memref<1x32x768xf32, #tpu.memory_space<vmem>> -> memref<32x768xf32, #tpu.memory_space<vmem>>
        %gather3A_779 = tpu.vector_load_idx %gather3A_778[%add3A_383, %add3A_769] : memref<32x768xf32, #tpu.memory_space<vmem>>[vector<16xi32>, vector<16xi32>], vector<16xf32>,
        %mul3A_780 = arith.mulf %gather3A_774, %gather3A_779 : vector<16xf32>
        %add3A_781 = arith.addf %add3A_729, %mul3A_780 : vector<16xf32>
        %add3A_782 = arith.addi %broadcast_in_dim3A_587, %select_n3A_255 : vector<16xi32>
        %gather3A_783 = arith.constant 0 : i32
        %gather3A_784 = arith.constant 0 : i32
        %gather3A_785 = tpu.memref_slice %arg14[%scan3A_385, %gather3A_783, %gather3A_784] : memref<2x32x768xf32, #tpu.memory_space<vmem>> -> memref<1x32x768xf32, #tpu.memory_space<vmem>>
        %gather3A_786 = tpu.memref_squeeze %gather3A_785 : memref<1x32x768xf32, #tpu.memory_space<vmem>> -> memref<32x768xf32, #tpu.memory_space<vmem>>
        %gather3A_787 = tpu.vector_load_idx %gather3A_786[%add3A_383, %add3A_782] : memref<32x768xf32, #tpu.memory_space<vmem>>[vector<16xi32>, vector<16xi32>], vector<16xf32>,
        %gather3A_788 = arith.constant 0 : i32
        %gather3A_789 = arith.constant 0 : i32
        %gather3A_790 = tpu.memref_slice %arg15[%scan3A_386, %gather3A_788, %gather3A_789] : memref<2x32x768xf32, #tpu.memory_space<vmem>> -> memref<1x32x768xf32, #tpu.memory_space<vmem>>
        %gather3A_791 = tpu.memref_squeeze %gather3A_790 : memref<1x32x768xf32, #tpu.memory_space<vmem>> -> memref<32x768xf32, #tpu.memory_space<vmem>>
        %gather3A_792 = tpu.vector_load_idx %gather3A_791[%add3A_383, %add3A_782] : memref<32x768xf32, #tpu.memory_space<vmem>>[vector<16xi32>, vector<16xi32>], vector<16xf32>,
        %mul3A_793 = arith.mulf %gather3A_787, %gather3A_792 : vector<16xf32>
        %add3A_794 = arith.addf %add3A_742, %mul3A_793 : vector<16xf32>
        scf.yield %add3A_755, %add3A_768, %add3A_781, %add3A_794 : vector<16xf32>, vector<16xf32>, vector<16xf32>, vector<16xf32>
      }
      %scan3A_392 = arith.constant 48 : i32
      %get3A = arith.constant 0 : i32
      %get3A_393 = arith.constant 0 : i32
      %get3A_394 = tpu.memref_slice %arg16[%get3A, %get3A_393] : memref<2x32xf32, #tpu.memory_space<vmem>> -> memref<1x32xf32, #tpu.memory_space<vmem>>
      %get3A_395 = tpu.memref_squeeze %get3A_394 : memref<1x32xf32, #tpu.memory_space<vmem>> -> memref<32xf32, #tpu.memory_space<vmem>>
      %get3A_396 = arith.constant 0 : index
      %get3A_397 = tpu.vector_load %get3A_395[%get3A_396] {strides = array<i32>} : memref<32xf32, #tpu.memory_space<vmem>>, vector<16xf32>,
      %get3A_398 = arith.constant 0 : i32
      %get3A_399 = arith.constant 0 : i32
      %get3A_400 = tpu.memref_slice %arg17[%get3A_398, %get3A_399] : memref<2x32xf32, #tpu.memory_space<vmem>> -> memref<1x32xf32, #tpu.memory_space<vmem>>
      %get3A_401 = tpu.memref_squeeze %get3A_400 : memref<1x32xf32, #tpu.memory_space<vmem>> -> memref<32xf32, #tpu.memory_space<vmem>>
      %get3A_402 = arith.constant 0 : index
      %get3A_403 = tpu.vector_load %get3A_401[%get3A_402] {strides = array<i32>} : memref<32xf32, #tpu.memory_space<vmem>>, vector<16xf32>,
      %add3A_404 = arith.addf %get3A_397, %get3A_403 : vector<16xf32>
      %add3A_405 = arith.addf %scan3A_391#0, %scan3A_391#1 : vector<16xf32>
      %add3A_406 = arith.addf %scan3A_391#2, %scan3A_391#3 : vector<16xf32>
      %add3A_407 = arith.addf %add3A_405, %add3A_406 : vector<16xf32>
      %add3A_408 = arith.addf %add3A_407, %add3A_404 : vector<16xf32>
      %get3A_409 = arith.constant 0 : index
      %get3A_410 = tpu.vector_load %arg19[%get3A_409] {strides = array<i32>} : memref<16xf32, #tpu.memory_space<vmem>>, vector<16xf32>,
      %add3A_411 = arith.addf %add3A_408, %get3A_410 : vector<16xf32>
      %mul3A_412 = arith.constant 32 : i32
      %mul3A_413 = arith.muli %mul3A_299, %mul3A_412 : i32
      %add3A_414 = arith.constant 0 : i32
      %add3A_415 = arith.addi %mul3A_413, %add3A_414 : i32
      %swap3A = arith.index_cast %add3A_415 : i32 to index
      %swap3A_416 = tpu.vector_load %arg18[%swap3A] {strides = array<i32>} : memref<512xf32, #tpu.memory_space<vmem>>, vector<16xf32>,
      tpu.vector_store %arg18[%swap3A], %add3A_411 {strides = array<i32>} : memref<512xf32, #tpu.memory_space<vmem>>, vector<16xf32>,
      %add3A_417 = arith.constant 16 : i32
      %add3A_418 = vector.broadcast %add3A_417 : i32 to vector<16xi32>
      %add3A_419 = arith.addi %iota3A_256, %add3A_418 : vector<16xi32>
      %broadcast_in_dim3A_420 = arith.constant 0.000000e+00 : f32
      %broadcast_in_dim3A_421 = vector.broadcast %broadcast_in_dim3A_420 : f32 to vector<16xf32>
      %scan3A_422 = arith.constant 0 : i32
      %scan3A_423 = arith.constant 0 : i32
      %scan3A_424 = arith.constant 0 : i32
      %scan3A_425 = arith.constant 48 : i32
      %scan3A_426 = arith.addi %scan3A_424, %scan3A_425 : i32
      %scan3A_427 = arith.constant 1 : i32
      %scan3A_428:4 = scf.for %scan3A_580 = %scan3A_424 to %scan3A_426 step %scan3A_427 iter_args(%scan3A_581 = %broadcast_in_dim3A_421, %scan3A_582 = %broadcast_in_dim3A_421, %scan3A_583 = %broadcast_in_dim3A_421, %scan3A_584 = %broadcast_in_dim3A_421) -> (vector<16xf32>, vector<16xf32>, vector<16xf32>, vector<16xf32>)  : i32 {
        %mul3A_585 = arith.constant 16 : i32
        %mul3A_586 = arith.muli %scan3A_580, %mul3A_585 : i32
        %broadcast_in_dim3A_587 = vector.broadcast %mul3A_586 : i32 to vector<16xi32>
        %add3A_588 = arith.addi %broadcast_in_dim3A_587, %select_n3A : vector<16xi32>
        %gather3A = arith.constant 0 : i32
        %gather3A_589 = arith.constant 0 : i32
        %gather3A_590 = tpu.memref_slice %arg14[%scan3A_422, %gather3A, %gather3A_589] : memref<2x32x768xf32, #tpu.memory_space<vmem>> -> memref<1x32x768xf32, #tpu.memory_space<vmem>>
        %gather3A_591 = tpu.memref_squeeze %gather3A_590 : memref<1x32x768xf32, #tpu.memory_space<vmem>> -> memref<32x768xf32, #tpu.memory_space<vmem>>
        %gather3A_592 = tpu.vector_load_idx %gather3A_591[%add3A_419, %add3A_588] : memref<32x768xf32, #tpu.memory_space<vmem>>[vector<16xi32>, vector<16xi32>], vector<16xf32>,
        %gather3A_593 = arith.constant 0 : i32
        %gather3A_594 = arith.constant 0 : i32
        %gather3A_595 = tpu.memref_slice %arg15[%scan3A_423, %gather3A_593, %gather3A_594] : memref<2x32x768xf32, #tpu.memory_space<vmem>> -> memref<1x32x768xf32, #tpu.memory_space<vmem>>
        %gather3A_596 = tpu.memref_squeeze %gather3A_595 : memref<1x32x768xf32, #tpu.memory_space<vmem>> -> memref<32x768xf32, #tpu.memory_space<vmem>>
        %gather3A_597 = tpu.vector_load_idx %gather3A_596[%add3A_419, %add3A_588] : memref<32x768xf32, #tpu.memory_space<vmem>>[vector<16xi32>, vector<16xi32>], vector<16xf32>,
        %mul3A_598 = arith.mulf %gather3A_592, %gather3A_597 : vector<16xf32>
        %add3A_599 = arith.addf %scan3A_581, %mul3A_598 : vector<16xf32>
        %add3A_600 = arith.addi %broadcast_in_dim3A_587, %select_n3A_31 : vector<16xi32>
        %gather3A_601 = arith.constant 0 : i32
        %gather3A_602 = arith.constant 0 : i32
        %gather3A_603 = tpu.memref_slice %arg14[%scan3A_422, %gather3A_601, %gather3A_602] : memref<2x32x768xf32, #tpu.memory_space<vmem>> -> memref<1x32x768xf32, #tpu.memory_space<vmem>>
        %gather3A_604 = tpu.memref_squeeze %gather3A_603 : memref<1x32x768xf32, #tpu.memory_space<vmem>> -> memref<32x768xf32, #tpu.memory_space<vmem>>
        %gather3A_605 = tpu.vector_load_idx %gather3A_604[%add3A_419, %add3A_600] : memref<32x768xf32, #tpu.memory_space<vmem>>[vector<16xi32>, vector<16xi32>], vector<16xf32>,
        %gather3A_606 = arith.constant 0 : i32
        %gather3A_607 = arith.constant 0 : i32
        %gather3A_608 = tpu.memref_slice %arg15[%scan3A_423, %gather3A_606, %gather3A_607] : memref<2x32x768xf32, #tpu.memory_space<vmem>> -> memref<1x32x768xf32, #tpu.memory_space<vmem>>
        %gather3A_609 = tpu.memref_squeeze %gather3A_608 : memref<1x32x768xf32, #tpu.memory_space<vmem>> -> memref<32x768xf32, #tpu.memory_space<vmem>>
        %gather3A_610 = tpu.vector_load_idx %gather3A_609[%add3A_419, %add3A_600] : memref<32x768xf32, #tpu.memory_space<vmem>>[vector<16xi32>, vector<16xi32>], vector<16xf32>,
        %mul3A_611 = arith.mulf %gather3A_605, %gather3A_610 : vector<16xf32>
        %add3A_612 = arith.addf %scan3A_582, %mul3A_611 : vector<16xf32>
        %add3A_613 = arith.addi %broadcast_in_dim3A_587, %select_n3A_47 : vector<16xi32>
        %gather3A_614 = arith.constant 0 : i32
        %gather3A_615 = arith.constant 0 : i32
        %gather3A_616 = tpu.memref_slice %arg14[%scan3A_422, %gather3A_614, %gather3A_615] : memref<2x32x768xf32, #tpu.memory_space<vmem>> -> memref<1x32x768xf32, #tpu.memory_space<vmem>>
        %gather3A_617 = tpu.memref_squeeze %gather3A_616 : memref<1x32x768xf32, #tpu.memory_space<vmem>> -> memref<32x768xf32, #tpu.memory_space<vmem>>
        %gather3A_618 = tpu.vector_load_idx %gather3A_617[%add3A_419, %add3A_613] : memref<32x768xf32, #tpu.memory_space<vmem>>[vector<16xi32>, vector<16xi32>], vector<16xf32>,
        %gather3A_619 = arith.constant 0 : i32
        %gather3A_620 = arith.constant 0 : i32
        %gather3A_621 = tpu.memref_slice %arg15[%scan3A_423, %gather3A_619, %gather3A_620] : memref<2x32x768xf32, #tpu.memory_space<vmem>> -> memref<1x32x768xf32, #tpu.memory_space<vmem>>
        %gather3A_622 = tpu.memref_squeeze %gather3A_621 : memref<1x32x768xf32, #tpu.memory_space<vmem>> -> memref<32x768xf32, #tpu.memory_space<vmem>>
        %gather3A_623 = tpu.vector_load_idx %gather3A_622[%add3A_419, %add3A_613] : memref<32x768xf32, #tpu.memory_space<vmem>>[vector<16xi32>, vector<16xi32>], vector<16xf32>,
        %mul3A_624 = arith.mulf %gather3A_618, %gather3A_623 : vector<16xf32>
        %add3A_625 = arith.addf %scan3A_583, %mul3A_624 : vector<16xf32>
        %add3A_626 = arith.addi %broadcast_in_dim3A_587, %select_n3A_63 : vector<16xi32>
        %gather3A_627 = arith.constant 0 : i32
        %gather3A_628 = arith.constant 0 : i32
        %gather3A_629 = tpu.memref_slice %arg14[%scan3A_422, %gather3A_627, %gather3A_628] : memref<2x32x768xf32, #tpu.memory_space<vmem>> -> memref<1x32x768xf32, #tpu.memory_space<vmem>>
        %gather3A_630 = tpu.memref_squeeze %gather3A_629 : memref<1x32x768xf32, #tpu.memory_space<vmem>> -> memref<32x768xf32, #tpu.memory_space<vmem>>
        %gather3A_631 = tpu.vector_load_idx %gather3A_630[%add3A_419, %add3A_626] : memref<32x768xf32, #tpu.memory_space<vmem>>[vector<16xi32>, vector<16xi32>], vector<16xf32>,
        %gather3A_632 = arith.constant 0 : i32
        %gather3A_633 = arith.constant 0 : i32
        %gather3A_634 = tpu.memref_slice %arg15[%scan3A_423, %gather3A_632, %gather3A_633] : memref<2x32x768xf32, #tpu.memory_space<vmem>> -> memref<1x32x768xf32, #tpu.memory_space<vmem>>
        %gather3A_635 = tpu.memref_squeeze %gather3A_634 : memref<1x32x768xf32, #tpu.memory_space<vmem>> -> memref<32x768xf32, #tpu.memory_space<vmem>>
        %gather3A_636 = tpu.vector_load_idx %gather3A_635[%add3A_419, %add3A_626] : memref<32x768xf32, #tpu.memory_space<vmem>>[vector<16xi32>, vector<16xi32>], vector<16xf32>,
        %mul3A_637 = arith.mulf %gather3A_631, %gather3A_636 : vector<16xf32>
        %add3A_638 = arith.addf %scan3A_584, %mul3A_637 : vector<16xf32>
        %add3A_639 = arith.addi %broadcast_in_dim3A_587, %select_n3A_79 : vector<16xi32>
        %gather3A_640 = arith.constant 0 : i32
        %gather3A_641 = arith.constant 0 : i32
        %gather3A_642 = tpu.memref_slice %arg14[%scan3A_422, %gather3A_640, %gather3A_641] : memref<2x32x768xf32, #tpu.memory_space<vmem>> -> memref<1x32x768xf32, #tpu.memory_space<vmem>>
        %gather3A_643 = tpu.memref_squeeze %gather3A_642 : memref<1x32x768xf32, #tpu.memory_space<vmem>> -> memref<32x768xf32, #tpu.memory_space<vmem>>
        %gather3A_644 = tpu.vector_load_idx %gather3A_643[%add3A_419, %add3A_639] : memref<32x768xf32, #tpu.memory_space<vmem>>[vector<16xi32>, vector<16xi32>], vector<16xf32>,
        %gather3A_645 = arith.constant 0 : i32
        %gather3A_646 = arith.constant 0 : i32
        %gather3A_647 = tpu.memref_slice %arg15[%scan3A_423, %gather3A_645, %gather3A_646] : memref<2x32x768xf32, #tpu.memory_space<vmem>> -> memref<1x32x768xf32, #tpu.memory_space<vmem>>
        %gather3A_648 = tpu.memref_squeeze %gather3A_647 : memref<1x32x768xf32, #tpu.memory_space<vmem>> -> memref<32x768xf32, #tpu.memory_space<vmem>>
        %gather3A_649 = tpu.vector_load_idx %gather3A_648[%add3A_419, %add3A_639] : memref<32x768xf32, #tpu.memory_space<vmem>>[vector<16xi32>, vector<16xi32>], vector<16xf32>,
        %mul3A_650 = arith.mulf %gather3A_644, %gather3A_649 : vector<16xf32>
        %add3A_651 = arith.addf %add3A_599, %mul3A_650 : vector<16xf32>
        %add3A_652 = arith.addi %broadcast_in_dim3A_587, %select_n3A_95 : vector<16xi32>
        %gather3A_653 = arith.constant 0 : i32
        %gather3A_654 = arith.constant 0 : i32
        %gather3A_655 = tpu.memref_slice %arg14[%scan3A_422, %gather3A_653, %gather3A_654] : memref<2x32x768xf32, #tpu.memory_space<vmem>> -> memref<1x32x768xf32, #tpu.memory_space<vmem>>
        %gather3A_656 = tpu.memref_squeeze %gather3A_655 : memref<1x32x768xf32, #tpu.memory_space<vmem>> -> memref<32x768xf32, #tpu.memory_space<vmem>>
        %gather3A_657 = tpu.vector_load_idx %gather3A_656[%add3A_419, %add3A_652] : memref<32x768xf32, #tpu.memory_space<vmem>>[vector<16xi32>, vector<16xi32>], vector<16xf32>,
        %gather3A_658 = arith.constant 0 : i32
        %gather3A_659 = arith.constant 0 : i32
        %gather3A_660 = tpu.memref_slice %arg15[%scan3A_423, %gather3A_658, %gather3A_659] : memref<2x32x768xf32, #tpu.memory_space<vmem>> -> memref<1x32x768xf32, #tpu.memory_space<vmem>>
        %gather3A_661 = tpu.memref_squeeze %gather3A_660 : memref<1x32x768xf32, #tpu.memory_space<vmem>> -> memref<32x768xf32, #tpu.memory_space<vmem>>
        %gather3A_662 = tpu.vector_load_idx %gather3A_661[%add3A_419, %add3A_652] : memref<32x768xf32, #tpu.memory_space<vmem>>[vector<16xi32>, vector<16xi32>], vector<16xf32>,
        %mul3A_663 = arith.mulf %gather3A_657, %gather3A_662 : vector<16xf32>
        %add3A_664 = arith.addf %add3A_612, %mul3A_663 : vector<16xf32>
        %add3A_665 = arith.addi %broadcast_in_dim3A_587, %select_n3A_111 : vector<16xi32>
        %gather3A_666 = arith.constant 0 : i32
        %gather3A_667 = arith.constant 0 : i32
        %gather3A_668 = tpu.memref_slice %arg14[%scan3A_422, %gather3A_666, %gather3A_667] : memref<2x32x768xf32, #tpu.memory_space<vmem>> -> memref<1x32x768xf32, #tpu.memory_space<vmem>>
        %gather3A_669 = tpu.memref_squeeze %gather3A_668 : memref<1x32x768xf32, #tpu.memory_space<vmem>> -> memref<32x768xf32, #tpu.memory_space<vmem>>
        %gather3A_670 = tpu.vector_load_idx %gather3A_669[%add3A_419, %add3A_665] : memref<32x768xf32, #tpu.memory_space<vmem>>[vector<16xi32>, vector<16xi32>], vector<16xf32>,
        %gather3A_671 = arith.constant 0 : i32
        %gather3A_672 = arith.constant 0 : i32
        %gather3A_673 = tpu.memref_slice %arg15[%scan3A_423, %gather3A_671, %gather3A_672] : memref<2x32x768xf32, #tpu.memory_space<vmem>> -> memref<1x32x768xf32, #tpu.memory_space<vmem>>
        %gather3A_674 = tpu.memref_squeeze %gather3A_673 : memref<1x32x768xf32, #tpu.memory_space<vmem>> -> memref<32x768xf32, #tpu.memory_space<vmem>>
        %gather3A_675 = tpu.vector_load_idx %gather3A_674[%add3A_419, %add3A_665] : memref<32x768xf32, #tpu.memory_space<vmem>>[vector<16xi32>, vector<16xi32>], vector<16xf32>,
        %mul3A_676 = arith.mulf %gather3A_670, %gather3A_675 : vector<16xf32>
        %add3A_677 = arith.addf %add3A_625, %mul3A_676 : vector<16xf32>
        %add3A_678 = arith.addi %broadcast_in_dim3A_587, %select_n3A_127 : vector<16xi32>
        %gather3A_679 = arith.constant 0 : i32
        %gather3A_680 = arith.constant 0 : i32
        %gather3A_681 = tpu.memref_slice %arg14[%scan3A_422, %gather3A_679, %gather3A_680] : memref<2x32x768xf32, #tpu.memory_space<vmem>> -> memref<1x32x768xf32, #tpu.memory_space<vmem>>
        %gather3A_682 = tpu.memref_squeeze %gather3A_681 : memref<1x32x768xf32, #tpu.memory_space<vmem>> -> memref<32x768xf32, #tpu.memory_space<vmem>>
        %gather3A_683 = tpu.vector_load_idx %gather3A_682[%add3A_419, %add3A_678] : memref<32x768xf32, #tpu.memory_space<vmem>>[vector<16xi32>, vector<16xi32>], vector<16xf32>,
        %gather3A_684 = arith.constant 0 : i32
        %gather3A_685 = arith.constant 0 : i32
        %gather3A_686 = tpu.memref_slice %arg15[%scan3A_423, %gather3A_684, %gather3A_685] : memref<2x32x768xf32, #tpu.memory_space<vmem>> -> memref<1x32x768xf32, #tpu.memory_space<vmem>>
        %gather3A_687 = tpu.memref_squeeze %gather3A_686 : memref<1x32x768xf32, #tpu.memory_space<vmem>> -> memref<32x768xf32, #tpu.memory_space<vmem>>
        %gather3A_688 = tpu.vector_load_idx %gather3A_687[%add3A_419, %add3A_678] : memref<32x768xf32, #tpu.memory_space<vmem>>[vector<16xi32>, vector<16xi32>], vector<16xf32>,
        %mul3A_689 = arith.mulf %gather3A_683, %gather3A_688 : vector<16xf32>
        %add3A_690 = arith.addf %add3A_638, %mul3A_689 : vector<16xf32>
        %add3A_691 = arith.addi %broadcast_in_dim3A_587, %select_n3A_143 : vector<16xi32>
        %gather3A_692 = arith.constant 0 : i32
        %gather3A_693 = arith.constant 0 : i32
        %gather3A_694 = tpu.memref_slice %arg14[%scan3A_422, %gather3A_692, %gather3A_693] : memref<2x32x768xf32, #tpu.memory_space<vmem>> -> memref<1x32x768xf32, #tpu.memory_space<vmem>>
        %gather3A_695 = tpu.memref_squeeze %gather3A_694 : memref<1x32x768xf32, #tpu.memory_space<vmem>> -> memref<32x768xf32, #tpu.memory_space<vmem>>
        %gather3A_696 = tpu.vector_load_idx %gather3A_695[%add3A_419, %add3A_691] : memref<32x768xf32, #tpu.memory_space<vmem>>[vector<16xi32>, vector<16xi32>], vector<16xf32>,
        %gather3A_697 = arith.constant 0 : i32
        %gather3A_698 = arith.constant 0 : i32
        %gather3A_699 = tpu.memref_slice %arg15[%scan3A_423, %gather3A_697, %gather3A_698] : memref<2x32x768xf32, #tpu.memory_space<vmem>> -> memref<1x32x768xf32, #tpu.memory_space<vmem>>
        %gather3A_700 = tpu.memref_squeeze %gather3A_699 : memref<1x32x768xf32, #tpu.memory_space<vmem>> -> memref<32x768xf32, #tpu.memory_space<vmem>>
        %gather3A_701 = tpu.vector_load_idx %gather3A_700[%add3A_419, %add3A_691] : memref<32x768xf32, #tpu.memory_space<vmem>>[vector<16xi32>, vector<16xi32>], vector<16xf32>,
        %mul3A_702 = arith.mulf %gather3A_696, %gather3A_701 : vector<16xf32>
        %add3A_703 = arith.addf %add3A_651, %mul3A_702 : vector<16xf32>
        %add3A_704 = arith.addi %broadcast_in_dim3A_587, %select_n3A_159 : vector<16xi32>
        %gather3A_705 = arith.constant 0 : i32
        %gather3A_706 = arith.constant 0 : i32
        %gather3A_707 = tpu.memref_slice %arg14[%scan3A_422, %gather3A_705, %gather3A_706] : memref<2x32x768xf32, #tpu.memory_space<vmem>> -> memref<1x32x768xf32, #tpu.memory_space<vmem>>
        %gather3A_708 = tpu.memref_squeeze %gather3A_707 : memref<1x32x768xf32, #tpu.memory_space<vmem>> -> memref<32x768xf32, #tpu.memory_space<vmem>>
        %gather3A_709 = tpu.vector_load_idx %gather3A_708[%add3A_419, %add3A_704] : memref<32x768xf32, #tpu.memory_space<vmem>>[vector<16xi32>, vector<16xi32>], vector<16xf32>,
        %gather3A_710 = arith.constant 0 : i32
        %gather3A_711 = arith.constant 0 : i32
        %gather3A_712 = tpu.memref_slice %arg15[%scan3A_423, %gather3A_710, %gather3A_711] : memref<2x32x768xf32, #tpu.memory_space<vmem>> -> memref<1x32x768xf32, #tpu.memory_space<vmem>>
        %gather3A_713 = tpu.memref_squeeze %gather3A_712 : memref<1x32x768xf32, #tpu.memory_space<vmem>> -> memref<32x768xf32, #tpu.memory_space<vmem>>
        %gather3A_714 = tpu.vector_load_idx %gather3A_713[%add3A_419, %add3A_704] : memref<32x768xf32, #tpu.memory_space<vmem>>[vector<16xi32>, vector<16xi32>], vector<16xf32>,
        %mul3A_715 = arith.mulf %gather3A_709, %gather3A_714 : vector<16xf32>
        %add3A_716 = arith.addf %add3A_664, %mul3A_715 : vector<16xf32>
        %add3A_717 = arith.addi %broadcast_in_dim3A_587, %select_n3A_175 : vector<16xi32>
        %gather3A_718 = arith.constant 0 : i32
        %gather3A_719 = arith.constant 0 : i32
        %gather3A_720 = tpu.memref_slice %arg14[%scan3A_422, %gather3A_718, %gather3A_719] : memref<2x32x768xf32, #tpu.memory_space<vmem>> -> memref<1x32x768xf32, #tpu.memory_space<vmem>>
        %gather3A_721 = tpu.memref_squeeze %gather3A_720 : memref<1x32x768xf32, #tpu.memory_space<vmem>> -> memref<32x768xf32, #tpu.memory_space<vmem>>
        %gather3A_722 = tpu.vector_load_idx %gather3A_721[%add3A_419, %add3A_717] : memref<32x768xf32, #tpu.memory_space<vmem>>[vector<16xi32>, vector<16xi32>], vector<16xf32>,
        %gather3A_723 = arith.constant 0 : i32
        %gather3A_724 = arith.constant 0 : i32
        %gather3A_725 = tpu.memref_slice %arg15[%scan3A_423, %gather3A_723, %gather3A_724] : memref<2x32x768xf32, #tpu.memory_space<vmem>> -> memref<1x32x768xf32, #tpu.memory_space<vmem>>
        %gather3A_726 = tpu.memref_squeeze %gather3A_725 : memref<1x32x768xf32, #tpu.memory_space<vmem>> -> memref<32x768xf32, #tpu.memory_space<vmem>>
        %gather3A_727 = tpu.vector_load_idx %gather3A_726[%add3A_419, %add3A_717] : memref<32x768xf32, #tpu.memory_space<vmem>>[vector<16xi32>, vector<16xi32>], vector<16xf32>,
        %mul3A_728 = arith.mulf %gather3A_722, %gather3A_727 : vector<16xf32>
        %add3A_729 = arith.addf %add3A_677, %mul3A_728 : vector<16xf32>
        %add3A_730 = arith.addi %broadcast_in_dim3A_587, %select_n3A_191 : vector<16xi32>
        %gather3A_731 = arith.constant 0 : i32
        %gather3A_732 = arith.constant 0 : i32
        %gather3A_733 = tpu.memref_slice %arg14[%scan3A_422, %gather3A_731, %gather3A_732] : memref<2x32x768xf32, #tpu.memory_space<vmem>> -> memref<1x32x768xf32, #tpu.memory_space<vmem>>
        %gather3A_734 = tpu.memref_squeeze %gather3A_733 : memref<1x32x768xf32, #tpu.memory_space<vmem>> -> memref<32x768xf32, #tpu.memory_space<vmem>>
        %gather3A_735 = tpu.vector_load_idx %gather3A_734[%add3A_419, %add3A_730] : memref<32x768xf32, #tpu.memory_space<vmem>>[vector<16xi32>, vector<16xi32>], vector<16xf32>,
        %gather3A_736 = arith.constant 0 : i32
        %gather3A_737 = arith.constant 0 : i32
        %gather3A_738 = tpu.memref_slice %arg15[%scan3A_423, %gather3A_736, %gather3A_737] : memref<2x32x768xf32, #tpu.memory_space<vmem>> -> memref<1x32x768xf32, #tpu.memory_space<vmem>>
        %gather3A_739 = tpu.memref_squeeze %gather3A_738 : memref<1x32x768xf32, #tpu.memory_space<vmem>> -> memref<32x768xf32, #tpu.memory_space<vmem>>
        %gather3A_740 = tpu.vector_load_idx %gather3A_739[%add3A_419, %add3A_730] : memref<32x768xf32, #tpu.memory_space<vmem>>[vector<16xi32>, vector<16xi32>], vector<16xf32>,
        %mul3A_741 = arith.mulf %gather3A_735, %gather3A_740 : vector<16xf32>
        %add3A_742 = arith.addf %add3A_690, %mul3A_741 : vector<16xf32>
        %add3A_743 = arith.addi %broadcast_in_dim3A_587, %select_n3A_207 : vector<16xi32>
        %gather3A_744 = arith.constant 0 : i32
        %gather3A_745 = arith.constant 0 : i32
        %gather3A_746 = tpu.memref_slice %arg14[%scan3A_422, %gather3A_744, %gather3A_745] : memref<2x32x768xf32, #tpu.memory_space<vmem>> -> memref<1x32x768xf32, #tpu.memory_space<vmem>>
        %gather3A_747 = tpu.memref_squeeze %gather3A_746 : memref<1x32x768xf32, #tpu.memory_space<vmem>> -> memref<32x768xf32, #tpu.memory_space<vmem>>
        %gather3A_748 = tpu.vector_load_idx %gather3A_747[%add3A_419, %add3A_743] : memref<32x768xf32, #tpu.memory_space<vmem>>[vector<16xi32>, vector<16xi32>], vector<16xf32>,
        %gather3A_749 = arith.constant 0 : i32
        %gather3A_750 = arith.constant 0 : i32
        %gather3A_751 = tpu.memref_slice %arg15[%scan3A_423, %gather3A_749, %gather3A_750] : memref<2x32x768xf32, #tpu.memory_space<vmem>> -> memref<1x32x768xf32, #tpu.memory_space<vmem>>
        %gather3A_752 = tpu.memref_squeeze %gather3A_751 : memref<1x32x768xf32, #tpu.memory_space<vmem>> -> memref<32x768xf32, #tpu.memory_space<vmem>>
        %gather3A_753 = tpu.vector_load_idx %gather3A_752[%add3A_419, %add3A_743] : memref<32x768xf32, #tpu.memory_space<vmem>>[vector<16xi32>, vector<16xi32>], vector<16xf32>,
        %mul3A_754 = arith.mulf %gather3A_748, %gather3A_753 : vector<16xf32>
        %add3A_755 = arith.addf %add3A_703, %mul3A_754 : vector<16xf32>
        %add3A_756 = arith.addi %broadcast_in_dim3A_587, %select_n3A_223 : vector<16xi32>
        %gather3A_757 = arith.constant 0 : i32
        %gather3A_758 = arith.constant 0 : i32
        %gather3A_759 = tpu.memref_slice %arg14[%scan3A_422, %gather3A_757, %gather3A_758] : memref<2x32x768xf32, #tpu.memory_space<vmem>> -> memref<1x32x768xf32, #tpu.memory_space<vmem>>
        %gather3A_760 = tpu.memref_squeeze %gather3A_759 : memref<1x32x768xf32, #tpu.memory_space<vmem>> -> memref<32x768xf32, #tpu.memory_space<vmem>>
        %gather3A_761 = tpu.vector_load_idx %gather3A_760[%add3A_419, %add3A_756] : memref<32x768xf32, #tpu.memory_space<vmem>>[vector<16xi32>, vector<16xi32>], vector<16xf32>,
        %gather3A_762 = arith.constant 0 : i32
        %gather3A_763 = arith.constant 0 : i32
        %gather3A_764 = tpu.memref_slice %arg15[%scan3A_423, %gather3A_762, %gather3A_763] : memref<2x32x768xf32, #tpu.memory_space<vmem>> -> memref<1x32x768xf32, #tpu.memory_space<vmem>>
        %gather3A_765 = tpu.memref_squeeze %gather3A_764 : memref<1x32x768xf32, #tpu.memory_space<vmem>> -> memref<32x768xf32, #tpu.memory_space<vmem>>
        %gather3A_766 = tpu.vector_load_idx %gather3A_765[%add3A_419, %add3A_756] : memref<32x768xf32, #tpu.memory_space<vmem>>[vector<16xi32>, vector<16xi32>], vector<16xf32>,
        %mul3A_767 = arith.mulf %gather3A_761, %gather3A_766 : vector<16xf32>
        %add3A_768 = arith.addf %add3A_716, %mul3A_767 : vector<16xf32>
        %add3A_769 = arith.addi %broadcast_in_dim3A_587, %select_n3A_239 : vector<16xi32>
        %gather3A_770 = arith.constant 0 : i32
        %gather3A_771 = arith.constant 0 : i32
        %gather3A_772 = tpu.memref_slice %arg14[%scan3A_422, %gather3A_770, %gather3A_771] : memref<2x32x768xf32, #tpu.memory_space<vmem>> -> memref<1x32x768xf32, #tpu.memory_space<vmem>>
        %gather3A_773 = tpu.memref_squeeze %gather3A_772 : memref<1x32x768xf32, #tpu.memory_space<vmem>> -> memref<32x768xf32, #tpu.memory_space<vmem>>
        %gather3A_774 = tpu.vector_load_idx %gather3A_773[%add3A_419, %add3A_769] : memref<32x768xf32, #tpu.memory_space<vmem>>[vector<16xi32>, vector<16xi32>], vector<16xf32>,
        %gather3A_775 = arith.constant 0 : i32
        %gather3A_776 = arith.constant 0 : i32
        %gather3A_777 = tpu.memref_slice %arg15[%scan3A_423, %gather3A_775, %gather3A_776] : memref<2x32x768xf32, #tpu.memory_space<vmem>> -> memref<1x32x768xf32, #tpu.memory_space<vmem>>
        %gather3A_778 = tpu.memref_squeeze %gather3A_777 : memref<1x32x768xf32, #tpu.memory_space<vmem>> -> memref<32x768xf32, #tpu.memory_space<vmem>>
        %gather3A_779 = tpu.vector_load_idx %gather3A_778[%add3A_419, %add3A_769] : memref<32x768xf32, #tpu.memory_space<vmem>>[vector<16xi32>, vector<16xi32>], vector<16xf32>,
        %mul3A_780 = arith.mulf %gather3A_774, %gather3A_779 : vector<16xf32>
        %add3A_781 = arith.addf %add3A_729, %mul3A_780 : vector<16xf32>
        %add3A_782 = arith.addi %broadcast_in_dim3A_587, %select_n3A_255 : vector<16xi32>
        %gather3A_783 = arith.constant 0 : i32
        %gather3A_784 = arith.constant 0 : i32
        %gather3A_785 = tpu.memref_slice %arg14[%scan3A_422, %gather3A_783, %gather3A_784] : memref<2x32x768xf32, #tpu.memory_space<vmem>> -> memref<1x32x768xf32, #tpu.memory_space<vmem>>
        %gather3A_786 = tpu.memref_squeeze %gather3A_785 : memref<1x32x768xf32, #tpu.memory_space<vmem>> -> memref<32x768xf32, #tpu.memory_space<vmem>>
        %gather3A_787 = tpu.vector_load_idx %gather3A_786[%add3A_419, %add3A_782] : memref<32x768xf32, #tpu.memory_space<vmem>>[vector<16xi32>, vector<16xi32>], vector<16xf32>,
        %gather3A_788 = arith.constant 0 : i32
        %gather3A_789 = arith.constant 0 : i32
        %gather3A_790 = tpu.memref_slice %arg15[%scan3A_423, %gather3A_788, %gather3A_789] : memref<2x32x768xf32, #tpu.memory_space<vmem>> -> memref<1x32x768xf32, #tpu.memory_space<vmem>>
        %gather3A_791 = tpu.memref_squeeze %gather3A_790 : memref<1x32x768xf32, #tpu.memory_space<vmem>> -> memref<32x768xf32, #tpu.memory_space<vmem>>
        %gather3A_792 = tpu.vector_load_idx %gather3A_791[%add3A_419, %add3A_782] : memref<32x768xf32, #tpu.memory_space<vmem>>[vector<16xi32>, vector<16xi32>], vector<16xf32>,
        %mul3A_793 = arith.mulf %gather3A_787, %gather3A_792 : vector<16xf32>
        %add3A_794 = arith.addf %add3A_742, %mul3A_793 : vector<16xf32>
        scf.yield %add3A_755, %add3A_768, %add3A_781, %add3A_794 : vector<16xf32>, vector<16xf32>, vector<16xf32>, vector<16xf32>
      }
      %scan3A_429 = arith.constant 48 : i32
      %get3A_430 = arith.constant 0 : i32
      %get3A_431 = arith.constant 0 : i32
      %get3A_432 = tpu.memref_slice %arg16[%get3A_430, %get3A_431] : memref<2x32xf32, #tpu.memory_space<vmem>> -> memref<1x32xf32, #tpu.memory_space<vmem>>
      %get3A_433 = tpu.memref_squeeze %get3A_432 : memref<1x32xf32, #tpu.memory_space<vmem>> -> memref<32xf32, #tpu.memory_space<vmem>>
      %get3A_434 = arith.constant 16 : index
      %get3A_435 = tpu.vector_load %get3A_433[%get3A_434] {strides = array<i32>} : memref<32xf32, #tpu.memory_space<vmem>>, vector<16xf32>,
      %get3A_436 = arith.constant 0 : i32
      %get3A_437 = arith.constant 0 : i32
      %get3A_438 = tpu.memref_slice %arg17[%get3A_436, %get3A_437] : memref<2x32xf32, #tpu.memory_space<vmem>> -> memref<1x32xf32, #tpu.memory_space<vmem>>
      %get3A_439 = tpu.memref_squeeze %get3A_438 : memref<1x32xf32, #tpu.memory_space<vmem>> -> memref<32xf32, #tpu.memory_space<vmem>>
      %get3A_440 = arith.constant 16 : index
      %get3A_441 = tpu.vector_load %get3A_439[%get3A_440] {strides = array<i32>} : memref<32xf32, #tpu.memory_space<vmem>>, vector<16xf32>,
      %add3A_442 = arith.addf %get3A_435, %get3A_441 : vector<16xf32>
      %add3A_443 = arith.addf %scan3A_428#0, %scan3A_428#1 : vector<16xf32>
      %add3A_444 = arith.addf %scan3A_428#2, %scan3A_428#3 : vector<16xf32>
      %add3A_445 = arith.addf %add3A_443, %add3A_444 : vector<16xf32>
      %add3A_446 = arith.addf %add3A_445, %add3A_442 : vector<16xf32>
      %get3A_447 = arith.constant 0 : index
      %get3A_448 = tpu.vector_load %arg19[%get3A_447] {strides = array<i32>} : memref<16xf32, #tpu.memory_space<vmem>>, vector<16xf32>,
      %add3A_449 = arith.addf %add3A_446, %get3A_448 : vector<16xf32>
      %mul3A_450 = arith.constant 32 : i32
      %mul3A_451 = arith.muli %mul3A_299, %mul3A_450 : i32
      %add3A_452 = arith.constant 16 : i32
      %add3A_453 = arith.addi %mul3A_451, %add3A_452 : i32
      %swap3A_454 = arith.index_cast %add3A_453 : i32 to index
      %swap3A_455 = tpu.vector_load %arg18[%swap3A_454] {strides = array<i32>} : memref<512xf32, #tpu.memory_space<vmem>>, vector<16xf32>,
      tpu.vector_store %arg18[%swap3A_454], %add3A_449 {strides = array<i32>} : memref<512xf32, #tpu.memory_space<vmem>>, vector<16xf32>,
      %lt3A = arith.constant 7 : i32
      %lt3A_456 = arith.cmpi slt, %scan3A_297, %lt3A : i32
      %convert_element_type3A = arith.extui %lt3A_456 : i1 to i32
      %cond3A = arith.constant 0 : i32
      %cond3A_457 = arith.cmpi ne, %convert_element_type3A, %cond3A : i32
      scf.if %cond3A_457 {
        %add3A_580 = arith.constant 2 : i32
        %add3A_581 = arith.addi %mul3A_299, %add3A_580 : i32
        %mul3A_582 = arith.constant 32 : i32
        %mul3A_583 = arith.muli %add3A_581, %mul3A_582 : i32
        %mul3A_584 = arith.constant 32 : i32
        %mul3A_585 = arith.muli %add3A_581, %mul3A_584 : i32
        %mul3A_586 = arith.constant 32 : i32
        %mul3A_587 = arith.muli %add3A_581, %mul3A_586 : i32
        %mul3A_588 = arith.constant 32 : i32
        %mul3A_589 = arith.muli %add3A_581, %mul3A_588 : i32
        %dma_start3A_590 = arith.constant 0 : i32
        %dma_start3A_591 = arith.constant 0 : i32
        %dma_start3A_592 = arith.constant 0 : i32
        %dma_start3A_593 = tpu.memref_slice %arg14[%dma_start3A_590, %dma_start3A_591, %dma_start3A_592] : memref<2x32x768xf32, #tpu.memory_space<vmem>> -> memref<1x32x768xf32, #tpu.memory_space<vmem>>
        %dma_start3A_594 = tpu.memref_squeeze %dma_start3A_593 : memref<1x32x768xf32, #tpu.memory_space<vmem>> -> memref<32x768xf32, #tpu.memory_space<vmem>>
        %dma_start3A_595 = tpu.memref_slice %arg12[%mul3A_583] : memref<512xi32, #tpu.memory_space<vmem>> -> memref<32xi32, #tpu.memory_space<vmem>>
        %dma_start3A_596 = arith.constant 0 : i32
        %dma_start3A_597 = arith.constant 0 : i32
        %dma_start3A_598 = tpu.memref_slice %arg4[%dma_start3A_596, %dma_start3A_597] : memref<100000x768xf32, #tpu.memory_space<hbm>> -> memref<100000x768xf32, #tpu.memory_space<hbm>>
        tpu.enqueue_indirect_dma source(%dma_start3A_598 : memref<100000x768xf32, #tpu.memory_space<hbm>>) target(%dma_start3A_594 : memref<32x768xf32, #tpu.memory_space<vmem>>) offsets(%dma_start3A_595 : memref<32xi32, #tpu.memory_space<vmem>>) semaphore(%arg20 : memref<!tpu.dma_semaphore, #tpu.memory_space<semaphore_mem>>)
        %dma_start3A_599 = arith.constant 0 : i32
        %dma_start3A_600 = arith.constant 0 : i32
        %dma_start3A_601 = arith.constant 0 : i32
        %dma_start3A_602 = tpu.memref_slice %arg15[%dma_start3A_599, %dma_start3A_600, %dma_start3A_601] : memref<2x32x768xf32, #tpu.memory_space<vmem>> -> memref<1x32x768xf32, #tpu.memory_space<vmem>>
        %dma_start3A_603 = tpu.memref_squeeze %dma_start3A_602 : memref<1x32x768xf32, #tpu.memory_space<vmem>> -> memref<32x768xf32, #tpu.memory_space<vmem>>
        %dma_start3A_604 = tpu.memref_slice %arg13[%mul3A_585] : memref<512xi32, #tpu.memory_space<vmem>> -> memref<32xi32, #tpu.memory_space<vmem>>
        %dma_start3A_605 = arith.constant 0 : i32
        %dma_start3A_606 = arith.constant 0 : i32
        %dma_start3A_607 = tpu.memref_slice %arg5[%dma_start3A_605, %dma_start3A_606] : memref<100000x768xf32, #tpu.memory_space<hbm>> -> memref<100000x768xf32, #tpu.memory_space<hbm>>
        tpu.enqueue_indirect_dma source(%dma_start3A_607 : memref<100000x768xf32, #tpu.memory_space<hbm>>) target(%dma_start3A_603 : memref<32x768xf32, #tpu.memory_space<vmem>>) offsets(%dma_start3A_604 : memref<32xi32, #tpu.memory_space<vmem>>) semaphore(%arg20 : memref<!tpu.dma_semaphore, #tpu.memory_space<semaphore_mem>>)
        %dma_start3A_608 = arith.constant 0 : i32
        %dma_start3A_609 = arith.constant 0 : i32
        %dma_start3A_610 = tpu.memref_slice %arg16[%dma_start3A_608, %dma_start3A_609] : memref<2x32xf32, #tpu.memory_space<vmem>> -> memref<1x32xf32, #tpu.memory_space<vmem>>
        %dma_start3A_611 = tpu.memref_squeeze %dma_start3A_610 : memref<1x32xf32, #tpu.memory_space<vmem>> -> memref<32xf32, #tpu.memory_space<vmem>>
        %dma_start3A_612 = tpu.memref_slice %arg12[%mul3A_587] : memref<512xi32, #tpu.memory_space<vmem>> -> memref<32xi32, #tpu.memory_space<vmem>>
        %dma_start3A_613 = arith.constant 0 : i32
        %dma_start3A_614 = tpu.memref_slice %arg6[%dma_start3A_613] : memref<100000xf32, #tpu.memory_space<hbm>> -> memref<100000xf32, #tpu.memory_space<hbm>>
        tpu.enqueue_indirect_dma source(%dma_start3A_614 : memref<100000xf32, #tpu.memory_space<hbm>>) target(%dma_start3A_611 : memref<32xf32, #tpu.memory_space<vmem>>) offsets(%dma_start3A_612 : memref<32xi32, #tpu.memory_space<vmem>>) semaphore(%arg20 : memref<!tpu.dma_semaphore, #tpu.memory_space<semaphore_mem>>)
        %dma_start3A_615 = arith.constant 0 : i32
        %dma_start3A_616 = arith.constant 0 : i32
        %dma_start3A_617 = tpu.memref_slice %arg17[%dma_start3A_615, %dma_start3A_616] : memref<2x32xf32, #tpu.memory_space<vmem>> -> memref<1x32xf32, #tpu.memory_space<vmem>>
        %dma_start3A_618 = tpu.memref_squeeze %dma_start3A_617 : memref<1x32xf32, #tpu.memory_space<vmem>> -> memref<32xf32, #tpu.memory_space<vmem>>
        %dma_start3A_619 = tpu.memref_slice %arg13[%mul3A_589] : memref<512xi32, #tpu.memory_space<vmem>> -> memref<32xi32, #tpu.memory_space<vmem>>
        %dma_start3A_620 = arith.constant 0 : i32
        %dma_start3A_621 = tpu.memref_slice %arg7[%dma_start3A_620] : memref<100000xf32, #tpu.memory_space<hbm>> -> memref<100000xf32, #tpu.memory_space<hbm>>
        tpu.enqueue_indirect_dma source(%dma_start3A_621 : memref<100000xf32, #tpu.memory_space<hbm>>) target(%dma_start3A_618 : memref<32xf32, #tpu.memory_space<vmem>>) offsets(%dma_start3A_619 : memref<32xi32, #tpu.memory_space<vmem>>) semaphore(%arg20 : memref<!tpu.dma_semaphore, #tpu.memory_space<semaphore_mem>>)
      } else {
      }
      %add3A_458 = arith.constant 1 : i32
      %add3A_459 = arith.addi %mul3A_299, %add3A_458 : i32
      %mul3A_460 = arith.constant 32 : i32
      %mul3A_461 = arith.muli %add3A_459, %mul3A_460 : i32
      %mul3A_462 = arith.constant 32 : i32
      %mul3A_463 = arith.muli %add3A_459, %mul3A_462 : i32
      %mul3A_464 = arith.constant 32 : i32
      %mul3A_465 = arith.muli %add3A_459, %mul3A_464 : i32
      %mul3A_466 = arith.constant 32 : i32
      %mul3A_467 = arith.muli %add3A_459, %mul3A_466 : i32
      %dma_wait3A_468 = arith.constant 1 : i32
      %dma_wait3A_469 = arith.constant 0 : i32
      %dma_wait3A_470 = arith.constant 0 : i32
      %dma_wait3A_471 = tpu.memref_slice %arg14[%dma_wait3A_468, %dma_wait3A_469, %dma_wait3A_470] : memref<2x32x768xf32, #tpu.memory_space<vmem>> -> memref<1x32x768xf32, #tpu.memory_space<vmem>>
      %dma_wait3A_472 = tpu.memref_squeeze %dma_wait3A_471 : memref<1x32x768xf32, #tpu.memory_space<vmem>> -> memref<32x768xf32, #tpu.memory_space<vmem>>
      %dma_wait3A_473 = tpu.memref_slice %arg12[%mul3A_461] : memref<512xi32, #tpu.memory_space<vmem>> -> memref<32xi32, #tpu.memory_space<vmem>>
      %dma_wait3A_474 = arith.constant 0 : i32
      %dma_wait3A_475 = arith.constant 0 : i32
      %dma_wait3A_476 = tpu.memref_slice %arg4[%dma_wait3A_474, %dma_wait3A_475] : memref<100000x768xf32, #tpu.memory_space<hbm>> -> memref<100000x768xf32, #tpu.memory_space<hbm>>
      tpu.wait_indirect_dma semaphore(%arg21 : memref<!tpu.dma_semaphore, #tpu.memory_space<semaphore_mem>>) src(%dma_wait3A_476 : memref<100000x768xf32, #tpu.memory_space<hbm>>) dst(%dma_wait3A_472 : memref<32x768xf32, #tpu.memory_space<vmem>>)
      %dma_wait3A_477 = arith.constant 1 : i32
      %dma_wait3A_478 = arith.constant 0 : i32
      %dma_wait3A_479 = arith.constant 0 : i32
      %dma_wait3A_480 = tpu.memref_slice %arg15[%dma_wait3A_477, %dma_wait3A_478, %dma_wait3A_479] : memref<2x32x768xf32, #tpu.memory_space<vmem>> -> memref<1x32x768xf32, #tpu.memory_space<vmem>>
      %dma_wait3A_481 = tpu.memref_squeeze %dma_wait3A_480 : memref<1x32x768xf32, #tpu.memory_space<vmem>> -> memref<32x768xf32, #tpu.memory_space<vmem>>
      %dma_wait3A_482 = tpu.memref_slice %arg13[%mul3A_463] : memref<512xi32, #tpu.memory_space<vmem>> -> memref<32xi32, #tpu.memory_space<vmem>>
      %dma_wait3A_483 = arith.constant 0 : i32
      %dma_wait3A_484 = arith.constant 0 : i32
      %dma_wait3A_485 = tpu.memref_slice %arg5[%dma_wait3A_483, %dma_wait3A_484] : memref<100000x768xf32, #tpu.memory_space<hbm>> -> memref<100000x768xf32, #tpu.memory_space<hbm>>
      tpu.wait_indirect_dma semaphore(%arg21 : memref<!tpu.dma_semaphore, #tpu.memory_space<semaphore_mem>>) src(%dma_wait3A_485 : memref<100000x768xf32, #tpu.memory_space<hbm>>) dst(%dma_wait3A_481 : memref<32x768xf32, #tpu.memory_space<vmem>>)
      %dma_wait3A_486 = arith.constant 1 : i32
      %dma_wait3A_487 = arith.constant 0 : i32
      %dma_wait3A_488 = tpu.memref_slice %arg16[%dma_wait3A_486, %dma_wait3A_487] : memref<2x32xf32, #tpu.memory_space<vmem>> -> memref<1x32xf32, #tpu.memory_space<vmem>>
      %dma_wait3A_489 = tpu.memref_squeeze %dma_wait3A_488 : memref<1x32xf32, #tpu.memory_space<vmem>> -> memref<32xf32, #tpu.memory_space<vmem>>
      %dma_wait3A_490 = tpu.memref_slice %arg12[%mul3A_465] : memref<512xi32, #tpu.memory_space<vmem>> -> memref<32xi32, #tpu.memory_space<vmem>>
      %dma_wait3A_491 = arith.constant 0 : i32
      %dma_wait3A_492 = tpu.memref_slice %arg6[%dma_wait3A_491] : memref<100000xf32, #tpu.memory_space<hbm>> -> memref<100000xf32, #tpu.memory_space<hbm>>
      tpu.wait_indirect_dma semaphore(%arg21 : memref<!tpu.dma_semaphore, #tpu.memory_space<semaphore_mem>>) src(%dma_wait3A_492 : memref<100000xf32, #tpu.memory_space<hbm>>) dst(%dma_wait3A_489 : memref<32xf32, #tpu.memory_space<vmem>>)
      %dma_wait3A_493 = arith.constant 1 : i32
      %dma_wait3A_494 = arith.constant 0 : i32
      %dma_wait3A_495 = tpu.memref_slice %arg17[%dma_wait3A_493, %dma_wait3A_494] : memref<2x32xf32, #tpu.memory_space<vmem>> -> memref<1x32xf32, #tpu.memory_space<vmem>>
      %dma_wait3A_496 = tpu.memref_squeeze %dma_wait3A_495 : memref<1x32xf32, #tpu.memory_space<vmem>> -> memref<32xf32, #tpu.memory_space<vmem>>
      %dma_wait3A_497 = tpu.memref_slice %arg13[%mul3A_467] : memref<512xi32, #tpu.memory_space<vmem>> -> memref<32xi32, #tpu.memory_space<vmem>>
      %dma_wait3A_498 = arith.constant 0 : i32
      %dma_wait3A_499 = tpu.memref_slice %arg7[%dma_wait3A_498] : memref<100000xf32, #tpu.memory_space<hbm>> -> memref<100000xf32, #tpu.memory_space<hbm>>
      tpu.wait_indirect_dma semaphore(%arg21 : memref<!tpu.dma_semaphore, #tpu.memory_space<semaphore_mem>>) src(%dma_wait3A_499 : memref<100000xf32, #tpu.memory_space<hbm>>) dst(%dma_wait3A_496 : memref<32xf32, #tpu.memory_space<vmem>>)
      %add3A_500 = arith.constant 1 : i32
      %add3A_501 = arith.addi %mul3A_299, %add3A_500 : i32
      %add3A_502 = arith.constant 0 : i32
      %add3A_503 = vector.broadcast %add3A_502 : i32 to vector<16xi32>
      %add3A_504 = arith.addi %iota3A_256, %add3A_503 : vector<16xi32>
      %broadcast_in_dim3A_505 = arith.constant 0.000000e+00 : f32
      %broadcast_in_dim3A_506 = vector.broadcast %broadcast_in_dim3A_505 : f32 to vector<16xf32>
      %scan3A_507 = arith.constant 1 : i32
      %scan3A_508 = arith.constant 1 : i32
      %scan3A_509 = arith.constant 0 : i32
      %scan3A_510 = arith.constant 48 : i32
      %scan3A_511 = arith.addi %scan3A_509, %scan3A_510 : i32
      %scan3A_512 = arith.constant 1 : i32
      %scan3A_513:4 = scf.for %scan3A_580 = %scan3A_509 to %scan3A_511 step %scan3A_512 iter_args(%scan3A_581 = %broadcast_in_dim3A_506, %scan3A_582 = %broadcast_in_dim3A_506, %scan3A_583 = %broadcast_in_dim3A_506, %scan3A_584 = %broadcast_in_dim3A_506) -> (vector<16xf32>, vector<16xf32>, vector<16xf32>, vector<16xf32>)  : i32 {
        %mul3A_585 = arith.constant 16 : i32
        %mul3A_586 = arith.muli %scan3A_580, %mul3A_585 : i32
        %broadcast_in_dim3A_587 = vector.broadcast %mul3A_586 : i32 to vector<16xi32>
        %add3A_588 = arith.addi %broadcast_in_dim3A_587, %select_n3A : vector<16xi32>
        %gather3A = arith.constant 0 : i32
        %gather3A_589 = arith.constant 0 : i32
        %gather3A_590 = tpu.memref_slice %arg14[%scan3A_507, %gather3A, %gather3A_589] : memref<2x32x768xf32, #tpu.memory_space<vmem>> -> memref<1x32x768xf32, #tpu.memory_space<vmem>>
        %gather3A_591 = tpu.memref_squeeze %gather3A_590 : memref<1x32x768xf32, #tpu.memory_space<vmem>> -> memref<32x768xf32, #tpu.memory_space<vmem>>
        %gather3A_592 = tpu.vector_load_idx %gather3A_591[%add3A_504, %add3A_588] : memref<32x768xf32, #tpu.memory_space<vmem>>[vector<16xi32>, vector<16xi32>], vector<16xf32>,
        %gather3A_593 = arith.constant 0 : i32
        %gather3A_594 = arith.constant 0 : i32
        %gather3A_595 = tpu.memref_slice %arg15[%scan3A_508, %gather3A_593, %gather3A_594] : memref<2x32x768xf32, #tpu.memory_space<vmem>> -> memref<1x32x768xf32, #tpu.memory_space<vmem>>
        %gather3A_596 = tpu.memref_squeeze %gather3A_595 : memref<1x32x768xf32, #tpu.memory_space<vmem>> -> memref<32x768xf32, #tpu.memory_space<vmem>>
        %gather3A_597 = tpu.vector_load_idx %gather3A_596[%add3A_504, %add3A_588] : memref<32x768xf32, #tpu.memory_space<vmem>>[vector<16xi32>, vector<16xi32>], vector<16xf32>,
        %mul3A_598 = arith.mulf %gather3A_592, %gather3A_597 : vector<16xf32>
        %add3A_599 = arith.addf %scan3A_581, %mul3A_598 : vector<16xf32>
        %add3A_600 = arith.addi %broadcast_in_dim3A_587, %select_n3A_31 : vector<16xi32>
        %gather3A_601 = arith.constant 0 : i32
        %gather3A_602 = arith.constant 0 : i32
        %gather3A_603 = tpu.memref_slice %arg14[%scan3A_507, %gather3A_601, %gather3A_602] : memref<2x32x768xf32, #tpu.memory_space<vmem>> -> memref<1x32x768xf32, #tpu.memory_space<vmem>>
        %gather3A_604 = tpu.memref_squeeze %gather3A_603 : memref<1x32x768xf32, #tpu.memory_space<vmem>> -> memref<32x768xf32, #tpu.memory_space<vmem>>
        %gather3A_605 = tpu.vector_load_idx %gather3A_604[%add3A_504, %add3A_600] : memref<32x768xf32, #tpu.memory_space<vmem>>[vector<16xi32>, vector<16xi32>], vector<16xf32>,
        %gather3A_606 = arith.constant 0 : i32
        %gather3A_607 = arith.constant 0 : i32
        %gather3A_608 = tpu.memref_slice %arg15[%scan3A_508, %gather3A_606, %gather3A_607] : memref<2x32x768xf32, #tpu.memory_space<vmem>> -> memref<1x32x768xf32, #tpu.memory_space<vmem>>
        %gather3A_609 = tpu.memref_squeeze %gather3A_608 : memref<1x32x768xf32, #tpu.memory_space<vmem>> -> memref<32x768xf32, #tpu.memory_space<vmem>>
        %gather3A_610 = tpu.vector_load_idx %gather3A_609[%add3A_504, %add3A_600] : memref<32x768xf32, #tpu.memory_space<vmem>>[vector<16xi32>, vector<16xi32>], vector<16xf32>,
        %mul3A_611 = arith.mulf %gather3A_605, %gather3A_610 : vector<16xf32>
        %add3A_612 = arith.addf %scan3A_582, %mul3A_611 : vector<16xf32>
        %add3A_613 = arith.addi %broadcast_in_dim3A_587, %select_n3A_47 : vector<16xi32>
        %gather3A_614 = arith.constant 0 : i32
        %gather3A_615 = arith.constant 0 : i32
        %gather3A_616 = tpu.memref_slice %arg14[%scan3A_507, %gather3A_614, %gather3A_615] : memref<2x32x768xf32, #tpu.memory_space<vmem>> -> memref<1x32x768xf32, #tpu.memory_space<vmem>>
        %gather3A_617 = tpu.memref_squeeze %gather3A_616 : memref<1x32x768xf32, #tpu.memory_space<vmem>> -> memref<32x768xf32, #tpu.memory_space<vmem>>
        %gather3A_618 = tpu.vector_load_idx %gather3A_617[%add3A_504, %add3A_613] : memref<32x768xf32, #tpu.memory_space<vmem>>[vector<16xi32>, vector<16xi32>], vector<16xf32>,
        %gather3A_619 = arith.constant 0 : i32
        %gather3A_620 = arith.constant 0 : i32
        %gather3A_621 = tpu.memref_slice %arg15[%scan3A_508, %gather3A_619, %gather3A_620] : memref<2x32x768xf32, #tpu.memory_space<vmem>> -> memref<1x32x768xf32, #tpu.memory_space<vmem>>
        %gather3A_622 = tpu.memref_squeeze %gather3A_621 : memref<1x32x768xf32, #tpu.memory_space<vmem>> -> memref<32x768xf32, #tpu.memory_space<vmem>>
        %gather3A_623 = tpu.vector_load_idx %gather3A_622[%add3A_504, %add3A_613] : memref<32x768xf32, #tpu.memory_space<vmem>>[vector<16xi32>, vector<16xi32>], vector<16xf32>,
        %mul3A_624 = arith.mulf %gather3A_618, %gather3A_623 : vector<16xf32>
        %add3A_625 = arith.addf %scan3A_583, %mul3A_624 : vector<16xf32>
        %add3A_626 = arith.addi %broadcast_in_dim3A_587, %select_n3A_63 : vector<16xi32>
        %gather3A_627 = arith.constant 0 : i32
        %gather3A_628 = arith.constant 0 : i32
        %gather3A_629 = tpu.memref_slice %arg14[%scan3A_507, %gather3A_627, %gather3A_628] : memref<2x32x768xf32, #tpu.memory_space<vmem>> -> memref<1x32x768xf32, #tpu.memory_space<vmem>>
        %gather3A_630 = tpu.memref_squeeze %gather3A_629 : memref<1x32x768xf32, #tpu.memory_space<vmem>> -> memref<32x768xf32, #tpu.memory_space<vmem>>
        %gather3A_631 = tpu.vector_load_idx %gather3A_630[%add3A_504, %add3A_626] : memref<32x768xf32, #tpu.memory_space<vmem>>[vector<16xi32>, vector<16xi32>], vector<16xf32>,
        %gather3A_632 = arith.constant 0 : i32
        %gather3A_633 = arith.constant 0 : i32
        %gather3A_634 = tpu.memref_slice %arg15[%scan3A_508, %gather3A_632, %gather3A_633] : memref<2x32x768xf32, #tpu.memory_space<vmem>> -> memref<1x32x768xf32, #tpu.memory_space<vmem>>
        %gather3A_635 = tpu.memref_squeeze %gather3A_634 : memref<1x32x768xf32, #tpu.memory_space<vmem>> -> memref<32x768xf32, #tpu.memory_space<vmem>>
        %gather3A_636 = tpu.vector_load_idx %gather3A_635[%add3A_504, %add3A_626] : memref<32x768xf32, #tpu.memory_space<vmem>>[vector<16xi32>, vector<16xi32>], vector<16xf32>,
        %mul3A_637 = arith.mulf %gather3A_631, %gather3A_636 : vector<16xf32>
        %add3A_638 = arith.addf %scan3A_584, %mul3A_637 : vector<16xf32>
        %add3A_639 = arith.addi %broadcast_in_dim3A_587, %select_n3A_79 : vector<16xi32>
        %gather3A_640 = arith.constant 0 : i32
        %gather3A_641 = arith.constant 0 : i32
        %gather3A_642 = tpu.memref_slice %arg14[%scan3A_507, %gather3A_640, %gather3A_641] : memref<2x32x768xf32, #tpu.memory_space<vmem>> -> memref<1x32x768xf32, #tpu.memory_space<vmem>>
        %gather3A_643 = tpu.memref_squeeze %gather3A_642 : memref<1x32x768xf32, #tpu.memory_space<vmem>> -> memref<32x768xf32, #tpu.memory_space<vmem>>
        %gather3A_644 = tpu.vector_load_idx %gather3A_643[%add3A_504, %add3A_639] : memref<32x768xf32, #tpu.memory_space<vmem>>[vector<16xi32>, vector<16xi32>], vector<16xf32>,
        %gather3A_645 = arith.constant 0 : i32
        %gather3A_646 = arith.constant 0 : i32
        %gather3A_647 = tpu.memref_slice %arg15[%scan3A_508, %gather3A_645, %gather3A_646] : memref<2x32x768xf32, #tpu.memory_space<vmem>> -> memref<1x32x768xf32, #tpu.memory_space<vmem>>
        %gather3A_648 = tpu.memref_squeeze %gather3A_647 : memref<1x32x768xf32, #tpu.memory_space<vmem>> -> memref<32x768xf32, #tpu.memory_space<vmem>>
        %gather3A_649 = tpu.vector_load_idx %gather3A_648[%add3A_504, %add3A_639] : memref<32x768xf32, #tpu.memory_space<vmem>>[vector<16xi32>, vector<16xi32>], vector<16xf32>,
        %mul3A_650 = arith.mulf %gather3A_644, %gather3A_649 : vector<16xf32>
        %add3A_651 = arith.addf %add3A_599, %mul3A_650 : vector<16xf32>
        %add3A_652 = arith.addi %broadcast_in_dim3A_587, %select_n3A_95 : vector<16xi32>
        %gather3A_653 = arith.constant 0 : i32
        %gather3A_654 = arith.constant 0 : i32
        %gather3A_655 = tpu.memref_slice %arg14[%scan3A_507, %gather3A_653, %gather3A_654] : memref<2x32x768xf32, #tpu.memory_space<vmem>> -> memref<1x32x768xf32, #tpu.memory_space<vmem>>
        %gather3A_656 = tpu.memref_squeeze %gather3A_655 : memref<1x32x768xf32, #tpu.memory_space<vmem>> -> memref<32x768xf32, #tpu.memory_space<vmem>>
        %gather3A_657 = tpu.vector_load_idx %gather3A_656[%add3A_504, %add3A_652] : memref<32x768xf32, #tpu.memory_space<vmem>>[vector<16xi32>, vector<16xi32>], vector<16xf32>,
        %gather3A_658 = arith.constant 0 : i32
        %gather3A_659 = arith.constant 0 : i32
        %gather3A_660 = tpu.memref_slice %arg15[%scan3A_508, %gather3A_658, %gather3A_659] : memref<2x32x768xf32, #tpu.memory_space<vmem>> -> memref<1x32x768xf32, #tpu.memory_space<vmem>>
        %gather3A_661 = tpu.memref_squeeze %gather3A_660 : memref<1x32x768xf32, #tpu.memory_space<vmem>> -> memref<32x768xf32, #tpu.memory_space<vmem>>
        %gather3A_662 = tpu.vector_load_idx %gather3A_661[%add3A_504, %add3A_652] : memref<32x768xf32, #tpu.memory_space<vmem>>[vector<16xi32>, vector<16xi32>], vector<16xf32>,
        %mul3A_663 = arith.mulf %gather3A_657, %gather3A_662 : vector<16xf32>
        %add3A_664 = arith.addf %add3A_612, %mul3A_663 : vector<16xf32>
        %add3A_665 = arith.addi %broadcast_in_dim3A_587, %select_n3A_111 : vector<16xi32>
        %gather3A_666 = arith.constant 0 : i32
        %gather3A_667 = arith.constant 0 : i32
        %gather3A_668 = tpu.memref_slice %arg14[%scan3A_507, %gather3A_666, %gather3A_667] : memref<2x32x768xf32, #tpu.memory_space<vmem>> -> memref<1x32x768xf32, #tpu.memory_space<vmem>>
        %gather3A_669 = tpu.memref_squeeze %gather3A_668 : memref<1x32x768xf32, #tpu.memory_space<vmem>> -> memref<32x768xf32, #tpu.memory_space<vmem>>
        %gather3A_670 = tpu.vector_load_idx %gather3A_669[%add3A_504, %add3A_665] : memref<32x768xf32, #tpu.memory_space<vmem>>[vector<16xi32>, vector<16xi32>], vector<16xf32>,
        %gather3A_671 = arith.constant 0 : i32
        %gather3A_672 = arith.constant 0 : i32
        %gather3A_673 = tpu.memref_slice %arg15[%scan3A_508, %gather3A_671, %gather3A_672] : memref<2x32x768xf32, #tpu.memory_space<vmem>> -> memref<1x32x768xf32, #tpu.memory_space<vmem>>
        %gather3A_674 = tpu.memref_squeeze %gather3A_673 : memref<1x32x768xf32, #tpu.memory_space<vmem>> -> memref<32x768xf32, #tpu.memory_space<vmem>>
        %gather3A_675 = tpu.vector_load_idx %gather3A_674[%add3A_504, %add3A_665] : memref<32x768xf32, #tpu.memory_space<vmem>>[vector<16xi32>, vector<16xi32>], vector<16xf32>,
        %mul3A_676 = arith.mulf %gather3A_670, %gather3A_675 : vector<16xf32>
        %add3A_677 = arith.addf %add3A_625, %mul3A_676 : vector<16xf32>
        %add3A_678 = arith.addi %broadcast_in_dim3A_587, %select_n3A_127 : vector<16xi32>
        %gather3A_679 = arith.constant 0 : i32
        %gather3A_680 = arith.constant 0 : i32
        %gather3A_681 = tpu.memref_slice %arg14[%scan3A_507, %gather3A_679, %gather3A_680] : memref<2x32x768xf32, #tpu.memory_space<vmem>> -> memref<1x32x768xf32, #tpu.memory_space<vmem>>
        %gather3A_682 = tpu.memref_squeeze %gather3A_681 : memref<1x32x768xf32, #tpu.memory_space<vmem>> -> memref<32x768xf32, #tpu.memory_space<vmem>>
        %gather3A_683 = tpu.vector_load_idx %gather3A_682[%add3A_504, %add3A_678] : memref<32x768xf32, #tpu.memory_space<vmem>>[vector<16xi32>, vector<16xi32>], vector<16xf32>,
        %gather3A_684 = arith.constant 0 : i32
        %gather3A_685 = arith.constant 0 : i32
        %gather3A_686 = tpu.memref_slice %arg15[%scan3A_508, %gather3A_684, %gather3A_685] : memref<2x32x768xf32, #tpu.memory_space<vmem>> -> memref<1x32x768xf32, #tpu.memory_space<vmem>>
        %gather3A_687 = tpu.memref_squeeze %gather3A_686 : memref<1x32x768xf32, #tpu.memory_space<vmem>> -> memref<32x768xf32, #tpu.memory_space<vmem>>
        %gather3A_688 = tpu.vector_load_idx %gather3A_687[%add3A_504, %add3A_678] : memref<32x768xf32, #tpu.memory_space<vmem>>[vector<16xi32>, vector<16xi32>], vector<16xf32>,
        %mul3A_689 = arith.mulf %gather3A_683, %gather3A_688 : vector<16xf32>
        %add3A_690 = arith.addf %add3A_638, %mul3A_689 : vector<16xf32>
        %add3A_691 = arith.addi %broadcast_in_dim3A_587, %select_n3A_143 : vector<16xi32>
        %gather3A_692 = arith.constant 0 : i32
        %gather3A_693 = arith.constant 0 : i32
        %gather3A_694 = tpu.memref_slice %arg14[%scan3A_507, %gather3A_692, %gather3A_693] : memref<2x32x768xf32, #tpu.memory_space<vmem>> -> memref<1x32x768xf32, #tpu.memory_space<vmem>>
        %gather3A_695 = tpu.memref_squeeze %gather3A_694 : memref<1x32x768xf32, #tpu.memory_space<vmem>> -> memref<32x768xf32, #tpu.memory_space<vmem>>
        %gather3A_696 = tpu.vector_load_idx %gather3A_695[%add3A_504, %add3A_691] : memref<32x768xf32, #tpu.memory_space<vmem>>[vector<16xi32>, vector<16xi32>], vector<16xf32>,
        %gather3A_697 = arith.constant 0 : i32
        %gather3A_698 = arith.constant 0 : i32
        %gather3A_699 = tpu.memref_slice %arg15[%scan3A_508, %gather3A_697, %gather3A_698] : memref<2x32x768xf32, #tpu.memory_space<vmem>> -> memref<1x32x768xf32, #tpu.memory_space<vmem>>
        %gather3A_700 = tpu.memref_squeeze %gather3A_699 : memref<1x32x768xf32, #tpu.memory_space<vmem>> -> memref<32x768xf32, #tpu.memory_space<vmem>>
        %gather3A_701 = tpu.vector_load_idx %gather3A_700[%add3A_504, %add3A_691] : memref<32x768xf32, #tpu.memory_space<vmem>>[vector<16xi32>, vector<16xi32>], vector<16xf32>,
        %mul3A_702 = arith.mulf %gather3A_696, %gather3A_701 : vector<16xf32>
        %add3A_703 = arith.addf %add3A_651, %mul3A_702 : vector<16xf32>
        %add3A_704 = arith.addi %broadcast_in_dim3A_587, %select_n3A_159 : vector<16xi32>
        %gather3A_705 = arith.constant 0 : i32
        %gather3A_706 = arith.constant 0 : i32
        %gather3A_707 = tpu.memref_slice %arg14[%scan3A_507, %gather3A_705, %gather3A_706] : memref<2x32x768xf32, #tpu.memory_space<vmem>> -> memref<1x32x768xf32, #tpu.memory_space<vmem>>
        %gather3A_708 = tpu.memref_squeeze %gather3A_707 : memref<1x32x768xf32, #tpu.memory_space<vmem>> -> memref<32x768xf32, #tpu.memory_space<vmem>>
        %gather3A_709 = tpu.vector_load_idx %gather3A_708[%add3A_504, %add3A_704] : memref<32x768xf32, #tpu.memory_space<vmem>>[vector<16xi32>, vector<16xi32>], vector<16xf32>,
        %gather3A_710 = arith.constant 0 : i32
        %gather3A_711 = arith.constant 0 : i32
        %gather3A_712 = tpu.memref_slice %arg15[%scan3A_508, %gather3A_710, %gather3A_711] : memref<2x32x768xf32, #tpu.memory_space<vmem>> -> memref<1x32x768xf32, #tpu.memory_space<vmem>>
        %gather3A_713 = tpu.memref_squeeze %gather3A_712 : memref<1x32x768xf32, #tpu.memory_space<vmem>> -> memref<32x768xf32, #tpu.memory_space<vmem>>
        %gather3A_714 = tpu.vector_load_idx %gather3A_713[%add3A_504, %add3A_704] : memref<32x768xf32, #tpu.memory_space<vmem>>[vector<16xi32>, vector<16xi32>], vector<16xf32>,
        %mul3A_715 = arith.mulf %gather3A_709, %gather3A_714 : vector<16xf32>
        %add3A_716 = arith.addf %add3A_664, %mul3A_715 : vector<16xf32>
        %add3A_717 = arith.addi %broadcast_in_dim3A_587, %select_n3A_175 : vector<16xi32>
        %gather3A_718 = arith.constant 0 : i32
        %gather3A_719 = arith.constant 0 : i32
        %gather3A_720 = tpu.memref_slice %arg14[%scan3A_507, %gather3A_718, %gather3A_719] : memref<2x32x768xf32, #tpu.memory_space<vmem>> -> memref<1x32x768xf32, #tpu.memory_space<vmem>>
        %gather3A_721 = tpu.memref_squeeze %gather3A_720 : memref<1x32x768xf32, #tpu.memory_space<vmem>> -> memref<32x768xf32, #tpu.memory_space<vmem>>
        %gather3A_722 = tpu.vector_load_idx %gather3A_721[%add3A_504, %add3A_717] : memref<32x768xf32, #tpu.memory_space<vmem>>[vector<16xi32>, vector<16xi32>], vector<16xf32>,
        %gather3A_723 = arith.constant 0 : i32
        %gather3A_724 = arith.constant 0 : i32
        %gather3A_725 = tpu.memref_slice %arg15[%scan3A_508, %gather3A_723, %gather3A_724] : memref<2x32x768xf32, #tpu.memory_space<vmem>> -> memref<1x32x768xf32, #tpu.memory_space<vmem>>
        %gather3A_726 = tpu.memref_squeeze %gather3A_725 : memref<1x32x768xf32, #tpu.memory_space<vmem>> -> memref<32x768xf32, #tpu.memory_space<vmem>>
        %gather3A_727 = tpu.vector_load_idx %gather3A_726[%add3A_504, %add3A_717] : memref<32x768xf32, #tpu.memory_space<vmem>>[vector<16xi32>, vector<16xi32>], vector<16xf32>,
        %mul3A_728 = arith.mulf %gather3A_722, %gather3A_727 : vector<16xf32>
        %add3A_729 = arith.addf %add3A_677, %mul3A_728 : vector<16xf32>
        %add3A_730 = arith.addi %broadcast_in_dim3A_587, %select_n3A_191 : vector<16xi32>
        %gather3A_731 = arith.constant 0 : i32
        %gather3A_732 = arith.constant 0 : i32
        %gather3A_733 = tpu.memref_slice %arg14[%scan3A_507, %gather3A_731, %gather3A_732] : memref<2x32x768xf32, #tpu.memory_space<vmem>> -> memref<1x32x768xf32, #tpu.memory_space<vmem>>
        %gather3A_734 = tpu.memref_squeeze %gather3A_733 : memref<1x32x768xf32, #tpu.memory_space<vmem>> -> memref<32x768xf32, #tpu.memory_space<vmem>>
        %gather3A_735 = tpu.vector_load_idx %gather3A_734[%add3A_504, %add3A_730] : memref<32x768xf32, #tpu.memory_space<vmem>>[vector<16xi32>, vector<16xi32>], vector<16xf32>,
        %gather3A_736 = arith.constant 0 : i32
        %gather3A_737 = arith.constant 0 : i32
        %gather3A_738 = tpu.memref_slice %arg15[%scan3A_508, %gather3A_736, %gather3A_737] : memref<2x32x768xf32, #tpu.memory_space<vmem>> -> memref<1x32x768xf32, #tpu.memory_space<vmem>>
        %gather3A_739 = tpu.memref_squeeze %gather3A_738 : memref<1x32x768xf32, #tpu.memory_space<vmem>> -> memref<32x768xf32, #tpu.memory_space<vmem>>
        %gather3A_740 = tpu.vector_load_idx %gather3A_739[%add3A_504, %add3A_730] : memref<32x768xf32, #tpu.memory_space<vmem>>[vector<16xi32>, vector<16xi32>], vector<16xf32>,
        %mul3A_741 = arith.mulf %gather3A_735, %gather3A_740 : vector<16xf32>
        %add3A_742 = arith.addf %add3A_690, %mul3A_741 : vector<16xf32>
        %add3A_743 = arith.addi %broadcast_in_dim3A_587, %select_n3A_207 : vector<16xi32>
        %gather3A_744 = arith.constant 0 : i32
        %gather3A_745 = arith.constant 0 : i32
        %gather3A_746 = tpu.memref_slice %arg14[%scan3A_507, %gather3A_744, %gather3A_745] : memref<2x32x768xf32, #tpu.memory_space<vmem>> -> memref<1x32x768xf32, #tpu.memory_space<vmem>>
        %gather3A_747 = tpu.memref_squeeze %gather3A_746 : memref<1x32x768xf32, #tpu.memory_space<vmem>> -> memref<32x768xf32, #tpu.memory_space<vmem>>
        %gather3A_748 = tpu.vector_load_idx %gather3A_747[%add3A_504, %add3A_743] : memref<32x768xf32, #tpu.memory_space<vmem>>[vector<16xi32>, vector<16xi32>], vector<16xf32>,
        %gather3A_749 = arith.constant 0 : i32
        %gather3A_750 = arith.constant 0 : i32
        %gather3A_751 = tpu.memref_slice %arg15[%scan3A_508, %gather3A_749, %gather3A_750] : memref<2x32x768xf32, #tpu.memory_space<vmem>> -> memref<1x32x768xf32, #tpu.memory_space<vmem>>
        %gather3A_752 = tpu.memref_squeeze %gather3A_751 : memref<1x32x768xf32, #tpu.memory_space<vmem>> -> memref<32x768xf32, #tpu.memory_space<vmem>>
        %gather3A_753 = tpu.vector_load_idx %gather3A_752[%add3A_504, %add3A_743] : memref<32x768xf32, #tpu.memory_space<vmem>>[vector<16xi32>, vector<16xi32>], vector<16xf32>,
        %mul3A_754 = arith.mulf %gather3A_748, %gather3A_753 : vector<16xf32>
        %add3A_755 = arith.addf %add3A_703, %mul3A_754 : vector<16xf32>
        %add3A_756 = arith.addi %broadcast_in_dim3A_587, %select_n3A_223 : vector<16xi32>
        %gather3A_757 = arith.constant 0 : i32
        %gather3A_758 = arith.constant 0 : i32
        %gather3A_759 = tpu.memref_slice %arg14[%scan3A_507, %gather3A_757, %gather3A_758] : memref<2x32x768xf32, #tpu.memory_space<vmem>> -> memref<1x32x768xf32, #tpu.memory_space<vmem>>
        %gather3A_760 = tpu.memref_squeeze %gather3A_759 : memref<1x32x768xf32, #tpu.memory_space<vmem>> -> memref<32x768xf32, #tpu.memory_space<vmem>>
        %gather3A_761 = tpu.vector_load_idx %gather3A_760[%add3A_504, %add3A_756] : memref<32x768xf32, #tpu.memory_space<vmem>>[vector<16xi32>, vector<16xi32>], vector<16xf32>,
        %gather3A_762 = arith.constant 0 : i32
        %gather3A_763 = arith.constant 0 : i32
        %gather3A_764 = tpu.memref_slice %arg15[%scan3A_508, %gather3A_762, %gather3A_763] : memref<2x32x768xf32, #tpu.memory_space<vmem>> -> memref<1x32x768xf32, #tpu.memory_space<vmem>>
        %gather3A_765 = tpu.memref_squeeze %gather3A_764 : memref<1x32x768xf32, #tpu.memory_space<vmem>> -> memref<32x768xf32, #tpu.memory_space<vmem>>
        %gather3A_766 = tpu.vector_load_idx %gather3A_765[%add3A_504, %add3A_756] : memref<32x768xf32, #tpu.memory_space<vmem>>[vector<16xi32>, vector<16xi32>], vector<16xf32>,
        %mul3A_767 = arith.mulf %gather3A_761, %gather3A_766 : vector<16xf32>
        %add3A_768 = arith.addf %add3A_716, %mul3A_767 : vector<16xf32>
        %add3A_769 = arith.addi %broadcast_in_dim3A_587, %select_n3A_239 : vector<16xi32>
        %gather3A_770 = arith.constant 0 : i32
        %gather3A_771 = arith.constant 0 : i32
        %gather3A_772 = tpu.memref_slice %arg14[%scan3A_507, %gather3A_770, %gather3A_771] : memref<2x32x768xf32, #tpu.memory_space<vmem>> -> memref<1x32x768xf32, #tpu.memory_space<vmem>>
        %gather3A_773 = tpu.memref_squeeze %gather3A_772 : memref<1x32x768xf32, #tpu.memory_space<vmem>> -> memref<32x768xf32, #tpu.memory_space<vmem>>
        %gather3A_774 = tpu.vector_load_idx %gather3A_773[%add3A_504, %add3A_769] : memref<32x768xf32, #tpu.memory_space<vmem>>[vector<16xi32>, vector<16xi32>], vector<16xf32>,
        %gather3A_775 = arith.constant 0 : i32
        %gather3A_776 = arith.constant 0 : i32
        %gather3A_777 = tpu.memref_slice %arg15[%scan3A_508, %gather3A_775, %gather3A_776] : memref<2x32x768xf32, #tpu.memory_space<vmem>> -> memref<1x32x768xf32, #tpu.memory_space<vmem>>
        %gather3A_778 = tpu.memref_squeeze %gather3A_777 : memref<1x32x768xf32, #tpu.memory_space<vmem>> -> memref<32x768xf32, #tpu.memory_space<vmem>>
        %gather3A_779 = tpu.vector_load_idx %gather3A_778[%add3A_504, %add3A_769] : memref<32x768xf32, #tpu.memory_space<vmem>>[vector<16xi32>, vector<16xi32>], vector<16xf32>,
        %mul3A_780 = arith.mulf %gather3A_774, %gather3A_779 : vector<16xf32>
        %add3A_781 = arith.addf %add3A_729, %mul3A_780 : vector<16xf32>
        %add3A_782 = arith.addi %broadcast_in_dim3A_587, %select_n3A_255 : vector<16xi32>
        %gather3A_783 = arith.constant 0 : i32
        %gather3A_784 = arith.constant 0 : i32
        %gather3A_785 = tpu.memref_slice %arg14[%scan3A_507, %gather3A_783, %gather3A_784] : memref<2x32x768xf32, #tpu.memory_space<vmem>> -> memref<1x32x768xf32, #tpu.memory_space<vmem>>
        %gather3A_786 = tpu.memref_squeeze %gather3A_785 : memref<1x32x768xf32, #tpu.memory_space<vmem>> -> memref<32x768xf32, #tpu.memory_space<vmem>>
        %gather3A_787 = tpu.vector_load_idx %gather3A_786[%add3A_504, %add3A_782] : memref<32x768xf32, #tpu.memory_space<vmem>>[vector<16xi32>, vector<16xi32>], vector<16xf32>,
        %gather3A_788 = arith.constant 0 : i32
        %gather3A_789 = arith.constant 0 : i32
        %gather3A_790 = tpu.memref_slice %arg15[%scan3A_508, %gather3A_788, %gather3A_789] : memref<2x32x768xf32, #tpu.memory_space<vmem>> -> memref<1x32x768xf32, #tpu.memory_space<vmem>>
        %gather3A_791 = tpu.memref_squeeze %gather3A_790 : memref<1x32x768xf32, #tpu.memory_space<vmem>> -> memref<32x768xf32, #tpu.memory_space<vmem>>
        %gather3A_792 = tpu.vector_load_idx %gather3A_791[%add3A_504, %add3A_782] : memref<32x768xf32, #tpu.memory_space<vmem>>[vector<16xi32>, vector<16xi32>], vector<16xf32>,
        %mul3A_793 = arith.mulf %gather3A_787, %gather3A_792 : vector<16xf32>
        %add3A_794 = arith.addf %add3A_742, %mul3A_793 : vector<16xf32>
        scf.yield %add3A_755, %add3A_768, %add3A_781, %add3A_794 : vector<16xf32>, vector<16xf32>, vector<16xf32>, vector<16xf32>
      }
      %scan3A_514 = arith.constant 48 : i32
      %get3A_515 = arith.constant 1 : i32
      %get3A_516 = arith.constant 0 : i32
      %get3A_517 = tpu.memref_slice %arg16[%get3A_515, %get3A_516] : memref<2x32xf32, #tpu.memory_space<vmem>> -> memref<1x32xf32, #tpu.memory_space<vmem>>
      %get3A_518 = tpu.memref_squeeze %get3A_517 : memref<1x32xf32, #tpu.memory_space<vmem>> -> memref<32xf32, #tpu.memory_space<vmem>>
      %get3A_519 = arith.constant 0 : index
      %get3A_520 = tpu.vector_load %get3A_518[%get3A_519] {strides = array<i32>} : memref<32xf32, #tpu.memory_space<vmem>>, vector<16xf32>,
      %get3A_521 = arith.constant 1 : i32
      %get3A_522 = arith.constant 0 : i32
      %get3A_523 = tpu.memref_slice %arg17[%get3A_521, %get3A_522] : memref<2x32xf32, #tpu.memory_space<vmem>> -> memref<1x32xf32, #tpu.memory_space<vmem>>
      %get3A_524 = tpu.memref_squeeze %get3A_523 : memref<1x32xf32, #tpu.memory_space<vmem>> -> memref<32xf32, #tpu.memory_space<vmem>>
      %get3A_525 = arith.constant 0 : index
      %get3A_526 = tpu.vector_load %get3A_524[%get3A_525] {strides = array<i32>} : memref<32xf32, #tpu.memory_space<vmem>>, vector<16xf32>,
      %add3A_527 = arith.addf %get3A_520, %get3A_526 : vector<16xf32>
      %add3A_528 = arith.addf %scan3A_513#0, %scan3A_513#1 : vector<16xf32>
      %add3A_529 = arith.addf %scan3A_513#2, %scan3A_513#3 : vector<16xf32>
      %add3A_530 = arith.addf %add3A_528, %add3A_529 : vector<16xf32>
      %add3A_531 = arith.addf %add3A_530, %add3A_527 : vector<16xf32>
      %get3A_532 = arith.constant 0 : index
      %get3A_533 = tpu.vector_load %arg19[%get3A_532] {strides = array<i32>} : memref<16xf32, #tpu.memory_space<vmem>>, vector<16xf32>,
      %add3A_534 = arith.addf %add3A_531, %get3A_533 : vector<16xf32>
      %mul3A_535 = arith.constant 32 : i32
      %mul3A_536 = arith.muli %add3A_501, %mul3A_535 : i32
      %add3A_537 = arith.constant 0 : i32
      %add3A_538 = arith.addi %mul3A_536, %add3A_537 : i32
      %swap3A_539 = arith.index_cast %add3A_538 : i32 to index
      %swap3A_540 = tpu.vector_load %arg18[%swap3A_539] {strides = array<i32>} : memref<512xf32, #tpu.memory_space<vmem>>, vector<16xf32>,
      tpu.vector_store %arg18[%swap3A_539], %add3A_534 {strides = array<i32>} : memref<512xf32, #tpu.memory_space<vmem>>, vector<16xf32>,
      %add3A_541 = arith.constant 16 : i32
      %add3A_542 = vector.broadcast %add3A_541 : i32 to vector<16xi32>
      %add3A_543 = arith.addi %iota3A_256, %add3A_542 : vector<16xi32>
      %broadcast_in_dim3A_544 = arith.constant 0.000000e+00 : f32
      %broadcast_in_dim3A_545 = vector.broadcast %broadcast_in_dim3A_544 : f32 to vector<16xf32>
      %scan3A_546 = arith.constant 1 : i32
      %scan3A_547 = arith.constant 1 : i32
      %scan3A_548 = arith.constant 0 : i32
      %scan3A_549 = arith.constant 48 : i32
      %scan3A_550 = arith.addi %scan3A_548, %scan3A_549 : i32
      %scan3A_551 = arith.constant 1 : i32
      %scan3A_552:4 = scf.for %scan3A_580 = %scan3A_548 to %scan3A_550 step %scan3A_551 iter_args(%scan3A_581 = %broadcast_in_dim3A_545, %scan3A_582 = %broadcast_in_dim3A_545, %scan3A_583 = %broadcast_in_dim3A_545, %scan3A_584 = %broadcast_in_dim3A_545) -> (vector<16xf32>, vector<16xf32>, vector<16xf32>, vector<16xf32>)  : i32 {
        %mul3A_585 = arith.constant 16 : i32
        %mul3A_586 = arith.muli %scan3A_580, %mul3A_585 : i32
        %broadcast_in_dim3A_587 = vector.broadcast %mul3A_586 : i32 to vector<16xi32>
        %add3A_588 = arith.addi %broadcast_in_dim3A_587, %select_n3A : vector<16xi32>
        %gather3A = arith.constant 0 : i32
        %gather3A_589 = arith.constant 0 : i32
        %gather3A_590 = tpu.memref_slice %arg14[%scan3A_546, %gather3A, %gather3A_589] : memref<2x32x768xf32, #tpu.memory_space<vmem>> -> memref<1x32x768xf32, #tpu.memory_space<vmem>>
        %gather3A_591 = tpu.memref_squeeze %gather3A_590 : memref<1x32x768xf32, #tpu.memory_space<vmem>> -> memref<32x768xf32, #tpu.memory_space<vmem>>
        %gather3A_592 = tpu.vector_load_idx %gather3A_591[%add3A_543, %add3A_588] : memref<32x768xf32, #tpu.memory_space<vmem>>[vector<16xi32>, vector<16xi32>], vector<16xf32>,
        %gather3A_593 = arith.constant 0 : i32
        %gather3A_594 = arith.constant 0 : i32
        %gather3A_595 = tpu.memref_slice %arg15[%scan3A_547, %gather3A_593, %gather3A_594] : memref<2x32x768xf32, #tpu.memory_space<vmem>> -> memref<1x32x768xf32, #tpu.memory_space<vmem>>
        %gather3A_596 = tpu.memref_squeeze %gather3A_595 : memref<1x32x768xf32, #tpu.memory_space<vmem>> -> memref<32x768xf32, #tpu.memory_space<vmem>>
        %gather3A_597 = tpu.vector_load_idx %gather3A_596[%add3A_543, %add3A_588] : memref<32x768xf32, #tpu.memory_space<vmem>>[vector<16xi32>, vector<16xi32>], vector<16xf32>,
        %mul3A_598 = arith.mulf %gather3A_592, %gather3A_597 : vector<16xf32>
        %add3A_599 = arith.addf %scan3A_581, %mul3A_598 : vector<16xf32>
        %add3A_600 = arith.addi %broadcast_in_dim3A_587, %select_n3A_31 : vector<16xi32>
        %gather3A_601 = arith.constant 0 : i32
        %gather3A_602 = arith.constant 0 : i32
        %gather3A_603 = tpu.memref_slice %arg14[%scan3A_546, %gather3A_601, %gather3A_602] : memref<2x32x768xf32, #tpu.memory_space<vmem>> -> memref<1x32x768xf32, #tpu.memory_space<vmem>>
        %gather3A_604 = tpu.memref_squeeze %gather3A_603 : memref<1x32x768xf32, #tpu.memory_space<vmem>> -> memref<32x768xf32, #tpu.memory_space<vmem>>
        %gather3A_605 = tpu.vector_load_idx %gather3A_604[%add3A_543, %add3A_600] : memref<32x768xf32, #tpu.memory_space<vmem>>[vector<16xi32>, vector<16xi32>], vector<16xf32>,
        %gather3A_606 = arith.constant 0 : i32
        %gather3A_607 = arith.constant 0 : i32
        %gather3A_608 = tpu.memref_slice %arg15[%scan3A_547, %gather3A_606, %gather3A_607] : memref<2x32x768xf32, #tpu.memory_space<vmem>> -> memref<1x32x768xf32, #tpu.memory_space<vmem>>
        %gather3A_609 = tpu.memref_squeeze %gather3A_608 : memref<1x32x768xf32, #tpu.memory_space<vmem>> -> memref<32x768xf32, #tpu.memory_space<vmem>>
        %gather3A_610 = tpu.vector_load_idx %gather3A_609[%add3A_543, %add3A_600] : memref<32x768xf32, #tpu.memory_space<vmem>>[vector<16xi32>, vector<16xi32>], vector<16xf32>,
        %mul3A_611 = arith.mulf %gather3A_605, %gather3A_610 : vector<16xf32>
        %add3A_612 = arith.addf %scan3A_582, %mul3A_611 : vector<16xf32>
        %add3A_613 = arith.addi %broadcast_in_dim3A_587, %select_n3A_47 : vector<16xi32>
        %gather3A_614 = arith.constant 0 : i32
        %gather3A_615 = arith.constant 0 : i32
        %gather3A_616 = tpu.memref_slice %arg14[%scan3A_546, %gather3A_614, %gather3A_615] : memref<2x32x768xf32, #tpu.memory_space<vmem>> -> memref<1x32x768xf32, #tpu.memory_space<vmem>>
        %gather3A_617 = tpu.memref_squeeze %gather3A_616 : memref<1x32x768xf32, #tpu.memory_space<vmem>> -> memref<32x768xf32, #tpu.memory_space<vmem>>
        %gather3A_618 = tpu.vector_load_idx %gather3A_617[%add3A_543, %add3A_613] : memref<32x768xf32, #tpu.memory_space<vmem>>[vector<16xi32>, vector<16xi32>], vector<16xf32>,
        %gather3A_619 = arith.constant 0 : i32
        %gather3A_620 = arith.constant 0 : i32
        %gather3A_621 = tpu.memref_slice %arg15[%scan3A_547, %gather3A_619, %gather3A_620] : memref<2x32x768xf32, #tpu.memory_space<vmem>> -> memref<1x32x768xf32, #tpu.memory_space<vmem>>
        %gather3A_622 = tpu.memref_squeeze %gather3A_621 : memref<1x32x768xf32, #tpu.memory_space<vmem>> -> memref<32x768xf32, #tpu.memory_space<vmem>>
        %gather3A_623 = tpu.vector_load_idx %gather3A_622[%add3A_543, %add3A_613] : memref<32x768xf32, #tpu.memory_space<vmem>>[vector<16xi32>, vector<16xi32>], vector<16xf32>,
        %mul3A_624 = arith.mulf %gather3A_618, %gather3A_623 : vector<16xf32>
        %add3A_625 = arith.addf %scan3A_583, %mul3A_624 : vector<16xf32>
        %add3A_626 = arith.addi %broadcast_in_dim3A_587, %select_n3A_63 : vector<16xi32>
        %gather3A_627 = arith.constant 0 : i32
        %gather3A_628 = arith.constant 0 : i32
        %gather3A_629 = tpu.memref_slice %arg14[%scan3A_546, %gather3A_627, %gather3A_628] : memref<2x32x768xf32, #tpu.memory_space<vmem>> -> memref<1x32x768xf32, #tpu.memory_space<vmem>>
        %gather3A_630 = tpu.memref_squeeze %gather3A_629 : memref<1x32x768xf32, #tpu.memory_space<vmem>> -> memref<32x768xf32, #tpu.memory_space<vmem>>
        %gather3A_631 = tpu.vector_load_idx %gather3A_630[%add3A_543, %add3A_626] : memref<32x768xf32, #tpu.memory_space<vmem>>[vector<16xi32>, vector<16xi32>], vector<16xf32>,
        %gather3A_632 = arith.constant 0 : i32
        %gather3A_633 = arith.constant 0 : i32
        %gather3A_634 = tpu.memref_slice %arg15[%scan3A_547, %gather3A_632, %gather3A_633] : memref<2x32x768xf32, #tpu.memory_space<vmem>> -> memref<1x32x768xf32, #tpu.memory_space<vmem>>
        %gather3A_635 = tpu.memref_squeeze %gather3A_634 : memref<1x32x768xf32, #tpu.memory_space<vmem>> -> memref<32x768xf32, #tpu.memory_space<vmem>>
        %gather3A_636 = tpu.vector_load_idx %gather3A_635[%add3A_543, %add3A_626] : memref<32x768xf32, #tpu.memory_space<vmem>>[vector<16xi32>, vector<16xi32>], vector<16xf32>,
        %mul3A_637 = arith.mulf %gather3A_631, %gather3A_636 : vector<16xf32>
        %add3A_638 = arith.addf %scan3A_584, %mul3A_637 : vector<16xf32>
        %add3A_639 = arith.addi %broadcast_in_dim3A_587, %select_n3A_79 : vector<16xi32>
        %gather3A_640 = arith.constant 0 : i32
        %gather3A_641 = arith.constant 0 : i32
        %gather3A_642 = tpu.memref_slice %arg14[%scan3A_546, %gather3A_640, %gather3A_641] : memref<2x32x768xf32, #tpu.memory_space<vmem>> -> memref<1x32x768xf32, #tpu.memory_space<vmem>>
        %gather3A_643 = tpu.memref_squeeze %gather3A_642 : memref<1x32x768xf32, #tpu.memory_space<vmem>> -> memref<32x768xf32, #tpu.memory_space<vmem>>
        %gather3A_644 = tpu.vector_load_idx %gather3A_643[%add3A_543, %add3A_639] : memref<32x768xf32, #tpu.memory_space<vmem>>[vector<16xi32>, vector<16xi32>], vector<16xf32>,
        %gather3A_645 = arith.constant 0 : i32
        %gather3A_646 = arith.constant 0 : i32
        %gather3A_647 = tpu.memref_slice %arg15[%scan3A_547, %gather3A_645, %gather3A_646] : memref<2x32x768xf32, #tpu.memory_space<vmem>> -> memref<1x32x768xf32, #tpu.memory_space<vmem>>
        %gather3A_648 = tpu.memref_squeeze %gather3A_647 : memref<1x32x768xf32, #tpu.memory_space<vmem>> -> memref<32x768xf32, #tpu.memory_space<vmem>>
        %gather3A_649 = tpu.vector_load_idx %gather3A_648[%add3A_543, %add3A_639] : memref<32x768xf32, #tpu.memory_space<vmem>>[vector<16xi32>, vector<16xi32>], vector<16xf32>,
        %mul3A_650 = arith.mulf %gather3A_644, %gather3A_649 : vector<16xf32>
        %add3A_651 = arith.addf %add3A_599, %mul3A_650 : vector<16xf32>
        %add3A_652 = arith.addi %broadcast_in_dim3A_587, %select_n3A_95 : vector<16xi32>
        %gather3A_653 = arith.constant 0 : i32
        %gather3A_654 = arith.constant 0 : i32
        %gather3A_655 = tpu.memref_slice %arg14[%scan3A_546, %gather3A_653, %gather3A_654] : memref<2x32x768xf32, #tpu.memory_space<vmem>> -> memref<1x32x768xf32, #tpu.memory_space<vmem>>
        %gather3A_656 = tpu.memref_squeeze %gather3A_655 : memref<1x32x768xf32, #tpu.memory_space<vmem>> -> memref<32x768xf32, #tpu.memory_space<vmem>>
        %gather3A_657 = tpu.vector_load_idx %gather3A_656[%add3A_543, %add3A_652] : memref<32x768xf32, #tpu.memory_space<vmem>>[vector<16xi32>, vector<16xi32>], vector<16xf32>,
        %gather3A_658 = arith.constant 0 : i32
        %gather3A_659 = arith.constant 0 : i32
        %gather3A_660 = tpu.memref_slice %arg15[%scan3A_547, %gather3A_658, %gather3A_659] : memref<2x32x768xf32, #tpu.memory_space<vmem>> -> memref<1x32x768xf32, #tpu.memory_space<vmem>>
        %gather3A_661 = tpu.memref_squeeze %gather3A_660 : memref<1x32x768xf32, #tpu.memory_space<vmem>> -> memref<32x768xf32, #tpu.memory_space<vmem>>
        %gather3A_662 = tpu.vector_load_idx %gather3A_661[%add3A_543, %add3A_652] : memref<32x768xf32, #tpu.memory_space<vmem>>[vector<16xi32>, vector<16xi32>], vector<16xf32>,
        %mul3A_663 = arith.mulf %gather3A_657, %gather3A_662 : vector<16xf32>
        %add3A_664 = arith.addf %add3A_612, %mul3A_663 : vector<16xf32>
        %add3A_665 = arith.addi %broadcast_in_dim3A_587, %select_n3A_111 : vector<16xi32>
        %gather3A_666 = arith.constant 0 : i32
        %gather3A_667 = arith.constant 0 : i32
        %gather3A_668 = tpu.memref_slice %arg14[%scan3A_546, %gather3A_666, %gather3A_667] : memref<2x32x768xf32, #tpu.memory_space<vmem>> -> memref<1x32x768xf32, #tpu.memory_space<vmem>>
        %gather3A_669 = tpu.memref_squeeze %gather3A_668 : memref<1x32x768xf32, #tpu.memory_space<vmem>> -> memref<32x768xf32, #tpu.memory_space<vmem>>
        %gather3A_670 = tpu.vector_load_idx %gather3A_669[%add3A_543, %add3A_665] : memref<32x768xf32, #tpu.memory_space<vmem>>[vector<16xi32>, vector<16xi32>], vector<16xf32>,
        %gather3A_671 = arith.constant 0 : i32
        %gather3A_672 = arith.constant 0 : i32
        %gather3A_673 = tpu.memref_slice %arg15[%scan3A_547, %gather3A_671, %gather3A_672] : memref<2x32x768xf32, #tpu.memory_space<vmem>> -> memref<1x32x768xf32, #tpu.memory_space<vmem>>
        %gather3A_674 = tpu.memref_squeeze %gather3A_673 : memref<1x32x768xf32, #tpu.memory_space<vmem>> -> memref<32x768xf32, #tpu.memory_space<vmem>>
        %gather3A_675 = tpu.vector_load_idx %gather3A_674[%add3A_543, %add3A_665] : memref<32x768xf32, #tpu.memory_space<vmem>>[vector<16xi32>, vector<16xi32>], vector<16xf32>,
        %mul3A_676 = arith.mulf %gather3A_670, %gather3A_675 : vector<16xf32>
        %add3A_677 = arith.addf %add3A_625, %mul3A_676 : vector<16xf32>
        %add3A_678 = arith.addi %broadcast_in_dim3A_587, %select_n3A_127 : vector<16xi32>
        %gather3A_679 = arith.constant 0 : i32
        %gather3A_680 = arith.constant 0 : i32
        %gather3A_681 = tpu.memref_slice %arg14[%scan3A_546, %gather3A_679, %gather3A_680] : memref<2x32x768xf32, #tpu.memory_space<vmem>> -> memref<1x32x768xf32, #tpu.memory_space<vmem>>
        %gather3A_682 = tpu.memref_squeeze %gather3A_681 : memref<1x32x768xf32, #tpu.memory_space<vmem>> -> memref<32x768xf32, #tpu.memory_space<vmem>>
        %gather3A_683 = tpu.vector_load_idx %gather3A_682[%add3A_543, %add3A_678] : memref<32x768xf32, #tpu.memory_space<vmem>>[vector<16xi32>, vector<16xi32>], vector<16xf32>,
        %gather3A_684 = arith.constant 0 : i32
        %gather3A_685 = arith.constant 0 : i32
        %gather3A_686 = tpu.memref_slice %arg15[%scan3A_547, %gather3A_684, %gather3A_685] : memref<2x32x768xf32, #tpu.memory_space<vmem>> -> memref<1x32x768xf32, #tpu.memory_space<vmem>>
        %gather3A_687 = tpu.memref_squeeze %gather3A_686 : memref<1x32x768xf32, #tpu.memory_space<vmem>> -> memref<32x768xf32, #tpu.memory_space<vmem>>
        %gather3A_688 = tpu.vector_load_idx %gather3A_687[%add3A_543, %add3A_678] : memref<32x768xf32, #tpu.memory_space<vmem>>[vector<16xi32>, vector<16xi32>], vector<16xf32>,
        %mul3A_689 = arith.mulf %gather3A_683, %gather3A_688 : vector<16xf32>
        %add3A_690 = arith.addf %add3A_638, %mul3A_689 : vector<16xf32>
        %add3A_691 = arith.addi %broadcast_in_dim3A_587, %select_n3A_143 : vector<16xi32>
        %gather3A_692 = arith.constant 0 : i32
        %gather3A_693 = arith.constant 0 : i32
        %gather3A_694 = tpu.memref_slice %arg14[%scan3A_546, %gather3A_692, %gather3A_693] : memref<2x32x768xf32, #tpu.memory_space<vmem>> -> memref<1x32x768xf32, #tpu.memory_space<vmem>>
        %gather3A_695 = tpu.memref_squeeze %gather3A_694 : memref<1x32x768xf32, #tpu.memory_space<vmem>> -> memref<32x768xf32, #tpu.memory_space<vmem>>
        %gather3A_696 = tpu.vector_load_idx %gather3A_695[%add3A_543, %add3A_691] : memref<32x768xf32, #tpu.memory_space<vmem>>[vector<16xi32>, vector<16xi32>], vector<16xf32>,
        %gather3A_697 = arith.constant 0 : i32
        %gather3A_698 = arith.constant 0 : i32
        %gather3A_699 = tpu.memref_slice %arg15[%scan3A_547, %gather3A_697, %gather3A_698] : memref<2x32x768xf32, #tpu.memory_space<vmem>> -> memref<1x32x768xf32, #tpu.memory_space<vmem>>
        %gather3A_700 = tpu.memref_squeeze %gather3A_699 : memref<1x32x768xf32, #tpu.memory_space<vmem>> -> memref<32x768xf32, #tpu.memory_space<vmem>>
        %gather3A_701 = tpu.vector_load_idx %gather3A_700[%add3A_543, %add3A_691] : memref<32x768xf32, #tpu.memory_space<vmem>>[vector<16xi32>, vector<16xi32>], vector<16xf32>,
        %mul3A_702 = arith.mulf %gather3A_696, %gather3A_701 : vector<16xf32>
        %add3A_703 = arith.addf %add3A_651, %mul3A_702 : vector<16xf32>
        %add3A_704 = arith.addi %broadcast_in_dim3A_587, %select_n3A_159 : vector<16xi32>
        %gather3A_705 = arith.constant 0 : i32
        %gather3A_706 = arith.constant 0 : i32
        %gather3A_707 = tpu.memref_slice %arg14[%scan3A_546, %gather3A_705, %gather3A_706] : memref<2x32x768xf32, #tpu.memory_space<vmem>> -> memref<1x32x768xf32, #tpu.memory_space<vmem>>
        %gather3A_708 = tpu.memref_squeeze %gather3A_707 : memref<1x32x768xf32, #tpu.memory_space<vmem>> -> memref<32x768xf32, #tpu.memory_space<vmem>>
        %gather3A_709 = tpu.vector_load_idx %gather3A_708[%add3A_543, %add3A_704] : memref<32x768xf32, #tpu.memory_space<vmem>>[vector<16xi32>, vector<16xi32>], vector<16xf32>,
        %gather3A_710 = arith.constant 0 : i32
        %gather3A_711 = arith.constant 0 : i32
        %gather3A_712 = tpu.memref_slice %arg15[%scan3A_547, %gather3A_710, %gather3A_711] : memref<2x32x768xf32, #tpu.memory_space<vmem>> -> memref<1x32x768xf32, #tpu.memory_space<vmem>>
        %gather3A_713 = tpu.memref_squeeze %gather3A_712 : memref<1x32x768xf32, #tpu.memory_space<vmem>> -> memref<32x768xf32, #tpu.memory_space<vmem>>
        %gather3A_714 = tpu.vector_load_idx %gather3A_713[%add3A_543, %add3A_704] : memref<32x768xf32, #tpu.memory_space<vmem>>[vector<16xi32>, vector<16xi32>], vector<16xf32>,
        %mul3A_715 = arith.mulf %gather3A_709, %gather3A_714 : vector<16xf32>
        %add3A_716 = arith.addf %add3A_664, %mul3A_715 : vector<16xf32>
        %add3A_717 = arith.addi %broadcast_in_dim3A_587, %select_n3A_175 : vector<16xi32>
        %gather3A_718 = arith.constant 0 : i32
        %gather3A_719 = arith.constant 0 : i32
        %gather3A_720 = tpu.memref_slice %arg14[%scan3A_546, %gather3A_718, %gather3A_719] : memref<2x32x768xf32, #tpu.memory_space<vmem>> -> memref<1x32x768xf32, #tpu.memory_space<vmem>>
        %gather3A_721 = tpu.memref_squeeze %gather3A_720 : memref<1x32x768xf32, #tpu.memory_space<vmem>> -> memref<32x768xf32, #tpu.memory_space<vmem>>
        %gather3A_722 = tpu.vector_load_idx %gather3A_721[%add3A_543, %add3A_717] : memref<32x768xf32, #tpu.memory_space<vmem>>[vector<16xi32>, vector<16xi32>], vector<16xf32>,
        %gather3A_723 = arith.constant 0 : i32
        %gather3A_724 = arith.constant 0 : i32
        %gather3A_725 = tpu.memref_slice %arg15[%scan3A_547, %gather3A_723, %gather3A_724] : memref<2x32x768xf32, #tpu.memory_space<vmem>> -> memref<1x32x768xf32, #tpu.memory_space<vmem>>
        %gather3A_726 = tpu.memref_squeeze %gather3A_725 : memref<1x32x768xf32, #tpu.memory_space<vmem>> -> memref<32x768xf32, #tpu.memory_space<vmem>>
        %gather3A_727 = tpu.vector_load_idx %gather3A_726[%add3A_543, %add3A_717] : memref<32x768xf32, #tpu.memory_space<vmem>>[vector<16xi32>, vector<16xi32>], vector<16xf32>,
        %mul3A_728 = arith.mulf %gather3A_722, %gather3A_727 : vector<16xf32>
        %add3A_729 = arith.addf %add3A_677, %mul3A_728 : vector<16xf32>
        %add3A_730 = arith.addi %broadcast_in_dim3A_587, %select_n3A_191 : vector<16xi32>
        %gather3A_731 = arith.constant 0 : i32
        %gather3A_732 = arith.constant 0 : i32
        %gather3A_733 = tpu.memref_slice %arg14[%scan3A_546, %gather3A_731, %gather3A_732] : memref<2x32x768xf32, #tpu.memory_space<vmem>> -> memref<1x32x768xf32, #tpu.memory_space<vmem>>
        %gather3A_734 = tpu.memref_squeeze %gather3A_733 : memref<1x32x768xf32, #tpu.memory_space<vmem>> -> memref<32x768xf32, #tpu.memory_space<vmem>>
        %gather3A_735 = tpu.vector_load_idx %gather3A_734[%add3A_543, %add3A_730] : memref<32x768xf32, #tpu.memory_space<vmem>>[vector<16xi32>, vector<16xi32>], vector<16xf32>,
        %gather3A_736 = arith.constant 0 : i32
        %gather3A_737 = arith.constant 0 : i32
        %gather3A_738 = tpu.memref_slice %arg15[%scan3A_547, %gather3A_736, %gather3A_737] : memref<2x32x768xf32, #tpu.memory_space<vmem>> -> memref<1x32x768xf32, #tpu.memory_space<vmem>>
        %gather3A_739 = tpu.memref_squeeze %gather3A_738 : memref<1x32x768xf32, #tpu.memory_space<vmem>> -> memref<32x768xf32, #tpu.memory_space<vmem>>
        %gather3A_740 = tpu.vector_load_idx %gather3A_739[%add3A_543, %add3A_730] : memref<32x768xf32, #tpu.memory_space<vmem>>[vector<16xi32>, vector<16xi32>], vector<16xf32>,
        %mul3A_741 = arith.mulf %gather3A_735, %gather3A_740 : vector<16xf32>
        %add3A_742 = arith.addf %add3A_690, %mul3A_741 : vector<16xf32>
        %add3A_743 = arith.addi %broadcast_in_dim3A_587, %select_n3A_207 : vector<16xi32>
        %gather3A_744 = arith.constant 0 : i32
        %gather3A_745 = arith.constant 0 : i32
        %gather3A_746 = tpu.memref_slice %arg14[%scan3A_546, %gather3A_744, %gather3A_745] : memref<2x32x768xf32, #tpu.memory_space<vmem>> -> memref<1x32x768xf32, #tpu.memory_space<vmem>>
        %gather3A_747 = tpu.memref_squeeze %gather3A_746 : memref<1x32x768xf32, #tpu.memory_space<vmem>> -> memref<32x768xf32, #tpu.memory_space<vmem>>
        %gather3A_748 = tpu.vector_load_idx %gather3A_747[%add3A_543, %add3A_743] : memref<32x768xf32, #tpu.memory_space<vmem>>[vector<16xi32>, vector<16xi32>], vector<16xf32>,
        %gather3A_749 = arith.constant 0 : i32
        %gather3A_750 = arith.constant 0 : i32
        %gather3A_751 = tpu.memref_slice %arg15[%scan3A_547, %gather3A_749, %gather3A_750] : memref<2x32x768xf32, #tpu.memory_space<vmem>> -> memref<1x32x768xf32, #tpu.memory_space<vmem>>
        %gather3A_752 = tpu.memref_squeeze %gather3A_751 : memref<1x32x768xf32, #tpu.memory_space<vmem>> -> memref<32x768xf32, #tpu.memory_space<vmem>>
        %gather3A_753 = tpu.vector_load_idx %gather3A_752[%add3A_543, %add3A_743] : memref<32x768xf32, #tpu.memory_space<vmem>>[vector<16xi32>, vector<16xi32>], vector<16xf32>,
        %mul3A_754 = arith.mulf %gather3A_748, %gather3A_753 : vector<16xf32>
        %add3A_755 = arith.addf %add3A_703, %mul3A_754 : vector<16xf32>
        %add3A_756 = arith.addi %broadcast_in_dim3A_587, %select_n3A_223 : vector<16xi32>
        %gather3A_757 = arith.constant 0 : i32
        %gather3A_758 = arith.constant 0 : i32
        %gather3A_759 = tpu.memref_slice %arg14[%scan3A_546, %gather3A_757, %gather3A_758] : memref<2x32x768xf32, #tpu.memory_space<vmem>> -> memref<1x32x768xf32, #tpu.memory_space<vmem>>
        %gather3A_760 = tpu.memref_squeeze %gather3A_759 : memref<1x32x768xf32, #tpu.memory_space<vmem>> -> memref<32x768xf32, #tpu.memory_space<vmem>>
        %gather3A_761 = tpu.vector_load_idx %gather3A_760[%add3A_543, %add3A_756] : memref<32x768xf32, #tpu.memory_space<vmem>>[vector<16xi32>, vector<16xi32>], vector<16xf32>,
        %gather3A_762 = arith.constant 0 : i32
        %gather3A_763 = arith.constant 0 : i32
        %gather3A_764 = tpu.memref_slice %arg15[%scan3A_547, %gather3A_762, %gather3A_763] : memref<2x32x768xf32, #tpu.memory_space<vmem>> -> memref<1x32x768xf32, #tpu.memory_space<vmem>>
        %gather3A_765 = tpu.memref_squeeze %gather3A_764 : memref<1x32x768xf32, #tpu.memory_space<vmem>> -> memref<32x768xf32, #tpu.memory_space<vmem>>
        %gather3A_766 = tpu.vector_load_idx %gather3A_765[%add3A_543, %add3A_756] : memref<32x768xf32, #tpu.memory_space<vmem>>[vector<16xi32>, vector<16xi32>], vector<16xf32>,
        %mul3A_767 = arith.mulf %gather3A_761, %gather3A_766 : vector<16xf32>
        %add3A_768 = arith.addf %add3A_716, %mul3A_767 : vector<16xf32>
        %add3A_769 = arith.addi %broadcast_in_dim3A_587, %select_n3A_239 : vector<16xi32>
        %gather3A_770 = arith.constant 0 : i32
        %gather3A_771 = arith.constant 0 : i32
        %gather3A_772 = tpu.memref_slice %arg14[%scan3A_546, %gather3A_770, %gather3A_771] : memref<2x32x768xf32, #tpu.memory_space<vmem>> -> memref<1x32x768xf32, #tpu.memory_space<vmem>>
        %gather3A_773 = tpu.memref_squeeze %gather3A_772 : memref<1x32x768xf32, #tpu.memory_space<vmem>> -> memref<32x768xf32, #tpu.memory_space<vmem>>
        %gather3A_774 = tpu.vector_load_idx %gather3A_773[%add3A_543, %add3A_769] : memref<32x768xf32, #tpu.memory_space<vmem>>[vector<16xi32>, vector<16xi32>], vector<16xf32>,
        %gather3A_775 = arith.constant 0 : i32
        %gather3A_776 = arith.constant 0 : i32
        %gather3A_777 = tpu.memref_slice %arg15[%scan3A_547, %gather3A_775, %gather3A_776] : memref<2x32x768xf32, #tpu.memory_space<vmem>> -> memref<1x32x768xf32, #tpu.memory_space<vmem>>
        %gather3A_778 = tpu.memref_squeeze %gather3A_777 : memref<1x32x768xf32, #tpu.memory_space<vmem>> -> memref<32x768xf32, #tpu.memory_space<vmem>>
        %gather3A_779 = tpu.vector_load_idx %gather3A_778[%add3A_543, %add3A_769] : memref<32x768xf32, #tpu.memory_space<vmem>>[vector<16xi32>, vector<16xi32>], vector<16xf32>,
        %mul3A_780 = arith.mulf %gather3A_774, %gather3A_779 : vector<16xf32>
        %add3A_781 = arith.addf %add3A_729, %mul3A_780 : vector<16xf32>
        %add3A_782 = arith.addi %broadcast_in_dim3A_587, %select_n3A_255 : vector<16xi32>
        %gather3A_783 = arith.constant 0 : i32
        %gather3A_784 = arith.constant 0 : i32
        %gather3A_785 = tpu.memref_slice %arg14[%scan3A_546, %gather3A_783, %gather3A_784] : memref<2x32x768xf32, #tpu.memory_space<vmem>> -> memref<1x32x768xf32, #tpu.memory_space<vmem>>
        %gather3A_786 = tpu.memref_squeeze %gather3A_785 : memref<1x32x768xf32, #tpu.memory_space<vmem>> -> memref<32x768xf32, #tpu.memory_space<vmem>>
        %gather3A_787 = tpu.vector_load_idx %gather3A_786[%add3A_543, %add3A_782] : memref<32x768xf32, #tpu.memory_space<vmem>>[vector<16xi32>, vector<16xi32>], vector<16xf32>,
        %gather3A_788 = arith.constant 0 : i32
        %gather3A_789 = arith.constant 0 : i32
        %gather3A_790 = tpu.memref_slice %arg15[%scan3A_547, %gather3A_788, %gather3A_789] : memref<2x32x768xf32, #tpu.memory_space<vmem>> -> memref<1x32x768xf32, #tpu.memory_space<vmem>>
        %gather3A_791 = tpu.memref_squeeze %gather3A_790 : memref<1x32x768xf32, #tpu.memory_space<vmem>> -> memref<32x768xf32, #tpu.memory_space<vmem>>
        %gather3A_792 = tpu.vector_load_idx %gather3A_791[%add3A_543, %add3A_782] : memref<32x768xf32, #tpu.memory_space<vmem>>[vector<16xi32>, vector<16xi32>], vector<16xf32>,
        %mul3A_793 = arith.mulf %gather3A_787, %gather3A_792 : vector<16xf32>
        %add3A_794 = arith.addf %add3A_742, %mul3A_793 : vector<16xf32>
        scf.yield %add3A_755, %add3A_768, %add3A_781, %add3A_794 : vector<16xf32>, vector<16xf32>, vector<16xf32>, vector<16xf32>
      }
      %scan3A_553 = arith.constant 48 : i32
      %get3A_554 = arith.constant 1 : i32
      %get3A_555 = arith.constant 0 : i32
      %get3A_556 = tpu.memref_slice %arg16[%get3A_554, %get3A_555] : memref<2x32xf32, #tpu.memory_space<vmem>> -> memref<1x32xf32, #tpu.memory_space<vmem>>
      %get3A_557 = tpu.memref_squeeze %get3A_556 : memref<1x32xf32, #tpu.memory_space<vmem>> -> memref<32xf32, #tpu.memory_space<vmem>>
      %get3A_558 = arith.constant 16 : index
      %get3A_559 = tpu.vector_load %get3A_557[%get3A_558] {strides = array<i32>} : memref<32xf32, #tpu.memory_space<vmem>>, vector<16xf32>,
      %get3A_560 = arith.constant 1 : i32
      %get3A_561 = arith.constant 0 : i32
      %get3A_562 = tpu.memref_slice %arg17[%get3A_560, %get3A_561] : memref<2x32xf32, #tpu.memory_space<vmem>> -> memref<1x32xf32, #tpu.memory_space<vmem>>
      %get3A_563 = tpu.memref_squeeze %get3A_562 : memref<1x32xf32, #tpu.memory_space<vmem>> -> memref<32xf32, #tpu.memory_space<vmem>>
      %get3A_564 = arith.constant 16 : index
      %get3A_565 = tpu.vector_load %get3A_563[%get3A_564] {strides = array<i32>} : memref<32xf32, #tpu.memory_space<vmem>>, vector<16xf32>,
      %add3A_566 = arith.addf %get3A_559, %get3A_565 : vector<16xf32>
      %add3A_567 = arith.addf %scan3A_552#0, %scan3A_552#1 : vector<16xf32>
      %add3A_568 = arith.addf %scan3A_552#2, %scan3A_552#3 : vector<16xf32>
      %add3A_569 = arith.addf %add3A_567, %add3A_568 : vector<16xf32>
      %add3A_570 = arith.addf %add3A_569, %add3A_566 : vector<16xf32>
      %get3A_571 = arith.constant 0 : index
      %get3A_572 = tpu.vector_load %arg19[%get3A_571] {strides = array<i32>} : memref<16xf32, #tpu.memory_space<vmem>>, vector<16xf32>,
      %add3A_573 = arith.addf %add3A_570, %get3A_572 : vector<16xf32>
      %mul3A_574 = arith.constant 32 : i32
      %mul3A_575 = arith.muli %add3A_501, %mul3A_574 : i32
      %add3A_576 = arith.constant 16 : i32
      %add3A_577 = arith.addi %mul3A_575, %add3A_576 : i32
      %swap3A_578 = arith.index_cast %add3A_577 : i32 to index
      %swap3A_579 = tpu.vector_load %arg18[%swap3A_578] {strides = array<i32>} : memref<512xf32, #tpu.memory_space<vmem>>, vector<16xf32>,
      tpu.vector_store %arg18[%swap3A_578], %add3A_573 {strides = array<i32>} : memref<512xf32, #tpu.memory_space<vmem>>, vector<16xf32>,
    }
    %scan3A_296 = arith.constant 8 : i32
    "tpu.region"() ({
      %run_scoped3A = tpu.sem_alloc : memref<!tpu.dma_semaphore, #tpu.memory_space<semaphore_mem>>
      %dma_start3A_297 = tpu.memref_slice %arg9[%mul3A_2] : memref<16384xf32, #tpu.memory_space<hbm>> -> memref<512xf32, #tpu.memory_space<hbm>>
      %dma_start3A_298 = tpu.memref_slice %arg9[%mul3A_2] : memref<16384xf32, #tpu.memory_space<hbm>> -> memref<512xf32, #tpu.memory_space<hbm>>
      tpu.enqueue_dma source(%arg18 : memref<512xf32, #tpu.memory_space<vmem>>) target(%dma_start3A_298 : memref<512xf32, #tpu.memory_space<hbm>>) target_semaphore(%run_scoped3A : memref<!tpu.dma_semaphore, #tpu.memory_space<semaphore_mem>>)
      %dma_wait3A = tpu.memref_slice %arg9[%mul3A_2] : memref<16384xf32, #tpu.memory_space<hbm>> -> memref<512xf32, #tpu.memory_space<hbm>>
      %dma_wait3A_299 = tpu.memref_slice %arg9[%mul3A_2] : memref<16384xf32, #tpu.memory_space<hbm>> -> memref<512xf32, #tpu.memory_space<hbm>>
      tpu.wait_dma2 semaphore(%run_scoped3A : memref<!tpu.dma_semaphore, #tpu.memory_space<semaphore_mem>>) src(%arg18 : memref<512xf32, #tpu.memory_space<vmem>>) dst(%dma_wait3A_299 : memref<512xf32, #tpu.memory_space<hbm>>)
      tpu.yield
    }) : () -> ()
    "tpu.region"() ({
      %run_scoped3A = tpu.sem_alloc : memref<!tpu.dma_semaphore, #tpu.memory_space<semaphore_mem>>
      %dma_start3A_297 = tpu.memref_slice %arg10[%mul3A_2] : memref<16384xi32, #tpu.memory_space<hbm>> -> memref<512xi32, #tpu.memory_space<hbm>>
      %dma_start3A_298 = tpu.memref_slice %arg10[%mul3A_2] : memref<16384xi32, #tpu.memory_space<hbm>> -> memref<512xi32, #tpu.memory_space<hbm>>
      tpu.enqueue_dma source(%arg12 : memref<512xi32, #tpu.memory_space<vmem>>) target(%dma_start3A_298 : memref<512xi32, #tpu.memory_space<hbm>>) target_semaphore(%run_scoped3A : memref<!tpu.dma_semaphore, #tpu.memory_space<semaphore_mem>>)
      %dma_wait3A = tpu.memref_slice %arg10[%mul3A_2] : memref<16384xi32, #tpu.memory_space<hbm>> -> memref<512xi32, #tpu.memory_space<hbm>>
      %dma_wait3A_299 = tpu.memref_slice %arg10[%mul3A_2] : memref<16384xi32, #tpu.memory_space<hbm>> -> memref<512xi32, #tpu.memory_space<hbm>>
      tpu.wait_dma2 semaphore(%run_scoped3A : memref<!tpu.dma_semaphore, #tpu.memory_space<semaphore_mem>>) src(%arg12 : memref<512xi32, #tpu.memory_space<vmem>>) dst(%dma_wait3A_299 : memref<512xi32, #tpu.memory_space<hbm>>)
      tpu.yield
    }) : () -> ()
    "tpu.region"() ({
      %run_scoped3A = tpu.sem_alloc : memref<!tpu.dma_semaphore, #tpu.memory_space<semaphore_mem>>
      %dma_start3A_297 = tpu.memref_slice %arg11[%mul3A_2] : memref<16384xi32, #tpu.memory_space<hbm>> -> memref<512xi32, #tpu.memory_space<hbm>>
      %dma_start3A_298 = tpu.memref_slice %arg11[%mul3A_2] : memref<16384xi32, #tpu.memory_space<hbm>> -> memref<512xi32, #tpu.memory_space<hbm>>
      tpu.enqueue_dma source(%arg13 : memref<512xi32, #tpu.memory_space<vmem>>) target(%dma_start3A_298 : memref<512xi32, #tpu.memory_space<hbm>>) target_semaphore(%run_scoped3A : memref<!tpu.dma_semaphore, #tpu.memory_space<semaphore_mem>>)
      %dma_wait3A = tpu.memref_slice %arg11[%mul3A_2] : memref<16384xi32, #tpu.memory_space<hbm>> -> memref<512xi32, #tpu.memory_space<hbm>>
      %dma_wait3A_299 = tpu.memref_slice %arg11[%mul3A_2] : memref<16384xi32, #tpu.memory_space<hbm>> -> memref<512xi32, #tpu.memory_space<hbm>>
      tpu.wait_dma2 semaphore(%run_scoped3A : memref<!tpu.dma_semaphore, #tpu.memory_space<semaphore_mem>>) src(%arg13 : memref<512xi32, #tpu.memory_space<vmem>>) dst(%dma_wait3A_299 : memref<512xi32, #tpu.memory_space<hbm>>)
      tpu.yield
    }) : () -> ()
    return
  }
}

</mosaic_0001>

<sc_bundles>
// kernel: kernel.4.cloned.1.call-start
scs
__scs_entry_jumppad:
0x0: {  	(pc) =	sbr.rel $0x88, $3  }
0x1: {  	(tag) =	ssettag $0x0;
	lr =	simm.s32 $0x1  }
0x2: {  	[smem:$0x3F98] =	sst lr;
	_ =	strace $0xD0000000  }
0x3: {  	_ = 	snop  }
0x4: {  	_ = 	snop  }
0x5: {  	_ = 	snop  }
0x6: {  	_ = 	snop  }
0x7: {  	_ = 	snop  }
__scs_overlays_trampoline_lowered:
0x8: {  	[smem:$0x3FA7] =	sst s0  }
0x9: {  	[smem:$0x3FA8] =	sst s1  }
0xa: {  	[smem:$0x3FA9] =	sst s2  }
0xb: {  	[smem:$0x3FAA] =	sst s3  }
0xc: {  	[smem:$0x3FAB] =	sst s4  }
0xd: {  	[smem:$0x3FAC] =	sst s5  }
0xe: {  	[smem:$0x3FAD] =	sst s6  }
0xf: {  	[smem:$0x3FAE] =	sst s7  }
0x10: {  	[smem:$0x3FAF] =	sst s8  }
0x11: {  	[smem:$0x3FB0] =	sst s9;
	s0 =	simm.s32 @!p0 $0x0  }
0x12: {  	s1 =	sld [smem:$0x3F96];
	s0 =	simm.s32 @p0 $0x1  }
0x13: {  	[smem:$0x3FB1] =	sst s0;
	s0 =	simm.s32 @!p1 $0x0  }
0x14: {  	s2 =	sld [smem:$0x3F95];
	s0 =	simm.s32 @p1 $0x1  }
0x15: {  	[smem:$0x3FB2] =	sst s0;
	s0 =	simm.s32 @!p2 $0x0  }
0x16: {  	s3 =	sld [smem:$0x3FDB];
	s0 =	simm.s32 @p2 $0x1  }
0x17: {  	s4 =	simm.s32 $0x1BF5;
	[smem:$0x3FB4] =	sst s0  }
0x18: {  	s0 =	sld [smem:$0x3F97];
	_ =	swait.ge [sflag:s4], $0x0  }
0x19: {  	s7 =	sld [smem:$0x3F98]  }
0x1a: {  	s8 =	sadd.s32 $0xFFFFE003, lr  }
0x1b: {  	s9 =	sadd.s32 $0xFFFFFEF7, lr;
	s5 =	simm.s32 $0xFFFFFFFF;
	p2 =	slt.u32 s8, $0xFFFFF086  }
0x1c: {  	p1 =	slt.u32 s9, $0xF7A;
	s5 =	simm.s32 @!p2 $0x0  }
0x1d: {  	s5 =	simm.s32 @p1 $0x1;
	p0 =	seq.s32 s7, s2  }
0x1e: {  	s7 =	smul.u32 @!p0 $0xF7A, s2;
	p2 =	seq.s32 @!p0 s5, $0x0  }
0x1f: {  	s9 =	smul.u32 $0xF7A, s1;
	s8 =	simm.s32 @!p0 $0x1BF5;
	p2 =	por !p2, p0  }
0x20: {  	[sflag:s8] =	ssyncset.s32 @!p0 $0xFFFFF086;
	s6 =	sadd.s32 @!p0 s3, s7;
	s7 =	simm.s32 @!p0 $0x108  }
0x21: {  	s3 =	sadd.s32 s3, s9;
	s6 =	sadd.s32 @!p0 $0x88, s6;
	s7 =	simm.s32 @p2 $0x1082  }
0x22: {  	[simem:s7], [sflag:s8] =	dma.local @!p0 [hbm:s6], $0xF7A  }
0x23: {  	s9 =	sor.u32 $0xD0000000, s2;
	s6 =	simm.s32 $0x108;
	_ =	swait.ge @!p0 [sflag:s8], $0x0  }
0x24: {  	s3 =	sadd.s32 $0x88, s3;
	s6 =	simm.s32 @!p1 $0x1082;
	[sflag:s4] =	ssyncset.s32 $0xFFFFF086  }
0x25: {  	[simem:s6], [sflag:s4] =	dma.local [hbm:s3], $0xF7A  }
0x26: {  	[smem:$0x3F98] =	sst s1;
	(tag) =	ssettag s2;
	_ =	strace s9  }
0x27: {  	s1 =	sld [smem:$0x3FA8]  }
0x28: {  	s2 =	sld [smem:$0x3FA9]  }
0x29: {  	s4 =	sld [smem:$0x3FAB]  }
0x2a: {  	p0 =	seq.s32 s5, $0x0;
	s5 =	sld [smem:$0x3FAC]  }
0x2b: {  	s6 =	sld [smem:$0x3FAD]  }
0x2c: {  	s7 =	sld [smem:$0x3FAE]  }
0x2d: {  	s3 =	simm.s32 $0x108;
	s8 =	sld [smem:$0x3FAF]  }
0x2e: {  	s3 =	simm.s32 @!p0 $0x1082;
	s9 =	sld [smem:$0x3FB0]  }
0x2f: {  	lr =	sadd.s32 s0, s3;
	s0 =	sld [smem:$0x3FA7]  }
0x30: {  	s3 =	sld [smem:$0x3FAA]  }
0x31: {  	[smem:$0x3FB3] =	sst s10  }
0x32: {  	s10 =	sld [smem:$0x3FB1];
	_ =	sdelay $0x3  }
0x33: {  	p0 =	seq.s32 s10, $0x1;
	s10 =	sld [smem:$0x3FB3];
	_ =	sdelay $0x3  }
0x34: {  	[smem:$0x3FB3] =	sst s10  }
0x35: {  	s10 =	sld [smem:$0x3FB2];
	_ =	sdelay $0x3  }
0x36: {  	p1 =	seq.s32 s10, $0x1;
	s10 =	sld [smem:$0x3FB3];
	_ =	sdelay $0x3  }
0x37: {  	[smem:$0x3FB3] =	sst s10  }
0x38: {  	s10 =	sld [smem:$0x3FB4]  }
0x39: {  	_ = 	snop;
	(pc) =	sbr.ind lr, $3  }
0x3a: {  	_ = 	snop  }
0x3b: {  	_ = 	snop  }
0x3c: {  	p2 =	seq.s32 s10, $0x1;
	s10 =	sld [smem:$0x3FB3]  }
0x3d: {  	_ =	shalt  }
0x3e: {  	_ =	shalt  }
0x3f: {  	_ =	shalt  }
0x40: {  	_ =	shalt  }
0x41: {  	_ =	shalt  }
0x42: {  	_ =	shalt  }
0x43: {  	_ =	shalt  }
0x44: {  	_ =	shalt  }
0x45: {  	_ =	shalt  }
0x46: {  	_ =	shalt  }
0x47: {  	_ =	shalt  }
0x48: {  	_ =	shalt  }
0x49: {  	_ =	shalt  }
0x4a: {  	_ =	shalt  }
0x4b: {  	_ =	shalt  }
0x4c: {  	_ =	shalt  }
0x4d: {  	_ =	shalt  }
0x4e: {  	_ =	shalt  }
0x4f: {  	_ =	shalt  }
0x50: {  	_ =	shalt  }
0x51: {  	_ =	shalt  }
0x52: {  	_ =	shalt  }
0x53: {  	_ =	shalt  }
0x54: {  	_ =	shalt  }
0x55: {  	_ =	shalt  }
0x56: {  	_ =	shalt  }
0x57: {  	_ =	shalt  }
0x58: {  	_ =	shalt  }
0x59: {  	_ =	shalt  }
0x5a: {  	_ =	shalt  }
0x5b: {  	_ =	shalt  }
0x5c: {  	_ =	shalt  }
0x5d: {  	_ =	shalt  }
0x5e: {  	_ =	shalt  }
0x5f: {  	_ =	shalt  }
0x60: {  	_ =	shalt  }
0x61: {  	_ =	shalt  }
0x62: {  	_ =	shalt  }
0x63: {  	_ =	shalt  }
0x64: {  	_ =	shalt  }
0x65: {  	_ =	shalt  }
0x66: {  	_ =	shalt  }
0x67: {  	_ =	shalt  }
0x68: {  	_ =	shalt  }
0x69: {  	_ =	shalt  }
0x6a: {  	_ =	shalt  }
0x6b: {  	_ =	shalt  }
0x6c: {  	_ =	shalt  }
0x6d: {  	_ =	shalt  }
0x6e: {  	_ =	shalt  }
0x6f: {  	_ =	shalt  }
0x70: {  	_ =	shalt  }
0x71: {  	_ =	shalt  }
0x72: {  	_ =	shalt  }
0x73: {  	_ =	shalt  }
0x74: {  	_ =	shalt  }
0x75: {  	_ =	shalt  }
0x76: {  	_ =	shalt  }
0x77: {  	_ =	shalt  }
0x78: {  	_ =	shalt  }
0x79: {  	_ =	shalt  }
0x7a: {  	_ =	shalt  }
0x7b: {  	_ =	shalt  }
0x7c: {  	_ =	shalt  }
0x7d: {  	_ =	shalt  }
0x7e: {  	_ =	shalt  }
0x7f: {  	_ =	shalt  }
0x80: {  	_ =	shalt  }
0x81: {  	_ =	shalt  }
0x82: {  	_ =	shalt  }
0x83: {  	_ =	shalt  }
0x84: {  	_ =	shalt  }
0x85: {  	_ =	shalt  }
0x86: {  	_ =	shalt  }
0x87: {  	_ =	shalt  }
.Lfunc_end0:
.L_simem_size_0:
called_computation_lowered:
.L_overlay_start_0:
0x88: {  	s2 =	sld [smem:$0x3FD9]  }
0x89: {  	s3 =	sld [smem:$0x3FFE];
	_ =	sdelay $0x1  }
0x8a: {  	s1 =	srdreg.scid  }
0x8b: {  	s0 =	sand.u32 $0x1, s1  }
0x8c: {  	s17 =	sshll.u32 s0, $0xA;
	s2 =	sadd.s32 s3, s2  }
0x8d: {  	s2 =	sadd.s32 s2, s17  }
0x8e: {  	[smem:$0x3FBF] =	sst s2  }
0x8f: {  	_ = 	snop  }
0x90: {  	s2 =	sld [smem:$0x3FC9]  }
0x91: {  	s18 =	sld [smem:$0x3FC8]  }
0x92: {  	s4 =	sld [smem:$0x3FC5]  }
0x93: {  	s5 =	sld [smem:$0x3FC4]  }
0x94: {  	s6 =	sld [smem:$0x3FC3]  }
0x95: {  	s7 =	sld [smem:$0x3FC2];
	(tm) =	ssettm $0x1  }
0x96: {  	s8 =	sld [smem:$0x3FFB];
	_ =	sdelay $0x3  }
0x97: {  	_ =	strace s8  }
0x98: {  	s8 =	sld [smem:$0x3FFC];
	_ =	sdelay $0x3  }
0x99: {  	_ =	strace s8  }
0x9a: {  	s8 =	sld [smem:$0x3FFD];
	_ =	sdelay $0x3  }
0x9b: {  	_ =	strace s8  }
0x9c: {  	_ =	strace $0x8FFFFFFF  }
0x9d: {  	s19 =	sld [smem:$0x3FDB];
	_ =	sdelay $0x1  }
0x9e: {  	s9 =	simm.s32 $_scs_section_size  }
0x9f: {  	s10 =	simm.s32 $_size__tile_overlayer_lowered;
	s11 =	simm.s32 $_tile_overlayer_lowered  }
0xa0: {  	s22 =	simm.s32 $0x1BFF;
	s21 =	sshll.u32 s11, $0x1;
	s8 =	sadd.s32 s9, s19  }
0xa1: {  	s12 =	simm.s32 $0x0;
	s20 =	sshll.u32 s10, $0x1;
	s10 =	sadd.s32 s21, s8  }
0xa2: {  	[timem:s12], [sflag:s22] =	dma.local [hbm:s10], s20  }
0xa3: {  	_ =	swait.ge [sflag:s22], s20  }
0xa4: {  	s9 =	ssub.s32 $0x0, s20;
	[sflag:s22] =	ssyncset.done $0x0  }
0xa5: {  	[sflag:s22] =	ssyncadd.s32 s9;
	_ =	sdelay $0x1  }
0xa6: {  	s23 =	simm.s32 $0x1B8B  }
0xa7: {  	_ =	swait.ge [sflag:s23], $0x1  }
0xa8: {  	[sflag:s23] =	ssyncset.done $0x0  }
0xa9: {  	s25 =	simm.s32 $0x1B8E;
	s24 =	sld [smem:$0x3FFE];
	[sflag:s23] =	ssyncadd.s32 $0xFFFFFFFF  }
0xaa: {  	s26 =	simm.s32 $execute0_lowered;
	[smem:$0x3FD2] =	sst s25  }
0xab: {  	s10 =	sshll.u32 s26, $0x1;
	_ =	strace $0x80000046;
	[dreg:$0x1] =	wrdreg $0xFFFFFFFF  }
0xac: {  	s28 =	simm.s32 $_size_execute0_lowered;
	s8 =	sadd.s32 s8, s10;
	[dreg:$0x0] =	wrdreg $0x0  }
0xad: {  	s10 =	sshll.u32 s28, $0x1;
	[dreg:$0x2] =	wrdreg s8  }
0xae: {  	[dreg:$0x3] =	wrdreg s10  }
0xaf: {  	[dreg:$0x4] =	wrdreg $0xC0  }
0xb0: {  	_ =	task [dreg:s12], $0x5FFFF  }
0xb1: {  	[dreg:$0x1] =	wrdreg $0xFFFFFFFF  }
0xb2: {  	[dreg:$0x0] =	wrdreg $0x60  }
0xb3: {  	[dreg:$0x2] =	wrdreg s2  }
0xb4: {  	[dreg:$0x3] =	wrdreg s18  }
0xb5: {  	[dreg:$0x4] =	wrdreg s4  }
0xb6: {  	[dreg:$0x5] =	wrdreg s5  }
0xb7: {  	[dreg:$0x6] =	wrdreg s6  }
0xb8: {  	[dreg:$0x7] =	wrdreg s7  }
0xb9: {  	[dreg:$0x8] =	wrdreg s24  }
0xba: {  	[dreg:$0x9] =	wrdreg $0x9  }
0xbb: {  	_ =	task.clear_ibuf [dreg:s12], $0xAFFFF;
	_ =	strace $0x90000046  }
0xbc: {  	s29 =	simm.s32 $0x9;
	_ =	strace $0x80000048  }
0xbd: {  	_ =	swait.ge [sflag:s29], $0x1  }
0xbe: {  	[sflag:s29] =	ssyncadd.s32 $0xFFFFFFFF  }
0xbf: {  	_ =	strace $0x90000048  }
0xc0: {  	_ =	sfence  }
0xc1: {  	s30 =	sld [smem:$0x0];
	_ =	sdelay $0x2  }
0xc2: {  	s31 =	sshll.u32 s1, $0xD;
	s1 =	sshrl.u32 s1, $0x2  }
0xc3: {  	s3 =	sand.u32 $0x4000, s31;
	s1 =	sadd.s32 s1, s30  }
0xc4: {  	s0 =	sor.u32 s3, s0;
	s1 =	sshll.u32 s1, $0x11  }
0xc5: {  	s0 =	sor.u32 s1, s0  }
0xc6: {  	s0 =	sadd.s32 $0x8F2B, s0  }
0xc7: {  	[sflag:s0] =	ssyncadd.remote.s32 $0x1  }
0xc8: {  	_ =	sfence.sel $0xFFFF  }
0xc9: {  	[dreg:$0x0] =	wrdreg $0xFFFFFFFF;
	(pc) =	sbr.abs _section_cstart, $3  }
0xca: {  	[dreg:$0x1] =	wrdreg $0xFFFFFFFF  }
0xcb: {  	_ =	task.clear_ibuf [dreg:s12], $0x2FFFF;
	_ =	strace $0x9FFFFFFF  }
0xcc: {  	(tm) =	ssettm $0x7FFFFFFF  }
0xcd: {  	_ =	shalt  }
tec
execute0_lowered:
.L_overlay_start_1:
0x0: {  	(tag) =	ssettag $0x1  }
0x1: {  	v0 =	vimm.s32 $0x1B80;
	vm15 =	vcmask $0x300  }
0x2: {  	vm14 =	vcmask $0x704;
	vm13 =	vcmask $0xB08;
	vm11 =	vcmask $0xF0C  }
0x3: {  	vm10 =	vcmask $0x1310;
	vm9 =	vcmask $0x1714;
	vm8 =	vcmask $0x1B18  }
0x4: {  	vm7 =	vcmask $0x1F1C;
	vm6 =	vcmask $0x2320;
	vm5 =	vcmask $0x2724  }
0x5: {  	v50 =	vlaneseq.u32;
	vm4 =	vcmask $0x2B28;
	vm3 =	vcmask $0x2F2C  }
0x6: {  	vm2 =	vcmask $0x3330;
	vm1 =	vcmask $0x3734;
	v5 =	vimm.s32 $0x87654321  }
0x7: {  	v6 =	vimm.s32 $0x10FEDCBA;
	v7 =	vimm.s32 $0x98765432;
	v8 =	vimm.s32 $0x210FEDCB  }
0x8: {  	v9 =	vimm.s32 $0xA9876543;
	vm0 =	vmmov $0xffff;
	vm12 =	vcmask $0x3B38  }
0x9: {  	v45 =	vimm.s32 $0xBA987654;
	v10 =	vimm.s32 $0x43210FED;
	v11 =	vimm.s32 $0xCBA98765  }
0xa: {  	v12 =	vimm.s32 $0x543210FE;
	v13 =	vimm.s32 $0xDCBA9876;
	v14 =	vimm.s32 $0x6543210F  }
0xb: {  	v15 =	vimm.s32 $0xEDCBA987;
	v16 =	vimm.s32 $0x76543210;
	v17 =	vimm.s32 $0xFEDCBA98  }
0xc: {  	v48 =	vimm.s32 $0x4B80;
	v0 =	vsel vm15, $0x0, v0;
	v42 =	vand.u32 $0x7, v50  }
0xd: {  	v3 =	vshrl.u32 v50, $0x3;
	v5 =	vunpack.c.l.s4.s8 v5;
	v6 =	vunpack.c.l.s4.s8 v6  }
0xe: {  	v7 =	vunpack.c.l.s4.s8 v7;
	v8 =	vunpack.c.l.s4.s8 v8;
	v9 =	vunpack.c.l.s4.s8 v9  }
0xf: {  	v44 =	vor.u32 $0x8, v50;
	v10 =	vunpack.c.l.s4.s8 v10;
	v11 =	vunpack.c.l.s4.s8 v11  }
0x10: {  	v49 =	vunpack.c.l.s4.s8 v12;
	v12 =	vunpack.c.l.s4.s8 v13;
	v15 =	vunpack.c.l.s4.s8 v15  }
0x11: {  	v16 =	vunpack.c.l.s4.s8 v16;
	v0 =	vsel vm14, $0x80, v0;
	v43 =	vmul.u32 $0x8, v3  }
0x12: {  	v0 =	vsel vm13, $0x100, v0;
	v20 =	vunpack.c.0.s8.s32 v5;
	v21 =	vunpack.c.0.s8.s32 v6  }
0x13: {  	s6 =	rddreg [dreg:$0x0];
	v24 =	vunpack.c.0.s8.s32 v7;
	v22 =	vunpack.c.0.s8.s32 v8;
	v23 =	vunpack.c.0.s8.s32 v9  }
0x14: {  	s4 =	rddreg [dreg:$0x1];
	v8 =	vimm.s32 $0x3210FEDC;
	v9 =	vunpack.c.l.s4.s8 v45;
	v0 =	vsel vm11, $0x180, v0  }
0x15: {  	s0 =	rddreg [dreg:$0x2];
	v46 =	vunpack.c.0.s8.s32 v10;
	v47 =	vunpack.c.0.s8.s32 v11;
	v0 =	vsel vm10, $0x200, v0  }
0x16: {  	s1 =	rddreg [dreg:$0x3];
	v10 =	vsel vm15, $0x3000, v48;
	v53 =	vunpack.c.0.s8.s32 v49;
	v0 =	vsel vm9, $0x280, v0  }
0x17: {  	s2 =	rddreg [dreg:$0x4];
	v54 =	vunpack.c.0.s8.s32 v12;
	v8 =	vunpack.c.l.s4.s8 v8;
	v0 =	vsel vm8, $0x300, v0  }
0x18: {  	s3 =	rddreg [dreg:$0x5];
	v13 =	vsel vm14, $0x3080, v10;
	v6 =	vcombine.low v24, v21;
	v0 =	vsel vm7, $0x380, v0  }
0x19: {  	s7 =	rddreg [dreg:$0x6];
	v7 =	vcombine.low v23, v22;
	v26 =	vunpack.c.0.s8.s32 v9;
	v1 =	vsel vm6, $0x1800, v0  }
0x1a: {  	s5 =	simm.s32 $0x0;
	s8 =	srdreg.scid;
	s9 =	stileid.u32;
	v27 =	vcombine.low v47, v46;
	v12 =	vsel vm13, $0x3100, v13;
	v2 =	vsel vm5, $0x1880, v1  }
0x1b: {  	s18 =	simm.s32 $0x200;
	s17 =	simm.s32 $0x400;
	s16 =	simm.s32 $0xC400;
	v13 =	vunpack.c.l.s4.s8 v14;
	v14 =	vunpack.c.l.s4.s8 v17;
	v2 =	vsel vm4, $0x1900, v2  }
0x1c: {  	s29 =	simm.s32 $0x6400;
	s14 =	simm.s32 $0x12400;
	s28 =	simm.s32 $0x14C00;
	v22 =	vcombine.low v22, v23;
	v25 =	vunpack.c.0.s8.s32 v8;
	v4 =	vsel vm3, $0x1980, v2  }
0x1d: {  	s20 =	simm.s32 $0x3;
	s30 =	simm.s32 $0x15C00;
	s31 =	simm.s32 $0x16400;
	v12 =	vsel vm11, $0x3180, v12;
	v3 =	vsel vm2, $0x1A00, v4;
	v4 =	vimm.s32 $0xFEDCBA9  }
0x1e: {  	s12 =	simm.s32 $0x1;
	s13 =	simm.s32 $0x2;
	s19 =	simm.s32 $0x0;
	v6 =	vand.u32 $0xF, v6;
	v52 =	vand.u32 $0xF, v7;
	v4 =	vunpack.c.l.s4.s8 v4  }
0x1f: {  	[smem:$0x7FF] =	sst s5;
	s8 =	sand.u32 $0x1, s8;
	s9 =	sshll.u32 s9, $0x7;
	v17 =	vsel vm10, $0x3200, v12;
	v55 =	vunpack.c.0.s8.s32 v13;
	v14 =	vunpack.c.0.s8.s32 v14  }
0x20: {  	s11 =	sadd.s32 $0x2000, s7;
	s10 =	sshll.u32 s8, $0x6;
	s8 =	ssub.s32 $0x2, s8;
	v17 =	vsel vm9, $0x3280, v17;
	v19 =	vunpack.c.0.s8.s32 v4;
	v4 =	vsel vm1, $0x1A80, v3  }
0x21: {  	[tilespmem:$0x1FF60] =	vst v42;
	s21 =	sor.u32 s10, s9;
	s22 =	sshrl.u32 s8, $0x1;
	s9 =	sadd.s32 $0x200, s0;
	v3 =	vunpack.c.0.s8.s32 v15;
	v15 =	vunpack.c.0.s8.s32 v16;
	v16 =	vsel vm8, $0x3300, v17  }
0x22: {  	s10 =	sadd.s32 $0x200, s1;
	[tilespmem:$0x1FF70] =	vst v43;
	s7 =	sadd.s32 s21, s7;
	s8 =	ssub.s32 s8, s22;
	v18 =	vcombine.low v26, v25;
	v23 =	vcombine.low v25, v26;
	v16 =	vsel vm7, $0x3380, v16  }
0x23: {  	s6 =	sadd.s32 s6, s21;
	_ =	strace $0x80000047;
	[dreg:$0x8] =	wrdreg s11;
	[tilespmem:$0x1FF80] =	vst v44;
	v60 =	vand.u32 $0xF, v22;
	v14 =	vand.u32 $0xF, v14;
	v29 =	vsel vm6, $0x4800, v16  }
0x24: {  	s4 =	sadd.s32 s4, s21;
	s21 =	sadd.s32 $0x100, s0;
	[dreg:$0x9] =	wrdreg s6;
	[tilespmem:$0x1FF90] =	vst v46;
	v63 =	vand.u32 $0xF, v18;
	v22 =	vand.u32 $0xF, v23;
	v56 =	vsel vm5, $0x4880, v29  }
0x25: {  	s22 =	sadd.s32 $0x100, s1;
	s23 =	sadd.s32 $0x3200, s7;
	[dreg:$0xd] =	wrdreg s4;
	[tilespmem:$0x1FFA0] =	vst v47;
	v5 =	vcombine.low v20, v19;
	v16 =	vand.u32 $0xF, v27;
	v27 =	vsel vm4, $0x4900, v56  }
0x26: {  	s24 =	sadd.s32 $0x2200, s7;
	s25 =	sadd.s32 $0x2A00, s7;
	[tilespmem:$0x1FFB0] =	vst v53;
	[dreg:$0xa] =	wrdreg s23;
	v19 =	vcombine.low v19, v20;
	v20 =	vcombine.low v21, v24;
	v21 =	vsel vm3, $0x4980, v27  }
0x27: {  	s26 =	smax.u32 s8, $0x1;
	[tilespmem:$0x1FFC0] =	vst v54;
	s4 =	simm.s32 $0x16C00;
	[dreg:$0xb] =	wrdreg s24;
	v17 =	vcombine.low v54, v53;
	v51 =	vsel vm12, $0x1B00, v4;
	v21 =	vsel vm2, $0x4A00, v21  }
0x28: {  	s6 =	simm.s32 $0x17400;
	s7 =	simm.s32 $0x17C00;
	[dreg:$0xc] =	wrdreg s25;
	[tilespmem:$0x1FFD0] =	vst v55;
	v58 =	vcombine.low v14, v15;
	v28 =	vcombine.low v3, v55;
	v57 =	vsel vm1, $0x4A80, v21  }
0x29: {  	s8 =	simm.s32 $0x18480;
	s11 =	simm.s32 $0x18580;
	[dreg:$0xe] =	wrdreg s26;
	[tilespmem:$0x1FFE0] =	vst v3;
	v17 =	vand.u32 $0xF, v17;
	v5 =	vand.u32 $0xF, v5;
	v7 =	vsel vm12, $0x4B00, v57  }
0x2a: {  	s25 =	simm.s32 $0x20;
	s26 =	simm.s32 $0x14400;
	s24 =	simm.s32 $0x15400;
	v15 =	vand.u32 $0xF, v28;
	v18 =	vand.u32 $0xF, v19;
	v59 =	vand.u32 $0xF, v20;
	[tilespmem:$0x1FFF0] =	vst v7  }
.LBB2_1:
0x2b: {  	[dreg:$0xf] =	wrdreg s19  }
0x2c: {  	s15 =	rddreg [dreg:$0x9]  }
0x2d: {  	[tilespmem:s5], [sflag:$0x3] =	stream.linear.gather [hbm4b:s15+s5], $0x200, $0x38;
	[tilespmem:$0x18880] =	vst v63  }
0x2e: {  	_ =	swait.ge [sflag:s20], $0x200  }
0x2f: {  	[sflag:s20] =	ssyncset.done $0x0  }
0x30: {  	s23 =	rddreg [dreg:$0xd];
	[sflag:s20] =	ssyncadd.s32 $0xFFFFFE00  }
0x31: {  	[tilespmem:s18], [sflag:$0x3] =	stream.linear.gather [hbm4b:s23+s5], $0x200, $0x38;
	[tilespmem:$0x18880] =	vst v63  }
0x32: {  	_ =	swait.ge [sflag:s20], $0x200  }
0x33: {  	[sflag:s20] =	ssyncset.done $0x0  }
0x34: {  	s23 =	simm.s32 $0x18800;
	s19 =	rddreg [dreg:$0x8];
	[sflag:s20] =	ssyncadd.s32 $0xFFFFFE00  }
0x35: {  	[tilespmem:s23], [sflag:$0x3] =	stream.linear.gather [hbm4b:s19+s5], $0x80, $0x38;
	[tilespmem:$0x18880] =	vst v63  }
0x36: {  	_ =	swait.ge [sflag:s20], $0x80  }
0x37: {  	[sflag:s20] =	ssyncset.done $0x0  }
0x38: {  	[sflag:s20] =	ssyncadd.s32 $0xFFFFFF80  }
0x39: {  	v24 =	vld [tilespmem:$0x0];
	_ =	sdelay $0x3  }
0x3a: {  	v0 =	vld [tilespmem:$0x1FF60]  }
0x3b: {  	v25 =	vshrl.u32 v24, $0x3  }
0x3c: {  	v1 =	vld [tilespmem:$0x1FF70];
	v25 =	vmul.u32 $0x30, v25  }
0x3d: {  	v24 =	vand.u32 $0x7, v24  }
0x3e: {  	v24 =	vor.u32 v24, v25  }
0x3f: {  	v25 =	vperm.xlane v24, v0  }
0x40: {  	v2 =	vld [tilespmem:$0x1FF80]  }
0x41: {  	v25 =	vadd.s32 v1, v25;
	_ =	sdelay $0x3  }
0x42: {  	v24 =	vperm.xlane v24, v2  }
0x43: {  	[tilespmem:s17], [sflag:$0x1] =	stream.indirect_vreg.gather [hbm4b:s0+s5], $0x80, v25, vm0, $0xb8;
	[tilespmem:$0x18880] =	vst v63  }
0x44: {  	s19 =	simm.s32 $0xC00;
	v24 =	vadd.s32 v1, v24  }
0x45: {  	[tilespmem:s19], [sflag:$0x1] =	stream.indirect_vreg.gather [hbm4b:s21+s5], $0x80, v25, vm0, $0xb8;
	[tilespmem:$0x18880] =	vst v63  }
0x46: {  	s20 =	simm.s32 $0x1400  }
0x47: {  	[tilespmem:s20], [sflag:$0x1] =	stream.indirect_vreg.gather [hbm4b:s9+s5], $0x80, v25, vm0, $0xb8;
	[tilespmem:$0x18880] =	vst v63  }
0x48: {  	s23 =	simm.s32 $0x1C00  }
0x49: {  	[tilespmem:s23], [sflag:$0x1] =	stream.indirect_vreg.gather [hbm4b:s0+s5], $0x80, v24, vm0, $0xb8;
	[tilespmem:$0x18880] =	vst v63  }
0x4a: {  	s19 =	simm.s32 $0x2400  }
0x4b: {  	[tilespmem:s19], [sflag:$0x1] =	stream.indirect_vreg.gather [hbm4b:s21+s5], $0x80, v24, vm0, $0xb8;
	[tilespmem:$0x18880] =	vst v63  }
0x4c: {  	s20 =	simm.s32 $0x2C00  }
0x4d: {  	[tilespmem:s20], [sflag:$0x1] =	stream.indirect_vreg.gather [hbm4b:s9+s5], $0x80, v24, vm0, $0xb8;
	[tilespmem:$0x18880] =	vst v63  }
0x4e: {  	v24 =	vld [tilespmem:$0x10];
	_ =	sdelay $0x4  }
0x4f: {  	v57 =	vshrl.u32 v24, $0x3  }
0x50: {  	v25 =	vmul.u32 $0x30, v57  }
0x51: {  	v24 =	vand.u32 $0x7, v24  }
0x52: {  	v24 =	vor.u32 v24, v25  }
0x53: {  	v25 =	vperm.xlane v24, v0;
	_ =	sdelay $0x1  }
0x54: {  	v25 =	vadd.s32 v1, v25;
	_ =	sdelay $0x3  }
0x55: {  	s23 =	simm.s32 $0x3400;
	v24 =	vperm.xlane v24, v2  }
0x56: {  	[tilespmem:s23], [sflag:$0x1] =	stream.indirect_vreg.gather [hbm4b:s0+s5], $0x80, v25, vm0, $0xb8;
	[tilespmem:$0x18880] =	vst v63  }
0x57: {  	s19 =	simm.s32 $0x3C00;
	v24 =	vadd.s32 v1, v24  }
0x58: {  	[tilespmem:s19], [sflag:$0x1] =	stream.indirect_vreg.gather [hbm4b:s21+s5], $0x80, v25, vm0, $0xb8;
	[tilespmem:$0x18880] =	vst v63  }
0x59: {  	s20 =	simm.s32 $0x4400  }
0x5a: {  	[tilespmem:s20], [sflag:$0x1] =	stream.indirect_vreg.gather [hbm4b:s9+s5], $0x80, v25, vm0, $0xb8;
	[tilespmem:$0x18880] =	vst v63  }
0x5b: {  	s23 =	simm.s32 $0x4C00  }
0x5c: {  	[tilespmem:s23], [sflag:$0x1] =	stream.indirect_vreg.gather [hbm4b:s0+s5], $0x80, v24, vm0, $0xb8;
	[tilespmem:$0x18880] =	vst v63  }
0x5d: {  	s19 =	simm.s32 $0x5400  }
0x5e: {  	[tilespmem:s19], [sflag:$0x1] =	stream.indirect_vreg.gather [hbm4b:s21+s5], $0x80, v24, vm0, $0xb8;
	[tilespmem:$0x18880] =	vst v63  }
0x5f: {  	s20 =	simm.s32 $0x5C00  }
0x60: {  	[tilespmem:s20], [sflag:$0x1] =	stream.indirect_vreg.gather [hbm4b:s9+s5], $0x80, v24, vm0, $0xb8;
	[tilespmem:$0x18880] =	vst v63  }
0x61: {  	v24 =	vld [tilespmem:$0x200];
	_ =	sdelay $0x4  }
0x62: {  	v61 =	vshrl.u32 v24, $0x3  }
0x63: {  	v25 =	vmul.u32 $0x30, v61  }
0x64: {  	v24 =	vand.u32 $0x7, v24  }
0x65: {  	v24 =	vor.u32 v24, v25  }
0x66: {  	v25 =	vperm.xlane v24, v0;
	_ =	sdelay $0x1  }
0x67: {  	v25 =	vadd.s32 v1, v25;
	_ =	sdelay $0x3  }
0x68: {  	v24 =	vperm.xlane v24, v2  }
0x69: {  	[tilespmem:s16], [sflag:$0x1] =	stream.indirect_vreg.gather [hbm4b:s1+s5], $0x80, v25, vm0, $0xb8;
	[tilespmem:$0x18880] =	vst v63  }
0x6a: {  	s23 =	simm.s32 $0xCC00;
	v24 =	vadd.s32 v1, v24  }
0x6b: {  	[tilespmem:s23], [sflag:$0x1] =	stream.indirect_vreg.gather [hbm4b:s22+s5], $0x80, v25, vm0, $0xb8;
	[tilespmem:$0x18880] =	vst v63  }
0x6c: {  	s19 =	simm.s32 $0xD400  }
0x6d: {  	[tilespmem:s19], [sflag:$0x1] =	stream.indirect_vreg.gather [hbm4b:s10+s5], $0x80, v25, vm0, $0xb8;
	[tilespmem:$0x18880] =	vst v63  }
0x6e: {  	s20 =	simm.s32 $0xDC00  }
0x6f: {  	[tilespmem:s20], [sflag:$0x1] =	stream.indirect_vreg.gather [hbm4b:s1+s5], $0x80, v24, vm0, $0xb8;
	[tilespmem:$0x18880] =	vst v63  }
0x70: {  	s23 =	simm.s32 $0xE400  }
0x71: {  	[tilespmem:s23], [sflag:$0x1] =	stream.indirect_vreg.gather [hbm4b:s22+s5], $0x80, v24, vm0, $0xb8;
	[tilespmem:$0x18880] =	vst v63  }
0x72: {  	s19 =	simm.s32 $0xEC00  }
0x73: {  	[tilespmem:s19], [sflag:$0x1] =	stream.indirect_vreg.gather [hbm4b:s10+s5], $0x80, v24, vm0, $0xb8;
	[tilespmem:$0x18880] =	vst v63  }
0x74: {  	v24 =	vld [tilespmem:$0x210];
	_ =	sdelay $0x4  }
0x75: {  	v62 =	vshrl.u32 v24, $0x3  }
0x76: {  	v25 =	vmul.u32 $0x30, v62  }
0x77: {  	v24 =	vand.u32 $0x7, v24  }
0x78: {  	v24 =	vor.u32 v24, v25  }
0x79: {  	v25 =	vperm.xlane v24, v0;
	_ =	sdelay $0x1  }
0x7a: {  	v25 =	vadd.s32 v1, v25;
	_ =	sdelay $0x3  }
0x7b: {  	s20 =	simm.s32 $0xF400;
	v24 =	vperm.xlane v24, v2  }
0x7c: {  	[tilespmem:s20], [sflag:$0x1] =	stream.indirect_vreg.gather [hbm4b:s1+s5], $0x80, v25, vm0, $0xb8;
	[tilespmem:$0x18880] =	vst v63  }
0x7d: {  	s23 =	simm.s32 $0xFC00;
	v24 =	vadd.s32 v1, v24  }
0x7e: {  	[tilespmem:s23], [sflag:$0x1] =	stream.indirect_vreg.gather [hbm4b:s22+s5], $0x80, v25, vm0, $0xb8;
	[tilespmem:$0x18880] =	vst v63  }
0x7f: {  	s19 =	simm.s32 $0x10400  }
0x80: {  	[tilespmem:s19], [sflag:$0x1] =	stream.indirect_vreg.gather [hbm4b:s10+s5], $0x80, v25, vm0, $0xb8;
	[tilespmem:$0x18880] =	vst v63  }
0x81: {  	s20 =	simm.s32 $0x10C00  }
0x82: {  	[tilespmem:s20], [sflag:$0x1] =	stream.indirect_vreg.gather [hbm4b:s1+s5], $0x80, v24, vm0, $0xb8;
	[tilespmem:$0x18880] =	vst v63  }
0x83: {  	s23 =	simm.s32 $0x11400  }
0x84: {  	[tilespmem:s23], [sflag:$0x1] =	stream.indirect_vreg.gather [hbm4b:s22+s5], $0x80, v24, vm0, $0xb8;
	[tilespmem:$0x18880] =	vst v63  }
0x85: {  	s19 =	simm.s32 $0x11C00  }
0x86: {  	[tilespmem:s19], [sflag:$0x1] =	stream.indirect_vreg.gather [hbm4b:s10+s5], $0x80, v24, vm0, $0xb8;
	[tilespmem:$0x18880] =	vst v63  }
0x87: {  	s20 =	simm.s32 $0x18400  }
0x88: {  	[tilespmem:s20], [sflag:$0x1] =	stream.indirect.gather [hbm4b:s2+s25], $0x1, s5, s25, $0xb8;
	[tilespmem:$0x18880] =	vst v63  }
0x89: {  	s15 =	simm.s32 $0x0;
	s23 =	simm.s32 $0x18500  }
0x8a: {  	[tilespmem:s23], [sflag:$0x1] =	stream.indirect.gather [hbm4b:s3+s25], $0x1, s18, s25, $0xb8;
	[tilespmem:$0x18880] =	vst v63  }
.LBB2_2:
0x8b: {  	s23 =	sshll.u32 s15, $0x6  }
0x8c: {  	v24 =	vld [tilespmem:s23+$0x20];
	_ =	sdelay $0x3  }
0x8d: {  	v0 =	vld [tilespmem:$0x1FF60]  }
0x8e: {  	v25 =	vshrl.u32 v24, $0x3  }
0x8f: {  	v1 =	vld [tilespmem:$0x1FF70];
	v25 =	vmul.u32 $0x30, v25  }
0x90: {  	v24 =	vand.u32 $0x7, v24  }
0x91: {  	v24 =	vor.u32 v24, v25  }
0x92: {  	v25 =	vperm.xlane v24, v0  }
0x93: {  	v2 =	vld [tilespmem:$0x1FF80]  }
0x94: {  	v25 =	vadd.s32 v1, v25;
	_ =	sdelay $0x3  }
0x95: {  	s19 =	simm.s32 $0x0;
	v24 =	vperm.xlane v24, v2  }
0x96: {  	[tilespmem:s29], [sflag:$0x2] =	stream.indirect_vreg.gather [hbm4b:s0+s19], $0x80, v25, vm0, $0xb8;
	[tilespmem:$0x18880] =	vst v63  }
0x97: {  	s18 =	simm.s32 $0x6C00;
	v24 =	vadd.s32 v1, v24  }
0x98: {  	[tilespmem:s18], [sflag:$0x2] =	stream.indirect_vreg.gather [hbm4b:s21+s19], $0x80, v25, vm0, $0xb8;
	[tilespmem:$0x18880] =	vst v63  }
0x99: {  	s20 =	simm.s32 $0x7400  }
0x9a: {  	[tilespmem:s20], [sflag:$0x2] =	stream.indirect_vreg.gather [hbm4b:s9+s19], $0x80, v25, vm0, $0xb8;
	[tilespmem:$0x18880] =	vst v63  }
0x9b: {  	s20 =	simm.s32 $0x7C00  }
0x9c: {  	[tilespmem:s20], [sflag:$0x2] =	stream.indirect_vreg.gather [hbm4b:s0+s19], $0x80, v24, vm0, $0xb8;
	[tilespmem:$0x18880] =	vst v63  }
0x9d: {  	s20 =	simm.s32 $0x8400  }
0x9e: {  	[tilespmem:s20], [sflag:$0x2] =	stream.indirect_vreg.gather [hbm4b:s21+s19], $0x80, v24, vm0, $0xb8;
	[tilespmem:$0x18880] =	vst v63  }
0x9f: {  	s20 =	simm.s32 $0x8C00  }
0xa0: {  	[tilespmem:s20], [sflag:$0x2] =	stream.indirect_vreg.gather [hbm4b:s9+s19], $0x80, v24, vm0, $0xb8;
	[tilespmem:$0x18880] =	vst v63  }
0xa1: {  	v24 =	vld [tilespmem:s23+$0x30];
	_ =	sdelay $0x4  }
0xa2: {  	v25 =	vshrl.u32 v24, $0x3  }
0xa3: {  	v25 =	vmul.u32 $0x30, v25  }
0xa4: {  	v24 =	vand.u32 $0x7, v24  }
0xa5: {  	v24 =	vor.u32 v24, v25  }
0xa6: {  	v25 =	vperm.xlane v24, v0;
	_ =	sdelay $0x1  }
0xa7: {  	v25 =	vadd.s32 v1, v25;
	_ =	sdelay $0x3  }
0xa8: {  	s20 =	simm.s32 $0x9400;
	v24 =	vperm.xlane v24, v2  }
0xa9: {  	[tilespmem:s20], [sflag:$0x2] =	stream.indirect_vreg.gather [hbm4b:s0+s19], $0x80, v25, vm0, $0xb8;
	[tilespmem:$0x18880] =	vst v63  }
0xaa: {  	v24 =	vadd.s32 v1, v24;
	s20 =	simm.s32 $0x9C00  }
0xab: {  	[tilespmem:s20], [sflag:$0x2] =	stream.indirect_vreg.gather [hbm4b:s21+s19], $0x80, v25, vm0, $0xb8;
	[tilespmem:$0x18880] =	vst v63  }
0xac: {  	s20 =	simm.s32 $0xA400  }
0xad: {  	[tilespmem:s20], [sflag:$0x2] =	stream.indirect_vreg.gather [hbm4b:s9+s19], $0x80, v25, vm0, $0xb8;
	[tilespmem:$0x18880] =	vst v63  }
0xae: {  	s20 =	simm.s32 $0xAC00  }
0xaf: {  	[tilespmem:s20], [sflag:$0x2] =	stream.indirect_vreg.gather [hbm4b:s0+s19], $0x80, v24, vm0, $0xb8;
	[tilespmem:$0x18880] =	vst v63  }
0xb0: {  	s20 =	simm.s32 $0xB400  }
0xb1: {  	[tilespmem:s20], [sflag:$0x2] =	stream.indirect_vreg.gather [hbm4b:s21+s19], $0x80, v24, vm0, $0xb8;
	[tilespmem:$0x18880] =	vst v63  }
0xb2: {  	s20 =	simm.s32 $0xBC00  }
0xb3: {  	[tilespmem:s20], [sflag:$0x2] =	stream.indirect_vreg.gather [hbm4b:s9+s19], $0x80, v24, vm0, $0xb8;
	[tilespmem:$0x18880] =	vst v63  }
0xb4: {  	v24 =	vld [tilespmem:s23+$0x220];
	_ =	sdelay $0x4  }
0xb5: {  	v25 =	vshrl.u32 v24, $0x3  }
0xb6: {  	v25 =	vmul.u32 $0x30, v25  }
0xb7: {  	v24 =	vand.u32 $0x7, v24  }
0xb8: {  	v24 =	vor.u32 v24, v25  }
0xb9: {  	v25 =	vperm.xlane v24, v0;
	_ =	sdelay $0x1  }
0xba: {  	v25 =	vadd.s32 v1, v25;
	_ =	sdelay $0x3  }
0xbb: {  	v24 =	vperm.xlane v24, v2  }
0xbc: {  	[tilespmem:s14], [sflag:$0x2] =	stream.indirect_vreg.gather [hbm4b:s1+s19], $0x80, v25, vm0, $0xb8;
	[tilespmem:$0x18880] =	vst v63  }
0xbd: {  	s20 =	simm.s32 $0x12C00;
	v24 =	vadd.s32 v1, v24  }
0xbe: {  	[tilespmem:s20], [sflag:$0x2] =	stream.indirect_vreg.gather [hbm4b:s22+s19], $0x80, v25, vm0, $0xb8;
	[tilespmem:$0x18880] =	vst v63  }
0xbf: {  	s20 =	simm.s32 $0x13400  }
0xc0: {  	[tilespmem:s20], [sflag:$0x2] =	stream.indirect_vreg.gather [hbm4b:s10+s19], $0x80, v25, vm0, $0xb8;
	[tilespmem:$0x18880] =	vst v63  }
0xc1: {  	s20 =	simm.s32 $0x13C00  }
0xc2: {  	[tilespmem:s20], [sflag:$0x2] =	stream.indirect_vreg.gather [hbm4b:s1+s19], $0x80, v24, vm0, $0xb8;
	[tilespmem:$0x18880] =	vst v63  }
0xc3: {  	_ = 	snop  }
0xc4: {  	[tilespmem:s26], [sflag:$0x2] =	stream.indirect_vreg.gather [hbm4b:s22+s19], $0x80, v24, vm0, $0xb8;
	[tilespmem:$0x18880] =	vst v63  }
0xc5: {  	_ = 	snop  }
0xc6: {  	[tilespmem:s28], [sflag:$0x2] =	stream.indirect_vreg.gather [hbm4b:s10+s19], $0x80, v24, vm0, $0xb8;
	[tilespmem:$0x18880] =	vst v63  }
0xc7: {  	v24 =	vld [tilespmem:s23+$0x230];
	_ =	sdelay $0x4  }
0xc8: {  	v25 =	vshrl.u32 v24, $0x3  }
0xc9: {  	v25 =	vmul.u32 $0x30, v25  }
0xca: {  	v24 =	vand.u32 $0x7, v24  }
0xcb: {  	v24 =	vor.u32 v24, v25  }
0xcc: {  	v25 =	vperm.xlane v24, v0;
	_ =	sdelay $0x1  }
0xcd: {  	v25 =	vadd.s32 v1, v25;
	_ =	sdelay $0x3  }
0xce: {  	v24 =	vperm.xlane v24, v2  }
0xcf: {  	[tilespmem:s24], [sflag:$0x2] =	stream.indirect_vreg.gather [hbm4b:s1+s19], $0x80, v25, vm0, $0xb8;
	[tilespmem:$0x18880] =	vst v63  }
0xd0: {  	v24 =	vadd.s32 v1, v24  }
0xd1: {  	[tilespmem:s30], [sflag:$0x2] =	stream.indirect_vreg.gather [hbm4b:s22+s19], $0x80, v25, vm0, $0xb8;
	[tilespmem:$0x18880] =	vst v63  }
0xd2: {  	_ = 	snop  }
0xd3: {  	[tilespmem:s31], [sflag:$0x2] =	stream.indirect_vreg.gather [hbm4b:s10+s19], $0x80, v25, vm0, $0xb8;
	[tilespmem:$0x18880] =	vst v63  }
0xd4: {  	_ = 	snop  }
0xd5: {  	[tilespmem:s4], [sflag:$0x2] =	stream.indirect_vreg.gather [hbm4b:s1+s19], $0x80, v24, vm0, $0xb8;
	[tilespmem:$0x18880] =	vst v63  }
0xd6: {  	_ = 	snop  }
0xd7: {  	[tilespmem:s6], [sflag:$0x2] =	stream.indirect_vreg.gather [hbm4b:s22+s19], $0x80, v24, vm0, $0xb8;
	[tilespmem:$0x18880] =	vst v63  }
0xd8: {  	_ = 	snop  }
0xd9: {  	[tilespmem:s7], [sflag:$0x2] =	stream.indirect_vreg.gather [hbm4b:s10+s19], $0x80, v24, vm0, $0xb8;
	[tilespmem:$0x18880] =	vst v63  }
0xda: {  	s18 =	sor.u32 $0x20, s23  }
0xdb: {  	[tilespmem:s8], [sflag:$0x2] =	stream.indirect.gather [hbm4b:s2+s25], $0x1, s18, s25, $0xb8;
	[tilespmem:$0x18880] =	vst v63  }
0xdc: {  	s20 =	sadd.s32 $0x220, s23  }
0xdd: {  	[tilespmem:s11], [sflag:$0x2] =	stream.indirect.gather [hbm4b:s3+s25], $0x1, s20, s25, $0xb8;
	[tilespmem:$0x18880] =	vst v63  }
0xde: {  	_ =	swait.ge [sflag:s12], $0x6000  }
0xdf: {  	[sflag:s12] =	ssyncset.done $0x0  }
0xe0: {  	[sflag:s12] =	ssyncadd.s32 $0xFFFFA000  }
0xe1: {  	_ =	swait.ge [sflag:s12], $0x6000  }
0xe2: {  	[sflag:s12] =	ssyncset.done $0x0  }
0xe3: {  	[sflag:s12] =	ssyncadd.s32 $0xFFFFA000  }
0xe4: {  	_ =	swait.ge [sflag:s12], $0x20  }
0xe5: {  	v24 =	vmov s19;
	[sflag:s12] =	ssyncset.done $0x0  }
0xe6: {  	v24 =	vshll.u32 v24, $0x3;
	[sflag:s12] =	ssyncadd.s32 $0xFFFFFFE0  }
0xe7: {  	v25 =	vor.u32 s19, v50;
	v24 =	vand.u32 $0x1C00, v24;
	_ =	swait.ge [sflag:s12], $0x20  }
0xe8: {  	v26 =	vor.u32 s19, v63;
	v25 =	vand.u32 $0x7F, v25;
	v31 =	vadd.s32 v51, v24;
	v49 =	vld [tilespmem:$0x1FF90]  }
0xe9: {  	v26 =	vand.u32 $0x7F, v26;
	v24 =	vor.u32 s19, v15;
	v34 =	vor.u32 v25, v31;
	v50 =	vld [tilespmem:$0x1FFA0]  }
0xea: {  	v25 =	vor.u32 s19, v17;
	v24 =	vand.u32 $0x7F, v24;
	v33 =	vor.u32 v26, v31;
	v53 =	vld [tilespmem:$0x1FFD0]  }
0xeb: {  	v26 =	vor.u32 s19, v16;
	v25 =	vand.u32 $0x7F, v25;
	v27 =	vor.u32 v24, v31;
	v54 =	vld [tilespmem:$0x1FFE0]  }
0xec: {  	v24 =	vor.u32 s19, v60;
	v26 =	vand.u32 $0x7F, v26;
	v36 =	vor.u32 v25, v31;
	[sflag:s12] =	ssyncset.done $0x0;
	v55 =	vld [tilespmem:$0x1FFB0]  }
0xed: {  	v24 =	vand.u32 $0x7F, v24;
	v38 =	vor.u32 v26, v31;
	v56 =	vld [tilespmem:$0x1FFC0];
	[sflag:s12] =	ssyncadd.s32 $0xFFFFFFE0  }
0xee: {  	v37 =	vimm.f32 $0.0e+00;
	v39 =	vor.u32 s19, v58;
	v26 =	vor.u32 v24, v31;
	v30 =	vld.idx.msk [tilespmem:v34+s17+$0x0], $0xffff  }
0xef: {  	v62 =	vor.u32 s19, v6;
	v43 =	vor.u32 s19, v5;
	v44 =	vor.u32 s19, v52;
	v28 =	vld.idx.msk [tilespmem:v33+s16+$0x0], $0xffff  }
0xf0: {  	v10 =	vor.u32 s19, v22;
	v43 =	vand.u32 $0x7F, v43;
	v25 =	vor.u32 s19, v59;
	v29 =	vld.idx.msk [tilespmem:v27+s16+$0x0], $0xffff  }
0xf1: {  	v46 =	vand.u32 $0x7F, v44;
	v25 =	vand.u32 $0x7F, v25;
	v41 =	vld.idx.msk [tilespmem:v36+s17+$0x0], $0xffff;
	v32 =	vcombine.low v49, v50  }
0xf2: {  	v39 =	vand.u32 $0x7F, v39;
	v44 =	vor.u32 v43, v31;
	v45 =	vor.u32 v25, v31;
	v35 =	vld.idx.msk [tilespmem:v38+s16+$0x0], $0xffff  }
0xf3: {  	v47 =	vld.idx.msk [tilespmem:v26+s16+$0x0], $0xffff;
	v24 =	vcombine.low v53, v54;
	v40 =	vcombine.low v55, v56;
	v61 =	vand.u32 $0xF, v32  }
0xf4: {  	v14 =	vmovc v52;
	v52 =	vld.idx.msk [tilespmem:v36+s16+$0x0], $0xffff;
	v49 =	vor.u32 v46, v31;
	v32 =	vand.u32 $0x7F, v62;
	v42 =	vor.u32 s19, v61  }
0xf5: {  	v48 =	vld.idx.msk [tilespmem:v38+s17+$0x0], $0xffff;
	v57 =	vand.u32 $0xF, v24;
	v50 =	vor.u32 v32, v31;
	v42 =	vand.u32 $0x7F, v42  }
0xf6: {  	v2 =	vor.u32 s19, v18;
	v25 =	vmovc v57;
	v53 =	vor.u32 s19, v57;
	v57 =	vld.idx.msk [tilespmem:v26+s17+$0x0], $0xffff;
	v46 =	vor.u32 v42, v31  }
0xf7: {  	v36 =	vor.u32 v39, v31;
	v38 =	vimm.f32 $0.0e+00;
	v32 =	vld.idx.msk [tilespmem:v45+s17+$0x0], $0xffff;
	v26 =	vand.u32 $0xF, v40  }
0xf8: {  	v19 =	vmovc v5;
	[tilespmem:$0x1FF50] =	vst v61;
	v40 =	vand.u32 $0x7F, v2;
	v61 =	vand.u32 $0x7F, v10;
	v62 =	vand.u32 $0x7F, v53;
	v53 =	vld.idx.msk [tilespmem:v44+s17+$0x0], $0xffff  }
0xf9: {  	v5 =	vmovc v51;
	v9 =	vor.u32 s19, v26;
	v51 =	vor.u32 v40, v31;
	v39 =	vor.u32 v61, v31;
	v56 =	vld.idx.msk [tilespmem:v49+s16+$0x0], $0xffff  }
0xfa: {  	v40 =	vimm.f32 $0.0e+00;
	v11 =	vand.u32 $0x7F, v9;
	v43 =	vor.u32 v62, v31;
	v54 =	vld.idx.msk [tilespmem:v50+s16+$0x0], $0xffff  }
0xfb: {  	v20 =	vmovc v15;
	s19 =	simm.s32 $0x10;
	v24 =	vmovc v18;
	v55 =	vor.u32 v11, v31;
	v31 =	vmul.f32 v47, v57;
	v47 =	vimm.f32 $0.0e+00;
	v42 =	vld.idx.msk [tilespmem:v46+s16+$0x0], $0xffff  }
.LBB2_3:
0xfc: {  	v49 =	vld.idx.msk [tilespmem:v49+s17+$0x0], $0xffff  }
0xfd: {  	v50 =	vld.idx.msk [tilespmem:v50+s17+$0x0], $0xffff  }
0xfe: {  	v44 =	vld.idx.msk [tilespmem:v44+s16+$0x0], $0xffff  }
0xff: {  	s20 =	smov.u32 s19;
	v62 =	vld.idx.msk [tilespmem:v34+s16+$0x0], $0xffff  }
0x100: {  	v57 =	vor.u32 s19, v58;
	v15 =	vmov v58;
	v9 =	vld.idx.msk [tilespmem:v45+s16+$0x0], $0xffff;
	v58 =	vor.u32 s20, v59  }
0x101: {  	v18 =	vmovc v17;
	v11 =	vld.idx.msk [tilespmem:v33+s17+$0x0], $0xffff;
	v0 =	vor.u32 s20, v60;
	v1 =	vor.u32 s20, v17;
	v61 =	vor.u32 s20, v16  }
0x102: {  	v12 =	vld.idx.msk [tilespmem:v51+s16+$0x0], $0xffff;
	v34 =	vor.u32 s20, v63;
	v17 =	vmovc v16;
	v16 =	vmovc v63;
	v63 =	vor.u32 s20, v20;
	v2 =	vor.u32 s20, v14  }
0x103: {  	v21 =	vmovc v59;
	v51 =	vld.idx.msk [tilespmem:v51+s17+$0x0], $0xffff;
	v10 =	vor.u32 s20, v25;
	v33 =	vor.u32 s20, v6;
	v59 =	vand.u32 $0x7F, v0  }
0x104: {  	v7 =	vmovc v22;
	v22 =	vmovc v60;
	v3 =	vld.idx.msk [tilespmem:v43+s17+$0x0], $0xffff;
	v60 =	vand.u32 $0x7F, v1;
	v63 =	vand.u32 $0x7F, v63;
	v45 =	vand.u32 $0x7F, v2  }
0x105: {  	v4 =	vld.idx.msk [tilespmem:v27+s17+$0x0], $0xffff;
	v13 =	vand.u32 $0x7F, v34;
	v2 =	vmov s20;
	v41 =	vmul.f32 v52, v41  }
0x106: {  	v0 =	vld [tilespmem:$0x1FF50];
	v48 =	vmul.f32 v35, v48;
	v50 =	vmul.f32 v54, v50;
	v54 =	vlaneseq.u32  }
0x107: {  	v23 =	vld.idx.msk [tilespmem:v39+s17+$0x0], $0xffff;
	v56 =	vmul.f32 v56, v49;
	v1 =	vor.u32 s20, v54;
	v54 =	vshll.u32 v2, $0x3  }
0x108: {  	v52 =	vld.idx.msk [tilespmem:v55+s17+$0x0], $0xffff;
	v49 =	vor.u32 s20, v19;
	v53 =	vmul.f32 v44, v53;
	v44 =	vand.u32 $0x1C00, v54  }
0x109: {  	v55 =	vld.idx.msk [tilespmem:v55+s16+$0x0], $0xffff;
	v62 =	vmul.f32 v62, v30;
	v34 =	vand.u32 $0x7F, v1;
	v2 =	vadd.s32 v5, v44  }
0x10a: {  	v35 =	vld.idx.msk [tilespmem:v46+s17+$0x0], $0xffff;
	v30 =	vor.u32 s20, v24;
	v12 =	vmul.f32 v12, v51;
	v34 =	vor.u32 v34, v2  }
0x10b: {  	v46 =	vld.idx.msk [tilespmem:v36+s17+$0x0], $0xffff;
	v8 =	vor.u32 s20, v0;
	v0 =	vand.u32 $0x7F, v33;
	v33 =	vor.u32 v13, v2  }
0x10c: {  	v11 =	vmul.f32 v28, v11;
	v1 =	vld.idx.msk [tilespmem:v36+s16+$0x0], $0xffff;
	v54 =	vand.u32 $0x7F, v61;
	v27 =	vor.u32 v63, v2  }
0x10d: {  	v47 =	vadd.f32 v53, v47;
	v53 =	vld.idx.msk [tilespmem:v39+s16+$0x0], $0xffff;
	v13 =	vadd.f32 v50, v37;
	v37 =	vor.u32 v60, v2  }
0x10e: {  	v51 =	vand.u32 $0x7F, v58;
	v63 =	vld.idx.msk [tilespmem:v43+s16+$0x0], $0xffff;
	v50 =	vor.u32 v0, v2;
	v0 =	vor.u32 v54, v2  }
0x10f: {  	v49 =	vand.u32 $0x7F, v49;
	v43 =	vand.u32 $0x7F, v30;
	v54 =	vor.u32 v59, v2;
	v30 =	vld.idx.msk [tilespmem:v34+s17+$0x0], $0xffff  }
0x110: {  	v44 =	vor.u32 v49, v2;
	v49 =	vor.u32 v45, v2;
	v45 =	vor.u32 v51, v2;
	v28 =	vld.idx.msk [tilespmem:v33+s16+$0x0], $0xffff  }
0x111: {  	v57 =	vand.u32 $0x7F, v57;
	v10 =	vand.u32 $0x7F, v10;
	v58 =	vld.idx.msk [tilespmem:v27+s16+$0x0], $0xffff  }
0x112: {  	v9 =	vmul.f32 v9, v32;
	v4 =	vmul.f32 v29, v4;
	v13 =	vadd.f32 v41, v13;
	v41 =	vld.idx.msk [tilespmem:v37+s17+$0x0], $0xffff  }
0x113: {  	v61 =	vor.u32 s20, v26;
	v40 =	vadd.f32 v62, v40;
	v42 =	vmul.f32 v42, v35;
	v35 =	vld.idx.msk [tilespmem:v0+s16+$0x0], $0xffff  }
0x114: {  	v36 =	vor.u32 s20, v7;
	v38 =	vadd.f32 v56, v38;
	v9 =	vadd.f32 v9, v13;
	v13 =	vld.idx.msk [tilespmem:v54+s16+$0x0], $0xffff  }
0x115: {  	v8 =	vand.u32 $0x7F, v8;
	v59 =	vand.u32 $0x7F, v61;
	v61 =	vadd.f32 v48, v47;
	v32 =	vld.idx.msk [tilespmem:v45+s17+$0x0], $0xffff  }
0x116: {  	v60 =	vmovc v22;
	v55 =	vmul.f32 v55, v52;
	v52 =	vand.u32 $0x7F, v36;
	v36 =	vor.u32 v57, v2;
	v57 =	vld.idx.msk [tilespmem:v54+s17+$0x0], $0xffff  }
0x117: {  	v4 =	vadd.f32 v4, v38;
	v39 =	vor.u32 v52, v2;
	v62 =	vadd.f32 v12, v61;
	v52 =	vld.idx.msk [tilespmem:v37+s16+$0x0], $0xffff  }
0x118: {  	p0 =	sne.s32 s19, $0x2F0;
	v1 =	vmul.f32 v1, v46;
	v46 =	vor.u32 v8, v2;
	v8 =	vadd.f32 v11, v40;
	v48 =	vld.idx.msk [tilespmem:v0+s17+$0x0], $0xffff  }
.Ltmp0:
0x119: {  	v51 =	vor.u32 v43, v2;
	v43 =	vor.u32 v10, v2;
	v47 =	vadd.f32 v42, v62;
	v54 =	vld.idx.msk [tilespmem:v50+s16+$0x0], $0xffff;
	(pc) =	sbr.rel @p0 .LBB2_3-.Ltmp0, $4  }
0x11a: {  	v12 =	vmul.f32 v53, v23;
	v62 =	vadd.f32 v31, v4;
	v1 =	vadd.f32 v1, v8;
	v53 =	vld.idx.msk [tilespmem:v44+s17+$0x0], $0xffff  }
0x11b: {  	v22 =	vmovc v7;
	v38 =	vmul.f32 v63, v3;
	v63 =	vmovc v16;
	v16 =	vmov v17;
	v17 =	vmov v18;
	v56 =	vld.idx.msk [tilespmem:v49+s16+$0x0], $0xffff  }
0x11c: {  	v37 =	vadd.f32 v55, v9;
	v55 =	vor.u32 v59, v2;
	v59 =	vmovc v21;
	v40 =	vadd.f32 v12, v1  }
0x11d: {  	s19 =	sadd.s32 $0x10, s19;
	v38 =	vadd.f32 v38, v62;
	v42 =	vld.idx.msk [tilespmem:v46+s16+$0x0], $0xffff;
	v29 =	vmovc v58;
	v58 =	vmov v15;
	v31 =	vmul.f32 v13, v57  }
0x11e: {  	_ =	sdelay $0x3  }
0x11f: {  	v0 =	vld.idx.msk [tilespmem:v49+s17+$0x0], $0xffff  }
0x120: {  	v1 =	vld.idx.msk [tilespmem:v50+s17+$0x0], $0xffff  }
0x121: {  	v2 =	vld.idx.msk [tilespmem:v44+s16+$0x0], $0xffff  }
0x122: {  	v3 =	vld.idx.msk [tilespmem:v34+s16+$0x0], $0xffff  }
0x123: {  	v4 =	vld.idx.msk [tilespmem:v45+s16+$0x0], $0xffff  }
0x124: {  	v8 =	vld.idx.msk [tilespmem:v33+s17+$0x0], $0xffff  }
0x125: {  	v9 =	vld.idx.msk [tilespmem:v51+s16+$0x0], $0xffff  }
0x126: {  	v10 =	vld.idx.msk [tilespmem:v51+s17+$0x0], $0xffff  }
0x127: {  	v11 =	vld.idx.msk [tilespmem:v55+s17+$0x0], $0xffff  }
0x128: {  	v12 =	vld.idx.msk [tilespmem:v55+s16+$0x0], $0xffff  }
0x129: {  	v13 =	vld.idx.msk [tilespmem:v36+s16+$0x0], $0xffff  }
0x12a: {  	v23 =	vld.idx.msk [tilespmem:v43+s17+$0x0], $0xffff  }
0x12b: {  	v27 =	vld.idx.msk [tilespmem:v27+s17+$0x0], $0xffff;
	v61 =	vmul.f32 v52, v41  }
0x12c: {  	v62 =	vld.idx.msk [tilespmem:v46+s17+$0x0], $0xffff;
	v35 =	vmul.f32 v35, v48;
	v0 =	vmul.f32 v56, v0  }
0x12d: {  	v1 =	vmul.f32 v54, v1;
	v56 =	vld.idx.msk [tilespmem:v39+s17+$0x0], $0xffff;
	v2 =	vmul.f32 v2, v53  }
0x12e: {  	v3 =	vmul.f32 v3, v30;
	v30 =	vld.idx.msk [tilespmem:v36+s17+$0x0], $0xffff;
	v9 =	vmul.f32 v9, v10  }
0x12f: {  	v8 =	vmul.f32 v28, v8;
	v28 =	vld.idx.msk [tilespmem:v43+s16+$0x0], $0xffff;
	v4 =	vmul.f32 v4, v32  }
0x130: {  	v27 =	vmul.f32 v29, v27;
	v1 =	vadd.f32 v1, v37;
	v37 =	vld.idx.msk [tilespmem:v39+s16+$0x0], $0xffff;
	v2 =	vadd.f32 v2, v47  }
0x131: {  	v11 =	vmul.f32 v12, v11;
	v3 =	vadd.f32 v3, v40;
	v0 =	vadd.f32 v0, v38  }
0x132: {  	v12 =	vmul.f32 v42, v62;
	v1 =	vadd.f32 v61, v1;
	v2 =	vadd.f32 v35, v2  }
0x133: {  	v3 =	vadd.f32 v8, v3;
	v0 =	vadd.f32 v27, v0;
	v13 =	vmul.f32 v13, v30  }
0x134: {  	v40 =	vld [tilespmem:$0x18500];
	v39 =	vmul.f32 v28, v23;
	v1 =	vadd.f32 v4, v1;
	v2 =	vadd.f32 v9, v2  }
0x135: {  	v8 =	vld [tilespmem:$0x18400];
	v0 =	vadd.f32 v31, v0;
	v4 =	vmul.f32 v37, v56;
	v3 =	vadd.f32 v13, v3  }
0x136: {  	v2 =	vadd.f32 v12, v2;
	v1 =	vadd.f32 v11, v1  }
0x137: {  	s19 =	simm.s32 $0x0;
	v7 =	vld [tilespmem:$0x1FFF0];
	v0 =	vadd.f32 v39, v0;
	v3 =	vadd.f32 v4, v3  }
0x138: {  	v41 =	vmov s19;
	v42 =	vlaneseq.u32  }
0x139: {  	v47 =	vor.u32 s19, v6;
	v0 =	vadd.f32 v0, v1;
	v2 =	vadd.f32 v2, v3  }
0x13a: {  	v23 =	vor.u32 s19, v24;
	v4 =	vld [tilespmem:$0x18800];
	v1 =	vshll.u32 v41, $0x3;
	v3 =	vadd.f32 v40, v8  }
0x13b: {  	v1 =	vand.u32 $0x1C00, v1;
	v0 =	vadd.f32 v0, v2;
	v2 =	vor.u32 s19, v42  }
0x13c: {  	v23 =	vand.u32 $0x7F, v23;
	v1 =	vadd.s32 v7, v1;
	v2 =	vand.u32 $0x7F, v2  }
0x13d: {  	v13 =	vor.u32 s19, v63;
	v0 =	vadd.f32 v3, v0;
	v2 =	vor.u32 v2, v1  }
0x13e: {  	v11 =	vand.u32 $0x7F, v47;
	v13 =	vand.u32 $0x7F, v13;
	v8 =	vor.u32 s19, v25  }
0x13f: {  	v11 =	vor.u32 v11, v1;
	v3 =	vand.u32 $0x7F, v8;
	v0 =	vadd.f32 v0, v4  }
0x140: {  	v13 =	vor.u32 v13, v1;
	v27 =	vor.u32 v3, v1;
	v3 =	vor.u32 s19, v14  }
0x141: {  	v57 =	vmovc v5;
	v5 =	vmovc v19;
	v44 =	vor.u32 s19, v19;
	v19 =	vld [tilespmem:$0x1FF50];
	v23 =	vor.u32 v23, v1;
	v3 =	vand.u32 $0x7F, v3;
	[tilespmem:s23+$0x18600] =	vst v0  }
0x142: {  	v43 =	vor.u32 v3, v1;
	v3 =	vld.idx.msk [tilespmem:v2+s16+$0x0], $0xffff  }
0x143: {  	v49 =	vor.u32 s19, v59;
	v2 =	vld.idx.msk [tilespmem:v2+s17+$0x0], $0xffff  }
0x144: {  	v32 =	vand.u32 $0x7F, v49;
	v48 =	vld.idx.msk [tilespmem:v11+s17+$0x0], $0xffff  }
0x145: {  	v52 =	vor.u32 v32, v1;
	v8 =	vor.u32 s19, v20;
	v33 =	vld.idx.msk [tilespmem:v13+s17+$0x0], $0xffff  }
0x146: {  	v4 =	vand.u32 $0x7F, v8;
	v51 =	vld.idx.msk [tilespmem:v23+s17+$0x0], $0xffff  }
0x147: {  	v4 =	vor.u32 v4, v1;
	v23 =	vld.idx.msk [tilespmem:v23+s16+$0x0], $0xffff  }
0x148: {  	v45 =	vor.u32 s19, v16;
	v11 =	vld.idx.msk [tilespmem:v11+s16+$0x0], $0xffff  }
0x149: {  	v46 =	vand.u32 $0x7F, v45;
	v8 =	vor.u32 s19, v17;
	v45 =	vld.idx.msk [tilespmem:v13+s16+$0x0], $0xffff  }
0x14a: {  	v9 =	vand.u32 $0x7F, v44;
	v8 =	vand.u32 $0x7F, v8;
	v40 =	vld.idx.msk [tilespmem:v52+s17+$0x0], $0xffff  }
0x14b: {  	v30 =	vor.u32 v8, v1;
	v8 =	vor.u32 v9, v1;
	v44 =	vld.idx.msk [tilespmem:v52+s16+$0x0], $0xffff  }
0x14c: {  	v10 =	vld.idx.msk [tilespmem:v4+s16+$0x0], $0xffff  }
0x14d: {  	v50 =	vor.u32 s19, v58;
	v9 =	vor.u32 v46, v1;
	v12 =	vld.idx.msk [tilespmem:v43+s16+$0x0], $0xffff  }
0x14e: {  	v35 =	vand.u32 $0x7F, v50;
	v4 =	vld.idx.msk [tilespmem:v4+s17+$0x0], $0xffff  }
0x14f: {  	v53 =	vor.u32 v35, v1;
	v0 =	vld.idx.msk [tilespmem:v43+s17+$0x0], $0xffff  }
0x150: {  	v54 =	vor.u32 s19, v26;
	v31 =	vld.idx.msk [tilespmem:v8+s16+$0x0], $0xffff  }
0x151: {  	v55 =	vand.u32 $0x7F, v54;
	v8 =	vld.idx.msk [tilespmem:v8+s17+$0x0], $0xffff;
	v2 =	vmul.f32 v3, v2  }
0x152: {  	v50 =	vlaneseq.u32;
	v56 =	vor.u32 s19, v60;
	v32 =	vimm.f32 $0.0e+00;
	v39 =	vld.idx.msk [tilespmem:v9+s16+$0x0], $0xffff  }
0x153: {  	v47 =	vor.u32 v55, v1;
	v3 =	vld.idx.msk [tilespmem:v9+s17+$0x0], $0xffff;
	v49 =	vmul.f32 v11, v48;
	v35 =	vadd.f32 v2, v32  }
0x154: {  	v36 =	vld.idx.msk [tilespmem:v53+s17+$0x0], $0xffff;
	v2 =	vand.u32 $0x7F, v56;
	v0 =	vmul.f32 v12, v0;
	v12 =	vor.u32 s19, v19  }
0x155: {  	v15 =	vmovc v20;
	v18 =	vmovc v24;
	v41 =	vld.idx.msk [tilespmem:v53+s16+$0x0], $0xffff;
	v46 =	vor.u32 v2, v1;
	v61 =	vand.u32 $0x7F, v12;
	v12 =	vor.u32 s19, v22  }
0x156: {  	v52 =	vmovc v14;
	v28 =	vld.idx.msk [tilespmem:v27+s16+$0x0], $0xffff;
	v34 =	vmul.f32 v10, v4;
	v8 =	vmul.f32 v31, v8;
	v62 =	vand.u32 $0x7F, v12  }
0x157: {  	v29 =	vld.idx.msk [tilespmem:v30+s17+$0x0], $0xffff;
	v31 =	vmul.f32 v23, v51;
	v38 =	vor.u32 v61, v1;
	v48 =	vor.u32 v62, v1  }
0x158: {  	s19 =	simm.s32 $0x10;
	v37 =	vadd.f32 v0, v32;
	v43 =	vmul.f32 v39, v3;
	v39 =	vld.idx.msk [tilespmem:v47+s17+$0x0], $0xffff;
	v42 =	vadd.f32 v8, v32  }
.LBB2_5:
0x159: {  	v0 =	vmov s19;
	v1 =	vor.u32 s19, v5;
	p0 =	sne.s32 s19, $0x2F0;
	v2 =	vadd.f32 v49, v32;
	v3 =	vld.idx.msk [tilespmem:v47+s16+$0x0], $0xffff;
	s20 =	smov.u32 s19;
	s19 =	sadd.s32 $0x10, s19  }
0x15a: {  	v8 =	vmul.f32 v45, v33;
	v0 =	vshll.u32 v0, $0x3;
	v4 =	vor.u32 s20, v15;
	v9 =	vld.idx.msk [tilespmem:v30+s16+$0x0], $0xffff  }
0x15b: {  	v10 =	vor.u32 s20, v50;
	v11 =	vor.u32 s20, v25;
	v0 =	vand.u32 $0x1C00, v0;
	v12 =	vld.idx.msk [tilespmem:v46+s17+$0x0], $0xffff  }
0x15c: {  	v10 =	vand.u32 $0x7F, v10;
	v11 =	vand.u32 $0x7F, v11;
	v0 =	vadd.s32 v7, v0;
	v13 =	vld.idx.msk [tilespmem:v48+s17+$0x0], $0xffff  }
0x15d: {  	v23 =	vor.u32 s20, v52;
	v32 =	vmul.f32 v44, v40;
	v10 =	vor.u32 v10, v0;
	v33 =	vld.idx.msk [tilespmem:v48+s16+$0x0], $0xffff  }
0x15e: {  	v1 =	vand.u32 $0x7F, v1;
	v4 =	vand.u32 $0x7F, v4;
	v11 =	vor.u32 v11, v0;
	v40 =	vld.idx.msk [tilespmem:v46+s16+$0x0], $0xffff  }
0x15f: {  	v23 =	vand.u32 $0x7F, v23;
	v8 =	vadd.f32 v8, v35;
	v1 =	vor.u32 v1, v0;
	v35 =	vld.idx.msk [tilespmem:v27+s17+$0x0], $0xffff;
	v27 =	vmovc v11  }
0x160: {  	v30 =	vor.u32 s20, v16;
	v23 =	vor.u32 v23, v0;
	v4 =	vor.u32 v4, v0;
	v44 =	vld.idx.msk [tilespmem:v38+s17+$0x0], $0xffff  }
0x161: {  	v45 =	vor.u32 s20, v63;
	v46 =	vand.u32 $0x7F, v30;
	v9 =	vmul.f32 v9, v29;
	v38 =	vld.idx.msk [tilespmem:v38+s16+$0x0], $0xffff  }
0x162: {  	v36 =	vmul.f32 v41, v36;
	v30 =	vor.u32 s20, v17;
	v29 =	vor.u32 s20, v6;
	v47 =	vld.idx.msk [tilespmem:v10+s16+$0x0], $0xffff  }
0x163: {  	v42 =	vadd.f32 v43, v42;
	v41 =	vand.u32 $0x7F, v45;
	v30 =	vand.u32 $0x7F, v30;
	v11 =	vld.idx.msk [tilespmem:v11+s16+$0x0], $0xffff  }
0x164: {  	v3 =	vmul.f32 v3, v39;
	v30 =	vor.u32 v30, v0;
	v12 =	vmul.f32 v40, v12;
	v10 =	vld.idx.msk [tilespmem:v10+s17+$0x0], $0xffff  }
0x165: {  	v39 =	vor.u32 v46, v0;
	v2 =	vadd.f32 v9, v2;
	v9 =	vadd.f32 v34, v37;
	v43 =	vld.idx.msk [tilespmem:v4+s16+$0x0], $0xffff  }
0x166: {  	v8 =	vadd.f32 v36, v8;
	v29 =	vand.u32 $0x7F, v29;
	v35 =	vmul.f32 v28, v35;
	v34 =	vld.idx.msk [tilespmem:v23+s16+$0x0], $0xffff  }
0x167: {  	v14 =	vor.u32 s20, v18;
	v2 =	vadd.f32 v32, v2;
	v9 =	vadd.f32 v12, v9;
	v4 =	vld.idx.msk [tilespmem:v4+s17+$0x0], $0xffff  }
0x168: {  	v36 =	vor.u32 v41, v0;
	v13 =	vmul.f32 v33, v13;
	v12 =	vor.u32 v29, v0;
	v23 =	vld.idx.msk [tilespmem:v23+s17+$0x0], $0xffff  }
0x169: {  	v31 =	vadd.f32 v31, v42;
	v32 =	vand.u32 $0x7F, v14;
	v33 =	vmul.f32 v38, v44;
	v28 =	vmovc v11;
	v29 =	vld.idx.msk [tilespmem:v30+s17+$0x0], $0xffff  }
0x16a: {  	v37 =	vor.u32 v32, v0;
	v8 =	vadd.f32 v13, v8;
	v32 =	vadd.f32 v3, v2;
	v11 =	vld.idx.msk [tilespmem:v1+s16+$0x0], $0xffff  }
0x16b: {  	v9 =	vadd.f32 v35, v9;
	v3 =	vadd.f32 v33, v31;
	v2 =	vld.idx.msk [tilespmem:v39+s16+$0x0], $0xffff  }
0x16c: {  	v1 =	vld.idx.msk [tilespmem:v1+s17+$0x0], $0xffff  }
0x16d: {  	v31 =	vor.u32 s20, v59;
	v13 =	vld.idx.msk [tilespmem:v12+s17+$0x0], $0xffff  }
0x16e: {  	v31 =	vand.u32 $0x7F, v31;
	v23 =	vmul.f32 v34, v23;
	v33 =	vld.idx.msk [tilespmem:v36+s17+$0x0], $0xffff  }
0x16f: {  	v31 =	vor.u32 v31, v0;
	v34 =	vor.u32 s20, v58;
	v41 =	vld.idx.msk [tilespmem:v37+s17+$0x0], $0xffff  }
0x170: {  	v34 =	vand.u32 $0x7F, v34;
	v37 =	vld.idx.msk [tilespmem:v37+s16+$0x0], $0xffff  }
0x171: {  	v10 =	vmul.f32 v47, v10;
	v42 =	vor.u32 v34, v0;
	v34 =	vor.u32 s20, v26;
	v12 =	vld.idx.msk [tilespmem:v12+s16+$0x0], $0xffff  }
0x172: {  	v34 =	vand.u32 $0x7F, v34;
	v1 =	vmul.f32 v11, v1;
	v11 =	vld.idx.msk [tilespmem:v39+s17+$0x0], $0xffff  }
0x173: {  	v47 =	vor.u32 v34, v0;
	v45 =	vld.idx.msk [tilespmem:v36+s16+$0x0], $0xffff;
	v36 =	vor.u32 s20, v19  }
.Ltmp1:
0x174: {  	v35 =	vadd.f32 v10, v8;
	v8 =	vor.u32 s20, v60;
	v40 =	vld.idx.msk [tilespmem:v31+s17+$0x0], $0xffff;
	v10 =	vand.u32 $0x7F, v36;
	(pc) =	sbr.rel @p0 .LBB2_5-.Ltmp1, $4  }
0x175: {  	v8 =	vand.u32 $0x7F, v8;
	v34 =	vor.u32 s20, v22;
	v44 =	vld.idx.msk [tilespmem:v31+s16+$0x0], $0xffff;
	v38 =	vor.u32 v10, v0  }
0x176: {  	v46 =	vor.u32 v8, v0;
	v8 =	vand.u32 $0x7F, v34;
	v31 =	vmul.f32 v37, v41;
	v36 =	vld.idx.msk [tilespmem:v42+s17+$0x0], $0xffff  }
0x177: {  	v34 =	vmul.f32 v43, v4;
	v48 =	vor.u32 v8, v0;
	v49 =	vmul.f32 v12, v13;
	v41 =	vld.idx.msk [tilespmem:v42+s16+$0x0], $0xffff  }
0x178: {  	v37 =	vadd.f32 v23, v9;
	v42 =	vadd.f32 v1, v3;
	v43 =	vmul.f32 v2, v11;
	v39 =	vld.idx.msk [tilespmem:v47+s17+$0x0], $0xffff  }
0x179: {  	_ =	sdelay $0x3  }
0x17a: {  	v0 =	vld.idx.msk [tilespmem:v47+s16+$0x0], $0xffff  }
0x17b: {  	v1 =	vld.idx.msk [tilespmem:v30+s16+$0x0], $0xffff  }
0x17c: {  	v2 =	vld.idx.msk [tilespmem:v46+s17+$0x0], $0xffff  }
0x17d: {  	v3 =	vld.idx.msk [tilespmem:v48+s17+$0x0], $0xffff  }
0x17e: {  	v4 =	vld.idx.msk [tilespmem:v48+s16+$0x0], $0xffff  }
0x17f: {  	v8 =	vld.idx.msk [tilespmem:v46+s16+$0x0], $0xffff  }
0x180: {  	v11 =	vld.idx.msk [tilespmem:v38+s17+$0x0], $0xffff  }
0x181: {  	v10 =	vmul.f32 v45, v33;
	v13 =	vld.idx.msk [tilespmem:v38+s16+$0x0], $0xffff  }
0x182: {  	v9 =	vld.idx.msk [tilespmem:v27+s17+$0x0], $0xffff;
	v12 =	vadd.f32 v49, v32;
	v23 =	vmul.f32 v44, v40  }
0x183: {  	v10 =	vadd.f32 v10, v35;
	v27 =	vmul.f32 v41, v36;
	v1 =	vmul.f32 v1, v29  }
0x184: {  	v55 =	vadd.f32 v43, v42;
	v2 =	vmul.f32 v8, v2;
	v8 =	vadd.f32 v34, v37  }
0x185: {  	v10 =	vadd.f32 v27, v10;
	v3 =	vmul.f32 v4, v3;
	v1 =	vadd.f32 v1, v12  }
0x186: {  	v4 =	vadd.f32 v31, v55;
	v2 =	vadd.f32 v2, v8;
	v8 =	vmul.f32 v13, v11  }
0x187: {  	v56 =	vld [tilespmem:$0x18410];
	v0 =	vmul.f32 v0, v39;
	v9 =	vmul.f32 v28, v9;
	v1 =	vadd.f32 v23, v1  }
0x188: {  	v61 =	vld [tilespmem:$0x18510];
	v3 =	vadd.f32 v3, v10;
	v4 =	vadd.f32 v8, v4  }
0x189: {  	v2 =	vadd.f32 v9, v2;
	v0 =	vadd.f32 v0, v1;
	_ =	sdelay $0x1  }
0x18a: {  	v3 =	vadd.f32 v4, v3;
	v0 =	vadd.f32 v2, v0  }
0x18b: {  	v62 =	vld [tilespmem:$0x18800]  }
0x18c: {  	v1 =	vadd.f32 v61, v56;
	v0 =	vadd.f32 v0, v3  }
0x18d: {  	p0 =	seq.s32 s15, $0x7  }
.Ltmp2:
0x18e: {  	v0 =	vadd.f32 v1, v0;
	(pc) =	sbr.rel @p0 .LBB2_8-.Ltmp2, $3  }
0x18f: {  	_ = 	snop  }
0x190: {  	v0 =	vadd.f32 v0, v62;
	_ =	sdelay $0x1  }
0x191: {  	v51 =	vmov v57;
	[tilespmem:s23+$0x18610] =	vst v0  }
0x192: {  	v0 =	vld [tilespmem:s23+$0x40];
	_ =	sdelay $0x3  }
0x193: {  	v2 =	vld [tilespmem:$0x1FF60]  }
0x194: {  	v1 =	vshrl.u32 v0, $0x3  }
0x195: {  	v3 =	vld [tilespmem:$0x1FF70];
	v1 =	vmul.u32 $0x30, v1  }
0x196: {  	v0 =	vand.u32 $0x7, v0  }
0x197: {  	v0 =	vor.u32 v0, v1  }
0x198: {  	v1 =	vperm.xlane v0, v2  }
0x199: {  	v4 =	vld [tilespmem:$0x1FF80]  }
0x19a: {  	v1 =	vadd.s32 v3, v1;
	_ =	sdelay $0x3  }
0x19b: {  	v0 =	vperm.xlane v0, v4  }
0x19c: {  	[tilespmem:s17], [sflag:$0x1] =	stream.indirect_vreg.gather [hbm4b:s0+s5], $0x80, v1, vm0, $0xb8;
	[tilespmem:$0x18880] =	vst v63  }
0x19d: {  	s19 =	simm.s32 $0xC00;
	v0 =	vadd.s32 v3, v0  }
0x19e: {  	[tilespmem:s19], [sflag:$0x1] =	stream.indirect_vreg.gather [hbm4b:s21+s5], $0x80, v1, vm0, $0xb8;
	[tilespmem:$0x18880] =	vst v63  }
0x19f: {  	s20 =	simm.s32 $0x1400  }
0x1a0: {  	[tilespmem:s20], [sflag:$0x1] =	stream.indirect_vreg.gather [hbm4b:s9+s5], $0x80, v1, vm0, $0xb8;
	[tilespmem:$0x18880] =	vst v63  }
0x1a1: {  	s20 =	simm.s32 $0x1C00  }
0x1a2: {  	[tilespmem:s20], [sflag:$0x1] =	stream.indirect_vreg.gather [hbm4b:s0+s5], $0x80, v0, vm0, $0xb8;
	[tilespmem:$0x18880] =	vst v63  }
0x1a3: {  	s20 =	simm.s32 $0x2400  }
0x1a4: {  	[tilespmem:s20], [sflag:$0x1] =	stream.indirect_vreg.gather [hbm4b:s21+s5], $0x80, v0, vm0, $0xb8;
	[tilespmem:$0x18880] =	vst v63  }
0x1a5: {  	s20 =	simm.s32 $0x2C00  }
0x1a6: {  	[tilespmem:s20], [sflag:$0x1] =	stream.indirect_vreg.gather [hbm4b:s9+s5], $0x80, v0, vm0, $0xb8;
	[tilespmem:$0x18880] =	vst v63  }
0x1a7: {  	v0 =	vld [tilespmem:s23+$0x50];
	_ =	sdelay $0x4  }
0x1a8: {  	v57 =	vshrl.u32 v0, $0x3  }
0x1a9: {  	v1 =	vmul.u32 $0x30, v57  }
0x1aa: {  	v0 =	vand.u32 $0x7, v0  }
0x1ab: {  	v0 =	vor.u32 v0, v1  }
0x1ac: {  	v1 =	vperm.xlane v0, v2;
	_ =	sdelay $0x1  }
0x1ad: {  	v1 =	vadd.s32 v3, v1;
	_ =	sdelay $0x3  }
0x1ae: {  	s20 =	simm.s32 $0x3400;
	v0 =	vperm.xlane v0, v4  }
0x1af: {  	[tilespmem:s20], [sflag:$0x1] =	stream.indirect_vreg.gather [hbm4b:s0+s5], $0x80, v1, vm0, $0xb8;
	[tilespmem:$0x18880] =	vst v63  }
0x1b0: {  	v0 =	vadd.s32 v3, v0;
	s20 =	simm.s32 $0x3C00  }
0x1b1: {  	[tilespmem:s20], [sflag:$0x1] =	stream.indirect_vreg.gather [hbm4b:s21+s5], $0x80, v1, vm0, $0xb8;
	[tilespmem:$0x18880] =	vst v63  }
0x1b2: {  	s20 =	simm.s32 $0x4400  }
0x1b3: {  	[tilespmem:s20], [sflag:$0x1] =	stream.indirect_vreg.gather [hbm4b:s9+s5], $0x80, v1, vm0, $0xb8;
	[tilespmem:$0x18880] =	vst v63  }
0x1b4: {  	s20 =	simm.s32 $0x4C00  }
0x1b5: {  	[tilespmem:s20], [sflag:$0x1] =	stream.indirect_vreg.gather [hbm4b:s0+s5], $0x80, v0, vm0, $0xb8;
	[tilespmem:$0x18880] =	vst v63  }
0x1b6: {  	s20 =	simm.s32 $0x5400  }
0x1b7: {  	[tilespmem:s20], [sflag:$0x1] =	stream.indirect_vreg.gather [hbm4b:s21+s5], $0x80, v0, vm0, $0xb8;
	[tilespmem:$0x18880] =	vst v63  }
0x1b8: {  	s20 =	simm.s32 $0x5C00  }
0x1b9: {  	[tilespmem:s20], [sflag:$0x1] =	stream.indirect_vreg.gather [hbm4b:s9+s5], $0x80, v0, vm0, $0xb8;
	[tilespmem:$0x18880] =	vst v63  }
0x1ba: {  	v0 =	vld [tilespmem:s23+$0x240];
	_ =	sdelay $0x4  }
0x1bb: {  	v61 =	vshrl.u32 v0, $0x3  }
0x1bc: {  	v1 =	vmul.u32 $0x30, v61  }
0x1bd: {  	v0 =	vand.u32 $0x7, v0  }
0x1be: {  	v0 =	vor.u32 v0, v1  }
0x1bf: {  	v1 =	vperm.xlane v0, v2;
	_ =	sdelay $0x1  }
0x1c0: {  	v1 =	vadd.s32 v3, v1;
	_ =	sdelay $0x3  }
0x1c1: {  	v0 =	vperm.xlane v0, v4  }
0x1c2: {  	[tilespmem:s16], [sflag:$0x1] =	stream.indirect_vreg.gather [hbm4b:s1+s5], $0x80, v1, vm0, $0xb8;
	[tilespmem:$0x18880] =	vst v63  }
0x1c3: {  	s20 =	simm.s32 $0xCC00;
	v0 =	vadd.s32 v3, v0  }
0x1c4: {  	[tilespmem:s20], [sflag:$0x1] =	stream.indirect_vreg.gather [hbm4b:s22+s5], $0x80, v1, vm0, $0xb8;
	[tilespmem:$0x18880] =	vst v63  }
0x1c5: {  	s20 =	simm.s32 $0xD400  }
0x1c6: {  	[tilespmem:s20], [sflag:$0x1] =	stream.indirect_vreg.gather [hbm4b:s10+s5], $0x80, v1, vm0, $0xb8;
	[tilespmem:$0x18880] =	vst v63  }
0x1c7: {  	s20 =	simm.s32 $0xDC00  }
0x1c8: {  	[tilespmem:s20], [sflag:$0x1] =	stream.indirect_vreg.gather [hbm4b:s1+s5], $0x80, v0, vm0, $0xb8;
	[tilespmem:$0x18880] =	vst v63  }
0x1c9: {  	s20 =	simm.s32 $0xE400  }
0x1ca: {  	[tilespmem:s20], [sflag:$0x1] =	stream.indirect_vreg.gather [hbm4b:s22+s5], $0x80, v0, vm0, $0xb8;
	[tilespmem:$0x18880] =	vst v63  }
0x1cb: {  	s20 =	simm.s32 $0xEC00  }
0x1cc: {  	[tilespmem:s20], [sflag:$0x1] =	stream.indirect_vreg.gather [hbm4b:s10+s5], $0x80, v0, vm0, $0xb8;
	[tilespmem:$0x18880] =	vst v63  }
0x1cd: {  	v0 =	vld [tilespmem:s23+$0x250];
	_ =	sdelay $0x4  }
0x1ce: {  	v62 =	vshrl.u32 v0, $0x3  }
0x1cf: {  	v1 =	vmul.u32 $0x30, v62  }
0x1d0: {  	v0 =	vand.u32 $0x7, v0  }
0x1d1: {  	v0 =	vor.u32 v0, v1  }
0x1d2: {  	v1 =	vperm.xlane v0, v2;
	_ =	sdelay $0x1  }
0x1d3: {  	v1 =	vadd.s32 v3, v1;
	_ =	sdelay $0x3  }
0x1d4: {  	s20 =	simm.s32 $0xF400;
	v0 =	vperm.xlane v0, v4  }
0x1d5: {  	[tilespmem:s20], [sflag:$0x1] =	stream.indirect_vreg.gather [hbm4b:s1+s5], $0x80, v1, vm0, $0xb8;
	[tilespmem:$0x18880] =	vst v63  }
0x1d6: {  	v0 =	vadd.s32 v3, v0;
	s20 =	simm.s32 $0xFC00  }
0x1d7: {  	[tilespmem:s20], [sflag:$0x1] =	stream.indirect_vreg.gather [hbm4b:s22+s5], $0x80, v1, vm0, $0xb8;
	[tilespmem:$0x18880] =	vst v63  }
0x1d8: {  	s20 =	simm.s32 $0x10400  }
0x1d9: {  	[tilespmem:s20], [sflag:$0x1] =	stream.indirect_vreg.gather [hbm4b:s10+s5], $0x80, v1, vm0, $0xb8;
	[tilespmem:$0x18880] =	vst v63  }
0x1da: {  	s20 =	simm.s32 $0x10C00  }
0x1db: {  	[tilespmem:s20], [sflag:$0x1] =	stream.indirect_vreg.gather [hbm4b:s1+s5], $0x80, v0, vm0, $0xb8;
	[tilespmem:$0x18880] =	vst v63  }
0x1dc: {  	s20 =	simm.s32 $0x11400  }
0x1dd: {  	[tilespmem:s20], [sflag:$0x1] =	stream.indirect_vreg.gather [hbm4b:s22+s5], $0x80, v0, vm0, $0xb8;
	[tilespmem:$0x18880] =	vst v63  }
0x1de: {  	s20 =	simm.s32 $0x11C00  }
0x1df: {  	[tilespmem:s20], [sflag:$0x1] =	stream.indirect_vreg.gather [hbm4b:s10+s5], $0x80, v0, vm0, $0xb8;
	[tilespmem:$0x18880] =	vst v63  }
0x1e0: {  	s19 =	sadd.s32 $0x40, s23;
	s20 =	simm.s32 $0x18400  }
0x1e1: {  	[tilespmem:s20], [sflag:$0x1] =	stream.indirect.gather [hbm4b:s2+s25], $0x1, s19, s25, $0xb8;
	[tilespmem:$0x18880] =	vst v63  }
0x1e2: {  	s19 =	sadd.s32 $0x240, s23;
	s20 =	simm.s32 $0x18500  }
0x1e3: {  	[tilespmem:s20], [sflag:$0x1] =	stream.indirect.gather [hbm4b:s3+s25], $0x1, s19, s25, $0xb8;
	[tilespmem:$0x18880] =	vst v63  }
.LBB2_8:
0x1e4: {  	_ =	swait.ge [sflag:s13], $0x6000  }
0x1e5: {  	[sflag:s13] =	ssyncset.done $0x0  }
0x1e6: {  	s19 =	simm.s32 $0x0;
	[sflag:s13] =	ssyncadd.s32 $0xFFFFA000  }
0x1e7: {  	v0 =	vmov s19;
	_ =	swait.ge [sflag:s13], $0x6000  }
0x1e8: {  	v0 =	vshll.u32 v0, $0x3;
	[sflag:s13] =	ssyncset.done $0x0  }
0x1e9: {  	v1 =	vor.u32 s19, v50;
	v0 =	vand.u32 $0x1C00, v0;
	[sflag:s13] =	ssyncadd.s32 $0xFFFFA000  }
0x1ea: {  	v2 =	vor.u32 s19, v25;
	v1 =	vand.u32 $0x7F, v1;
	v0 =	vadd.s32 v51, v0;
	_ =	swait.ge [sflag:s13], $0x20  }
0x1eb: {  	v2 =	vand.u32 $0x7F, v2;
	v1 =	vor.u32 v1, v0;
	[sflag:s13] =	ssyncset.done $0x0  }
0x1ec: {  	v3 =	vor.u32 s19, v15;
	v27 =	vor.u32 v2, v0;
	[sflag:s13] =	ssyncadd.s32 $0xFFFFFFE0  }
0x1ed: {  	v49 =	vor.u32 s19, v52;
	v3 =	vand.u32 $0x7F, v3;
	_ =	swait.ge [sflag:s13], $0x20  }
0x1ee: {  	v2 =	vand.u32 $0x7F, v49;
	v3 =	vor.u32 v3, v0;
	[sflag:s13] =	ssyncset.done $0x0  }
0x1ef: {  	v2 =	vor.u32 v2, v0;
	[sflag:s13] =	ssyncadd.s32 $0xFFFFFFE0  }
0x1f0: {  	v8 =	vor.u32 s19, v17;
	v4 =	vld.idx.msk [tilespmem:v1+s14+$0x0], $0xffff  }
0x1f1: {  	v9 =	vor.u32 s19, v5;
	v8 =	vand.u32 $0x7F, v8;
	v28 =	vld.idx.msk [tilespmem:v27+s14+$0x0], $0xffff  }
0x1f2: {  	v10 =	vor.u32 s19, v16;
	v9 =	vand.u32 $0x7F, v9;
	v30 =	vor.u32 v8, v0;
	v1 =	vld.idx.msk [tilespmem:v1+s29+$0x0], $0xffff  }
0x1f3: {  	v53 =	vand.u32 $0x7F, v10;
	v8 =	vor.u32 v9, v0;
	v54 =	vld.idx.msk [tilespmem:v3+s14+$0x0], $0xffff  }
0x1f4: {  	v11 =	vor.u32 s19, v6;
	v9 =	vor.u32 v53, v0;
	v12 =	vld.idx.msk [tilespmem:v2+s14+$0x0], $0xffff  }
0x1f5: {  	v23 =	vor.u32 s19, v18;
	v11 =	vand.u32 $0x7F, v11;
	v3 =	vld.idx.msk [tilespmem:v3+s29+$0x0], $0xffff  }
0x1f6: {  	v23 =	vand.u32 $0x7F, v23;
	v11 =	vor.u32 v11, v0;
	v2 =	vld.idx.msk [tilespmem:v2+s29+$0x0], $0xffff  }
0x1f7: {  	v13 =	vor.u32 s19, v63;
	v23 =	vor.u32 v23, v0;
	v29 =	vld.idx.msk [tilespmem:v30+s29+$0x0], $0xffff  }
0x1f8: {  	v13 =	vand.u32 $0x7F, v13;
	v31 =	vld.idx.msk [tilespmem:v8+s14+$0x0], $0xffff  }
0x1f9: {  	v13 =	vor.u32 v13, v0;
	v39 =	vld.idx.msk [tilespmem:v9+s14+$0x0], $0xffff  }
0x1fa: {  	v8 =	vld.idx.msk [tilespmem:v8+s29+$0x0], $0xffff  }
0x1fb: {  	v32 =	vor.u32 s19, v59;
	v34 =	vld.idx.msk [tilespmem:v11+s29+$0x0], $0xffff  }
0x1fc: {  	v32 =	vand.u32 $0x7F, v32;
	v37 =	vld.idx.msk [tilespmem:v23+s29+$0x0], $0xffff  }
0x1fd: {  	v35 =	vor.u32 s19, v58;
	v36 =	vor.u32 v32, v0;
	v23 =	vld.idx.msk [tilespmem:v23+s14+$0x0], $0xffff  }
0x1fe: {  	v55 =	vor.u32 s19, v26;
	v35 =	vand.u32 $0x7F, v35;
	v33 =	vld.idx.msk [tilespmem:v13+s29+$0x0], $0xffff  }
0x1ff: {  	v56 =	vand.u32 $0x7F, v55;
	v41 =	vor.u32 v35, v0;
	v11 =	vld.idx.msk [tilespmem:v11+s14+$0x0], $0xffff  }
0x200: {  	v57 =	vor.u32 s19, v60;
	v32 =	vimm.f32 $0.0e+00;
	v47 =	vor.u32 v56, v0;
	v45 =	vld.idx.msk [tilespmem:v13+s14+$0x0], $0xffff  }
0x201: {  	v2 =	vmul.f32 v12, v2;
	v1 =	vmul.f32 v4, v1;
	v4 =	vld.idx.msk [tilespmem:v9+s29+$0x0], $0xffff;
	v12 =	vor.u32 s19, v19  }
0x202: {  	v40 =	vld.idx.msk [tilespmem:v36+s29+$0x0], $0xffff;
	v8 =	vmul.f32 v31, v8;
	v31 =	vmul.f32 v23, v37;
	v61 =	vand.u32 $0x7F, v12  }
0x203: {  	v44 =	vld.idx.msk [tilespmem:v36+s14+$0x0], $0xffff;
	v12 =	vor.u32 s19, v22;
	v35 =	vadd.f32 v1, v32;
	v1 =	vand.u32 $0x7F, v57  }
0x204: {  	v36 =	vld.idx.msk [tilespmem:v41+s29+$0x0], $0xffff;
	v49 =	vmul.f32 v11, v34;
	v62 =	vand.u32 $0x7F, v12;
	v46 =	vor.u32 v1, v0  }
0x205: {  	v41 =	vld.idx.msk [tilespmem:v41+s14+$0x0], $0xffff;
	v34 =	vmul.f32 v54, v3;
	v38 =	vor.u32 v61, v0;
	v48 =	vor.u32 v62, v0  }
0x206: {  	s19 =	simm.s32 $0x10;
	v42 =	vadd.f32 v8, v32;
	v37 =	vadd.f32 v2, v32;
	v43 =	vmul.f32 v39, v4;
	v39 =	vld.idx.msk [tilespmem:v47+s29+$0x0], $0xffff  }
.LBB2_9:
0x207: {  	v0 =	vmov s19;
	v1 =	vor.u32 s19, v5;
	p0 =	sne.s32 s19, $0x2F0;
	v2 =	vadd.f32 v49, v32;
	v3 =	vld.idx.msk [tilespmem:v47+s14+$0x0], $0xffff;
	s20 =	smov.u32 s19;
	s19 =	sadd.s32 $0x10, s19  }
0x208: {  	v8 =	vmul.f32 v45, v33;
	v0 =	vshll.u32 v0, $0x3;
	v4 =	vor.u32 s20, v15;
	v9 =	vld.idx.msk [tilespmem:v30+s14+$0x0], $0xffff  }
0x209: {  	v10 =	vor.u32 s20, v50;
	v11 =	vor.u32 s20, v25;
	v0 =	vand.u32 $0x1C00, v0;
	v12 =	vld.idx.msk [tilespmem:v46+s29+$0x0], $0xffff  }
0x20a: {  	v10 =	vand.u32 $0x7F, v10;
	v11 =	vand.u32 $0x7F, v11;
	v0 =	vadd.s32 v51, v0;
	v13 =	vld.idx.msk [tilespmem:v48+s29+$0x0], $0xffff  }
0x20b: {  	v23 =	vor.u32 s20, v52;
	v32 =	vmul.f32 v44, v40;
	v10 =	vor.u32 v10, v0;
	v33 =	vld.idx.msk [tilespmem:v48+s14+$0x0], $0xffff  }
0x20c: {  	v1 =	vand.u32 $0x7F, v1;
	v4 =	vand.u32 $0x7F, v4;
	v11 =	vor.u32 v11, v0;
	v40 =	vld.idx.msk [tilespmem:v46+s14+$0x0], $0xffff  }
0x20d: {  	v23 =	vand.u32 $0x7F, v23;
	v8 =	vadd.f32 v8, v35;
	v1 =	vor.u32 v1, v0;
	v35 =	vld.idx.msk [tilespmem:v27+s29+$0x0], $0xffff;
	v27 =	vmovc v11  }
0x20e: {  	v30 =	vor.u32 s20, v16;
	v23 =	vor.u32 v23, v0;
	v4 =	vor.u32 v4, v0;
	v44 =	vld.idx.msk [tilespmem:v38+s29+$0x0], $0xffff  }
0x20f: {  	v45 =	vor.u32 s20, v63;
	v46 =	vand.u32 $0x7F, v30;
	v9 =	vmul.f32 v9, v29;
	v38 =	vld.idx.msk [tilespmem:v38+s14+$0x0], $0xffff  }
0x210: {  	v36 =	vmul.f32 v41, v36;
	v30 =	vor.u32 s20, v17;
	v29 =	vor.u32 s20, v6;
	v47 =	vld.idx.msk [tilespmem:v10+s14+$0x0], $0xffff  }
0x211: {  	v42 =	vadd.f32 v43, v42;
	v41 =	vand.u32 $0x7F, v45;
	v30 =	vand.u32 $0x7F, v30;
	v11 =	vld.idx.msk [tilespmem:v11+s14+$0x0], $0xffff  }
0x212: {  	v3 =	vmul.f32 v3, v39;
	v30 =	vor.u32 v30, v0;
	v12 =	vmul.f32 v40, v12;
	v10 =	vld.idx.msk [tilespmem:v10+s29+$0x0], $0xffff  }
0x213: {  	v39 =	vor.u32 v46, v0;
	v2 =	vadd.f32 v9, v2;
	v9 =	vadd.f32 v34, v37;
	v43 =	vld.idx.msk [tilespmem:v4+s14+$0x0], $0xffff  }
0x214: {  	v8 =	vadd.f32 v36, v8;
	v29 =	vand.u32 $0x7F, v29;
	v35 =	vmul.f32 v28, v35;
	v34 =	vld.idx.msk [tilespmem:v23+s14+$0x0], $0xffff  }
0x215: {  	v14 =	vor.u32 s20, v18;
	v2 =	vadd.f32 v32, v2;
	v9 =	vadd.f32 v12, v9;
	v4 =	vld.idx.msk [tilespmem:v4+s29+$0x0], $0xffff  }
0x216: {  	v36 =	vor.u32 v41, v0;
	v13 =	vmul.f32 v33, v13;
	v12 =	vor.u32 v29, v0;
	v23 =	vld.idx.msk [tilespmem:v23+s29+$0x0], $0xffff  }
0x217: {  	v31 =	vadd.f32 v31, v42;
	v32 =	vand.u32 $0x7F, v14;
	v33 =	vmul.f32 v38, v44;
	v28 =	vmovc v11;
	v29 =	vld.idx.msk [tilespmem:v30+s29+$0x0], $0xffff  }
0x218: {  	v37 =	vor.u32 v32, v0;
	v8 =	vadd.f32 v13, v8;
	v32 =	vadd.f32 v3, v2;
	v11 =	vld.idx.msk [tilespmem:v1+s14+$0x0], $0xffff  }
0x219: {  	v9 =	vadd.f32 v35, v9;
	v3 =	vadd.f32 v33, v31;
	v2 =	vld.idx.msk [tilespmem:v39+s14+$0x0], $0xffff  }
0x21a: {  	v1 =	vld.idx.msk [tilespmem:v1+s29+$0x0], $0xffff  }
0x21b: {  	v31 =	vor.u32 s20, v59;
	v13 =	vld.idx.msk [tilespmem:v12+s29+$0x0], $0xffff  }
0x21c: {  	v31 =	vand.u32 $0x7F, v31;
	v23 =	vmul.f32 v34, v23;
	v33 =	vld.idx.msk [tilespmem:v36+s29+$0x0], $0xffff  }
0x21d: {  	v31 =	vor.u32 v31, v0;
	v34 =	vor.u32 s20, v58;
	v41 =	vld.idx.msk [tilespmem:v37+s29+$0x0], $0xffff  }
0x21e: {  	v34 =	vand.u32 $0x7F, v34;
	v37 =	vld.idx.msk [tilespmem:v37+s14+$0x0], $0xffff  }
0x21f: {  	v10 =	vmul.f32 v47, v10;
	v42 =	vor.u32 v34, v0;
	v34 =	vor.u32 s20, v26;
	v12 =	vld.idx.msk [tilespmem:v12+s14+$0x0], $0xffff  }
0x220: {  	v34 =	vand.u32 $0x7F, v34;
	v1 =	vmul.f32 v11, v1;
	v11 =	vld.idx.msk [tilespmem:v39+s29+$0x0], $0xffff  }
0x221: {  	v47 =	vor.u32 v34, v0;
	v45 =	vld.idx.msk [tilespmem:v36+s14+$0x0], $0xffff;
	v36 =	vor.u32 s20, v19  }
.Ltmp3:
0x222: {  	v35 =	vadd.f32 v10, v8;
	v8 =	vor.u32 s20, v60;
	v40 =	vld.idx.msk [tilespmem:v31+s29+$0x0], $0xffff;
	v10 =	vand.u32 $0x7F, v36;
	(pc) =	sbr.rel @p0 .LBB2_9-.Ltmp3, $4  }
0x223: {  	v8 =	vand.u32 $0x7F, v8;
	v34 =	vor.u32 s20, v22;
	v44 =	vld.idx.msk [tilespmem:v31+s14+$0x0], $0xffff;
	v38 =	vor.u32 v10, v0  }
0x224: {  	v46 =	vor.u32 v8, v0;
	v8 =	vand.u32 $0x7F, v34;
	v31 =	vmul.f32 v37, v41;
	v36 =	vld.idx.msk [tilespmem:v42+s29+$0x0], $0xffff  }
0x225: {  	v34 =	vmul.f32 v43, v4;
	v48 =	vor.u32 v8, v0;
	v49 =	vmul.f32 v12, v13;
	v41 =	vld.idx.msk [tilespmem:v42+s14+$0x0], $0xffff  }
0x226: {  	v37 =	vadd.f32 v23, v9;
	v42 =	vadd.f32 v1, v3;
	v43 =	vmul.f32 v2, v11;
	v39 =	vld.idx.msk [tilespmem:v47+s29+$0x0], $0xffff  }
0x227: {  	_ =	sdelay $0x3  }
0x228: {  	v0 =	vld.idx.msk [tilespmem:v47+s14+$0x0], $0xffff  }
0x229: {  	v1 =	vld.idx.msk [tilespmem:v30+s14+$0x0], $0xffff  }
0x22a: {  	v2 =	vld.idx.msk [tilespmem:v46+s29+$0x0], $0xffff  }
0x22b: {  	v3 =	vld.idx.msk [tilespmem:v48+s29+$0x0], $0xffff  }
0x22c: {  	v4 =	vld.idx.msk [tilespmem:v48+s14+$0x0], $0xffff  }
0x22d: {  	v8 =	vld.idx.msk [tilespmem:v46+s14+$0x0], $0xffff  }
0x22e: {  	v11 =	vld.idx.msk [tilespmem:v38+s29+$0x0], $0xffff  }
0x22f: {  	v10 =	vmul.f32 v45, v33;
	v13 =	vld.idx.msk [tilespmem:v38+s14+$0x0], $0xffff  }
0x230: {  	v9 =	vld.idx.msk [tilespmem:v27+s29+$0x0], $0xffff;
	v12 =	vadd.f32 v49, v32;
	v23 =	vmul.f32 v44, v40  }
0x231: {  	v10 =	vadd.f32 v10, v35;
	v27 =	vmul.f32 v41, v36;
	v1 =	vmul.f32 v1, v29  }
0x232: {  	v29 =	vadd.f32 v43, v42;
	v2 =	vmul.f32 v8, v2;
	v8 =	vadd.f32 v34, v37  }
0x233: {  	v10 =	vadd.f32 v27, v10;
	v3 =	vmul.f32 v4, v3;
	v1 =	vadd.f32 v1, v12  }
0x234: {  	v4 =	vld [tilespmem:$0x18480];
	v11 =	vmul.f32 v13, v11;
	v2 =	vadd.f32 v2, v8;
	v8 =	vadd.f32 v31, v29  }
0x235: {  	v0 =	vmul.f32 v0, v39;
	v9 =	vmul.f32 v28, v9;
	v12 =	vld [tilespmem:$0x18580];
	v1 =	vadd.f32 v23, v1  }
0x236: {  	v3 =	vadd.f32 v3, v10;
	v39 =	vadd.f32 v11, v8  }
0x237: {  	s19 =	simm.s32 $0x0;
	v2 =	vadd.f32 v9, v2;
	v0 =	vadd.f32 v0, v1  }
0x238: {  	v40 =	vmov s19  }
0x239: {  	v46 =	vor.u32 s19, v6;
	v1 =	vadd.f32 v39, v3;
	v0 =	vadd.f32 v2, v0  }
0x23a: {  	v41 =	vor.u32 s19, v50;
	v3 =	vadd.f32 v12, v4;
	v4 =	vld [tilespmem:$0x18800];
	v2 =	vshll.u32 v40, $0x3  }
0x23b: {  	v13 =	vor.u32 s19, v63;
	v2 =	vand.u32 $0x1C00, v2;
	v0 =	vadd.f32 v0, v1  }
0x23c: {  	v13 =	vand.u32 $0x7F, v13;
	v1 =	vand.u32 $0x7F, v41;
	v2 =	vadd.s32 v7, v2  }
0x23d: {  	v23 =	vor.u32 s19, v18;
	v1 =	vor.u32 v1, v2;
	v0 =	vadd.f32 v3, v0  }
0x23e: {  	v8 =	vor.u32 s19, v25;
	v11 =	vand.u32 $0x7F, v46;
	v23 =	vand.u32 $0x7F, v23  }
0x23f: {  	v11 =	vor.u32 v11, v2;
	v3 =	vand.u32 $0x7F, v8;
	v0 =	vadd.f32 v0, v4  }
0x240: {  	v13 =	vor.u32 v13, v2;
	v27 =	vor.u32 v3, v2;
	v3 =	vor.u32 s19, v52  }
0x241: {  	v23 =	vor.u32 v23, v2;
	v3 =	vand.u32 $0x7F, v3;
	[tilespmem:s18+$0x18600] =	vst v0  }
0x242: {  	v42 =	vor.u32 v3, v2;
	v3 =	vld.idx.msk [tilespmem:v1+s14+$0x0], $0xffff  }
0x243: {  	v47 =	vor.u32 s19, v59;
	v1 =	vld.idx.msk [tilespmem:v1+s29+$0x0], $0xffff  }
0x244: {  	v32 =	vand.u32 $0x7F, v47;
	v34 =	vld.idx.msk [tilespmem:v11+s29+$0x0], $0xffff  }
0x245: {  	v53 =	vor.u32 v32, v2;
	v8 =	vor.u32 s19, v15;
	v33 =	vld.idx.msk [tilespmem:v13+s29+$0x0], $0xffff  }
0x246: {  	v44 =	vor.u32 s19, v16;
	v4 =	vand.u32 $0x7F, v8;
	v49 =	vld.idx.msk [tilespmem:v23+s29+$0x0], $0xffff  }
0x247: {  	v43 =	vor.u32 s19, v5;
	v8 =	vor.u32 s19, v17;
	v4 =	vor.u32 v4, v2;
	v23 =	vld.idx.msk [tilespmem:v23+s14+$0x0], $0xffff  }
0x248: {  	v45 =	vand.u32 $0x7F, v44;
	v9 =	vand.u32 $0x7F, v43;
	v8 =	vand.u32 $0x7F, v8;
	v11 =	vld.idx.msk [tilespmem:v11+s14+$0x0], $0xffff  }
0x249: {  	v30 =	vor.u32 v8, v2;
	v8 =	vor.u32 v9, v2;
	v9 =	vor.u32 v45, v2;
	v45 =	vld.idx.msk [tilespmem:v13+s14+$0x0], $0xffff  }
0x24a: {  	v40 =	vld.idx.msk [tilespmem:v53+s29+$0x0], $0xffff  }
0x24b: {  	v44 =	vld.idx.msk [tilespmem:v53+s14+$0x0], $0xffff  }
0x24c: {  	v10 =	vld.idx.msk [tilespmem:v4+s14+$0x0], $0xffff  }
0x24d: {  	v48 =	vor.u32 s19, v58;
	v12 =	vld.idx.msk [tilespmem:v42+s14+$0x0], $0xffff  }
0x24e: {  	v35 =	vand.u32 $0x7F, v48;
	v0 =	vld.idx.msk [tilespmem:v42+s29+$0x0], $0xffff  }
0x24f: {  	v54 =	vor.u32 v35, v2;
	v31 =	vld.idx.msk [tilespmem:v8+s14+$0x0], $0xffff  }
0x250: {  	v8 =	vld.idx.msk [tilespmem:v8+s29+$0x0], $0xffff  }
0x251: {  	v55 =	vor.u32 s19, v26;
	v4 =	vld.idx.msk [tilespmem:v4+s29+$0x0], $0xffff;
	v1 =	vmul.f32 v3, v1  }
0x252: {  	v57 =	vor.u32 s19, v60;
	v56 =	vand.u32 $0x7F, v55;
	v32 =	vimm.f32 $0.0e+00;
	v39 =	vld.idx.msk [tilespmem:v9+s14+$0x0], $0xffff  }
0x253: {  	v47 =	vor.u32 v56, v2;
	v3 =	vld.idx.msk [tilespmem:v9+s29+$0x0], $0xffff;
	v35 =	vadd.f32 v1, v32;
	v1 =	vand.u32 $0x7F, v57  }
0x254: {  	v36 =	vld.idx.msk [tilespmem:v54+s29+$0x0], $0xffff;
	v0 =	vmul.f32 v12, v0;
	v12 =	vor.u32 s19, v19;
	v46 =	vor.u32 v1, v2  }
0x255: {  	v41 =	vld.idx.msk [tilespmem:v54+s14+$0x0], $0xffff;
	v8 =	vmul.f32 v31, v8;
	v61 =	vand.u32 $0x7F, v12;
	v12 =	vor.u32 s19, v22  }
0x256: {  	v28 =	vld.idx.msk [tilespmem:v27+s14+$0x0], $0xffff;
	v31 =	vmul.f32 v23, v49;
	v49 =	vmul.f32 v11, v34;
	v62 =	vand.u32 $0x7F, v12  }
0x257: {  	v29 =	vld.idx.msk [tilespmem:v30+s29+$0x0], $0xffff;
	v34 =	vmul.f32 v10, v4;
	v38 =	vor.u32 v61, v2;
	v48 =	vor.u32 v62, v2  }
0x258: {  	s18 =	simm.s32 $0x10;
	v37 =	vadd.f32 v0, v32;
	v43 =	vmul.f32 v39, v3;
	v39 =	vld.idx.msk [tilespmem:v47+s29+$0x0], $0xffff;
	v42 =	vadd.f32 v8, v32  }
.LBB2_11:
0x259: {  	v0 =	vmov s18;
	v1 =	vor.u32 s18, v5;
	p0 =	sne.s32 s18, $0x2F0;
	v2 =	vadd.f32 v49, v32;
	v3 =	vld.idx.msk [tilespmem:v47+s14+$0x0], $0xffff;
	s19 =	smov.u32 s18;
	s18 =	sadd.s32 $0x10, s18  }
0x25a: {  	v8 =	vmul.f32 v45, v33;
	v0 =	vshll.u32 v0, $0x3;
	v4 =	vor.u32 s19, v15;
	v9 =	vld.idx.msk [tilespmem:v30+s14+$0x0], $0xffff  }
0x25b: {  	v10 =	vor.u32 s19, v50;
	v11 =	vor.u32 s19, v25;
	v0 =	vand.u32 $0x1C00, v0;
	v12 =	vld.idx.msk [tilespmem:v46+s29+$0x0], $0xffff  }
0x25c: {  	v10 =	vand.u32 $0x7F, v10;
	v11 =	vand.u32 $0x7F, v11;
	v0 =	vadd.s32 v7, v0;
	v13 =	vld.idx.msk [tilespmem:v48+s29+$0x0], $0xffff  }
0x25d: {  	v23 =	vor.u32 s19, v52;
	v32 =	vmul.f32 v44, v40;
	v10 =	vor.u32 v10, v0;
	v33 =	vld.idx.msk [tilespmem:v48+s14+$0x0], $0xffff  }
0x25e: {  	v1 =	vand.u32 $0x7F, v1;
	v4 =	vand.u32 $0x7F, v4;
	v11 =	vor.u32 v11, v0;
	v40 =	vld.idx.msk [tilespmem:v46+s14+$0x0], $0xffff  }
0x25f: {  	v23 =	vand.u32 $0x7F, v23;
	v8 =	vadd.f32 v8, v35;
	v1 =	vor.u32 v1, v0;
	v35 =	vld.idx.msk [tilespmem:v27+s29+$0x0], $0xffff;
	v27 =	vmovc v11  }
0x260: {  	v30 =	vor.u32 s19, v16;
	v23 =	vor.u32 v23, v0;
	v4 =	vor.u32 v4, v0;
	v44 =	vld.idx.msk [tilespmem:v38+s29+$0x0], $0xffff  }
0x261: {  	v45 =	vor.u32 s19, v63;
	v46 =	vand.u32 $0x7F, v30;
	v9 =	vmul.f32 v9, v29;
	v38 =	vld.idx.msk [tilespmem:v38+s14+$0x0], $0xffff  }
0x262: {  	v36 =	vmul.f32 v41, v36;
	v30 =	vor.u32 s19, v17;
	v29 =	vor.u32 s19, v6;
	v47 =	vld.idx.msk [tilespmem:v10+s14+$0x0], $0xffff  }
0x263: {  	v42 =	vadd.f32 v43, v42;
	v41 =	vand.u32 $0x7F, v45;
	v30 =	vand.u32 $0x7F, v30;
	v11 =	vld.idx.msk [tilespmem:v11+s14+$0x0], $0xffff  }
0x264: {  	v3 =	vmul.f32 v3, v39;
	v30 =	vor.u32 v30, v0;
	v12 =	vmul.f32 v40, v12;
	v10 =	vld.idx.msk [tilespmem:v10+s29+$0x0], $0xffff  }
0x265: {  	v39 =	vor.u32 v46, v0;
	v2 =	vadd.f32 v9, v2;
	v9 =	vadd.f32 v34, v37;
	v43 =	vld.idx.msk [tilespmem:v4+s14+$0x0], $0xffff  }
0x266: {  	v8 =	vadd.f32 v36, v8;
	v29 =	vand.u32 $0x7F, v29;
	v35 =	vmul.f32 v28, v35;
	v34 =	vld.idx.msk [tilespmem:v23+s14+$0x0], $0xffff  }
0x267: {  	v14 =	vor.u32 s19, v18;
	v2 =	vadd.f32 v32, v2;
	v9 =	vadd.f32 v12, v9;
	v4 =	vld.idx.msk [tilespmem:v4+s29+$0x0], $0xffff  }
0x268: {  	v36 =	vor.u32 v41, v0;
	v13 =	vmul.f32 v33, v13;
	v12 =	vor.u32 v29, v0;
	v23 =	vld.idx.msk [tilespmem:v23+s29+$0x0], $0xffff  }
0x269: {  	v31 =	vadd.f32 v31, v42;
	v32 =	vand.u32 $0x7F, v14;
	v33 =	vmul.f32 v38, v44;
	v28 =	vmovc v11;
	v29 =	vld.idx.msk [tilespmem:v30+s29+$0x0], $0xffff  }
0x26a: {  	v37 =	vor.u32 v32, v0;
	v8 =	vadd.f32 v13, v8;
	v32 =	vadd.f32 v3, v2;
	v11 =	vld.idx.msk [tilespmem:v1+s14+$0x0], $0xffff  }
0x26b: {  	v9 =	vadd.f32 v35, v9;
	v3 =	vadd.f32 v33, v31;
	v2 =	vld.idx.msk [tilespmem:v39+s14+$0x0], $0xffff  }
0x26c: {  	v1 =	vld.idx.msk [tilespmem:v1+s29+$0x0], $0xffff  }
0x26d: {  	v31 =	vor.u32 s19, v59;
	v13 =	vld.idx.msk [tilespmem:v12+s29+$0x0], $0xffff  }
0x26e: {  	v31 =	vand.u32 $0x7F, v31;
	v23 =	vmul.f32 v34, v23;
	v33 =	vld.idx.msk [tilespmem:v36+s29+$0x0], $0xffff  }
0x26f: {  	v31 =	vor.u32 v31, v0;
	v34 =	vor.u32 s19, v58;
	v41 =	vld.idx.msk [tilespmem:v37+s29+$0x0], $0xffff  }
0x270: {  	v34 =	vand.u32 $0x7F, v34;
	v37 =	vld.idx.msk [tilespmem:v37+s14+$0x0], $0xffff  }
0x271: {  	v10 =	vmul.f32 v47, v10;
	v42 =	vor.u32 v34, v0;
	v34 =	vor.u32 s19, v26;
	v12 =	vld.idx.msk [tilespmem:v12+s14+$0x0], $0xffff  }
0x272: {  	v34 =	vand.u32 $0x7F, v34;
	v1 =	vmul.f32 v11, v1;
	v11 =	vld.idx.msk [tilespmem:v39+s29+$0x0], $0xffff  }
0x273: {  	v47 =	vor.u32 v34, v0;
	v45 =	vld.idx.msk [tilespmem:v36+s14+$0x0], $0xffff;
	v36 =	vor.u32 s19, v19  }
.Ltmp4:
0x274: {  	v35 =	vadd.f32 v10, v8;
	v8 =	vor.u32 s19, v60;
	v40 =	vld.idx.msk [tilespmem:v31+s29+$0x0], $0xffff;
	v10 =	vand.u32 $0x7F, v36;
	(pc) =	sbr.rel @p0 .LBB2_11-.Ltmp4, $4  }
0x275: {  	v8 =	vand.u32 $0x7F, v8;
	v34 =	vor.u32 s19, v22;
	v44 =	vld.idx.msk [tilespmem:v31+s14+$0x0], $0xffff;
	v38 =	vor.u32 v10, v0  }
0x276: {  	v46 =	vor.u32 v8, v0;
	v8 =	vand.u32 $0x7F, v34;
	v31 =	vmul.f32 v37, v41;
	v36 =	vld.idx.msk [tilespmem:v42+s29+$0x0], $0xffff  }
0x277: {  	v34 =	vmul.f32 v43, v4;
	v48 =	vor.u32 v8, v0;
	v49 =	vmul.f32 v12, v13;
	v41 =	vld.idx.msk [tilespmem:v42+s14+$0x0], $0xffff  }
0x278: {  	v37 =	vadd.f32 v23, v9;
	v42 =	vadd.f32 v1, v3;
	v43 =	vmul.f32 v2, v11;
	v39 =	vld.idx.msk [tilespmem:v47+s29+$0x0], $0xffff  }
0x279: {  	_ =	sdelay $0x3  }
0x27a: {  	v0 =	vld.idx.msk [tilespmem:v47+s14+$0x0], $0xffff  }
0x27b: {  	v1 =	vld.idx.msk [tilespmem:v30+s14+$0x0], $0xffff  }
0x27c: {  	v2 =	vld.idx.msk [tilespmem:v46+s29+$0x0], $0xffff  }
0x27d: {  	v3 =	vld.idx.msk [tilespmem:v48+s29+$0x0], $0xffff  }
0x27e: {  	v4 =	vld.idx.msk [tilespmem:v48+s14+$0x0], $0xffff  }
0x27f: {  	v8 =	vld.idx.msk [tilespmem:v46+s14+$0x0], $0xffff  }
0x280: {  	v11 =	vld.idx.msk [tilespmem:v38+s29+$0x0], $0xffff  }
0x281: {  	v10 =	vmul.f32 v45, v33;
	v13 =	vld.idx.msk [tilespmem:v38+s14+$0x0], $0xffff  }
0x282: {  	v9 =	vld.idx.msk [tilespmem:v27+s29+$0x0], $0xffff;
	v12 =	vadd.f32 v49, v32;
	v23 =	vmul.f32 v44, v40  }
0x283: {  	v10 =	vadd.f32 v10, v35;
	v24 =	vmul.f32 v41, v36;
	v1 =	vmul.f32 v1, v29  }
0x284: {  	v25 =	vadd.f32 v43, v42;
	v2 =	vmul.f32 v8, v2;
	v8 =	vadd.f32 v34, v37  }
0x285: {  	v10 =	vadd.f32 v24, v10;
	v3 =	vmul.f32 v4, v3;
	v1 =	vadd.f32 v1, v12  }
0x286: {  	v4 =	vadd.f32 v31, v25;
	v2 =	vadd.f32 v2, v8;
	v8 =	vmul.f32 v13, v11  }
0x287: {  	v57 =	vld [tilespmem:$0x18490];
	v0 =	vmul.f32 v0, v39;
	v9 =	vmul.f32 v28, v9;
	v1 =	vadd.f32 v23, v1  }
0x288: {  	v61 =	vld [tilespmem:$0x18590];
	v3 =	vadd.f32 v3, v10;
	v4 =	vadd.f32 v8, v4  }
0x289: {  	v2 =	vadd.f32 v9, v2;
	v0 =	vadd.f32 v0, v1;
	_ =	sdelay $0x1  }
0x28a: {  	v3 =	vadd.f32 v4, v3;
	v0 =	vadd.f32 v2, v0  }
0x28b: {  	v62 =	vld [tilespmem:$0x18800]  }
0x28c: {  	s15 =	sadd.s32 $0x1, s15;
	v1 =	vadd.f32 v61, v57;
	v0 =	vadd.f32 v0, v3  }
0x28d: {  	p0 =	sne.s32 s15, $0x8  }
.Ltmp5:
0x28e: {  	v0 =	vadd.f32 v1, v0;
	(pc) =	sbr.rel @p0 .LBB2_2-.Ltmp5, $3  }
0x28f: {  	_ = 	snop  }
0x290: {  	v0 =	vadd.f32 v0, v62;
	_ =	sdelay $0x1  }
0x291: {  	[tilespmem:s23+$0x18630] =	vst v0  }
0x292: {  	s15 =	rddreg [dreg:$0xa];
	s18 =	simm.s32 $0x18600;
	s20 =	simm.s32 $0x3  }
0x293: {  	[hbm4b:s15+s5] =	stream.linear.scatter [tilespmem:s18], [sflag:$0x3], $0x200, $0x38;
	[tilespmem:$0x18880] =	vst v63  }
0x294: {  	_ =	swait.ge [sflag:s20], $0x200  }
0x295: {  	[sflag:s20] =	ssyncset.done $0x0  }
0x296: {  	s18 =	rddreg [dreg:$0xb];
	[sflag:s20] =	ssyncadd.s32 $0xFFFFFE00  }
0x297: {  	[hbm4b:s18+s5] =	stream.linear.scatter [tilespmem:s5], [sflag:$0x3], $0x200, $0x38;
	[tilespmem:$0x18880] =	vst v63  }
0x298: {  	_ =	swait.ge [sflag:s20], $0x200  }
0x299: {  	[sflag:s20] =	ssyncset.done $0x0  }
0x29a: {  	s18 =	simm.s32 $0x200;
	s19 =	rddreg [dreg:$0xc];
	[sflag:s20] =	ssyncadd.s32 $0xFFFFFE00  }
0x29b: {  	[hbm4b:s19+s5] =	stream.linear.scatter [tilespmem:s18], [sflag:$0x3], $0x200, $0x38;
	[tilespmem:$0x18880] =	vst v63  }
0x29c: {  	_ =	swait.ge [sflag:s20], $0x200  }
0x29d: {  	s19 =	rddreg [dreg:$0xf]  }
0x29e: {  	s23 =	rddreg [dreg:$0xe];
	s19 =	sadd.s32 $0x1, s19  }
0x29f: {  	p0 =	sne.s32 s19, s23  }
.Ltmp6:
0x2a0: {  	_ = 	snop;
	(pc) =	sbr.rel @p0 .LBB2_1-.Ltmp6, $3  }
0x2a1: {  	_ =	sdelay $0x1  }
0x2a2: {  	[sflag:s20] =	ssyncset.done $0x0  }
0x2a3: {  	[sflag:s20] =	ssyncadd.s32 $0xFFFFFE00  }
0x2a4: {  	_ =	sfence.sel $0x180000  }
0x2a5: {  	[bflag:$0x0] =	sbarrier.arrive $0xFFFF  }
0x2a6: {  	_ =	strace $0x90000047  }
0x2a7: {  	s0 =	stileid.u32;
	[bflag:$0x2] =	sbarrier.arrive $0xFFFF  }
0x2a8: {  	p0 =	sne.s32 s0, $0x0;
	s0 =	rddreg [dreg:$0x7]  }
0x2a9: {  	s0 =	sadd.s32 @!p0 $0x100000, s0  }
0x2aa: {  	[sflag:s0] =	ssyncadd.tile.s32 @!p0 $0x1;
	_ =	shalt  }
.Lfunc_end2:
_tile_overlayer_lowered:
.L_overlay_start_2:
0x2ab: {  	(tag) =	ssettag $0x2  }
0x2ac: {  	s0 =	rddreg [dreg:$0x0];
	s2 =	stileid.u32  }
0x2ad: {  	s1 =	rddreg [dreg:$0x1];
	p0 =	sne.s32 s2, $0x0  }
0x2ae: {  	s3 =	rddreg [dreg:$0x2];
	[bflag:$0x3] =	sbarrier.arrive $0xFFFF;
	s2 =	simm.s32 @!p0 $0x1C03  }
0x2af: {  	[timem:s3], [sflag:s2] =	dma.local @!p0 [hbm:s0], s1  }
0x2b0: {  	s0 =	simm.s32 @!p0 $0x3  }
0x2b1: {  	_ =	swait.ge @!p0 [sflag:s0], s1  }
0x2b2: {  	s1 =	ssub.s32 @!p0 $0x0, s1;
	[sflag:s0] =	ssyncset.done @!p0 $0x0  }
0x2b3: {  	[sflag:s0] =	ssyncadd.s32 @!p0 s1  }
0x2b4: {  	[bflag:$0x3] =	sbarrier.arrive $0xFFFF  }
0x2b5: {  	_ =	shalt  }

// kernel: kernel.7.cloned.1.call-start
scs
__scs_entry_jumppad:
0x0: {  	(pc) =	sbr.rel $0x88, $3  }
0x1: {  	(tag) =	ssettag $0x0;
	lr =	simm.s32 $0x1  }
0x2: {  	[smem:$0x3F98] =	sst lr;
	_ =	strace $0xD0000000  }
0x3: {  	_ = 	snop  }
0x4: {  	_ = 	snop  }
0x5: {  	_ = 	snop  }
0x6: {  	_ = 	snop  }
0x7: {  	_ = 	snop  }
__scs_overlays_trampoline_lowered:
0x8: {  	[smem:$0x3FA7] =	sst s0  }
0x9: {  	[smem:$0x3FA8] =	sst s1  }
0xa: {  	[smem:$0x3FA9] =	sst s2  }
0xb: {  	[smem:$0x3FAA] =	sst s3  }
0xc: {  	[smem:$0x3FAB] =	sst s4  }
0xd: {  	[smem:$0x3FAC] =	sst s5  }
0xe: {  	[smem:$0x3FAD] =	sst s6  }
0xf: {  	[smem:$0x3FAE] =	sst s7  }
0x10: {  	[smem:$0x3FAF] =	sst s8  }
0x11: {  	[smem:$0x3FB0] =	sst s9;
	s0 =	simm.s32 @!p0 $0x0  }
0x12: {  	s1 =	sld [smem:$0x3F96];
	s0 =	simm.s32 @p0 $0x1  }
0x13: {  	[smem:$0x3FB1] =	sst s0;
	s0 =	simm.s32 @!p1 $0x0  }
0x14: {  	s2 =	sld [smem:$0x3F95];
	s0 =	simm.s32 @p1 $0x1  }
0x15: {  	[smem:$0x3FB2] =	sst s0;
	s0 =	simm.s32 @!p2 $0x0  }
0x16: {  	s3 =	sld [smem:$0x3FDB];
	s0 =	simm.s32 @p2 $0x1  }
0x17: {  	s4 =	simm.s32 $0x1BF5;
	[smem:$0x3FB4] =	sst s0  }
0x18: {  	s0 =	sld [smem:$0x3F97];
	_ =	swait.ge [sflag:s4], $0x0  }
0x19: {  	s7 =	sld [smem:$0x3F98]  }
0x1a: {  	s8 =	sadd.s32 $0xFFFFE003, lr  }
0x1b: {  	s9 =	sadd.s32 $0xFFFFFEF7, lr;
	s5 =	simm.s32 $0xFFFFFFFF;
	p2 =	slt.u32 s8, $0xFFFFF086  }
0x1c: {  	p1 =	slt.u32 s9, $0xF7A;
	s5 =	simm.s32 @!p2 $0x0  }
0x1d: {  	s5 =	simm.s32 @p1 $0x1;
	p0 =	seq.s32 s7, s2  }
0x1e: {  	s7 =	smul.u32 @!p0 $0xF7A, s2;
	p2 =	seq.s32 @!p0 s5, $0x0  }
0x1f: {  	s9 =	smul.u32 $0xF7A, s1;
	s8 =	simm.s32 @!p0 $0x1BF5;
	p2 =	por !p2, p0  }
0x20: {  	[sflag:s8] =	ssyncset.s32 @!p0 $0xFFFFF086;
	s6 =	sadd.s32 @!p0 s3, s7;
	s7 =	simm.s32 @!p0 $0x108  }
0x21: {  	s3 =	sadd.s32 s3, s9;
	s6 =	sadd.s32 @!p0 $0x88, s6;
	s7 =	simm.s32 @p2 $0x1082  }
0x22: {  	[simem:s7], [sflag:s8] =	dma.local @!p0 [hbm:s6], $0xF7A  }
0x23: {  	s9 =	sor.u32 $0xD0000000, s2;
	s6 =	simm.s32 $0x108;
	_ =	swait.ge @!p0 [sflag:s8], $0x0  }
0x24: {  	s3 =	sadd.s32 $0x88, s3;
	s6 =	simm.s32 @!p1 $0x1082;
	[sflag:s4] =	ssyncset.s32 $0xFFFFF086  }
0x25: {  	[simem:s6], [sflag:s4] =	dma.local [hbm:s3], $0xF7A  }
0x26: {  	[smem:$0x3F98] =	sst s1;
	(tag) =	ssettag s2;
	_ =	strace s9  }
0x27: {  	s1 =	sld [smem:$0x3FA8]  }
0x28: {  	s2 =	sld [smem:$0x3FA9]  }
0x29: {  	s4 =	sld [smem:$0x3FAB]  }
0x2a: {  	p0 =	seq.s32 s5, $0x0;
	s5 =	sld [smem:$0x3FAC]  }
0x2b: {  	s6 =	sld [smem:$0x3FAD]  }
0x2c: {  	s7 =	sld [smem:$0x3FAE]  }
0x2d: {  	s3 =	simm.s32 $0x108;
	s8 =	sld [smem:$0x3FAF]  }
0x2e: {  	s3 =	simm.s32 @!p0 $0x1082;
	s9 =	sld [smem:$0x3FB0]  }
0x2f: {  	lr =	sadd.s32 s0, s3;
	s0 =	sld [smem:$0x3FA7]  }
0x30: {  	s3 =	sld [smem:$0x3FAA]  }
0x31: {  	[smem:$0x3FB3] =	sst s10  }
0x32: {  	s10 =	sld [smem:$0x3FB1];
	_ =	sdelay $0x3  }
0x33: {  	p0 =	seq.s32 s10, $0x1;
	s10 =	sld [smem:$0x3FB3];
	_ =	sdelay $0x3  }
0x34: {  	[smem:$0x3FB3] =	sst s10  }
0x35: {  	s10 =	sld [smem:$0x3FB2];
	_ =	sdelay $0x3  }
0x36: {  	p1 =	seq.s32 s10, $0x1;
	s10 =	sld [smem:$0x3FB3];
	_ =	sdelay $0x3  }
0x37: {  	[smem:$0x3FB3] =	sst s10  }
0x38: {  	s10 =	sld [smem:$0x3FB4]  }
0x39: {  	_ = 	snop;
	(pc) =	sbr.ind lr, $3  }
0x3a: {  	_ = 	snop  }
0x3b: {  	_ = 	snop  }
0x3c: {  	p2 =	seq.s32 s10, $0x1;
	s10 =	sld [smem:$0x3FB3]  }
0x3d: {  	_ =	shalt  }
0x3e: {  	_ =	shalt  }
0x3f: {  	_ =	shalt  }
0x40: {  	_ =	shalt  }
0x41: {  	_ =	shalt  }
0x42: {  	_ =	shalt  }
0x43: {  	_ =	shalt  }
0x44: {  	_ =	shalt  }
0x45: {  	_ =	shalt  }
0x46: {  	_ =	shalt  }
0x47: {  	_ =	shalt  }
0x48: {  	_ =	shalt  }
0x49: {  	_ =	shalt  }
0x4a: {  	_ =	shalt  }
0x4b: {  	_ =	shalt  }
0x4c: {  	_ =	shalt  }
0x4d: {  	_ =	shalt  }
0x4e: {  	_ =	shalt  }
0x4f: {  	_ =	shalt  }
0x50: {  	_ =	shalt  }
0x51: {  	_ =	shalt  }
0x52: {  	_ =	shalt  }
0x53: {  	_ =	shalt  }
0x54: {  	_ =	shalt  }
0x55: {  	_ =	shalt  }
0x56: {  	_ =	shalt  }
0x57: {  	_ =	shalt  }
0x58: {  	_ =	shalt  }
0x59: {  	_ =	shalt  }
0x5a: {  	_ =	shalt  }
0x5b: {  	_ =	shalt  }
0x5c: {  	_ =	shalt  }
0x5d: {  	_ =	shalt  }
0x5e: {  	_ =	shalt  }
0x5f: {  	_ =	shalt  }
0x60: {  	_ =	shalt  }
0x61: {  	_ =	shalt  }
0x62: {  	_ =	shalt  }
0x63: {  	_ =	shalt  }
0x64: {  	_ =	shalt  }
0x65: {  	_ =	shalt  }
0x66: {  	_ =	shalt  }
0x67: {  	_ =	shalt  }
0x68: {  	_ =	shalt  }
0x69: {  	_ =	shalt  }
0x6a: {  	_ =	shalt  }
0x6b: {  	_ =	shalt  }
0x6c: {  	_ =	shalt  }
0x6d: {  	_ =	shalt  }
0x6e: {  	_ =	shalt  }
0x6f: {  	_ =	shalt  }
0x70: {  	_ =	shalt  }
0x71: {  	_ =	shalt  }
0x72: {  	_ =	shalt  }
0x73: {  	_ =	shalt  }
0x74: {  	_ =	shalt  }
0x75: {  	_ =	shalt  }
0x76: {  	_ =	shalt  }
0x77: {  	_ =	shalt  }
0x78: {  	_ =	shalt  }
0x79: {  	_ =	shalt  }
0x7a: {  	_ =	shalt  }
0x7b: {  	_ =	shalt  }
0x7c: {  	_ =	shalt  }
0x7d: {  	_ =	shalt  }
0x7e: {  	_ =	shalt  }
0x7f: {  	_ =	shalt  }
0x80: {  	_ =	shalt  }
0x81: {  	_ =	shalt  }
0x82: {  	_ =	shalt  }
0x83: {  	_ =	shalt  }
0x84: {  	_ =	shalt  }
0x85: {  	_ =	shalt  }
0x86: {  	_ =	shalt  }
0x87: {  	_ =	shalt  }
.Lfunc_end0:
.L_simem_size_0:
called_computation.1_lowered:
.L_overlay_start_0:
0x88: {  	s2 =	sld [smem:$0x3FD9]  }
0x89: {  	s3 =	sld [smem:$0x3FFE];
	_ =	sdelay $0x1  }
0x8a: {  	s1 =	srdreg.scid  }
0x8b: {  	s0 =	sand.u32 $0x1, s1  }
0x8c: {  	s17 =	sshll.u32 s0, $0xA;
	s2 =	sadd.s32 s3, s2  }
0x8d: {  	s2 =	sadd.s32 s2, s17  }
0x8e: {  	[smem:$0x3FBF] =	sst s2  }
0x8f: {  	_ = 	snop  }
0x90: {  	s2 =	sld [smem:$0x3FD0];
	(tm) =	ssettm $0x1  }
0x91: {  	s18 =	sld [smem:$0x3FFB];
	_ =	sdelay $0x3  }
0x92: {  	_ =	strace s18  }
0x93: {  	s3 =	sld [smem:$0x3FFC];
	_ =	sdelay $0x3  }
0x94: {  	_ =	strace s3  }
0x95: {  	s3 =	sld [smem:$0x3FFD];
	_ =	sdelay $0x3  }
0x96: {  	_ =	strace s3  }
0x97: {  	_ =	strace $0x8FFFFFFF  }
0x98: {  	s19 =	sld [smem:$0x3FDB];
	_ =	sdelay $0x1  }
0x99: {  	s4 =	simm.s32 $_scs_section_size  }
0x9a: {  	s5 =	simm.s32 $_size__tile_overlayer_lowered;
	s6 =	simm.s32 $_tile_overlayer_lowered  }
0x9b: {  	s22 =	simm.s32 $0x1BFF;
	s21 =	sshll.u32 s6, $0x1;
	s3 =	sadd.s32 s4, s19  }
0x9c: {  	s7 =	simm.s32 $0x0;
	s20 =	sshll.u32 s5, $0x1;
	s5 =	sadd.s32 s21, s3  }
0x9d: {  	[timem:s7], [sflag:s22] =	dma.local [hbm:s5], s20  }
0x9e: {  	_ =	swait.ge [sflag:s22], s20  }
0x9f: {  	s4 =	ssub.s32 $0x0, s20;
	[sflag:s22] =	ssyncset.done $0x0  }
0xa0: {  	[sflag:s22] =	ssyncadd.s32 s4;
	_ =	sdelay $0x1  }
0xa1: {  	s23 =	simm.s32 $0x1B8B  }
0xa2: {  	_ =	swait.ge [sflag:s23], $0x1  }
0xa3: {  	[sflag:s23] =	ssyncset.done $0x0  }
0xa4: {  	s25 =	simm.s32 $0x1B8E;
	s24 =	sld [smem:$0x3FFE];
	[sflag:s23] =	ssyncadd.s32 $0xFFFFFFFF  }
0xa5: {  	s26 =	simm.s32 $execute0_lowered;
	[smem:$0x3FD2] =	sst s25  }
0xa6: {  	s5 =	sshll.u32 s26, $0x1;
	_ =	strace $0x80000049;
	[dreg:$0x1] =	wrdreg $0xFFFFFFFF  }
0xa7: {  	s28 =	simm.s32 $_size_execute0_lowered;
	s3 =	sadd.s32 s3, s5;
	[dreg:$0x0] =	wrdreg $0x0  }
0xa8: {  	s5 =	sshll.u32 s28, $0x1;
	[dreg:$0x2] =	wrdreg s3  }
0xa9: {  	[dreg:$0x3] =	wrdreg s5  }
0xaa: {  	[dreg:$0x4] =	wrdreg $0xC0  }
0xab: {  	_ =	task [dreg:s7], $0x5FFFF  }
0xac: {  	[dreg:$0x1] =	wrdreg $0xFFFFFFFF  }
0xad: {  	[dreg:$0x0] =	wrdreg $0x60  }
0xae: {  	[dreg:$0x2] =	wrdreg s24  }
0xaf: {  	[dreg:$0x3] =	wrdreg s2  }
0xb0: {  	[dreg:$0x4] =	wrdreg $0x9  }
0xb1: {  	_ =	task.clear_ibuf [dreg:s7], $0x5FFFF;
	_ =	strace $0x90000049  }
0xb2: {  	s29 =	simm.s32 $0x9;
	_ =	strace $0x8000004B  }
0xb3: {  	_ =	swait.ge [sflag:s29], $0x1  }
0xb4: {  	[sflag:s29] =	ssyncadd.s32 $0xFFFFFFFF  }
0xb5: {  	_ =	strace $0x9000004B  }
0xb6: {  	_ =	sfence  }
0xb7: {  	s30 =	sld [smem:$0x0];
	_ =	sdelay $0x2  }
0xb8: {  	s31 =	sshll.u32 s1, $0xD;
	s1 =	sshrl.u32 s1, $0x2  }
0xb9: {  	s3 =	sand.u32 $0x4000, s31;
	s1 =	sadd.s32 s1, s30  }
0xba: {  	s0 =	sor.u32 s3, s0;
	s1 =	sshll.u32 s1, $0x11  }
0xbb: {  	s0 =	sor.u32 s1, s0  }
0xbc: {  	s0 =	sadd.s32 $0x8F2B, s0  }
0xbd: {  	[sflag:s0] =	ssyncadd.remote.s32 $0x1  }
0xbe: {  	_ =	sfence.sel $0xFFFF  }
0xbf: {  	[dreg:$0x0] =	wrdreg $0xFFFFFFFF;
	(pc) =	sbr.abs _section_cstart, $3  }
0xc0: {  	[dreg:$0x1] =	wrdreg $0xFFFFFFFF  }
0xc1: {  	_ =	task.clear_ibuf [dreg:s7], $0x2FFFF;
	_ =	strace $0x9FFFFFFF  }
0xc2: {  	(tm) =	ssettm $0x7FFFFFFF  }
0xc3: {  	_ =	shalt  }
tec
execute0_lowered:
.L_overlay_start_1:
0x0: {  	(tag) =	ssettag $0x1  }
0x1: {  	v0 =	vimm.s32 $0xFEDCBA9  }
0x2: {  	v1 =	vimm.s32 $0x87654321;
	v4 =	vimm.s32 $0x98765432;
	v5 =	vimm.s32 $0xA9876543  }
0x3: {  	v6 =	vimm.s32 $0x3210FEDC;
	v7 =	vimm.s32 $0xBA987654;
	v19 =	vimm.s32 $0xDCBA9876  }
0x4: {  	v20 =	vimm.s32 $0xEDCBA987;
	v21 =	vimm.s32 $0xFEDCBA98;
	v23 =	vimm.s32 $0x76543210  }
0x5: {  	vm0 =	vcmask $0x1F10;
	v28 =	vimm.s32 $0x16151413;
	v29 =	vimm.s32 $0x1A191817  }
0x6: {  	v30 =	vimm.s32 $0x1F1E1D1C;
	v31 =	vimm.s32 $0x13121110;
	v33 =	vimm.s32 $0x17161514  }
0x7: {  	v34 =	vimm.s32 $0x1B1A1918;
	v0 =	vunpack.c.l.s4.s8 v0;
	v1 =	vunpack.c.l.s4.s8 v1  }
0x8: {  	v5 =	vunpack.c.l.s4.s8 v5;
	v6 =	vunpack.c.l.s4.s8 v6;
	v20 =	vunpack.c.l.s4.s8 v20  }
0x9: {  	v21 =	vunpack.c.l.s4.s8 v21;
	v23 =	vunpack.c.l.s4.s8 v23;
	v28 =	vunpack.c.0.s8.s32 v28  }
0xa: {  	v29 =	vunpack.c.0.s8.s32 v29;
	v30 =	vunpack.c.0.s8.s32 v30;
	v31 =	vunpack.c.0.s8.s32 v31  }
0xb: {  	v33 =	vunpack.c.0.s8.s32 v33;
	v34 =	vunpack.c.0.s8.s32 v34;
	v8 =	vunpack.c.0.s8.s32 v0  }
0xc: {  	v9 =	vunpack.c.0.s8.s32 v1;
	v1 =	vimm.s32 $0x10FEDCBA;
	v0 =	vlaneseq.u32  }
0xd: {  	v13 =	vunpack.c.0.s8.s32 v5;
	v14 =	vunpack.c.0.s8.s32 v6;
	v20 =	vunpack.c.0.s8.s32 v20  }
0xe: {  	v21 =	vunpack.c.0.s8.s32 v21;
	v23 =	vunpack.c.0.s8.s32 v23;
	v32 =	vsel vm0, v29, v28  }
0xf: {  	v37 =	vsel vm0, v31, v30;
	v38 =	vsel vm0, v34, v33;
	v3 =	vunpack.c.l.s4.s8 v1  }
0x10: {  	v1 =	vmul.u32 $0x20, v0;
	v2 =	vcombine.low v9, v8;
	v25 =	vcombine.low v8, v9  }
0x11: {  	v9 =	vand.u32 $0xF, v21;
	v21 =	vimm.s32 $0x15141312;
	v10 =	vunpack.c.0.s8.s32 v3  }
0x12: {  	v3 =	vunpack.c.l.s4.s8 v4;
	v4 =	vimm.s32 $0x210FEDCB;
	v9 =	vcombine.low v9, v23  }
0x13: {  	v44 =	vunpack.c.0.s8.s32 v21;
	v21 =	vimm.s32 $0x1E1D1C1B;
	v4 =	vunpack.c.l.s4.s8 v4  }
0x14: {  	v23 =	vor.u32 $0x10, v0;
	v11 =	vunpack.c.0.s8.s32 v3;
	v3 =	vunpack.c.l.s4.s8 v7  }
0x15: {  	v2 =	vand.u32 $0xF, v2;
	v12 =	vunpack.c.0.s8.s32 v4;
	v4 =	vimm.s32 $0x43210FED  }
0x16: {  	v21 =	vunpack.c.0.s8.s32 v21;
	v15 =	vunpack.c.0.s8.s32 v3;
	v3 =	vunpack.c.l.s4.s8 v4  }
0x17: {  	v4 =	vimm.s32 $0xCBA98765;
	v5 =	vcombine.low v11, v10;
	v11 =	vcombine.low v10, v11  }
0x18: {  	v10 =	vand.u32 $0xF, v25;
	v6 =	vcombine.low v13, v12;
	v4 =	vunpack.c.l.s4.s8 v4  }
0x19: {  	v12 =	vcombine.low v12, v13;
	v7 =	vcombine.low v15, v14;
	v16 =	vunpack.c.0.s8.s32 v3  }
0x1a: {  	v3 =	vimm.s32 $0x543210FE;
	v13 =	vcombine.low v14, v15;
	v11 =	vand.u32 $0xF, v11  }
0x1b: {  	v15 =	vimm.s32 $0x1C1B1A19;
	v17 =	vunpack.c.0.s8.s32 v4;
	v18 =	vunpack.c.l.s4.s8 v3  }
0x1c: {  	v3 =	vand.u32 $0xF, v5;
	v4 =	vand.u32 $0xF, v6;
	v6 =	vunpack.c.l.s4.s8 v19  }
0x1d: {  	v12 =	vand.u32 $0xF, v12;
	v40 =	vunpack.c.0.s8.s32 v15;
	v15 =	vimm.s32 $0x101F1E1D  }
0x1e: {  	v5 =	vand.u32 $0xF, v7;
	v13 =	vand.u32 $0xF, v13;
	v39 =	vunpack.c.0.s8.s32 v15  }
0x1f: {  	v18 =	vunpack.c.0.s8.s32 v18;
	v19 =	vunpack.c.0.s8.s32 v6;
	v6 =	vimm.s32 $0x6543210F  }
0x20: {  	v7 =	vcombine.low v17, v16;
	v14 =	vcombine.low v16, v17;
	v6 =	vunpack.c.l.s4.s8 v6  }
0x21: {  	v22 =	vcombine.low v19, v18;
	v16 =	vcombine.low v18, v19;
	v18 =	vimm.s32 $0x14131211  }
0x22: {  	s4 =	rddreg [dreg:$0x0];
	v19 =	vimm.s32 $0x18171615;
	v14 =	vand.u32 $0xF, v14;
	v24 =	vunpack.c.0.s8.s32 v6  }
0x23: {  	s7 =	rddreg [dreg:$0x1];
	v6 =	vand.u32 $0xF, v7;
	v41 =	vunpack.c.0.s8.s32 v18;
	v42 =	vunpack.c.0.s8.s32 v19  }
0x24: {  	s0 =	rddreg [dreg:$0x2];
	s1 =	simm.s32 $0x0;
	s3 =	srdreg.scid;
	v19 =	vimm.s32 $0x1D1C1B1A;
	v7 =	vand.u32 $0xF, v22;
	v15 =	vand.u32 $0xF, v16  }
0x25: {  	s2 =	stileid.u32;
	s10 =	simm.s32 $0x200;
	s11 =	simm.s32 $0x400;
	v22 =	vcombine.low v20, v24;
	v17 =	vcombine.low v24, v20;
	v20 =	vimm.s32 $0x11101F1E  }
0x26: {  	s12 =	simm.s32 $0x4400;
	s13 =	simm.s32 $0x1;
	s14 =	simm.s32 $0x8400;
	v19 =	vunpack.c.0.s8.s32 v19;
	v18 =	vsel vm0, v42, v41;
	v43 =	vunpack.c.0.s8.s32 v20  }
0x27: {  	s15 =	simm.s32 $0x0;
	[smem:$0x7FF] =	sst s1;
	s5 =	sand.u32 $0x1, s3;
	v20 =	vimm.s32 $0x19181716;
	v8 =	vand.u32 $0xF, v22;
	v16 =	vand.u32 $0xF, v17  }
0x28: {  	s31 =	sshll.u32 s2, $0x7;
	s6 =	sshll.u32 s5, $0x6;
	s5 =	ssub.s32 $0x2, s5;
	v17 =	vsel vm0, v39, v40;
	v22 =	vimm.s32 $0x1211101F;
	v20 =	vunpack.c.0.s8.s32 v20  }
0x29: {  	s3 =	sadd.s32 $0x18A400, s4;
	s8 =	sor.u32 s6, s31;
	s9 =	sshrl.u32 s5, $0x1;
	[tilespmem:$0x1FFE0] =	vst v18;
	v39 =	vsel vm0, v41, v39;
	v40 =	vsel vm0, v40, v42;
	v22 =	vunpack.c.0.s8.s32 v22  }
0x2a: {  	s6 =	sadd.s32 s8, s4;
	s4 =	sadd.s32 $0x1EC000, s4;
	s9 =	ssub.s32 s5, s9;
	[tilespmem:$0x1FFF0] =	vst v19;
	v41 =	vcombine.low v38, v37;
	v24 =	vcombine.low v18, v17;
	v25 =	vsel vm0, v43, v19  }
0x2b: {  	s7 =	sadd.s32 s7, s8;
	s5 =	sadd.s32 $0x2200, s6;
	s6 =	sadd.s32 $0x2A00, s6;
	[tilespmem:$0x1FFD0] =	vst v17;
	v42 =	vcombine.low v40, v39;
	v26 =	vsel vm0, v20, v44;
	v27 =	vsel vm0, v22, v21  }
0x2c: {  	s8 =	smax.u32 s9, $0x1;
	s9 =	simm.s32 $0x2;
	v43 =	vsel vm0, v44, v43;
	_ =	strace $0x8000004A;
	v35 =	vcombine.low v26, v25;
	v36 =	vcombine.low v32, v27  }
.LBB2_1:
0x2d: {  	[tilespmem:s1], [sflag:$0x2] =	stream.linear.gather [hbm4b:s5+s1], $0x200, $0x38;
	[tilespmem:$0x8600] =	vst v63  }
0x2e: {  	_ =	swait.ge [sflag:s9], $0x200  }
0x2f: {  	[sflag:s9] =	ssyncset.done $0x0  }
0x30: {  	[sflag:s9] =	ssyncadd.s32 $0xFFFFFE00  }
0x31: {  	[tilespmem:s10], [sflag:$0x2] =	stream.linear.gather [hbm4b:s6+s1], $0x200, $0x38;
	[tilespmem:$0x8600] =	vst v63  }
0x32: {  	_ =	swait.ge [sflag:s9], $0x200  }
0x33: {  	[sflag:s9] =	ssyncset.done $0x0  }
0x34: {  	[sflag:s9] =	ssyncadd.s32 $0xFFFFFE00  }
0x35: {  	[tilespmem:s11], [sflag:$0x1] =	stream.indirect.gather [hbm4b:s3+s10], $0x20, s1, s10, $0xb8;
	[tilespmem:$0x8600] =	vst v63  }
0x36: {  	v44 =	vmov s1  }
0x37: {  	v44 =	vshll.u32 v44, $0x5;
	[tilespmem:s12], [sflag:$0x1] =	stream.indirect.gather [hbm4b:s4+s10], $0x20, s10, s10, $0xb8;
	[tilespmem:$0x8600] =	vst v63  }
0x38: {  	v54 =	vor.u32 v1, v44;
	_ =	swait.ge [sflag:s13], $0x4000  }
0x39: {  	v44 =	vor.u32 v0, v54;
	[sflag:s13] =	ssyncset.done $0x0  }
0x3a: {  	[sflag:s13] =	ssyncadd.s32 $0xFFFFC000  }
0x3b: {  	v45 =	vor.u32 v2, v54;
	_ =	swait.ge [sflag:s13], $0x4000  }
0x3c: {  	[sflag:s13] =	ssyncset.done $0x0  }
0x3d: {  	v46 =	vor.u32 v3, v54;
	[sflag:s13] =	ssyncadd.s32 $0xFFFFC000  }
0x3e: {  	v48 =	vor.u32 v4, v54;
	v47 =	vld.idx.msk [tilespmem:v44+s12+$0x0], $0xffff  }
0x3f: {  	v44 =	vld.idx.msk [tilespmem:v44+s11+$0x0], $0xffff  }
0x40: {  	v50 =	vor.u32 v5, v54;
	v49 =	vld.idx.msk [tilespmem:v45+s11+$0x0], $0xffff  }
0x41: {  	v45 =	vld.idx.msk [tilespmem:v45+s12+$0x0], $0xffff  }
0x42: {  	v51 =	vld.idx.msk [tilespmem:v46+s11+$0x0], $0xffff  }
0x43: {  	v52 =	vor.u32 v6, v54;
	v53 =	vld.idx.msk [tilespmem:v48+s11+$0x0], $0xffff  }
0x44: {  	v61 =	vld.idx.msk [tilespmem:v48+s12+$0x0], $0xffff  }
0x45: {  	v63 =	vor.u32 v8, v54;
	v55 =	vld.idx.msk [tilespmem:v50+s11+$0x0], $0xffff  }
0x46: {  	v60 =	vor.u32 v9, v54;
	v62 =	vld.idx.msk [tilespmem:v50+s12+$0x0], $0xffff  }
0x47: {  	v46 =	vld.idx.msk [tilespmem:v46+s12+$0x0], $0xffff  }
0x48: {  	v56 =	vld.idx.msk [tilespmem:v52+s11+$0x0], $0xffff;
	v44 =	vmul.f32 v47, v44  }
0x49: {  	v48 =	vor.u32 v7, v54;
	v59 =	vld.idx.msk [tilespmem:v52+s12+$0x0], $0xffff  }
0x4a: {  	v45 =	vmul.f32 v45, v49;
	v61 =	vmul.f32 v61, v53;
	v53 =	vld.idx.msk [tilespmem:v63+s11+$0x0], $0xffff;
	v44 =	vadd.f32 $0.0e+00, v44  }
0x4b: {  	v62 =	vmul.f32 v62, v55;
	v55 =	vld.idx.msk [tilespmem:v60+s11+$0x0], $0xffff  }
0x4c: {  	v58 =	vmul.f32 v46, v51;
	v46 =	vld.idx.msk [tilespmem:v60+s12+$0x0], $0xffff;
	v60 =	vor.u32 v12, v54;
	v44 =	vadd.f32 v45, v44  }
0x4d: {  	v50 =	vor.u32 v11, v54;
	v49 =	vld.idx.msk [tilespmem:v63+s12+$0x0], $0xffff  }
0x4e: {  	v52 =	vld.idx.msk [tilespmem:v48+s11+$0x0], $0xffff;
	v44 =	vadd.f32 v58, v44  }
0x4f: {  	v47 =	vld.idx.msk [tilespmem:v48+s12+$0x0], $0xffff;
	v48 =	vor.u32 v10, v54  }
0x50: {  	v44 =	vadd.f32 v61, v44  }
0x51: {  	v63 =	vmul.f32 v59, v56;
	v59 =	vmul.f32 v46, v55;
	v46 =	vld.idx.msk [tilespmem:v60+s12+$0x0], $0xffff  }
0x52: {  	v57 =	vor.u32 v13, v54;
	v58 =	vmul.f32 v49, v53;
	v49 =	vld.idx.msk [tilespmem:v50+s12+$0x0], $0xffff;
	v44 =	vadd.f32 v62, v44  }
0x53: {  	v53 =	vld.idx.msk [tilespmem:v60+s11+$0x0], $0xffff  }
0x54: {  	v61 =	vld.idx.msk [tilespmem:v48+s11+$0x0], $0xffff;
	v62 =	vmul.f32 v47, v52;
	v44 =	vadd.f32 v63, v44  }
0x55: {  	v63 =	vld.idx.msk [tilespmem:v48+s12+$0x0], $0xffff  }
0x56: {  	v52 =	vld.idx.msk [tilespmem:v50+s11+$0x0], $0xffff;
	v50 =	vor.u32 v14, v54;
	v44 =	vadd.f32 v62, v44  }
0x57: {  	v51 =	vor.u32 v15, v54;
	v60 =	vld.idx.msk [tilespmem:v57+s11+$0x0], $0xffff  }
0x58: {  	v62 =	vld.idx.msk [tilespmem:v57+s12+$0x0], $0xffff;
	v44 =	vadd.f32 v58, v44  }
0x59: {  	v17 =	vld [tilespmem:$0x1FFF0]  }
0x5a: {  	v18 =	vld [tilespmem:$0x1FFE0];
	v61 =	vmul.f32 v63, v61;
	v63 =	vor.u32 v16, v54;
	v44 =	vadd.f32 v59, v44  }
0x5b: {  	v56 =	vld.idx.msk [tilespmem:v50+s11+$0x0], $0xffff  }
0x5c: {  	v57 =	vmul.f32 v49, v52;
	v52 =	vld.idx.msk [tilespmem:v51+s11+$0x0], $0xffff;
	v59 =	vor.u32 v23, v54;
	v44 =	vadd.f32 v61, v44  }
0x5d: {  	v58 =	vld.idx.msk [tilespmem:v50+s12+$0x0], $0xffff;
	v62 =	vmul.f32 v62, v60  }
0x5e: {  	v60 =	vor.u32 v35, v54;
	v61 =	vmul.f32 v46, v53;
	v46 =	vld.idx.msk [tilespmem:v51+s12+$0x0], $0xffff;
	v44 =	vadd.f32 v57, v44  }
0x5f: {  	v51 =	vor.u32 v24, v54;
	v53 =	vld.idx.msk [tilespmem:v63+s11+$0x0], $0xffff  }
0x60: {  	v63 =	vld.idx.msk [tilespmem:v63+s12+$0x0], $0xffff;
	v44 =	vadd.f32 v61, v44  }
0x61: {  	v55 =	vld.idx.msk [tilespmem:v59+s11+$0x0], $0xffff  }
0x62: {  	v50 =	vor.u32 v36, v54;
	v49 =	vld.idx.msk [tilespmem:v59+s12+$0x0], $0xffff;
	v61 =	vmul.f32 v58, v56;
	v44 =	vadd.f32 v62, v44  }
0x63: {  	v57 =	vld.idx.msk [tilespmem:v60+s11+$0x0], $0xffff  }
0x64: {  	v56 =	vld.idx.msk [tilespmem:v51+s11+$0x0], $0xffff;
	v62 =	vmul.f32 v46, v52;
	v44 =	vadd.f32 v61, v44  }
0x65: {  	v46 =	vld.idx.msk [tilespmem:v51+s12+$0x0], $0xffff;
	v51 =	vor.u32 v41, v54  }
0x66: {  	v48 =	vld.idx.msk [tilespmem:v60+s12+$0x0], $0xffff;
	v52 =	vsel vm0, v17, v20;
	v47 =	vmul.f32 v63, v53;
	v45 =	vadd.f32 v62, v44  }
0x67: {  	v59 =	vsel vm0, v21, v29;
	v58 =	vor.u32 v42, v54;
	v60 =	vld.idx.msk [tilespmem:v50+s11+$0x0], $0xffff;
	v44 =	vcombine.low v52, v43  }
0x68: {  	v17 =	vld [tilespmem:$0x1FFD0];
	v53 =	vsel vm0, v28, v22;
	v49 =	vmul.f32 v49, v55;
	v47 =	vadd.f32 v47, v45  }
0x69: {  	v50 =	vld.idx.msk [tilespmem:v50+s12+$0x0], $0xffff;
	v55 =	vsel vm0, v33, v31;
	v45 =	vcombine.low v59, v53;
	v61 =	vor.u32 v44, v54  }
0x6a: {  	v62 =	vsel vm0, v30, v34;
	v63 =	vld.idx.msk [tilespmem:v51+s11+$0x0], $0xffff;
	v47 =	vadd.f32 v49, v47;
	v49 =	vmul.f32 v46, v56  }
0x6b: {  	v51 =	vld.idx.msk [tilespmem:v51+s12+$0x0], $0xffff;
	v46 =	vcombine.low v62, v55;
	v55 =	vor.u32 v45, v54  }
0x6c: {  	v48 =	vmul.f32 v48, v57;
	v57 =	vld.idx.msk [tilespmem:v58+s12+$0x0], $0xffff;
	v49 =	vadd.f32 v49, v47  }
0x6d: {  	v56 =	vld.idx.msk [tilespmem:v58+s11+$0x0], $0xffff;
	v47 =	vcombine.low v17, v18;
	v58 =	vor.u32 v46, v54  }
0x6e: {  	v50 =	vmul.f32 v50, v60;
	v62 =	vld.idx.msk [tilespmem:v61+s11+$0x0], $0xffff;
	v49 =	vadd.f32 v48, v49  }
0x6f: {  	v60 =	vld.idx.msk [tilespmem:v61+s12+$0x0], $0xffff;
	v48 =	vcombine.low v25, v26;
	v61 =	vor.u32 v47, v54  }
0x70: {  	v51 =	vmul.f32 v51, v63;
	v17 =	vld.idx.msk [tilespmem:v55+s11+$0x0], $0xffff;
	v50 =	vadd.f32 v50, v49  }
0x71: {  	v55 =	vld.idx.msk [tilespmem:v55+s12+$0x0], $0xffff;
	v49 =	vcombine.low v27, v32;
	v63 =	vor.u32 v48, v54  }
0x72: {  	v56 =	vmul.f32 v57, v56;
	v18 =	vld.idx.msk [tilespmem:v58+s11+$0x0], $0xffff;
	v51 =	vadd.f32 v51, v50  }
0x73: {  	v57 =	vld.idx.msk [tilespmem:v58+s12+$0x0], $0xffff;
	v50 =	vcombine.low v37, v38;
	v58 =	vor.u32 v49, v54  }
0x74: {  	v60 =	vmul.f32 v60, v62;
	v19 =	vld.idx.msk [tilespmem:v61+s11+$0x0], $0xffff;
	v56 =	vadd.f32 v56, v51  }
0x75: {  	v61 =	vld.idx.msk [tilespmem:v61+s12+$0x0], $0xffff;
	v51 =	vcombine.low v39, v40;
	v62 =	vor.u32 v50, v54  }
0x76: {  	v17 =	vmul.f32 v55, v17;
	v55 =	vld.idx.msk [tilespmem:v63+s12+$0x0], $0xffff;
	v56 =	vadd.f32 v60, v56  }
0x77: {  	v52 =	vcombine.low v43, v52;
	v60 =	vld.idx.msk [tilespmem:v63+s11+$0x0], $0xffff;
	v63 =	vor.u32 v51, v54  }
0x78: {  	v18 =	vmul.f32 v57, v18;
	v57 =	vld.idx.msk [tilespmem:v58+s12+$0x0], $0xffff;
	v17 =	vadd.f32 v17, v56  }
0x79: {  	v53 =	vcombine.low v53, v59;
	v56 =	vld.idx.msk [tilespmem:v58+s11+$0x0], $0xffff;
	v58 =	vor.u32 v52, v54  }
0x7a: {  	v19 =	vmul.f32 v61, v19;
	v59 =	vld.idx.msk [tilespmem:v62+s12+$0x0], $0xffff;
	v17 =	vadd.f32 v18, v17  }
0x7b: {  	v54 =	vor.u32 v53, v54;
	v18 =	vld.idx.msk [tilespmem:v62+s11+$0x0], $0xffff  }
0x7c: {  	v61 =	vld.idx.msk [tilespmem:v63+s11+$0x0], $0xffff;
	v17 =	vadd.f32 v19, v17;
	v19 =	vmul.f32 v55, v60  }
0x7d: {  	v55 =	vld.idx.msk [tilespmem:v63+s12+$0x0], $0xffff  }
0x7e: {  	v60 =	vld.idx.msk [tilespmem:v58+s11+$0x0], $0xffff;
	v17 =	vadd.f32 v19, v17;
	v19 =	vmul.f32 v57, v56  }
0x7f: {  	v63 =	vld.idx.msk [tilespmem:v58+s12+$0x0], $0xffff  }
0x80: {  	v57 =	vld.idx.msk [tilespmem:v54+s11+$0x0], $0xffff;
	v18 =	vmul.f32 v59, v18;
	v17 =	vadd.f32 v19, v17  }
0x81: {  	v19 =	vld.idx.msk [tilespmem:v54+s12+$0x0], $0xffff  }
0x82: {  	s16 =	simm.s32 $0x10;
	v17 =	vadd.f32 v18, v17;
	v18 =	vmul.f32 v55, v61  }
0x83: {  	v62 =	vmov s16  }
0x84: {  	v54 =	vshll.u32 v62, $0x5;
	v17 =	vadd.f32 v18, v17;
	v18 =	vmul.f32 v63, v60  }
0x85: {  	v54 =	vor.u32 v1, v54  }
0x86: {  	v63 =	vor.u32 v0, v54;
	v17 =	vadd.f32 v18, v17;
	v18 =	vmul.f32 v19, v57;
	_ =	sdelay $0x1  }
0x87: {  	v19 =	vor.u32 v2, v54;
	v17 =	vadd.f32 v18, v17;
	_ =	sdelay $0x1  }
0x88: {  	v18 =	vor.u32 v3, v54;
	[tilespmem:s14+$0x0] =	vst v17  }
0x89: {  	v17 =	vld.idx.msk [tilespmem:v63+s12+$0x0], $0xffff  }
0x8a: {  	v56 =	vor.u32 v4, v54;
	v55 =	vld.idx.msk [tilespmem:v63+s11+$0x0], $0xffff  }
0x8b: {  	v57 =	vld.idx.msk [tilespmem:v19+s11+$0x0], $0xffff  }
0x8c: {  	v58 =	vor.u32 v5, v54;
	v19 =	vld.idx.msk [tilespmem:v19+s12+$0x0], $0xffff  }
0x8d: {  	v59 =	vld.idx.msk [tilespmem:v18+s11+$0x0], $0xffff  }
0x8e: {  	v60 =	vor.u32 v6, v54;
	v18 =	vld.idx.msk [tilespmem:v18+s12+$0x0], $0xffff  }
0x8f: {  	v61 =	vld.idx.msk [tilespmem:v56+s11+$0x0], $0xffff;
	v17 =	vmul.f32 v17, v55  }
0x90: {  	v55 =	vld.idx.msk [tilespmem:v56+s12+$0x0], $0xffff;
	v56 =	vor.u32 v7, v54  }
0x91: {  	v62 =	vld.idx.msk [tilespmem:v58+s11+$0x0], $0xffff;
	v19 =	vmul.f32 v19, v57;
	v17 =	vadd.f32 $0.0e+00, v17  }
0x92: {  	v57 =	vld.idx.msk [tilespmem:v58+s12+$0x0], $0xffff;
	v58 =	vor.u32 v8, v54  }
0x93: {  	v18 =	vmul.f32 v18, v59;
	v59 =	vld.idx.msk [tilespmem:v60+s12+$0x0], $0xffff;
	v17 =	vadd.f32 v19, v17  }
0x94: {  	v19 =	vld.idx.msk [tilespmem:v60+s11+$0x0], $0xffff;
	v60 =	vor.u32 v9, v54  }
0x95: {  	v55 =	vmul.f32 v55, v61;
	v17 =	vadd.f32 v18, v17;
	v18 =	vld.idx.msk [tilespmem:v56+s11+$0x0], $0xffff  }
0x96: {  	v61 =	vor.u32 v10, v54;
	v56 =	vld.idx.msk [tilespmem:v56+s12+$0x0], $0xffff  }
0x97: {  	v57 =	vmul.f32 v57, v62;
	v17 =	vadd.f32 v55, v17;
	v55 =	vld.idx.msk [tilespmem:v58+s11+$0x0], $0xffff  }
0x98: {  	v62 =	vor.u32 v11, v54;
	v58 =	vld.idx.msk [tilespmem:v58+s12+$0x0], $0xffff  }
0x99: {  	v19 =	vmul.f32 v59, v19;
	v59 =	vld.idx.msk [tilespmem:v60+s12+$0x0], $0xffff;
	v17 =	vadd.f32 v57, v17  }
0x9a: {  	v57 =	vld.idx.msk [tilespmem:v60+s11+$0x0], $0xffff;
	v60 =	vor.u32 v12, v54  }
0x9b: {  	v18 =	vmul.f32 v56, v18;
	v56 =	vld.idx.msk [tilespmem:v61+s12+$0x0], $0xffff;
	v17 =	vadd.f32 v19, v17  }
0x9c: {  	v19 =	vld.idx.msk [tilespmem:v61+s11+$0x0], $0xffff;
	v61 =	vor.u32 v13, v54  }
0x9d: {  	v55 =	vmul.f32 v58, v55;
	v58 =	vld.idx.msk [tilespmem:v62+s12+$0x0], $0xffff;
	v17 =	vadd.f32 v18, v17  }
0x9e: {  	v18 =	vld.idx.msk [tilespmem:v62+s11+$0x0], $0xffff;
	v62 =	vor.u32 v14, v54  }
0x9f: {  	v57 =	vmul.f32 v59, v57;
	v59 =	vld.idx.msk [tilespmem:v60+s12+$0x0], $0xffff;
	v17 =	vadd.f32 v55, v17  }
0xa0: {  	v55 =	vld.idx.msk [tilespmem:v60+s11+$0x0], $0xffff;
	v60 =	vor.u32 v15, v54  }
0xa1: {  	v19 =	vmul.f32 v56, v19;
	v56 =	vld.idx.msk [tilespmem:v61+s12+$0x0], $0xffff;
	v17 =	vadd.f32 v57, v17  }
0xa2: {  	v57 =	vld.idx.msk [tilespmem:v61+s11+$0x0], $0xffff;
	v61 =	vor.u32 v16, v54  }
0xa3: {  	v18 =	vmul.f32 v58, v18;
	v58 =	vld.idx.msk [tilespmem:v62+s12+$0x0], $0xffff;
	v17 =	vadd.f32 v19, v17  }
0xa4: {  	v19 =	vld.idx.msk [tilespmem:v62+s11+$0x0], $0xffff;
	v62 =	vor.u32 v23, v54  }
0xa5: {  	v55 =	vmul.f32 v59, v55;
	v59 =	vld.idx.msk [tilespmem:v60+s12+$0x0], $0xffff;
	v17 =	vadd.f32 v18, v17  }
0xa6: {  	v18 =	vld.idx.msk [tilespmem:v60+s11+$0x0], $0xffff;
	v60 =	vor.u32 v24, v54  }
0xa7: {  	v56 =	vmul.f32 v56, v57;
	v57 =	vld.idx.msk [tilespmem:v61+s12+$0x0], $0xffff;
	v17 =	vadd.f32 v55, v17  }
0xa8: {  	v55 =	vld.idx.msk [tilespmem:v61+s11+$0x0], $0xffff;
	v61 =	vor.u32 v35, v54  }
0xa9: {  	v19 =	vmul.f32 v58, v19;
	v58 =	vld.idx.msk [tilespmem:v62+s12+$0x0], $0xffff;
	v17 =	vadd.f32 v56, v17  }
0xaa: {  	v56 =	vld.idx.msk [tilespmem:v62+s11+$0x0], $0xffff;
	v62 =	vor.u32 v36, v54  }
0xab: {  	v18 =	vmul.f32 v59, v18;
	v59 =	vld.idx.msk [tilespmem:v60+s12+$0x0], $0xffff;
	v17 =	vadd.f32 v19, v17  }
0xac: {  	v19 =	vld.idx.msk [tilespmem:v60+s11+$0x0], $0xffff;
	v60 =	vor.u32 v41, v54  }
0xad: {  	v55 =	vmul.f32 v57, v55;
	v57 =	vld.idx.msk [tilespmem:v61+s12+$0x0], $0xffff;
	v17 =	vadd.f32 v18, v17  }
0xae: {  	v18 =	vld.idx.msk [tilespmem:v61+s11+$0x0], $0xffff;
	v61 =	vor.u32 v42, v54  }
0xaf: {  	v56 =	vmul.f32 v58, v56;
	v58 =	vld.idx.msk [tilespmem:v62+s12+$0x0], $0xffff;
	v17 =	vadd.f32 v55, v17  }
0xb0: {  	v55 =	vld.idx.msk [tilespmem:v62+s11+$0x0], $0xffff;
	v62 =	vor.u32 v44, v54  }
0xb1: {  	v19 =	vmul.f32 v59, v19;
	v59 =	vld.idx.msk [tilespmem:v60+s12+$0x0], $0xffff;
	v17 =	vadd.f32 v56, v17  }
0xb2: {  	v56 =	vld.idx.msk [tilespmem:v60+s11+$0x0], $0xffff;
	v60 =	vor.u32 v45, v54  }
0xb3: {  	v18 =	vmul.f32 v57, v18;
	v57 =	vld.idx.msk [tilespmem:v61+s12+$0x0], $0xffff;
	v17 =	vadd.f32 v19, v17  }
0xb4: {  	v19 =	vld.idx.msk [tilespmem:v61+s11+$0x0], $0xffff;
	v61 =	vor.u32 v46, v54  }
0xb5: {  	v55 =	vmul.f32 v58, v55;
	v58 =	vld.idx.msk [tilespmem:v62+s12+$0x0], $0xffff;
	v17 =	vadd.f32 v18, v17  }
0xb6: {  	v18 =	vld.idx.msk [tilespmem:v62+s11+$0x0], $0xffff;
	v62 =	vor.u32 v47, v54  }
0xb7: {  	v56 =	vmul.f32 v59, v56;
	v59 =	vld.idx.msk [tilespmem:v60+s12+$0x0], $0xffff;
	v17 =	vadd.f32 v55, v17  }
0xb8: {  	v55 =	vld.idx.msk [tilespmem:v60+s11+$0x0], $0xffff;
	v60 =	vor.u32 v48, v54  }
0xb9: {  	v19 =	vmul.f32 v57, v19;
	v57 =	vld.idx.msk [tilespmem:v61+s12+$0x0], $0xffff;
	v17 =	vadd.f32 v56, v17  }
0xba: {  	v56 =	vld.idx.msk [tilespmem:v61+s11+$0x0], $0xffff  }
0xbb: {  	v18 =	vmul.f32 v58, v18;
	v58 =	vld.idx.msk [tilespmem:v62+s12+$0x0], $0xffff;
	v17 =	vadd.f32 v19, v17  }
0xbc: {  	v19 =	vld.idx.msk [tilespmem:v62+s11+$0x0], $0xffff  }
0xbd: {  	v61 =	vor.u32 v49, v54;
	v55 =	vmul.f32 v59, v55;
	v59 =	vld.idx.msk [tilespmem:v60+s12+$0x0], $0xffff;
	v17 =	vadd.f32 v18, v17  }
0xbe: {  	v18 =	vld.idx.msk [tilespmem:v60+s11+$0x0], $0xffff  }
0xbf: {  	v62 =	vor.u32 v50, v54;
	v56 =	vmul.f32 v57, v56;
	v17 =	vadd.f32 v55, v17;
	_ =	sdelay $0x1  }
0xc0: {  	v60 =	vor.u32 v51, v54;
	v19 =	vmul.f32 v58, v19;
	v17 =	vadd.f32 v56, v17  }
0xc1: {  	v57 =	vld.idx.msk [tilespmem:v61+s12+$0x0], $0xffff  }
0xc2: {  	v55 =	vld.idx.msk [tilespmem:v61+s11+$0x0], $0xffff;
	v61 =	vor.u32 v52, v54;
	v18 =	vmul.f32 v59, v18;
	v17 =	vadd.f32 v19, v17  }
0xc3: {  	v58 =	vld.idx.msk [tilespmem:v62+s12+$0x0], $0xffff  }
0xc4: {  	v56 =	vld.idx.msk [tilespmem:v62+s11+$0x0], $0xffff;
	v17 =	vadd.f32 v18, v17;
	v18 =	vor.u32 v53, v54  }
0xc5: {  	v59 =	vld.idx.msk [tilespmem:v60+s12+$0x0], $0xffff  }
0xc6: {  	v19 =	vld.idx.msk [tilespmem:v60+s11+$0x0], $0xffff  }
0xc7: {  	v57 =	vmul.f32 v57, v55;
	v60 =	vld.idx.msk [tilespmem:v61+s11+$0x0], $0xffff  }
0xc8: {  	v61 =	vld.idx.msk [tilespmem:v61+s12+$0x0], $0xffff  }
0xc9: {  	v62 =	vmul.f32 v58, v56;
	v17 =	vadd.f32 v57, v17;
	v55 =	vld.idx.msk [tilespmem:v18+s11+$0x0], $0xffff  }
0xca: {  	v56 =	vld.idx.msk [tilespmem:v18+s12+$0x0], $0xffff  }
0xcb: {  	s31 =	simm.s32 $0x20;
	v19 =	vmul.f32 v59, v19;
	v17 =	vadd.f32 v62, v17  }
0xcc: {  	v63 =	vmov s31  }
0xcd: {  	s17 =	simm.s32 $0x30;
	s16 =	simm.s32 $0x8400;
	v54 =	vshll.u32 v63, $0x5;
	v58 =	vmul.f32 v61, v60;
	v57 =	vadd.f32 v19, v17  }
.LBB2_2:
0xce: {  	p0 =	sne.s32 s17, $0x1F0;
	v54 =	vor.u32 v1, v54  }
0xcf: {  	v19 =	vmul.f32 v56, v55;
	v17 =	vor.u32 v0, v54;
	v18 =	vadd.f32 v58, v57;
	_ =	sdelay $0x1  }
0xd0: {  	v55 =	vor.u32 v2, v54;
	v18 =	vadd.f32 v19, v18  }
0xd1: {  	s16 =	sadd.s32 $0x10, s16  }
0xd2: {  	v19 =	vor.u32 v3, v54;
	[tilespmem:s16+$0x0] =	vst v18  }
0xd3: {  	v18 =	vld.idx.msk [tilespmem:v17+s12+$0x0], $0xffff  }
0xd4: {  	v56 =	vor.u32 v4, v54;
	v17 =	vld.idx.msk [tilespmem:v17+s11+$0x0], $0xffff  }
0xd5: {  	v57 =	vld.idx.msk [tilespmem:v55+s11+$0x0], $0xffff  }
0xd6: {  	v58 =	vor.u32 v5, v54;
	v55 =	vld.idx.msk [tilespmem:v55+s12+$0x0], $0xffff  }
0xd7: {  	v59 =	vld.idx.msk [tilespmem:v19+s11+$0x0], $0xffff  }
0xd8: {  	v60 =	vor.u32 v6, v54;
	v19 =	vld.idx.msk [tilespmem:v19+s12+$0x0], $0xffff  }
0xd9: {  	v61 =	vld.idx.msk [tilespmem:v56+s11+$0x0], $0xffff  }
0xda: {  	v17 =	vmul.f32 v18, v17;
	v18 =	vld.idx.msk [tilespmem:v56+s12+$0x0], $0xffff;
	v56 =	vor.u32 v7, v54  }
0xdb: {  	v62 =	vld.idx.msk [tilespmem:v58+s11+$0x0], $0xffff  }
0xdc: {  	v17 =	vadd.f32 $0.0e+00, v17;
	v55 =	vmul.f32 v55, v57;
	v57 =	vld.idx.msk [tilespmem:v58+s12+$0x0], $0xffff;
	v58 =	vor.u32 v8, v54  }
0xdd: {  	v63 =	vld.idx.msk [tilespmem:v60+s11+$0x0], $0xffff  }
0xde: {  	v17 =	vadd.f32 v55, v17;
	v19 =	vmul.f32 v19, v59;
	v59 =	vor.u32 v9, v54;
	v55 =	vld.idx.msk [tilespmem:v60+s12+$0x0], $0xffff  }
0xdf: {  	v60 =	vld.idx.msk [tilespmem:v56+s11+$0x0], $0xffff  }
0xe0: {  	v17 =	vadd.f32 v19, v17;
	v18 =	vmul.f32 v18, v61;
	v19 =	vld.idx.msk [tilespmem:v56+s12+$0x0], $0xffff;
	v56 =	vor.u32 v10, v54  }
0xe1: {  	v61 =	vld.idx.msk [tilespmem:v58+s11+$0x0], $0xffff  }
0xe2: {  	v17 =	vadd.f32 v18, v17;
	v18 =	vmul.f32 v57, v62;
	v57 =	vld.idx.msk [tilespmem:v58+s12+$0x0], $0xffff;
	v58 =	vor.u32 v11, v54  }
0xe3: {  	v62 =	vld.idx.msk [tilespmem:v59+s11+$0x0], $0xffff  }
0xe4: {  	v17 =	vadd.f32 v18, v17;
	v18 =	vmul.f32 v55, v63;
	v55 =	vld.idx.msk [tilespmem:v59+s12+$0x0], $0xffff;
	v59 =	vor.u32 v12, v54  }
0xe5: {  	v63 =	vld.idx.msk [tilespmem:v56+s11+$0x0], $0xffff  }
0xe6: {  	v17 =	vadd.f32 v18, v17;
	v18 =	vmul.f32 v19, v60;
	v19 =	vld.idx.msk [tilespmem:v56+s12+$0x0], $0xffff;
	v56 =	vor.u32 v13, v54  }
0xe7: {  	v60 =	vld.idx.msk [tilespmem:v58+s11+$0x0], $0xffff  }
0xe8: {  	v17 =	vadd.f32 v18, v17;
	v18 =	vmul.f32 v57, v61;
	v57 =	vld.idx.msk [tilespmem:v58+s12+$0x0], $0xffff;
	v58 =	vor.u32 v14, v54  }
0xe9: {  	v61 =	vld.idx.msk [tilespmem:v59+s11+$0x0], $0xffff  }
0xea: {  	v17 =	vadd.f32 v18, v17;
	v18 =	vmul.f32 v55, v62;
	v55 =	vld.idx.msk [tilespmem:v59+s12+$0x0], $0xffff;
	v59 =	vor.u32 v15, v54  }
0xeb: {  	v62 =	vld.idx.msk [tilespmem:v56+s11+$0x0], $0xffff  }
0xec: {  	v17 =	vadd.f32 v18, v17;
	v18 =	vmul.f32 v19, v63;
	v19 =	vld.idx.msk [tilespmem:v56+s12+$0x0], $0xffff;
	v56 =	vor.u32 v16, v54  }
0xed: {  	v63 =	vld.idx.msk [tilespmem:v58+s11+$0x0], $0xffff  }
0xee: {  	v17 =	vadd.f32 v18, v17;
	v18 =	vmul.f32 v57, v60;
	v57 =	vld.idx.msk [tilespmem:v58+s12+$0x0], $0xffff;
	v58 =	vor.u32 v23, v54  }
0xef: {  	v60 =	vld.idx.msk [tilespmem:v59+s11+$0x0], $0xffff  }
0xf0: {  	v17 =	vadd.f32 v18, v17;
	v18 =	vmul.f32 v55, v61;
	v55 =	vld.idx.msk [tilespmem:v59+s12+$0x0], $0xffff;
	v59 =	vor.u32 v24, v54  }
0xf1: {  	v61 =	vld.idx.msk [tilespmem:v56+s11+$0x0], $0xffff  }
0xf2: {  	v17 =	vadd.f32 v18, v17;
	v18 =	vmul.f32 v19, v62;
	v19 =	vld.idx.msk [tilespmem:v56+s12+$0x0], $0xffff;
	v56 =	vor.u32 v35, v54  }
0xf3: {  	v62 =	vld.idx.msk [tilespmem:v58+s11+$0x0], $0xffff  }
0xf4: {  	v17 =	vadd.f32 v18, v17;
	v18 =	vmul.f32 v57, v63;
	v57 =	vld.idx.msk [tilespmem:v58+s12+$0x0], $0xffff;
	v58 =	vor.u32 v36, v54  }
0xf5: {  	v63 =	vld.idx.msk [tilespmem:v59+s11+$0x0], $0xffff  }
0xf6: {  	v17 =	vadd.f32 v18, v17;
	v18 =	vmul.f32 v55, v60;
	v55 =	vld.idx.msk [tilespmem:v59+s12+$0x0], $0xffff;
	v59 =	vor.u32 v41, v54  }
0xf7: {  	v60 =	vld.idx.msk [tilespmem:v56+s11+$0x0], $0xffff  }
0xf8: {  	v17 =	vadd.f32 v18, v17;
	v18 =	vmul.f32 v19, v61;
	v19 =	vld.idx.msk [tilespmem:v56+s12+$0x0], $0xffff;
	v56 =	vor.u32 v42, v54  }
0xf9: {  	v61 =	vld.idx.msk [tilespmem:v58+s11+$0x0], $0xffff  }
0xfa: {  	v17 =	vadd.f32 v18, v17;
	v18 =	vmul.f32 v57, v62;
	v57 =	vld.idx.msk [tilespmem:v58+s12+$0x0], $0xffff;
	v58 =	vor.u32 v44, v54  }
0xfb: {  	v62 =	vld.idx.msk [tilespmem:v59+s11+$0x0], $0xffff  }
0xfc: {  	v17 =	vadd.f32 v18, v17;
	v18 =	vmul.f32 v55, v63;
	v55 =	vld.idx.msk [tilespmem:v59+s12+$0x0], $0xffff;
	v59 =	vor.u32 v45, v54  }
0xfd: {  	v63 =	vld.idx.msk [tilespmem:v56+s11+$0x0], $0xffff  }
0xfe: {  	v17 =	vadd.f32 v18, v17;
	v18 =	vmul.f32 v19, v60;
	v19 =	vld.idx.msk [tilespmem:v56+s12+$0x0], $0xffff;
	v56 =	vor.u32 v46, v54  }
0xff: {  	v60 =	vld.idx.msk [tilespmem:v58+s11+$0x0], $0xffff  }
0x100: {  	v17 =	vadd.f32 v18, v17;
	v18 =	vmul.f32 v57, v61;
	v57 =	vld.idx.msk [tilespmem:v58+s12+$0x0], $0xffff;
	v58 =	vor.u32 v47, v54  }
0x101: {  	v61 =	vld.idx.msk [tilespmem:v59+s11+$0x0], $0xffff  }
0x102: {  	v17 =	vadd.f32 v18, v17;
	v18 =	vmul.f32 v55, v62;
	v55 =	vld.idx.msk [tilespmem:v59+s12+$0x0], $0xffff;
	v59 =	vor.u32 v48, v54  }
0x103: {  	v62 =	vld.idx.msk [tilespmem:v56+s11+$0x0], $0xffff  }
0x104: {  	v17 =	vadd.f32 v18, v17;
	v18 =	vmul.f32 v19, v63;
	v19 =	vld.idx.msk [tilespmem:v56+s12+$0x0], $0xffff;
	v56 =	vor.u32 v49, v54  }
0x105: {  	v63 =	vld.idx.msk [tilespmem:v58+s11+$0x0], $0xffff  }
0x106: {  	v17 =	vadd.f32 v18, v17;
	v18 =	vmul.f32 v57, v60;
	v57 =	vld.idx.msk [tilespmem:v58+s12+$0x0], $0xffff;
	v58 =	vor.u32 v50, v54  }
0x107: {  	v60 =	vld.idx.msk [tilespmem:v59+s11+$0x0], $0xffff  }
0x108: {  	v17 =	vadd.f32 v18, v17;
	v18 =	vmul.f32 v55, v61;
	v55 =	vld.idx.msk [tilespmem:v59+s12+$0x0], $0xffff;
	v59 =	vor.u32 v51, v54  }
0x109: {  	v61 =	vld.idx.msk [tilespmem:v56+s11+$0x0], $0xffff  }
0x10a: {  	v17 =	vadd.f32 v18, v17;
	v18 =	vmul.f32 v19, v62;
	v19 =	vld.idx.msk [tilespmem:v56+s12+$0x0], $0xffff;
	v56 =	vor.u32 v52, v54  }
0x10b: {  	v62 =	vld.idx.msk [tilespmem:v58+s11+$0x0], $0xffff  }
0x10c: {  	v54 =	vor.u32 v53, v54;
	v17 =	vadd.f32 v18, v17;
	v18 =	vmul.f32 v57, v63;
	v57 =	vld.idx.msk [tilespmem:v58+s12+$0x0], $0xffff  }
0x10d: {  	v58 =	vld.idx.msk [tilespmem:v59+s11+$0x0], $0xffff  }
0x10e: {  	v17 =	vadd.f32 v18, v17;
	v18 =	vmul.f32 v55, v60;
	v59 =	vld.idx.msk [tilespmem:v59+s12+$0x0], $0xffff  }
0x10f: {  	v60 =	vld.idx.msk [tilespmem:v56+s11+$0x0], $0xffff  }
0x110: {  	v17 =	vadd.f32 v18, v17;
	v18 =	vmul.f32 v19, v61;
	v19 =	vld.idx.msk [tilespmem:v56+s12+$0x0], $0xffff  }
0x111: {  	v55 =	vld.idx.msk [tilespmem:v54+s11+$0x0], $0xffff  }
.Ltmp0:
0x112: {  	v17 =	vadd.f32 v18, v17;
	v18 =	vmul.f32 v57, v62;
	v56 =	vld.idx.msk [tilespmem:v54+s12+$0x0], $0xffff;
	(pc) =	sbr.rel @p0 .LBB2_2-.Ltmp0, $4  }
0x113: {  	_ = 	snop  }
0x114: {  	v17 =	vadd.f32 v18, v17;
	v18 =	vmul.f32 v59, v58  }
0x115: {  	v54 =	vmov s17  }
0x116: {  	s17 =	sadd.s32 $0x10, s17;
	v54 =	vshll.u32 v54, $0x5;
	v57 =	vadd.f32 v18, v17;
	v58 =	vmul.f32 v19, v60  }
0x117: {  	v54 =	vor.u32 v1, v54  }
0x118: {  	v19 =	vmul.f32 v56, v55;
	v17 =	vor.u32 v0, v54;
	v18 =	vadd.f32 v58, v57;
	_ =	sdelay $0x1  }
0x119: {  	v61 =	vor.u32 v2, v54;
	v18 =	vadd.f32 v19, v18  }
0x11a: {  	s16 =	sadd.s32 $0x10, s16  }
0x11b: {  	v19 =	vor.u32 v3, v54;
	[tilespmem:s16+$0x0] =	vst v18  }
0x11c: {  	v18 =	vld.idx.msk [tilespmem:v17+s12+$0x0], $0xffff  }
0x11d: {  	v56 =	vor.u32 v4, v54;
	v17 =	vld.idx.msk [tilespmem:v17+s11+$0x0], $0xffff  }
0x11e: {  	v57 =	vld.idx.msk [tilespmem:v61+s11+$0x0], $0xffff  }
0x11f: {  	v58 =	vor.u32 v5, v54;
	v55 =	vld.idx.msk [tilespmem:v61+s12+$0x0], $0xffff  }
0x120: {  	v59 =	vld.idx.msk [tilespmem:v19+s11+$0x0], $0xffff  }
0x121: {  	v60 =	vor.u32 v6, v54;
	v19 =	vld.idx.msk [tilespmem:v19+s12+$0x0], $0xffff  }
0x122: {  	v61 =	vld.idx.msk [tilespmem:v56+s11+$0x0], $0xffff;
	v17 =	vmul.f32 v18, v17  }
0x123: {  	v18 =	vld.idx.msk [tilespmem:v56+s12+$0x0], $0xffff;
	v56 =	vor.u32 v7, v54  }
0x124: {  	v62 =	vld.idx.msk [tilespmem:v58+s11+$0x0], $0xffff;
	v55 =	vmul.f32 v55, v57;
	v17 =	vadd.f32 $0.0e+00, v17  }
0x125: {  	v57 =	vld.idx.msk [tilespmem:v58+s12+$0x0], $0xffff;
	v58 =	vor.u32 v8, v54  }
0x126: {  	v63 =	vld.idx.msk [tilespmem:v60+s11+$0x0], $0xffff;
	v19 =	vmul.f32 v19, v59;
	v17 =	vadd.f32 v55, v17  }
0x127: {  	v59 =	vor.u32 v9, v54;
	v55 =	vld.idx.msk [tilespmem:v60+s12+$0x0], $0xffff  }
0x128: {  	v60 =	vld.idx.msk [tilespmem:v56+s11+$0x0], $0xffff;
	v18 =	vmul.f32 v18, v61;
	v17 =	vadd.f32 v19, v17  }
0x129: {  	v19 =	vld.idx.msk [tilespmem:v56+s12+$0x0], $0xffff;
	v56 =	vor.u32 v10, v54  }
0x12a: {  	v61 =	vld.idx.msk [tilespmem:v58+s11+$0x0], $0xffff;
	v17 =	vadd.f32 v18, v17;
	v18 =	vmul.f32 v57, v62  }
0x12b: {  	v57 =	vld.idx.msk [tilespmem:v58+s12+$0x0], $0xffff;
	v58 =	vor.u32 v11, v54  }
0x12c: {  	v62 =	vld.idx.msk [tilespmem:v59+s11+$0x0], $0xffff;
	v17 =	vadd.f32 v18, v17;
	v18 =	vmul.f32 v55, v63  }
0x12d: {  	v55 =	vld.idx.msk [tilespmem:v59+s12+$0x0], $0xffff;
	v59 =	vor.u32 v12, v54  }
0x12e: {  	v63 =	vld.idx.msk [tilespmem:v56+s11+$0x0], $0xffff;
	v17 =	vadd.f32 v18, v17;
	v18 =	vmul.f32 v19, v60  }
0x12f: {  	v19 =	vld.idx.msk [tilespmem:v56+s12+$0x0], $0xffff;
	v56 =	vor.u32 v13, v54  }
0x130: {  	v60 =	vld.idx.msk [tilespmem:v58+s11+$0x0], $0xffff;
	v17 =	vadd.f32 v18, v17;
	v18 =	vmul.f32 v57, v61  }
0x131: {  	v57 =	vld.idx.msk [tilespmem:v58+s12+$0x0], $0xffff;
	v58 =	vor.u32 v14, v54  }
0x132: {  	v61 =	vld.idx.msk [tilespmem:v59+s11+$0x0], $0xffff;
	v17 =	vadd.f32 v18, v17;
	v18 =	vmul.f32 v55, v62  }
0x133: {  	v55 =	vld.idx.msk [tilespmem:v59+s12+$0x0], $0xffff;
	v59 =	vor.u32 v15, v54  }
0x134: {  	v62 =	vld.idx.msk [tilespmem:v56+s11+$0x0], $0xffff;
	v17 =	vadd.f32 v18, v17;
	v18 =	vmul.f32 v19, v63  }
0x135: {  	v19 =	vld.idx.msk [tilespmem:v56+s12+$0x0], $0xffff;
	v56 =	vor.u32 v16, v54  }
0x136: {  	v63 =	vld.idx.msk [tilespmem:v58+s11+$0x0], $0xffff;
	v17 =	vadd.f32 v18, v17;
	v18 =	vmul.f32 v57, v60  }
0x137: {  	v57 =	vld.idx.msk [tilespmem:v58+s12+$0x0], $0xffff;
	v58 =	vor.u32 v23, v54  }
0x138: {  	v60 =	vld.idx.msk [tilespmem:v59+s11+$0x0], $0xffff;
	v17 =	vadd.f32 v18, v17;
	v18 =	vmul.f32 v55, v61  }
0x139: {  	v55 =	vld.idx.msk [tilespmem:v59+s12+$0x0], $0xffff;
	v59 =	vor.u32 v24, v54  }
0x13a: {  	v61 =	vld.idx.msk [tilespmem:v56+s11+$0x0], $0xffff;
	v17 =	vadd.f32 v18, v17;
	v18 =	vmul.f32 v19, v62  }
0x13b: {  	v19 =	vld.idx.msk [tilespmem:v56+s12+$0x0], $0xffff;
	v56 =	vor.u32 v35, v54  }
0x13c: {  	v62 =	vld.idx.msk [tilespmem:v58+s11+$0x0], $0xffff;
	v17 =	vadd.f32 v18, v17;
	v18 =	vmul.f32 v57, v63  }
0x13d: {  	v57 =	vld.idx.msk [tilespmem:v58+s12+$0x0], $0xffff;
	v58 =	vor.u32 v36, v54  }
0x13e: {  	v63 =	vld.idx.msk [tilespmem:v59+s11+$0x0], $0xffff;
	v17 =	vadd.f32 v18, v17;
	v18 =	vmul.f32 v55, v60  }
0x13f: {  	v55 =	vld.idx.msk [tilespmem:v59+s12+$0x0], $0xffff;
	v59 =	vor.u32 v41, v54  }
0x140: {  	v60 =	vld.idx.msk [tilespmem:v56+s11+$0x0], $0xffff;
	v17 =	vadd.f32 v18, v17;
	v18 =	vmul.f32 v19, v61  }
0x141: {  	v19 =	vld.idx.msk [tilespmem:v56+s12+$0x0], $0xffff;
	v56 =	vor.u32 v42, v54  }
0x142: {  	v61 =	vld.idx.msk [tilespmem:v58+s11+$0x0], $0xffff;
	v17 =	vadd.f32 v18, v17;
	v18 =	vmul.f32 v57, v62  }
0x143: {  	v44 =	vor.u32 v44, v54;
	v62 =	vld.idx.msk [tilespmem:v58+s12+$0x0], $0xffff  }
0x144: {  	v58 =	vld.idx.msk [tilespmem:v59+s11+$0x0], $0xffff;
	v17 =	vadd.f32 v18, v17;
	v18 =	vmul.f32 v55, v63  }
0x145: {  	v45 =	vor.u32 v45, v54;
	v55 =	vld.idx.msk [tilespmem:v59+s12+$0x0], $0xffff  }
0x146: {  	v63 =	vld.idx.msk [tilespmem:v56+s11+$0x0], $0xffff;
	v17 =	vadd.f32 v18, v17;
	v18 =	vmul.f32 v19, v60  }
0x147: {  	v46 =	vor.u32 v46, v54;
	v19 =	vld.idx.msk [tilespmem:v56+s12+$0x0], $0xffff  }
0x148: {  	v60 =	vld.idx.msk [tilespmem:v44+s11+$0x0], $0xffff;
	v17 =	vadd.f32 v18, v17;
	v18 =	vmul.f32 v62, v61  }
0x149: {  	v47 =	vor.u32 v47, v54;
	v44 =	vld.idx.msk [tilespmem:v44+s12+$0x0], $0xffff  }
0x14a: {  	v62 =	vld.idx.msk [tilespmem:v45+s11+$0x0], $0xffff;
	v17 =	vadd.f32 v18, v17;
	v18 =	vmul.f32 v55, v58  }
0x14b: {  	v48 =	vor.u32 v48, v54;
	v45 =	vld.idx.msk [tilespmem:v45+s12+$0x0], $0xffff  }
0x14c: {  	v55 =	vld.idx.msk [tilespmem:v46+s11+$0x0], $0xffff;
	v17 =	vadd.f32 v18, v17;
	v18 =	vmul.f32 v19, v63  }
0x14d: {  	v19 =	vld.idx.msk [tilespmem:v46+s12+$0x0], $0xffff;
	v63 =	vor.u32 v49, v54  }
0x14e: {  	v58 =	vld.idx.msk [tilespmem:v47+s12+$0x0], $0xffff;
	v17 =	vadd.f32 v18, v17;
	v18 =	vmul.f32 v44, v60  }
0x14f: {  	v59 =	vor.u32 v50, v54;
	v49 =	vld.idx.msk [tilespmem:v47+s11+$0x0], $0xffff  }
0x150: {  	v50 =	vld.idx.msk [tilespmem:v48+s11+$0x0], $0xffff;
	v17 =	vadd.f32 v18, v17;
	v18 =	vmul.f32 v45, v62  }
0x151: {  	v61 =	vor.u32 v51, v54;
	v60 =	vld.idx.msk [tilespmem:v48+s12+$0x0], $0xffff  }
0x152: {  	v62 =	vld.idx.msk [tilespmem:v63+s11+$0x0], $0xffff;
	v17 =	vadd.f32 v18, v17;
	v18 =	vmul.f32 v19, v55  }
0x153: {  	v19 =	vld.idx.msk [tilespmem:v63+s12+$0x0], $0xffff;
	v63 =	vor.u32 v52, v54  }
0x154: {  	v56 =	vld.idx.msk [tilespmem:v59+s11+$0x0], $0xffff;
	v17 =	vadd.f32 v18, v17;
	v18 =	vmul.f32 v58, v49  }
0x155: {  	v57 =	vld.idx.msk [tilespmem:v59+s12+$0x0], $0xffff;
	v58 =	vor.u32 v53, v54  }
0x156: {  	v59 =	vld.idx.msk [tilespmem:v61+s11+$0x0], $0xffff;
	v17 =	vadd.f32 v18, v17;
	v18 =	vmul.f32 v60, v50  }
0x157: {  	v60 =	vld.idx.msk [tilespmem:v61+s12+$0x0], $0xffff  }
0x158: {  	v61 =	vld.idx.msk [tilespmem:v63+s11+$0x0], $0xffff;
	v17 =	vadd.f32 v18, v17;
	v18 =	vmul.f32 v19, v62  }
0x159: {  	v19 =	vld.idx.msk [tilespmem:v63+s12+$0x0], $0xffff  }
0x15a: {  	v62 =	vld.idx.msk [tilespmem:v58+s11+$0x0], $0xffff;
	v17 =	vadd.f32 v18, v17;
	v18 =	vmul.f32 v57, v56  }
0x15b: {  	v63 =	vld.idx.msk [tilespmem:v58+s12+$0x0], $0xffff  }
0x15c: {  	v17 =	vadd.f32 v18, v17;
	v18 =	vmul.f32 v60, v59;
	_ =	sdelay $0x1  }
0x15d: {  	v17 =	vadd.f32 v18, v17;
	v18 =	vmul.f32 v19, v61;
	_ =	sdelay $0x1  }
0x15e: {  	v17 =	vadd.f32 v18, v17;
	v18 =	vmul.f32 v63, v62;
	_ =	sdelay $0x1  }
0x15f: {  	s15 =	sadd.s32 $0x1, s15;
	v17 =	vadd.f32 v18, v17  }
0x160: {  	p0 =	sne.s32 s15, s8;
	s16 =	sadd.s32 $0x10, s16  }
.Ltmp1:
0x161: {  	[tilespmem:s16+$0x0] =	vst v17;
	(pc) =	sbr.rel @p0 .LBB2_1-.Ltmp1, $4  }
0x162: {  	[hbm4b:s7+s1] =	stream.linear.scatter [tilespmem:s14], [sflag:$0x2], $0x200, $0x38;
	[tilespmem:$0x8600] =	vst v63  }
0x163: {  	_ =	swait.ge [sflag:s9], $0x200  }
0x164: {  	[sflag:s9] =	ssyncset.done $0x0  }
0x165: {  	[sflag:s9] =	ssyncadd.s32 $0xFFFFFE00  }
0x166: {  	_ =	sfence.sel $0x180000  }
0x167: {  	[bflag:$0x0] =	sbarrier.arrive $0xFFFF  }
0x168: {  	p0 =	sne.s32 s2, $0x0;
	_ =	strace $0x9000004A  }
0x169: {  	s0 =	sadd.s32 @!p0 $0x100000, s0;
	[bflag:$0x2] =	sbarrier.arrive $0xFFFF  }
0x16a: {  	[sflag:s0] =	ssyncadd.tile.s32 @!p0 $0x1;
	_ =	shalt  }
.Lfunc_end2:
_tile_overlayer_lowered:
.L_overlay_start_2:
0x16b: {  	(tag) =	ssettag $0x2  }
0x16c: {  	s0 =	rddreg [dreg:$0x0];
	s2 =	stileid.u32  }
0x16d: {  	s1 =	rddreg [dreg:$0x1];
	p0 =	sne.s32 s2, $0x0  }
0x16e: {  	s3 =	rddreg [dreg:$0x2];
	[bflag:$0x3] =	sbarrier.arrive $0xFFFF;
	s2 =	simm.s32 @!p0 $0x1C02  }
0x16f: {  	[timem:s3], [sflag:s2] =	dma.local @!p0 [hbm:s0], s1  }
0x170: {  	s0 =	simm.s32 @!p0 $0x2  }
0x171: {  	_ =	swait.ge @!p0 [sflag:s0], s1  }
0x172: {  	s1 =	ssub.s32 @!p0 $0x0, s1;
	[sflag:s0] =	ssyncset.done @!p0 $0x0  }
0x173: {  	[sflag:s0] =	ssyncadd.s32 @!p0 s1  }
0x174: {  	[bflag:$0x3] =	sbarrier.arrive $0xFFFF  }
0x175: {  	_ =	shalt  }

</sc_bundles>
